<compile_context>
chip_gen: v7x
topology: tpu7x:2x2x1
jax: 0.10.2.dev20260603
libtpu: 0.0.44.dev20260713+nightly
codegen_flags: <defaults>
</compile_context>

<pallas_src>
import jax
import jax.numpy as jnp
from jax import lax
from jax.experimental import pallas as pl
from jax.experimental.pallas import tpu as pltpu
from jax.experimental.pallas import tpu_sc as plsc

DIM = 64
PAD = 128
SCALE = 8.0
LANES = 16

_info = plsc.get_sparse_core_info()
NC, NS = _info.num_cores, _info.num_subcores
NW = NC * NS

R = 4


def _emb_body(table_hbm, idx_hbm, out_hbm, idx_v, rows_v, sem):
    n_x_rows, L = idx_hbm.shape
    rows_per_w = n_x_rows // NW
    n_chunks = rows_per_w // R
    segs = []
    off = 0
    while off < L:
        w = min(128, L - off)
        segs.append((off, w))
        off += w
    wid = lax.axis_index("s") * NC + lax.axis_index("c")
    row_base = wid * rows_per_w

    pltpu.sync_copy(idx_hbm.at[pl.ds(row_base, rows_per_w)], idx_v)

    def fire(ci, buf, sem):
        row_off = ci * R
        return [
            pltpu.async_copy(
                table_hbm.at[idx_v.at[row_off + r, pl.ds(s_off, s_w)]],
                buf.at[pl.ds(r * L + s_off, s_w)],
                sem,
            )
            for r in range(R)
            for (s_off, s_w) in segs
        ]

    def drain(buf, sem):
        for r in range(R):
            for (s_off, s_w) in segs:
                pltpu.make_async_copy(
                    table_hbm.at[idx_v.at[r, pl.ds(s_off, s_w)]],
                    buf.at[pl.ds(r * L + s_off, s_w)],
                    sem,
                ).wait()

    def scale_and_store(ci, buf):
        def scale_body(r8, acc):
            r = r8 * 8
            for dr in range(8):
                for c0 in range(0, DIM, LANES):
                    buf[r + dr, pl.ds(c0, LANES)] = (
                        buf[r + dr, pl.ds(c0, LANES)] * SCALE
                    )
            return acc

        lax.fori_loop(0, (R * L) // 8, scale_body, 0)
        pltpu.sync_copy(
            buf,
            out_hbm.at[pl.ds((row_base + ci * R) * L, R * L), pl.ds(0, DIM)],
        )

    bufs = (rows_v.at[0], rows_v.at[1])
    sems = (sem.at[0], sem.at[1])
    fire(0, bufs[0], sems[0])
    fire(1, bufs[1], sems[1])

    def chunk_body(c2, carry):
        c = c2 * 2
        drain(bufs[0], sems[0])
        scale_and_store(c, bufs[0])
        fire(c + 2, bufs[0], sems[0])
        drain(bufs[1], sems[1])
        scale_and_store(c + 1, bufs[1])
        fire(c + 3, bufs[1], sems[1])
        return carry

    lax.fori_loop(0, n_chunks // 2 - 1, chunk_body, 0)
    drain(bufs[0], sems[0])
    scale_and_store(n_chunks - 2, bufs[0])
    drain(bufs[1], sems[1])
    scale_and_store(n_chunks - 1, bufs[1])


def kernel(x, table):
    B, L = x.shape
    rows_per_w = B // NW
    mesh = plsc.VectorSubcoreMesh(core_axis_name="c", subcore_axis_name="s")
    run = pl.kernel(
        _emb_body,
        mesh=mesh,
        compiler_params=pltpu.CompilerParams(
            use_tc_tiling_on_sc=False, needs_layout_passes=False
        ),
        out_type=jax.ShapeDtypeStruct((B * L, PAD), jnp.float32),
        scratch_types=[
            pltpu.VMEM((rows_per_w, L), jnp.int32),
            pltpu.VMEM((2, R * L, DIM), jnp.float32),
            pltpu.SemaphoreType.DMA((2,)),
        ],
    )
    out2 = run(table, x)
    return out2[:, :DIM].reshape(B, L, DIM)

# --- scband reference (transcript-rebuilt; emitter-appended) ---
"""Pipeline reference for scband-embedding-39694087749970 (READ-ONLY COPY).

The authoritative reference and input builder live on the scoring server;
editing this copy changes nothing except your own understanding.
"""

import jax, jax.numpy as jnp
import numpy as np
import math

VOCAB = 1000000
DIM = 64
B = 4096
L = 200

def setup_inputs(seed: int = 0) -> dict:
    key = jax.random.key(seed)
    k1, k2 = jax.random.split(key)
    x = jax.random.randint(k1, (B, L), 0, VOCAB, dtype=jnp.int64 if jax.config.jax_enable_x64 else jnp.int32)
    table = jax.random.normal(k2, (VOCAB, DIM), dtype=jnp.float32)
    return {"x": x, "table": table}

def reference(x, table):
    # Embedding lookup followed by scaling by sqrt(feature_size)
    emb = jnp.take(table, x, axis=0)  # (B, L, DIM)
    return emb * math.sqrt(DIM)

if __name__ == "__main__":
    import jax
    _d = setup_inputs()
    print(jax.jit(kernel)(*tuple(_d.values())))

</pallas_src>

<mosaic_0001>
#map = affine_map<(d0, d1) -> (0, 0)>
module attributes {stable_mosaic.version = 14 : i64} {
  func.func @_emb_body(%arg0: i32, %arg1: i32, %arg2: memref<1000000x64xf32, #tpu.memory_space<hbm>>, %arg3: memref<4096x200xi32, #tpu.memory_space<hbm>>, %arg4: memref<819200x128xf32, #tpu.memory_space<hbm>>, %arg5: memref<128x200xi32, #tpu.memory_space<vmem>>, %arg6: memref<2x800x64xf32, #tpu.memory_space<vmem>>, %arg7: memref<2x!tpu.dma_semaphore, #tpu.memory_space<semaphore_mem>>) attributes {dimension_semantics = [#tpu.dimension_semantics<core_parallel>, #tpu.dimension_semantics<subcore_parallel>], iteration_bounds = array<i64: 2, 16>, scalar_prefetch = 0 : i64, scratch_operands = 3 : i64, tpu.core_type = #tpu.core_type<sc_vector_subcore>, window_params = [{transform_indices = #map}, {transform_indices = #map}, {transform_indices = #map}]} {
    %mul3A = arith.constant 2 : i32
    %mul3A_0 = arith.muli %arg1, %mul3A : i32
    %add3A = arith.addi %mul3A_0, %arg0 : i32
    %mul3A_1 = arith.constant 128 : i32
    %mul3A_2 = arith.muli %add3A, %mul3A_1 : i32
    "tpu.region"() ({
      %run_scoped3A_609 = tpu.sem_alloc : memref<!tpu.dma_semaphore, #tpu.memory_space<semaphore_mem>>
      %dma_start3A_610 = arith.constant 0 : i32
      %dma_start3A_611 = tpu.memref_slice %arg3[%mul3A_2, %dma_start3A_610] : memref<4096x200xi32, #tpu.memory_space<hbm>> -> memref<128x200xi32, #tpu.memory_space<hbm>>
      %dma_start3A_612 = arith.constant 0 : i32
      %dma_start3A_613 = tpu.memref_slice %arg3[%mul3A_2, %dma_start3A_612] : memref<4096x200xi32, #tpu.memory_space<hbm>> -> memref<128x200xi32, #tpu.memory_space<hbm>>
      tpu.enqueue_dma source(%dma_start3A_613 : memref<128x200xi32, #tpu.memory_space<hbm>>) target(%arg5 : memref<128x200xi32, #tpu.memory_space<vmem>>) target_semaphore(%run_scoped3A_609 : memref<!tpu.dma_semaphore, #tpu.memory_space<semaphore_mem>>)
      %dma_wait3A_614 = arith.constant 0 : i32
      %dma_wait3A_615 = tpu.memref_slice %arg3[%mul3A_2, %dma_wait3A_614] : memref<4096x200xi32, #tpu.memory_space<hbm>> -> memref<128x200xi32, #tpu.memory_space<hbm>>
      %dma_wait3A_616 = arith.constant 0 : i32
      %dma_wait3A_617 = tpu.memref_slice %arg3[%mul3A_2, %dma_wait3A_616] : memref<4096x200xi32, #tpu.memory_space<hbm>> -> memref<128x200xi32, #tpu.memory_space<hbm>>
      tpu.wait_dma2 semaphore(%run_scoped3A_609 : memref<!tpu.dma_semaphore, #tpu.memory_space<semaphore_mem>>) src(%dma_wait3A_617 : memref<128x200xi32, #tpu.memory_space<hbm>>) dst(%arg5 : memref<128x200xi32, #tpu.memory_space<vmem>>)
      tpu.yield
    }) : () -> ()
    %dma_start3A = arith.constant 0 : i32
    %dma_start3A_3 = arith.constant 0 : i32
    %dma_start3A_4 = arith.constant 0 : i32
    %dma_start3A_5 = arith.constant 0 : i32
    %dma_start3A_6 = arith.constant 0 : i32
    %dma_start3A_7 = tpu.memref_slice %arg6[%dma_start3A_3, %dma_start3A_5, %dma_start3A_6] : memref<2x800x64xf32, #tpu.memory_space<vmem>> -> memref<1x800x64xf32, #tpu.memory_space<vmem>>
    %dma_start3A_8 = tpu.memref_squeeze %dma_start3A_7 : memref<1x800x64xf32, #tpu.memory_space<vmem>> -> memref<800x64xf32, #tpu.memory_space<vmem>>
    %dma_start3A_9 = arith.constant 0 : i32
    %dma_start3A_10 = arith.constant 0 : i32
    %dma_start3A_11 = tpu.memref_slice %dma_start3A_8[%dma_start3A_9, %dma_start3A_10] : memref<800x64xf32, #tpu.memory_space<vmem>> -> memref<128x64xf32, #tpu.memory_space<vmem>>
    %dma_start3A_12 = arith.constant 0 : i32
    %dma_start3A_13 = tpu.memref_slice %arg5[%dma_start3A, %dma_start3A_12] : memref<128x200xi32, #tpu.memory_space<vmem>> -> memref<1x128xi32, #tpu.memory_space<vmem>>
    %dma_start3A_14 = tpu.memref_squeeze %dma_start3A_13 : memref<1x128xi32, #tpu.memory_space<vmem>> -> memref<128xi32, #tpu.memory_space<vmem>>
    %dma_start3A_15 = arith.constant 0 : i32
    %dma_start3A_16 = arith.constant 0 : i32
    %dma_start3A_17 = tpu.memref_slice %arg2[%dma_start3A_15, %dma_start3A_16] : memref<1000000x64xf32, #tpu.memory_space<hbm>> -> memref<1000000x64xf32, #tpu.memory_space<hbm>>
    %dma_start3A_18 = tpu.memref_slice %arg7[%dma_start3A_4] : memref<2x!tpu.dma_semaphore, #tpu.memory_space<semaphore_mem>> -> memref<1x!tpu.dma_semaphore, #tpu.memory_space<semaphore_mem>>
    %dma_start3A_19 = tpu.memref_squeeze %dma_start3A_18 : memref<1x!tpu.dma_semaphore, #tpu.memory_space<semaphore_mem>> -> memref<!tpu.dma_semaphore, #tpu.memory_space<semaphore_mem>>
    tpu.enqueue_indirect_dma source(%dma_start3A_17 : memref<1000000x64xf32, #tpu.memory_space<hbm>>) target(%dma_start3A_11 : memref<128x64xf32, #tpu.memory_space<vmem>>) offsets(%dma_start3A_14 : memref<128xi32, #tpu.memory_space<vmem>>) semaphore(%dma_start3A_19 : memref<!tpu.dma_semaphore, #tpu.memory_space<semaphore_mem>>)
    %dma_start3A_20 = arith.constant 0 : i32
    %dma_start3A_21 = arith.constant 0 : i32
    %dma_start3A_22 = arith.constant 0 : i32
    %dma_start3A_23 = arith.constant 0 : i32
    %dma_start3A_24 = arith.constant 0 : i32
    %dma_start3A_25 = tpu.memref_slice %arg6[%dma_start3A_21, %dma_start3A_23, %dma_start3A_24] : memref<2x800x64xf32, #tpu.memory_space<vmem>> -> memref<1x800x64xf32, #tpu.memory_space<vmem>>
    %dma_start3A_26 = tpu.memref_squeeze %dma_start3A_25 : memref<1x800x64xf32, #tpu.memory_space<vmem>> -> memref<800x64xf32, #tpu.memory_space<vmem>>
    %dma_start3A_27 = arith.constant 128 : i32
    %dma_start3A_28 = arith.constant 0 : i32
    %dma_start3A_29 = tpu.memref_slice %dma_start3A_26[%dma_start3A_27, %dma_start3A_28] : memref<800x64xf32, #tpu.memory_space<vmem>> -> memref<72x64xf32, #tpu.memory_space<vmem>>
    %dma_start3A_30 = arith.constant 128 : i32
    %dma_start3A_31 = tpu.memref_slice %arg5[%dma_start3A_20, %dma_start3A_30] : memref<128x200xi32, #tpu.memory_space<vmem>> -> memref<1x72xi32, #tpu.memory_space<vmem>>
    %dma_start3A_32 = tpu.memref_squeeze %dma_start3A_31 : memref<1x72xi32, #tpu.memory_space<vmem>> -> memref<72xi32, #tpu.memory_space<vmem>>
    %dma_start3A_33 = arith.constant 0 : i32
    %dma_start3A_34 = arith.constant 0 : i32
    %dma_start3A_35 = tpu.memref_slice %arg2[%dma_start3A_33, %dma_start3A_34] : memref<1000000x64xf32, #tpu.memory_space<hbm>> -> memref<1000000x64xf32, #tpu.memory_space<hbm>>
    %dma_start3A_36 = tpu.memref_slice %arg7[%dma_start3A_22] : memref<2x!tpu.dma_semaphore, #tpu.memory_space<semaphore_mem>> -> memref<1x!tpu.dma_semaphore, #tpu.memory_space<semaphore_mem>>
    %dma_start3A_37 = tpu.memref_squeeze %dma_start3A_36 : memref<1x!tpu.dma_semaphore, #tpu.memory_space<semaphore_mem>> -> memref<!tpu.dma_semaphore, #tpu.memory_space<semaphore_mem>>
    tpu.enqueue_indirect_dma source(%dma_start3A_35 : memref<1000000x64xf32, #tpu.memory_space<hbm>>) target(%dma_start3A_29 : memref<72x64xf32, #tpu.memory_space<vmem>>) offsets(%dma_start3A_32 : memref<72xi32, #tpu.memory_space<vmem>>) semaphore(%dma_start3A_37 : memref<!tpu.dma_semaphore, #tpu.memory_space<semaphore_mem>>)
    %dma_start3A_38 = arith.constant 1 : i32
    %dma_start3A_39 = arith.constant 0 : i32
    %dma_start3A_40 = arith.constant 0 : i32
    %dma_start3A_41 = arith.constant 0 : i32
    %dma_start3A_42 = arith.constant 0 : i32
    %dma_start3A_43 = tpu.memref_slice %arg6[%dma_start3A_39, %dma_start3A_41, %dma_start3A_42] : memref<2x800x64xf32, #tpu.memory_space<vmem>> -> memref<1x800x64xf32, #tpu.memory_space<vmem>>
    %dma_start3A_44 = tpu.memref_squeeze %dma_start3A_43 : memref<1x800x64xf32, #tpu.memory_space<vmem>> -> memref<800x64xf32, #tpu.memory_space<vmem>>
    %dma_start3A_45 = arith.constant 200 : i32
    %dma_start3A_46 = arith.constant 0 : i32
    %dma_start3A_47 = tpu.memref_slice %dma_start3A_44[%dma_start3A_45, %dma_start3A_46] : memref<800x64xf32, #tpu.memory_space<vmem>> -> memref<128x64xf32, #tpu.memory_space<vmem>>
    %dma_start3A_48 = arith.constant 0 : i32
    %dma_start3A_49 = tpu.memref_slice %arg5[%dma_start3A_38, %dma_start3A_48] : memref<128x200xi32, #tpu.memory_space<vmem>> -> memref<1x128xi32, #tpu.memory_space<vmem>>
    %dma_start3A_50 = tpu.memref_squeeze %dma_start3A_49 : memref<1x128xi32, #tpu.memory_space<vmem>> -> memref<128xi32, #tpu.memory_space<vmem>>
    %dma_start3A_51 = arith.constant 0 : i32
    %dma_start3A_52 = arith.constant 0 : i32
    %dma_start3A_53 = tpu.memref_slice %arg2[%dma_start3A_51, %dma_start3A_52] : memref<1000000x64xf32, #tpu.memory_space<hbm>> -> memref<1000000x64xf32, #tpu.memory_space<hbm>>
    %dma_start3A_54 = tpu.memref_slice %arg7[%dma_start3A_40] : memref<2x!tpu.dma_semaphore, #tpu.memory_space<semaphore_mem>> -> memref<1x!tpu.dma_semaphore, #tpu.memory_space<semaphore_mem>>
    %dma_start3A_55 = tpu.memref_squeeze %dma_start3A_54 : memref<1x!tpu.dma_semaphore, #tpu.memory_space<semaphore_mem>> -> memref<!tpu.dma_semaphore, #tpu.memory_space<semaphore_mem>>
    tpu.enqueue_indirect_dma source(%dma_start3A_53 : memref<1000000x64xf32, #tpu.memory_space<hbm>>) target(%dma_start3A_47 : memref<128x64xf32, #tpu.memory_space<vmem>>) offsets(%dma_start3A_50 : memref<128xi32, #tpu.memory_space<vmem>>) semaphore(%dma_start3A_55 : memref<!tpu.dma_semaphore, #tpu.memory_space<semaphore_mem>>)
    %dma_start3A_56 = arith.constant 1 : i32
    %dma_start3A_57 = arith.constant 0 : i32
    %dma_start3A_58 = arith.constant 0 : i32
    %dma_start3A_59 = arith.constant 0 : i32
    %dma_start3A_60 = arith.constant 0 : i32
    %dma_start3A_61 = tpu.memref_slice %arg6[%dma_start3A_57, %dma_start3A_59, %dma_start3A_60] : memref<2x800x64xf32, #tpu.memory_space<vmem>> -> memref<1x800x64xf32, #tpu.memory_space<vmem>>
    %dma_start3A_62 = tpu.memref_squeeze %dma_start3A_61 : memref<1x800x64xf32, #tpu.memory_space<vmem>> -> memref<800x64xf32, #tpu.memory_space<vmem>>
    %dma_start3A_63 = arith.constant 328 : i32
    %dma_start3A_64 = arith.constant 0 : i32
    %dma_start3A_65 = tpu.memref_slice %dma_start3A_62[%dma_start3A_63, %dma_start3A_64] : memref<800x64xf32, #tpu.memory_space<vmem>> -> memref<72x64xf32, #tpu.memory_space<vmem>>
    %dma_start3A_66 = arith.constant 128 : i32
    %dma_start3A_67 = tpu.memref_slice %arg5[%dma_start3A_56, %dma_start3A_66] : memref<128x200xi32, #tpu.memory_space<vmem>> -> memref<1x72xi32, #tpu.memory_space<vmem>>
    %dma_start3A_68 = tpu.memref_squeeze %dma_start3A_67 : memref<1x72xi32, #tpu.memory_space<vmem>> -> memref<72xi32, #tpu.memory_space<vmem>>
    %dma_start3A_69 = arith.constant 0 : i32
    %dma_start3A_70 = arith.constant 0 : i32
    %dma_start3A_71 = tpu.memref_slice %arg2[%dma_start3A_69, %dma_start3A_70] : memref<1000000x64xf32, #tpu.memory_space<hbm>> -> memref<1000000x64xf32, #tpu.memory_space<hbm>>
    %dma_start3A_72 = tpu.memref_slice %arg7[%dma_start3A_58] : memref<2x!tpu.dma_semaphore, #tpu.memory_space<semaphore_mem>> -> memref<1x!tpu.dma_semaphore, #tpu.memory_space<semaphore_mem>>
    %dma_start3A_73 = tpu.memref_squeeze %dma_start3A_72 : memref<1x!tpu.dma_semaphore, #tpu.memory_space<semaphore_mem>> -> memref<!tpu.dma_semaphore, #tpu.memory_space<semaphore_mem>>
    tpu.enqueue_indirect_dma source(%dma_start3A_71 : memref<1000000x64xf32, #tpu.memory_space<hbm>>) target(%dma_start3A_65 : memref<72x64xf32, #tpu.memory_space<vmem>>) offsets(%dma_start3A_68 : memref<72xi32, #tpu.memory_space<vmem>>) semaphore(%dma_start3A_73 : memref<!tpu.dma_semaphore, #tpu.memory_space<semaphore_mem>>)
    %dma_start3A_74 = arith.constant 2 : i32
    %dma_start3A_75 = arith.constant 0 : i32
    %dma_start3A_76 = arith.constant 0 : i32
    %dma_start3A_77 = arith.constant 0 : i32
    %dma_start3A_78 = arith.constant 0 : i32
    %dma_start3A_79 = tpu.memref_slice %arg6[%dma_start3A_75, %dma_start3A_77, %dma_start3A_78] : memref<2x800x64xf32, #tpu.memory_space<vmem>> -> memref<1x800x64xf32, #tpu.memory_space<vmem>>
    %dma_start3A_80 = tpu.memref_squeeze %dma_start3A_79 : memref<1x800x64xf32, #tpu.memory_space<vmem>> -> memref<800x64xf32, #tpu.memory_space<vmem>>
    %dma_start3A_81 = arith.constant 400 : i32
    %dma_start3A_82 = arith.constant 0 : i32
    %dma_start3A_83 = tpu.memref_slice %dma_start3A_80[%dma_start3A_81, %dma_start3A_82] : memref<800x64xf32, #tpu.memory_space<vmem>> -> memref<128x64xf32, #tpu.memory_space<vmem>>
    %dma_start3A_84 = arith.constant 0 : i32
    %dma_start3A_85 = tpu.memref_slice %arg5[%dma_start3A_74, %dma_start3A_84] : memref<128x200xi32, #tpu.memory_space<vmem>> -> memref<1x128xi32, #tpu.memory_space<vmem>>
    %dma_start3A_86 = tpu.memref_squeeze %dma_start3A_85 : memref<1x128xi32, #tpu.memory_space<vmem>> -> memref<128xi32, #tpu.memory_space<vmem>>
    %dma_start3A_87 = arith.constant 0 : i32
    %dma_start3A_88 = arith.constant 0 : i32
    %dma_start3A_89 = tpu.memref_slice %arg2[%dma_start3A_87, %dma_start3A_88] : memref<1000000x64xf32, #tpu.memory_space<hbm>> -> memref<1000000x64xf32, #tpu.memory_space<hbm>>
    %dma_start3A_90 = tpu.memref_slice %arg7[%dma_start3A_76] : memref<2x!tpu.dma_semaphore, #tpu.memory_space<semaphore_mem>> -> memref<1x!tpu.dma_semaphore, #tpu.memory_space<semaphore_mem>>
    %dma_start3A_91 = tpu.memref_squeeze %dma_start3A_90 : memref<1x!tpu.dma_semaphore, #tpu.memory_space<semaphore_mem>> -> memref<!tpu.dma_semaphore, #tpu.memory_space<semaphore_mem>>
    tpu.enqueue_indirect_dma source(%dma_start3A_89 : memref<1000000x64xf32, #tpu.memory_space<hbm>>) target(%dma_start3A_83 : memref<128x64xf32, #tpu.memory_space<vmem>>) offsets(%dma_start3A_86 : memref<128xi32, #tpu.memory_space<vmem>>) semaphore(%dma_start3A_91 : memref<!tpu.dma_semaphore, #tpu.memory_space<semaphore_mem>>)
    %dma_start3A_92 = arith.constant 2 : i32
    %dma_start3A_93 = arith.constant 0 : i32
    %dma_start3A_94 = arith.constant 0 : i32
    %dma_start3A_95 = arith.constant 0 : i32
    %dma_start3A_96 = arith.constant 0 : i32
    %dma_start3A_97 = tpu.memref_slice %arg6[%dma_start3A_93, %dma_start3A_95, %dma_start3A_96] : memref<2x800x64xf32, #tpu.memory_space<vmem>> -> memref<1x800x64xf32, #tpu.memory_space<vmem>>
    %dma_start3A_98 = tpu.memref_squeeze %dma_start3A_97 : memref<1x800x64xf32, #tpu.memory_space<vmem>> -> memref<800x64xf32, #tpu.memory_space<vmem>>
    %dma_start3A_99 = arith.constant 528 : i32
    %dma_start3A_100 = arith.constant 0 : i32
    %dma_start3A_101 = tpu.memref_slice %dma_start3A_98[%dma_start3A_99, %dma_start3A_100] : memref<800x64xf32, #tpu.memory_space<vmem>> -> memref<72x64xf32, #tpu.memory_space<vmem>>
    %dma_start3A_102 = arith.constant 128 : i32
    %dma_start3A_103 = tpu.memref_slice %arg5[%dma_start3A_92, %dma_start3A_102] : memref<128x200xi32, #tpu.memory_space<vmem>> -> memref<1x72xi32, #tpu.memory_space<vmem>>
    %dma_start3A_104 = tpu.memref_squeeze %dma_start3A_103 : memref<1x72xi32, #tpu.memory_space<vmem>> -> memref<72xi32, #tpu.memory_space<vmem>>
    %dma_start3A_105 = arith.constant 0 : i32
    %dma_start3A_106 = arith.constant 0 : i32
    %dma_start3A_107 = tpu.memref_slice %arg2[%dma_start3A_105, %dma_start3A_106] : memref<1000000x64xf32, #tpu.memory_space<hbm>> -> memref<1000000x64xf32, #tpu.memory_space<hbm>>
    %dma_start3A_108 = tpu.memref_slice %arg7[%dma_start3A_94] : memref<2x!tpu.dma_semaphore, #tpu.memory_space<semaphore_mem>> -> memref<1x!tpu.dma_semaphore, #tpu.memory_space<semaphore_mem>>
    %dma_start3A_109 = tpu.memref_squeeze %dma_start3A_108 : memref<1x!tpu.dma_semaphore, #tpu.memory_space<semaphore_mem>> -> memref<!tpu.dma_semaphore, #tpu.memory_space<semaphore_mem>>
    tpu.enqueue_indirect_dma source(%dma_start3A_107 : memref<1000000x64xf32, #tpu.memory_space<hbm>>) target(%dma_start3A_101 : memref<72x64xf32, #tpu.memory_space<vmem>>) offsets(%dma_start3A_104 : memref<72xi32, #tpu.memory_space<vmem>>) semaphore(%dma_start3A_109 : memref<!tpu.dma_semaphore, #tpu.memory_space<semaphore_mem>>)
    %dma_start3A_110 = arith.constant 3 : i32
    %dma_start3A_111 = arith.constant 0 : i32
    %dma_start3A_112 = arith.constant 0 : i32
    %dma_start3A_113 = arith.constant 0 : i32
    %dma_start3A_114 = arith.constant 0 : i32
    %dma_start3A_115 = tpu.memref_slice %arg6[%dma_start3A_111, %dma_start3A_113, %dma_start3A_114] : memref<2x800x64xf32, #tpu.memory_space<vmem>> -> memref<1x800x64xf32, #tpu.memory_space<vmem>>
    %dma_start3A_116 = tpu.memref_squeeze %dma_start3A_115 : memref<1x800x64xf32, #tpu.memory_space<vmem>> -> memref<800x64xf32, #tpu.memory_space<vmem>>
    %dma_start3A_117 = arith.constant 600 : i32
    %dma_start3A_118 = arith.constant 0 : i32
    %dma_start3A_119 = tpu.memref_slice %dma_start3A_116[%dma_start3A_117, %dma_start3A_118] : memref<800x64xf32, #tpu.memory_space<vmem>> -> memref<128x64xf32, #tpu.memory_space<vmem>>
    %dma_start3A_120 = arith.constant 0 : i32
    %dma_start3A_121 = tpu.memref_slice %arg5[%dma_start3A_110, %dma_start3A_120] : memref<128x200xi32, #tpu.memory_space<vmem>> -> memref<1x128xi32, #tpu.memory_space<vmem>>
    %dma_start3A_122 = tpu.memref_squeeze %dma_start3A_121 : memref<1x128xi32, #tpu.memory_space<vmem>> -> memref<128xi32, #tpu.memory_space<vmem>>
    %dma_start3A_123 = arith.constant 0 : i32
    %dma_start3A_124 = arith.constant 0 : i32
    %dma_start3A_125 = tpu.memref_slice %arg2[%dma_start3A_123, %dma_start3A_124] : memref<1000000x64xf32, #tpu.memory_space<hbm>> -> memref<1000000x64xf32, #tpu.memory_space<hbm>>
    %dma_start3A_126 = tpu.memref_slice %arg7[%dma_start3A_112] : memref<2x!tpu.dma_semaphore, #tpu.memory_space<semaphore_mem>> -> memref<1x!tpu.dma_semaphore, #tpu.memory_space<semaphore_mem>>
    %dma_start3A_127 = tpu.memref_squeeze %dma_start3A_126 : memref<1x!tpu.dma_semaphore, #tpu.memory_space<semaphore_mem>> -> memref<!tpu.dma_semaphore, #tpu.memory_space<semaphore_mem>>
    tpu.enqueue_indirect_dma source(%dma_start3A_125 : memref<1000000x64xf32, #tpu.memory_space<hbm>>) target(%dma_start3A_119 : memref<128x64xf32, #tpu.memory_space<vmem>>) offsets(%dma_start3A_122 : memref<128xi32, #tpu.memory_space<vmem>>) semaphore(%dma_start3A_127 : memref<!tpu.dma_semaphore, #tpu.memory_space<semaphore_mem>>)
    %dma_start3A_128 = arith.constant 3 : i32
    %dma_start3A_129 = arith.constant 0 : i32
    %dma_start3A_130 = arith.constant 0 : i32
    %dma_start3A_131 = arith.constant 0 : i32
    %dma_start3A_132 = arith.constant 0 : i32
    %dma_start3A_133 = tpu.memref_slice %arg6[%dma_start3A_129, %dma_start3A_131, %dma_start3A_132] : memref<2x800x64xf32, #tpu.memory_space<vmem>> -> memref<1x800x64xf32, #tpu.memory_space<vmem>>
    %dma_start3A_134 = tpu.memref_squeeze %dma_start3A_133 : memref<1x800x64xf32, #tpu.memory_space<vmem>> -> memref<800x64xf32, #tpu.memory_space<vmem>>
    %dma_start3A_135 = arith.constant 728 : i32
    %dma_start3A_136 = arith.constant 0 : i32
    %dma_start3A_137 = tpu.memref_slice %dma_start3A_134[%dma_start3A_135, %dma_start3A_136] : memref<800x64xf32, #tpu.memory_space<vmem>> -> memref<72x64xf32, #tpu.memory_space<vmem>>
    %dma_start3A_138 = arith.constant 128 : i32
    %dma_start3A_139 = tpu.memref_slice %arg5[%dma_start3A_128, %dma_start3A_138] : memref<128x200xi32, #tpu.memory_space<vmem>> -> memref<1x72xi32, #tpu.memory_space<vmem>>
    %dma_start3A_140 = tpu.memref_squeeze %dma_start3A_139 : memref<1x72xi32, #tpu.memory_space<vmem>> -> memref<72xi32, #tpu.memory_space<vmem>>
    %dma_start3A_141 = arith.constant 0 : i32
    %dma_start3A_142 = arith.constant 0 : i32
    %dma_start3A_143 = tpu.memref_slice %arg2[%dma_start3A_141, %dma_start3A_142] : memref<1000000x64xf32, #tpu.memory_space<hbm>> -> memref<1000000x64xf32, #tpu.memory_space<hbm>>
    %dma_start3A_144 = tpu.memref_slice %arg7[%dma_start3A_130] : memref<2x!tpu.dma_semaphore, #tpu.memory_space<semaphore_mem>> -> memref<1x!tpu.dma_semaphore, #tpu.memory_space<semaphore_mem>>
    %dma_start3A_145 = tpu.memref_squeeze %dma_start3A_144 : memref<1x!tpu.dma_semaphore, #tpu.memory_space<semaphore_mem>> -> memref<!tpu.dma_semaphore, #tpu.memory_space<semaphore_mem>>
    tpu.enqueue_indirect_dma source(%dma_start3A_143 : memref<1000000x64xf32, #tpu.memory_space<hbm>>) target(%dma_start3A_137 : memref<72x64xf32, #tpu.memory_space<vmem>>) offsets(%dma_start3A_140 : memref<72xi32, #tpu.memory_space<vmem>>) semaphore(%dma_start3A_145 : memref<!tpu.dma_semaphore, #tpu.memory_space<semaphore_mem>>)
    %dma_start3A_146 = arith.constant 4 : i32
    %dma_start3A_147 = arith.constant 1 : i32
    %dma_start3A_148 = arith.constant 1 : i32
    %dma_start3A_149 = arith.constant 0 : i32
    %dma_start3A_150 = arith.constant 0 : i32
    %dma_start3A_151 = tpu.memref_slice %arg6[%dma_start3A_147, %dma_start3A_149, %dma_start3A_150] : memref<2x800x64xf32, #tpu.memory_space<vmem>> -> memref<1x800x64xf32, #tpu.memory_space<vmem>>
    %dma_start3A_152 = tpu.memref_squeeze %dma_start3A_151 : memref<1x800x64xf32, #tpu.memory_space<vmem>> -> memref<800x64xf32, #tpu.memory_space<vmem>>
    %dma_start3A_153 = arith.constant 0 : i32
    %dma_start3A_154 = arith.constant 0 : i32
    %dma_start3A_155 = tpu.memref_slice %dma_start3A_152[%dma_start3A_153, %dma_start3A_154] : memref<800x64xf32, #tpu.memory_space<vmem>> -> memref<128x64xf32, #tpu.memory_space<vmem>>
    %dma_start3A_156 = arith.constant 0 : i32
    %dma_start3A_157 = tpu.memref_slice %arg5[%dma_start3A_146, %dma_start3A_156] : memref<128x200xi32, #tpu.memory_space<vmem>> -> memref<1x128xi32, #tpu.memory_space<vmem>>
    %dma_start3A_158 = tpu.memref_squeeze %dma_start3A_157 : memref<1x128xi32, #tpu.memory_space<vmem>> -> memref<128xi32, #tpu.memory_space<vmem>>
    %dma_start3A_159 = arith.constant 0 : i32
    %dma_start3A_160 = arith.constant 0 : i32
    %dma_start3A_161 = tpu.memref_slice %arg2[%dma_start3A_159, %dma_start3A_160] : memref<1000000x64xf32, #tpu.memory_space<hbm>> -> memref<1000000x64xf32, #tpu.memory_space<hbm>>
    %dma_start3A_162 = tpu.memref_slice %arg7[%dma_start3A_148] : memref<2x!tpu.dma_semaphore, #tpu.memory_space<semaphore_mem>> -> memref<1x!tpu.dma_semaphore, #tpu.memory_space<semaphore_mem>>
    %dma_start3A_163 = tpu.memref_squeeze %dma_start3A_162 : memref<1x!tpu.dma_semaphore, #tpu.memory_space<semaphore_mem>> -> memref<!tpu.dma_semaphore, #tpu.memory_space<semaphore_mem>>
    tpu.enqueue_indirect_dma source(%dma_start3A_161 : memref<1000000x64xf32, #tpu.memory_space<hbm>>) target(%dma_start3A_155 : memref<128x64xf32, #tpu.memory_space<vmem>>) offsets(%dma_start3A_158 : memref<128xi32, #tpu.memory_space<vmem>>) semaphore(%dma_start3A_163 : memref<!tpu.dma_semaphore, #tpu.memory_space<semaphore_mem>>)
    %dma_start3A_164 = arith.constant 4 : i32
    %dma_start3A_165 = arith.constant 1 : i32
    %dma_start3A_166 = arith.constant 1 : i32
    %dma_start3A_167 = arith.constant 0 : i32
    %dma_start3A_168 = arith.constant 0 : i32
    %dma_start3A_169 = tpu.memref_slice %arg6[%dma_start3A_165, %dma_start3A_167, %dma_start3A_168] : memref<2x800x64xf32, #tpu.memory_space<vmem>> -> memref<1x800x64xf32, #tpu.memory_space<vmem>>
    %dma_start3A_170 = tpu.memref_squeeze %dma_start3A_169 : memref<1x800x64xf32, #tpu.memory_space<vmem>> -> memref<800x64xf32, #tpu.memory_space<vmem>>
    %dma_start3A_171 = arith.constant 128 : i32
    %dma_start3A_172 = arith.constant 0 : i32
    %dma_start3A_173 = tpu.memref_slice %dma_start3A_170[%dma_start3A_171, %dma_start3A_172] : memref<800x64xf32, #tpu.memory_space<vmem>> -> memref<72x64xf32, #tpu.memory_space<vmem>>
    %dma_start3A_174 = arith.constant 128 : i32
    %dma_start3A_175 = tpu.memref_slice %arg5[%dma_start3A_164, %dma_start3A_174] : memref<128x200xi32, #tpu.memory_space<vmem>> -> memref<1x72xi32, #tpu.memory_space<vmem>>
    %dma_start3A_176 = tpu.memref_squeeze %dma_start3A_175 : memref<1x72xi32, #tpu.memory_space<vmem>> -> memref<72xi32, #tpu.memory_space<vmem>>
    %dma_start3A_177 = arith.constant 0 : i32
    %dma_start3A_178 = arith.constant 0 : i32
    %dma_start3A_179 = tpu.memref_slice %arg2[%dma_start3A_177, %dma_start3A_178] : memref<1000000x64xf32, #tpu.memory_space<hbm>> -> memref<1000000x64xf32, #tpu.memory_space<hbm>>
    %dma_start3A_180 = tpu.memref_slice %arg7[%dma_start3A_166] : memref<2x!tpu.dma_semaphore, #tpu.memory_space<semaphore_mem>> -> memref<1x!tpu.dma_semaphore, #tpu.memory_space<semaphore_mem>>
    %dma_start3A_181 = tpu.memref_squeeze %dma_start3A_180 : memref<1x!tpu.dma_semaphore, #tpu.memory_space<semaphore_mem>> -> memref<!tpu.dma_semaphore, #tpu.memory_space<semaphore_mem>>
    tpu.enqueue_indirect_dma source(%dma_start3A_179 : memref<1000000x64xf32, #tpu.memory_space<hbm>>) target(%dma_start3A_173 : memref<72x64xf32, #tpu.memory_space<vmem>>) offsets(%dma_start3A_176 : memref<72xi32, #tpu.memory_space<vmem>>) semaphore(%dma_start3A_181 : memref<!tpu.dma_semaphore, #tpu.memory_space<semaphore_mem>>)
    %dma_start3A_182 = arith.constant 5 : i32
    %dma_start3A_183 = arith.constant 1 : i32
    %dma_start3A_184 = arith.constant 1 : i32
    %dma_start3A_185 = arith.constant 0 : i32
    %dma_start3A_186 = arith.constant 0 : i32
    %dma_start3A_187 = tpu.memref_slice %arg6[%dma_start3A_183, %dma_start3A_185, %dma_start3A_186] : memref<2x800x64xf32, #tpu.memory_space<vmem>> -> memref<1x800x64xf32, #tpu.memory_space<vmem>>
    %dma_start3A_188 = tpu.memref_squeeze %dma_start3A_187 : memref<1x800x64xf32, #tpu.memory_space<vmem>> -> memref<800x64xf32, #tpu.memory_space<vmem>>
    %dma_start3A_189 = arith.constant 200 : i32
    %dma_start3A_190 = arith.constant 0 : i32
    %dma_start3A_191 = tpu.memref_slice %dma_start3A_188[%dma_start3A_189, %dma_start3A_190] : memref<800x64xf32, #tpu.memory_space<vmem>> -> memref<128x64xf32, #tpu.memory_space<vmem>>
    %dma_start3A_192 = arith.constant 0 : i32
    %dma_start3A_193 = tpu.memref_slice %arg5[%dma_start3A_182, %dma_start3A_192] : memref<128x200xi32, #tpu.memory_space<vmem>> -> memref<1x128xi32, #tpu.memory_space<vmem>>
    %dma_start3A_194 = tpu.memref_squeeze %dma_start3A_193 : memref<1x128xi32, #tpu.memory_space<vmem>> -> memref<128xi32, #tpu.memory_space<vmem>>
    %dma_start3A_195 = arith.constant 0 : i32
    %dma_start3A_196 = arith.constant 0 : i32
    %dma_start3A_197 = tpu.memref_slice %arg2[%dma_start3A_195, %dma_start3A_196] : memref<1000000x64xf32, #tpu.memory_space<hbm>> -> memref<1000000x64xf32, #tpu.memory_space<hbm>>
    %dma_start3A_198 = tpu.memref_slice %arg7[%dma_start3A_184] : memref<2x!tpu.dma_semaphore, #tpu.memory_space<semaphore_mem>> -> memref<1x!tpu.dma_semaphore, #tpu.memory_space<semaphore_mem>>
    %dma_start3A_199 = tpu.memref_squeeze %dma_start3A_198 : memref<1x!tpu.dma_semaphore, #tpu.memory_space<semaphore_mem>> -> memref<!tpu.dma_semaphore, #tpu.memory_space<semaphore_mem>>
    tpu.enqueue_indirect_dma source(%dma_start3A_197 : memref<1000000x64xf32, #tpu.memory_space<hbm>>) target(%dma_start3A_191 : memref<128x64xf32, #tpu.memory_space<vmem>>) offsets(%dma_start3A_194 : memref<128xi32, #tpu.memory_space<vmem>>) semaphore(%dma_start3A_199 : memref<!tpu.dma_semaphore, #tpu.memory_space<semaphore_mem>>)
    %dma_start3A_200 = arith.constant 5 : i32
    %dma_start3A_201 = arith.constant 1 : i32
    %dma_start3A_202 = arith.constant 1 : i32
    %dma_start3A_203 = arith.constant 0 : i32
    %dma_start3A_204 = arith.constant 0 : i32
    %dma_start3A_205 = tpu.memref_slice %arg6[%dma_start3A_201, %dma_start3A_203, %dma_start3A_204] : memref<2x800x64xf32, #tpu.memory_space<vmem>> -> memref<1x800x64xf32, #tpu.memory_space<vmem>>
    %dma_start3A_206 = tpu.memref_squeeze %dma_start3A_205 : memref<1x800x64xf32, #tpu.memory_space<vmem>> -> memref<800x64xf32, #tpu.memory_space<vmem>>
    %dma_start3A_207 = arith.constant 328 : i32
    %dma_start3A_208 = arith.constant 0 : i32
    %dma_start3A_209 = tpu.memref_slice %dma_start3A_206[%dma_start3A_207, %dma_start3A_208] : memref<800x64xf32, #tpu.memory_space<vmem>> -> memref<72x64xf32, #tpu.memory_space<vmem>>
    %dma_start3A_210 = arith.constant 128 : i32
    %dma_start3A_211 = tpu.memref_slice %arg5[%dma_start3A_200, %dma_start3A_210] : memref<128x200xi32, #tpu.memory_space<vmem>> -> memref<1x72xi32, #tpu.memory_space<vmem>>
    %dma_start3A_212 = tpu.memref_squeeze %dma_start3A_211 : memref<1x72xi32, #tpu.memory_space<vmem>> -> memref<72xi32, #tpu.memory_space<vmem>>
    %dma_start3A_213 = arith.constant 0 : i32
    %dma_start3A_214 = arith.constant 0 : i32
    %dma_start3A_215 = tpu.memref_slice %arg2[%dma_start3A_213, %dma_start3A_214] : memref<1000000x64xf32, #tpu.memory_space<hbm>> -> memref<1000000x64xf32, #tpu.memory_space<hbm>>
    %dma_start3A_216 = tpu.memref_slice %arg7[%dma_start3A_202] : memref<2x!tpu.dma_semaphore, #tpu.memory_space<semaphore_mem>> -> memref<1x!tpu.dma_semaphore, #tpu.memory_space<semaphore_mem>>
    %dma_start3A_217 = tpu.memref_squeeze %dma_start3A_216 : memref<1x!tpu.dma_semaphore, #tpu.memory_space<semaphore_mem>> -> memref<!tpu.dma_semaphore, #tpu.memory_space<semaphore_mem>>
    tpu.enqueue_indirect_dma source(%dma_start3A_215 : memref<1000000x64xf32, #tpu.memory_space<hbm>>) target(%dma_start3A_209 : memref<72x64xf32, #tpu.memory_space<vmem>>) offsets(%dma_start3A_212 : memref<72xi32, #tpu.memory_space<vmem>>) semaphore(%dma_start3A_217 : memref<!tpu.dma_semaphore, #tpu.memory_space<semaphore_mem>>)
    %dma_start3A_218 = arith.constant 6 : i32
    %dma_start3A_219 = arith.constant 1 : i32
    %dma_start3A_220 = arith.constant 1 : i32
    %dma_start3A_221 = arith.constant 0 : i32
    %dma_start3A_222 = arith.constant 0 : i32
    %dma_start3A_223 = tpu.memref_slice %arg6[%dma_start3A_219, %dma_start3A_221, %dma_start3A_222] : memref<2x800x64xf32, #tpu.memory_space<vmem>> -> memref<1x800x64xf32, #tpu.memory_space<vmem>>
    %dma_start3A_224 = tpu.memref_squeeze %dma_start3A_223 : memref<1x800x64xf32, #tpu.memory_space<vmem>> -> memref<800x64xf32, #tpu.memory_space<vmem>>
    %dma_start3A_225 = arith.constant 400 : i32
    %dma_start3A_226 = arith.constant 0 : i32
    %dma_start3A_227 = tpu.memref_slice %dma_start3A_224[%dma_start3A_225, %dma_start3A_226] : memref<800x64xf32, #tpu.memory_space<vmem>> -> memref<128x64xf32, #tpu.memory_space<vmem>>
    %dma_start3A_228 = arith.constant 0 : i32
    %dma_start3A_229 = tpu.memref_slice %arg5[%dma_start3A_218, %dma_start3A_228] : memref<128x200xi32, #tpu.memory_space<vmem>> -> memref<1x128xi32, #tpu.memory_space<vmem>>
    %dma_start3A_230 = tpu.memref_squeeze %dma_start3A_229 : memref<1x128xi32, #tpu.memory_space<vmem>> -> memref<128xi32, #tpu.memory_space<vmem>>
    %dma_start3A_231 = arith.constant 0 : i32
    %dma_start3A_232 = arith.constant 0 : i32
    %dma_start3A_233 = tpu.memref_slice %arg2[%dma_start3A_231, %dma_start3A_232] : memref<1000000x64xf32, #tpu.memory_space<hbm>> -> memref<1000000x64xf32, #tpu.memory_space<hbm>>
    %dma_start3A_234 = tpu.memref_slice %arg7[%dma_start3A_220] : memref<2x!tpu.dma_semaphore, #tpu.memory_space<semaphore_mem>> -> memref<1x!tpu.dma_semaphore, #tpu.memory_space<semaphore_mem>>
    %dma_start3A_235 = tpu.memref_squeeze %dma_start3A_234 : memref<1x!tpu.dma_semaphore, #tpu.memory_space<semaphore_mem>> -> memref<!tpu.dma_semaphore, #tpu.memory_space<semaphore_mem>>
    tpu.enqueue_indirect_dma source(%dma_start3A_233 : memref<1000000x64xf32, #tpu.memory_space<hbm>>) target(%dma_start3A_227 : memref<128x64xf32, #tpu.memory_space<vmem>>) offsets(%dma_start3A_230 : memref<128xi32, #tpu.memory_space<vmem>>) semaphore(%dma_start3A_235 : memref<!tpu.dma_semaphore, #tpu.memory_space<semaphore_mem>>)
    %dma_start3A_236 = arith.constant 6 : i32
    %dma_start3A_237 = arith.constant 1 : i32
    %dma_start3A_238 = arith.constant 1 : i32
    %dma_start3A_239 = arith.constant 0 : i32
    %dma_start3A_240 = arith.constant 0 : i32
    %dma_start3A_241 = tpu.memref_slice %arg6[%dma_start3A_237, %dma_start3A_239, %dma_start3A_240] : memref<2x800x64xf32, #tpu.memory_space<vmem>> -> memref<1x800x64xf32, #tpu.memory_space<vmem>>
    %dma_start3A_242 = tpu.memref_squeeze %dma_start3A_241 : memref<1x800x64xf32, #tpu.memory_space<vmem>> -> memref<800x64xf32, #tpu.memory_space<vmem>>
    %dma_start3A_243 = arith.constant 528 : i32
    %dma_start3A_244 = arith.constant 0 : i32
    %dma_start3A_245 = tpu.memref_slice %dma_start3A_242[%dma_start3A_243, %dma_start3A_244] : memref<800x64xf32, #tpu.memory_space<vmem>> -> memref<72x64xf32, #tpu.memory_space<vmem>>
    %dma_start3A_246 = arith.constant 128 : i32
    %dma_start3A_247 = tpu.memref_slice %arg5[%dma_start3A_236, %dma_start3A_246] : memref<128x200xi32, #tpu.memory_space<vmem>> -> memref<1x72xi32, #tpu.memory_space<vmem>>
    %dma_start3A_248 = tpu.memref_squeeze %dma_start3A_247 : memref<1x72xi32, #tpu.memory_space<vmem>> -> memref<72xi32, #tpu.memory_space<vmem>>
    %dma_start3A_249 = arith.constant 0 : i32
    %dma_start3A_250 = arith.constant 0 : i32
    %dma_start3A_251 = tpu.memref_slice %arg2[%dma_start3A_249, %dma_start3A_250] : memref<1000000x64xf32, #tpu.memory_space<hbm>> -> memref<1000000x64xf32, #tpu.memory_space<hbm>>
    %dma_start3A_252 = tpu.memref_slice %arg7[%dma_start3A_238] : memref<2x!tpu.dma_semaphore, #tpu.memory_space<semaphore_mem>> -> memref<1x!tpu.dma_semaphore, #tpu.memory_space<semaphore_mem>>
    %dma_start3A_253 = tpu.memref_squeeze %dma_start3A_252 : memref<1x!tpu.dma_semaphore, #tpu.memory_space<semaphore_mem>> -> memref<!tpu.dma_semaphore, #tpu.memory_space<semaphore_mem>>
    tpu.enqueue_indirect_dma source(%dma_start3A_251 : memref<1000000x64xf32, #tpu.memory_space<hbm>>) target(%dma_start3A_245 : memref<72x64xf32, #tpu.memory_space<vmem>>) offsets(%dma_start3A_248 : memref<72xi32, #tpu.memory_space<vmem>>) semaphore(%dma_start3A_253 : memref<!tpu.dma_semaphore, #tpu.memory_space<semaphore_mem>>)
    %dma_start3A_254 = arith.constant 7 : i32
    %dma_start3A_255 = arith.constant 1 : i32
    %dma_start3A_256 = arith.constant 1 : i32
    %dma_start3A_257 = arith.constant 0 : i32
    %dma_start3A_258 = arith.constant 0 : i32
    %dma_start3A_259 = tpu.memref_slice %arg6[%dma_start3A_255, %dma_start3A_257, %dma_start3A_258] : memref<2x800x64xf32, #tpu.memory_space<vmem>> -> memref<1x800x64xf32, #tpu.memory_space<vmem>>
    %dma_start3A_260 = tpu.memref_squeeze %dma_start3A_259 : memref<1x800x64xf32, #tpu.memory_space<vmem>> -> memref<800x64xf32, #tpu.memory_space<vmem>>
    %dma_start3A_261 = arith.constant 600 : i32
    %dma_start3A_262 = arith.constant 0 : i32
    %dma_start3A_263 = tpu.memref_slice %dma_start3A_260[%dma_start3A_261, %dma_start3A_262] : memref<800x64xf32, #tpu.memory_space<vmem>> -> memref<128x64xf32, #tpu.memory_space<vmem>>
    %dma_start3A_264 = arith.constant 0 : i32
    %dma_start3A_265 = tpu.memref_slice %arg5[%dma_start3A_254, %dma_start3A_264] : memref<128x200xi32, #tpu.memory_space<vmem>> -> memref<1x128xi32, #tpu.memory_space<vmem>>
    %dma_start3A_266 = tpu.memref_squeeze %dma_start3A_265 : memref<1x128xi32, #tpu.memory_space<vmem>> -> memref<128xi32, #tpu.memory_space<vmem>>
    %dma_start3A_267 = arith.constant 0 : i32
    %dma_start3A_268 = arith.constant 0 : i32
    %dma_start3A_269 = tpu.memref_slice %arg2[%dma_start3A_267, %dma_start3A_268] : memref<1000000x64xf32, #tpu.memory_space<hbm>> -> memref<1000000x64xf32, #tpu.memory_space<hbm>>
    %dma_start3A_270 = tpu.memref_slice %arg7[%dma_start3A_256] : memref<2x!tpu.dma_semaphore, #tpu.memory_space<semaphore_mem>> -> memref<1x!tpu.dma_semaphore, #tpu.memory_space<semaphore_mem>>
    %dma_start3A_271 = tpu.memref_squeeze %dma_start3A_270 : memref<1x!tpu.dma_semaphore, #tpu.memory_space<semaphore_mem>> -> memref<!tpu.dma_semaphore, #tpu.memory_space<semaphore_mem>>
    tpu.enqueue_indirect_dma source(%dma_start3A_269 : memref<1000000x64xf32, #tpu.memory_space<hbm>>) target(%dma_start3A_263 : memref<128x64xf32, #tpu.memory_space<vmem>>) offsets(%dma_start3A_266 : memref<128xi32, #tpu.memory_space<vmem>>) semaphore(%dma_start3A_271 : memref<!tpu.dma_semaphore, #tpu.memory_space<semaphore_mem>>)
    %dma_start3A_272 = arith.constant 7 : i32
    %dma_start3A_273 = arith.constant 1 : i32
    %dma_start3A_274 = arith.constant 1 : i32
    %dma_start3A_275 = arith.constant 0 : i32
    %dma_start3A_276 = arith.constant 0 : i32
    %dma_start3A_277 = tpu.memref_slice %arg6[%dma_start3A_273, %dma_start3A_275, %dma_start3A_276] : memref<2x800x64xf32, #tpu.memory_space<vmem>> -> memref<1x800x64xf32, #tpu.memory_space<vmem>>
    %dma_start3A_278 = tpu.memref_squeeze %dma_start3A_277 : memref<1x800x64xf32, #tpu.memory_space<vmem>> -> memref<800x64xf32, #tpu.memory_space<vmem>>
    %dma_start3A_279 = arith.constant 728 : i32
    %dma_start3A_280 = arith.constant 0 : i32
    %dma_start3A_281 = tpu.memref_slice %dma_start3A_278[%dma_start3A_279, %dma_start3A_280] : memref<800x64xf32, #tpu.memory_space<vmem>> -> memref<72x64xf32, #tpu.memory_space<vmem>>
    %dma_start3A_282 = arith.constant 128 : i32
    %dma_start3A_283 = tpu.memref_slice %arg5[%dma_start3A_272, %dma_start3A_282] : memref<128x200xi32, #tpu.memory_space<vmem>> -> memref<1x72xi32, #tpu.memory_space<vmem>>
    %dma_start3A_284 = tpu.memref_squeeze %dma_start3A_283 : memref<1x72xi32, #tpu.memory_space<vmem>> -> memref<72xi32, #tpu.memory_space<vmem>>
    %dma_start3A_285 = arith.constant 0 : i32
    %dma_start3A_286 = arith.constant 0 : i32
    %dma_start3A_287 = tpu.memref_slice %arg2[%dma_start3A_285, %dma_start3A_286] : memref<1000000x64xf32, #tpu.memory_space<hbm>> -> memref<1000000x64xf32, #tpu.memory_space<hbm>>
    %dma_start3A_288 = tpu.memref_slice %arg7[%dma_start3A_274] : memref<2x!tpu.dma_semaphore, #tpu.memory_space<semaphore_mem>> -> memref<1x!tpu.dma_semaphore, #tpu.memory_space<semaphore_mem>>
    %dma_start3A_289 = tpu.memref_squeeze %dma_start3A_288 : memref<1x!tpu.dma_semaphore, #tpu.memory_space<semaphore_mem>> -> memref<!tpu.dma_semaphore, #tpu.memory_space<semaphore_mem>>
    tpu.enqueue_indirect_dma source(%dma_start3A_287 : memref<1000000x64xf32, #tpu.memory_space<hbm>>) target(%dma_start3A_281 : memref<72x64xf32, #tpu.memory_space<vmem>>) offsets(%dma_start3A_284 : memref<72xi32, #tpu.memory_space<vmem>>) semaphore(%dma_start3A_289 : memref<!tpu.dma_semaphore, #tpu.memory_space<semaphore_mem>>)
    %scan3A = arith.constant 0 : i32
    %scan3A_290 = arith.constant 0 : i32
    %scan3A_291 = arith.constant 0 : i32
    %scan3A_292 = arith.constant 1 : i32
    %scan3A_293 = arith.constant 1 : i32
    %scan3A_294 = arith.constant 0 : i32
    %scan3A_295 = arith.constant 15 : i32
    %scan3A_296 = arith.addi %scan3A_294, %scan3A_295 : i32
    %scan3A_297 = arith.constant 1 : i32
    scf.for %scan3A_609 = %scan3A_294 to %scan3A_296 step %scan3A_297  : i32 {
      %mul3A_610 = arith.constant 2 : i32
      %mul3A_611 = arith.muli %scan3A_609, %mul3A_610 : i32
      %dma_wait3A_612 = arith.constant 0 : i32
      %dma_wait3A_613 = arith.constant 0 : i32
      %dma_wait3A_614 = arith.constant 0 : i32
      %dma_wait3A_615 = tpu.memref_slice %arg6[%scan3A_290, %dma_wait3A_613, %dma_wait3A_614] : memref<2x800x64xf32, #tpu.memory_space<vmem>> -> memref<1x800x64xf32, #tpu.memory_space<vmem>>
      %dma_wait3A_616 = tpu.memref_squeeze %dma_wait3A_615 : memref<1x800x64xf32, #tpu.memory_space<vmem>> -> memref<800x64xf32, #tpu.memory_space<vmem>>
      %dma_wait3A_617 = arith.constant 0 : i32
      %dma_wait3A_618 = arith.constant 0 : i32
      %dma_wait3A_619 = tpu.memref_slice %dma_wait3A_616[%dma_wait3A_617, %dma_wait3A_618] : memref<800x64xf32, #tpu.memory_space<vmem>> -> memref<128x64xf32, #tpu.memory_space<vmem>>
      %dma_wait3A_620 = arith.constant 0 : i32
      %dma_wait3A_621 = tpu.memref_slice %arg5[%dma_wait3A_612, %dma_wait3A_620] : memref<128x200xi32, #tpu.memory_space<vmem>> -> memref<1x128xi32, #tpu.memory_space<vmem>>
      %dma_wait3A_622 = tpu.memref_squeeze %dma_wait3A_621 : memref<1x128xi32, #tpu.memory_space<vmem>> -> memref<128xi32, #tpu.memory_space<vmem>>
      %dma_wait3A_623 = arith.constant 0 : i32
      %dma_wait3A_624 = arith.constant 0 : i32
      %dma_wait3A_625 = tpu.memref_slice %arg2[%dma_wait3A_623, %dma_wait3A_624] : memref<1000000x64xf32, #tpu.memory_space<hbm>> -> memref<1000000x64xf32, #tpu.memory_space<hbm>>
      %dma_wait3A_626 = tpu.memref_slice %arg7[%scan3A_291] : memref<2x!tpu.dma_semaphore, #tpu.memory_space<semaphore_mem>> -> memref<1x!tpu.dma_semaphore, #tpu.memory_space<semaphore_mem>>
      %dma_wait3A_627 = tpu.memref_squeeze %dma_wait3A_626 : memref<1x!tpu.dma_semaphore, #tpu.memory_space<semaphore_mem>> -> memref<!tpu.dma_semaphore, #tpu.memory_space<semaphore_mem>>
      tpu.wait_indirect_dma semaphore(%dma_wait3A_627 : memref<!tpu.dma_semaphore, #tpu.memory_space<semaphore_mem>>) src(%dma_wait3A_625 : memref<1000000x64xf32, #tpu.memory_space<hbm>>) dst(%dma_wait3A_619 : memref<128x64xf32, #tpu.memory_space<vmem>>)
      %dma_wait3A_628 = arith.constant 0 : i32
      %dma_wait3A_629 = arith.constant 0 : i32
      %dma_wait3A_630 = arith.constant 0 : i32
      %dma_wait3A_631 = tpu.memref_slice %arg6[%scan3A_290, %dma_wait3A_629, %dma_wait3A_630] : memref<2x800x64xf32, #tpu.memory_space<vmem>> -> memref<1x800x64xf32, #tpu.memory_space<vmem>>
      %dma_wait3A_632 = tpu.memref_squeeze %dma_wait3A_631 : memref<1x800x64xf32, #tpu.memory_space<vmem>> -> memref<800x64xf32, #tpu.memory_space<vmem>>
      %dma_wait3A_633 = arith.constant 128 : i32
      %dma_wait3A_634 = arith.constant 0 : i32
      %dma_wait3A_635 = tpu.memref_slice %dma_wait3A_632[%dma_wait3A_633, %dma_wait3A_634] : memref<800x64xf32, #tpu.memory_space<vmem>> -> memref<72x64xf32, #tpu.memory_space<vmem>>
      %dma_wait3A_636 = arith.constant 128 : i32
      %dma_wait3A_637 = tpu.memref_slice %arg5[%dma_wait3A_628, %dma_wait3A_636] : memref<128x200xi32, #tpu.memory_space<vmem>> -> memref<1x72xi32, #tpu.memory_space<vmem>>
      %dma_wait3A_638 = tpu.memref_squeeze %dma_wait3A_637 : memref<1x72xi32, #tpu.memory_space<vmem>> -> memref<72xi32, #tpu.memory_space<vmem>>
      %dma_wait3A_639 = arith.constant 0 : i32
      %dma_wait3A_640 = arith.constant 0 : i32
      %dma_wait3A_641 = tpu.memref_slice %arg2[%dma_wait3A_639, %dma_wait3A_640] : memref<1000000x64xf32, #tpu.memory_space<hbm>> -> memref<1000000x64xf32, #tpu.memory_space<hbm>>
      %dma_wait3A_642 = tpu.memref_slice %arg7[%scan3A_291] : memref<2x!tpu.dma_semaphore, #tpu.memory_space<semaphore_mem>> -> memref<1x!tpu.dma_semaphore, #tpu.memory_space<semaphore_mem>>
      %dma_wait3A_643 = tpu.memref_squeeze %dma_wait3A_642 : memref<1x!tpu.dma_semaphore, #tpu.memory_space<semaphore_mem>> -> memref<!tpu.dma_semaphore, #tpu.memory_space<semaphore_mem>>
      tpu.wait_indirect_dma semaphore(%dma_wait3A_643 : memref<!tpu.dma_semaphore, #tpu.memory_space<semaphore_mem>>) src(%dma_wait3A_641 : memref<1000000x64xf32, #tpu.memory_space<hbm>>) dst(%dma_wait3A_635 : memref<72x64xf32, #tpu.memory_space<vmem>>)
      %dma_wait3A_644 = arith.constant 1 : i32
      %dma_wait3A_645 = arith.constant 0 : i32
      %dma_wait3A_646 = arith.constant 0 : i32
      %dma_wait3A_647 = tpu.memref_slice %arg6[%scan3A_290, %dma_wait3A_645, %dma_wait3A_646] : memref<2x800x64xf32, #tpu.memory_space<vmem>> -> memref<1x800x64xf32, #tpu.memory_space<vmem>>
      %dma_wait3A_648 = tpu.memref_squeeze %dma_wait3A_647 : memref<1x800x64xf32, #tpu.memory_space<vmem>> -> memref<800x64xf32, #tpu.memory_space<vmem>>
      %dma_wait3A_649 = arith.constant 200 : i32
      %dma_wait3A_650 = arith.constant 0 : i32
      %dma_wait3A_651 = tpu.memref_slice %dma_wait3A_648[%dma_wait3A_649, %dma_wait3A_650] : memref<800x64xf32, #tpu.memory_space<vmem>> -> memref<128x64xf32, #tpu.memory_space<vmem>>
      %dma_wait3A_652 = arith.constant 0 : i32
      %dma_wait3A_653 = tpu.memref_slice %arg5[%dma_wait3A_644, %dma_wait3A_652] : memref<128x200xi32, #tpu.memory_space<vmem>> -> memref<1x128xi32, #tpu.memory_space<vmem>>
      %dma_wait3A_654 = tpu.memref_squeeze %dma_wait3A_653 : memref<1x128xi32, #tpu.memory_space<vmem>> -> memref<128xi32, #tpu.memory_space<vmem>>
      %dma_wait3A_655 = arith.constant 0 : i32
      %dma_wait3A_656 = arith.constant 0 : i32
      %dma_wait3A_657 = tpu.memref_slice %arg2[%dma_wait3A_655, %dma_wait3A_656] : memref<1000000x64xf32, #tpu.memory_space<hbm>> -> memref<1000000x64xf32, #tpu.memory_space<hbm>>
      %dma_wait3A_658 = tpu.memref_slice %arg7[%scan3A_291] : memref<2x!tpu.dma_semaphore, #tpu.memory_space<semaphore_mem>> -> memref<1x!tpu.dma_semaphore, #tpu.memory_space<semaphore_mem>>
      %dma_wait3A_659 = tpu.memref_squeeze %dma_wait3A_658 : memref<1x!tpu.dma_semaphore, #tpu.memory_space<semaphore_mem>> -> memref<!tpu.dma_semaphore, #tpu.memory_space<semaphore_mem>>
      tpu.wait_indirect_dma semaphore(%dma_wait3A_659 : memref<!tpu.dma_semaphore, #tpu.memory_space<semaphore_mem>>) src(%dma_wait3A_657 : memref<1000000x64xf32, #tpu.memory_space<hbm>>) dst(%dma_wait3A_651 : memref<128x64xf32, #tpu.memory_space<vmem>>)
      %dma_wait3A_660 = arith.constant 1 : i32
      %dma_wait3A_661 = arith.constant 0 : i32
      %dma_wait3A_662 = arith.constant 0 : i32
      %dma_wait3A_663 = tpu.memref_slice %arg6[%scan3A_290, %dma_wait3A_661, %dma_wait3A_662] : memref<2x800x64xf32, #tpu.memory_space<vmem>> -> memref<1x800x64xf32, #tpu.memory_space<vmem>>
      %dma_wait3A_664 = tpu.memref_squeeze %dma_wait3A_663 : memref<1x800x64xf32, #tpu.memory_space<vmem>> -> memref<800x64xf32, #tpu.memory_space<vmem>>
      %dma_wait3A_665 = arith.constant 328 : i32
      %dma_wait3A_666 = arith.constant 0 : i32
      %dma_wait3A_667 = tpu.memref_slice %dma_wait3A_664[%dma_wait3A_665, %dma_wait3A_666] : memref<800x64xf32, #tpu.memory_space<vmem>> -> memref<72x64xf32, #tpu.memory_space<vmem>>
      %dma_wait3A_668 = arith.constant 128 : i32
      %dma_wait3A_669 = tpu.memref_slice %arg5[%dma_wait3A_660, %dma_wait3A_668] : memref<128x200xi32, #tpu.memory_space<vmem>> -> memref<1x72xi32, #tpu.memory_space<vmem>>
      %dma_wait3A_670 = tpu.memref_squeeze %dma_wait3A_669 : memref<1x72xi32, #tpu.memory_space<vmem>> -> memref<72xi32, #tpu.memory_space<vmem>>
      %dma_wait3A_671 = arith.constant 0 : i32
      %dma_wait3A_672 = arith.constant 0 : i32
      %dma_wait3A_673 = tpu.memref_slice %arg2[%dma_wait3A_671, %dma_wait3A_672] : memref<1000000x64xf32, #tpu.memory_space<hbm>> -> memref<1000000x64xf32, #tpu.memory_space<hbm>>
      %dma_wait3A_674 = tpu.memref_slice %arg7[%scan3A_291] : memref<2x!tpu.dma_semaphore, #tpu.memory_space<semaphore_mem>> -> memref<1x!tpu.dma_semaphore, #tpu.memory_space<semaphore_mem>>
      %dma_wait3A_675 = tpu.memref_squeeze %dma_wait3A_674 : memref<1x!tpu.dma_semaphore, #tpu.memory_space<semaphore_mem>> -> memref<!tpu.dma_semaphore, #tpu.memory_space<semaphore_mem>>
      tpu.wait_indirect_dma semaphore(%dma_wait3A_675 : memref<!tpu.dma_semaphore, #tpu.memory_space<semaphore_mem>>) src(%dma_wait3A_673 : memref<1000000x64xf32, #tpu.memory_space<hbm>>) dst(%dma_wait3A_667 : memref<72x64xf32, #tpu.memory_space<vmem>>)
      %dma_wait3A_676 = arith.constant 2 : i32
      %dma_wait3A_677 = arith.constant 0 : i32
      %dma_wait3A_678 = arith.constant 0 : i32
      %dma_wait3A_679 = tpu.memref_slice %arg6[%scan3A_290, %dma_wait3A_677, %dma_wait3A_678] : memref<2x800x64xf32, #tpu.memory_space<vmem>> -> memref<1x800x64xf32, #tpu.memory_space<vmem>>
      %dma_wait3A_680 = tpu.memref_squeeze %dma_wait3A_679 : memref<1x800x64xf32, #tpu.memory_space<vmem>> -> memref<800x64xf32, #tpu.memory_space<vmem>>
      %dma_wait3A_681 = arith.constant 400 : i32
      %dma_wait3A_682 = arith.constant 0 : i32
      %dma_wait3A_683 = tpu.memref_slice %dma_wait3A_680[%dma_wait3A_681, %dma_wait3A_682] : memref<800x64xf32, #tpu.memory_space<vmem>> -> memref<128x64xf32, #tpu.memory_space<vmem>>
      %dma_wait3A_684 = arith.constant 0 : i32
      %dma_wait3A_685 = tpu.memref_slice %arg5[%dma_wait3A_676, %dma_wait3A_684] : memref<128x200xi32, #tpu.memory_space<vmem>> -> memref<1x128xi32, #tpu.memory_space<vmem>>
      %dma_wait3A_686 = tpu.memref_squeeze %dma_wait3A_685 : memref<1x128xi32, #tpu.memory_space<vmem>> -> memref<128xi32, #tpu.memory_space<vmem>>
      %dma_wait3A_687 = arith.constant 0 : i32
      %dma_wait3A_688 = arith.constant 0 : i32
      %dma_wait3A_689 = tpu.memref_slice %arg2[%dma_wait3A_687, %dma_wait3A_688] : memref<1000000x64xf32, #tpu.memory_space<hbm>> -> memref<1000000x64xf32, #tpu.memory_space<hbm>>
      %dma_wait3A_690 = tpu.memref_slice %arg7[%scan3A_291] : memref<2x!tpu.dma_semaphore, #tpu.memory_space<semaphore_mem>> -> memref<1x!tpu.dma_semaphore, #tpu.memory_space<semaphore_mem>>
      %dma_wait3A_691 = tpu.memref_squeeze %dma_wait3A_690 : memref<1x!tpu.dma_semaphore, #tpu.memory_space<semaphore_mem>> -> memref<!tpu.dma_semaphore, #tpu.memory_space<semaphore_mem>>
      tpu.wait_indirect_dma semaphore(%dma_wait3A_691 : memref<!tpu.dma_semaphore, #tpu.memory_space<semaphore_mem>>) src(%dma_wait3A_689 : memref<1000000x64xf32, #tpu.memory_space<hbm>>) dst(%dma_wait3A_683 : memref<128x64xf32, #tpu.memory_space<vmem>>)
      %dma_wait3A_692 = arith.constant 2 : i32
      %dma_wait3A_693 = arith.constant 0 : i32
      %dma_wait3A_694 = arith.constant 0 : i32
      %dma_wait3A_695 = tpu.memref_slice %arg6[%scan3A_290, %dma_wait3A_693, %dma_wait3A_694] : memref<2x800x64xf32, #tpu.memory_space<vmem>> -> memref<1x800x64xf32, #tpu.memory_space<vmem>>
      %dma_wait3A_696 = tpu.memref_squeeze %dma_wait3A_695 : memref<1x800x64xf32, #tpu.memory_space<vmem>> -> memref<800x64xf32, #tpu.memory_space<vmem>>
      %dma_wait3A_697 = arith.constant 528 : i32
      %dma_wait3A_698 = arith.constant 0 : i32
      %dma_wait3A_699 = tpu.memref_slice %dma_wait3A_696[%dma_wait3A_697, %dma_wait3A_698] : memref<800x64xf32, #tpu.memory_space<vmem>> -> memref<72x64xf32, #tpu.memory_space<vmem>>
      %dma_wait3A_700 = arith.constant 128 : i32
      %dma_wait3A_701 = tpu.memref_slice %arg5[%dma_wait3A_692, %dma_wait3A_700] : memref<128x200xi32, #tpu.memory_space<vmem>> -> memref<1x72xi32, #tpu.memory_space<vmem>>
      %dma_wait3A_702 = tpu.memref_squeeze %dma_wait3A_701 : memref<1x72xi32, #tpu.memory_space<vmem>> -> memref<72xi32, #tpu.memory_space<vmem>>
      %dma_wait3A_703 = arith.constant 0 : i32
      %dma_wait3A_704 = arith.constant 0 : i32
      %dma_wait3A_705 = tpu.memref_slice %arg2[%dma_wait3A_703, %dma_wait3A_704] : memref<1000000x64xf32, #tpu.memory_space<hbm>> -> memref<1000000x64xf32, #tpu.memory_space<hbm>>
      %dma_wait3A_706 = tpu.memref_slice %arg7[%scan3A_291] : memref<2x!tpu.dma_semaphore, #tpu.memory_space<semaphore_mem>> -> memref<1x!tpu.dma_semaphore, #tpu.memory_space<semaphore_mem>>
      %dma_wait3A_707 = tpu.memref_squeeze %dma_wait3A_706 : memref<1x!tpu.dma_semaphore, #tpu.memory_space<semaphore_mem>> -> memref<!tpu.dma_semaphore, #tpu.memory_space<semaphore_mem>>
      tpu.wait_indirect_dma semaphore(%dma_wait3A_707 : memref<!tpu.dma_semaphore, #tpu.memory_space<semaphore_mem>>) src(%dma_wait3A_705 : memref<1000000x64xf32, #tpu.memory_space<hbm>>) dst(%dma_wait3A_699 : memref<72x64xf32, #tpu.memory_space<vmem>>)
      %dma_wait3A_708 = arith.constant 3 : i32
      %dma_wait3A_709 = arith.constant 0 : i32
      %dma_wait3A_710 = arith.constant 0 : i32
      %dma_wait3A_711 = tpu.memref_slice %arg6[%scan3A_290, %dma_wait3A_709, %dma_wait3A_710] : memref<2x800x64xf32, #tpu.memory_space<vmem>> -> memref<1x800x64xf32, #tpu.memory_space<vmem>>
      %dma_wait3A_712 = tpu.memref_squeeze %dma_wait3A_711 : memref<1x800x64xf32, #tpu.memory_space<vmem>> -> memref<800x64xf32, #tpu.memory_space<vmem>>
      %dma_wait3A_713 = arith.constant 600 : i32
      %dma_wait3A_714 = arith.constant 0 : i32
      %dma_wait3A_715 = tpu.memref_slice %dma_wait3A_712[%dma_wait3A_713, %dma_wait3A_714] : memref<800x64xf32, #tpu.memory_space<vmem>> -> memref<128x64xf32, #tpu.memory_space<vmem>>
      %dma_wait3A_716 = arith.constant 0 : i32
      %dma_wait3A_717 = tpu.memref_slice %arg5[%dma_wait3A_708, %dma_wait3A_716] : memref<128x200xi32, #tpu.memory_space<vmem>> -> memref<1x128xi32, #tpu.memory_space<vmem>>
      %dma_wait3A_718 = tpu.memref_squeeze %dma_wait3A_717 : memref<1x128xi32, #tpu.memory_space<vmem>> -> memref<128xi32, #tpu.memory_space<vmem>>
      %dma_wait3A_719 = arith.constant 0 : i32
      %dma_wait3A_720 = arith.constant 0 : i32
      %dma_wait3A_721 = tpu.memref_slice %arg2[%dma_wait3A_719, %dma_wait3A_720] : memref<1000000x64xf32, #tpu.memory_space<hbm>> -> memref<1000000x64xf32, #tpu.memory_space<hbm>>
      %dma_wait3A_722 = tpu.memref_slice %arg7[%scan3A_291] : memref<2x!tpu.dma_semaphore, #tpu.memory_space<semaphore_mem>> -> memref<1x!tpu.dma_semaphore, #tpu.memory_space<semaphore_mem>>
      %dma_wait3A_723 = tpu.memref_squeeze %dma_wait3A_722 : memref<1x!tpu.dma_semaphore, #tpu.memory_space<semaphore_mem>> -> memref<!tpu.dma_semaphore, #tpu.memory_space<semaphore_mem>>
      tpu.wait_indirect_dma semaphore(%dma_wait3A_723 : memref<!tpu.dma_semaphore, #tpu.memory_space<semaphore_mem>>) src(%dma_wait3A_721 : memref<1000000x64xf32, #tpu.memory_space<hbm>>) dst(%dma_wait3A_715 : memref<128x64xf32, #tpu.memory_space<vmem>>)
      %dma_wait3A_724 = arith.constant 3 : i32
      %dma_wait3A_725 = arith.constant 0 : i32
      %dma_wait3A_726 = arith.constant 0 : i32
      %dma_wait3A_727 = tpu.memref_slice %arg6[%scan3A_290, %dma_wait3A_725, %dma_wait3A_726] : memref<2x800x64xf32, #tpu.memory_space<vmem>> -> memref<1x800x64xf32, #tpu.memory_space<vmem>>
      %dma_wait3A_728 = tpu.memref_squeeze %dma_wait3A_727 : memref<1x800x64xf32, #tpu.memory_space<vmem>> -> memref<800x64xf32, #tpu.memory_space<vmem>>
      %dma_wait3A_729 = arith.constant 728 : i32
      %dma_wait3A_730 = arith.constant 0 : i32
      %dma_wait3A_731 = tpu.memref_slice %dma_wait3A_728[%dma_wait3A_729, %dma_wait3A_730] : memref<800x64xf32, #tpu.memory_space<vmem>> -> memref<72x64xf32, #tpu.memory_space<vmem>>
      %dma_wait3A_732 = arith.constant 128 : i32
      %dma_wait3A_733 = tpu.memref_slice %arg5[%dma_wait3A_724, %dma_wait3A_732] : memref<128x200xi32, #tpu.memory_space<vmem>> -> memref<1x72xi32, #tpu.memory_space<vmem>>
      %dma_wait3A_734 = tpu.memref_squeeze %dma_wait3A_733 : memref<1x72xi32, #tpu.memory_space<vmem>> -> memref<72xi32, #tpu.memory_space<vmem>>
      %dma_wait3A_735 = arith.constant 0 : i32
      %dma_wait3A_736 = arith.constant 0 : i32
      %dma_wait3A_737 = tpu.memref_slice %arg2[%dma_wait3A_735, %dma_wait3A_736] : memref<1000000x64xf32, #tpu.memory_space<hbm>> -> memref<1000000x64xf32, #tpu.memory_space<hbm>>
      %dma_wait3A_738 = tpu.memref_slice %arg7[%scan3A_291] : memref<2x!tpu.dma_semaphore, #tpu.memory_space<semaphore_mem>> -> memref<1x!tpu.dma_semaphore, #tpu.memory_space<semaphore_mem>>
      %dma_wait3A_739 = tpu.memref_squeeze %dma_wait3A_738 : memref<1x!tpu.dma_semaphore, #tpu.memory_space<semaphore_mem>> -> memref<!tpu.dma_semaphore, #tpu.memory_space<semaphore_mem>>
      tpu.wait_indirect_dma semaphore(%dma_wait3A_739 : memref<!tpu.dma_semaphore, #tpu.memory_space<semaphore_mem>>) src(%dma_wait3A_737 : memref<1000000x64xf32, #tpu.memory_space<hbm>>) dst(%dma_wait3A_731 : memref<72x64xf32, #tpu.memory_space<vmem>>)
      %scan3A_740 = arith.constant 0 : i32
      %scan3A_741 = arith.constant 0 : i32
      %scan3A_742 = arith.constant 100 : i32
      %scan3A_743 = arith.addi %scan3A_741, %scan3A_742 : i32
      %scan3A_744 = arith.constant 1 : i32
      scf.for %scan3A_1172 = %scan3A_741 to %scan3A_743 step %scan3A_744  : i32 {
        %mul3A_1173 = arith.constant 8 : i32
        %mul3A_1174 = arith.muli %scan3A_1172, %mul3A_1173 : i32
        %add3A_1175 = arith.constant 0 : i32
        %add3A_1176 = arith.addi %mul3A_1174, %add3A_1175 : i32
        %get3A = arith.constant 0 : i32
        %get3A_1177 = arith.constant 0 : i32
        %get3A_1178 = tpu.memref_slice %arg6[%scan3A_290, %get3A, %get3A_1177] : memref<2x800x64xf32, #tpu.memory_space<vmem>> -> memref<1x800x64xf32, #tpu.memory_space<vmem>>
        %get3A_1179 = tpu.memref_squeeze %get3A_1178 : memref<1x800x64xf32, #tpu.memory_space<vmem>> -> memref<800x64xf32, #tpu.memory_space<vmem>>
        %get3A_1180 = arith.index_cast %add3A_1176 : i32 to index
        %get3A_1181 = arith.constant 0 : index
        %get3A_1182 = tpu.vector_load %get3A_1179[%get3A_1180, %get3A_1181] {strides = array<i32>} : memref<800x64xf32, #tpu.memory_space<vmem>>, vector<16xf32>,
        %mul3A_1183 = arith.constant 8.000000e+00 : f32
        %mul3A_1184 = vector.broadcast %mul3A_1183 : f32 to vector<16xf32>
        %mul3A_1185 = arith.mulf %get3A_1182, %mul3A_1184 : vector<16xf32>
        %add3A_1186 = arith.constant 0 : i32
        %add3A_1187 = arith.addi %mul3A_1174, %add3A_1186 : i32
        %swap3A = arith.constant 0 : i32
        %swap3A_1188 = arith.constant 0 : i32
        %swap3A_1189 = tpu.memref_slice %arg6[%scan3A_290, %swap3A, %swap3A_1188] : memref<2x800x64xf32, #tpu.memory_space<vmem>> -> memref<1x800x64xf32, #tpu.memory_space<vmem>>
        %swap3A_1190 = tpu.memref_squeeze %swap3A_1189 : memref<1x800x64xf32, #tpu.memory_space<vmem>> -> memref<800x64xf32, #tpu.memory_space<vmem>>
        %swap3A_1191 = arith.index_cast %add3A_1187 : i32 to index
        %swap3A_1192 = arith.constant 0 : index
        %swap3A_1193 = tpu.vector_load %swap3A_1190[%swap3A_1191, %swap3A_1192] {strides = array<i32>} : memref<800x64xf32, #tpu.memory_space<vmem>>, vector<16xf32>,
        tpu.vector_store %swap3A_1190[%swap3A_1191, %swap3A_1192], %mul3A_1185 {strides = array<i32>} : memref<800x64xf32, #tpu.memory_space<vmem>>, vector<16xf32>,
        %add3A_1194 = arith.constant 0 : i32
        %add3A_1195 = arith.addi %mul3A_1174, %add3A_1194 : i32
        %get3A_1196 = arith.constant 0 : i32
        %get3A_1197 = arith.constant 0 : i32
        %get3A_1198 = tpu.memref_slice %arg6[%scan3A_290, %get3A_1196, %get3A_1197] : memref<2x800x64xf32, #tpu.memory_space<vmem>> -> memref<1x800x64xf32, #tpu.memory_space<vmem>>
        %get3A_1199 = tpu.memref_squeeze %get3A_1198 : memref<1x800x64xf32, #tpu.memory_space<vmem>> -> memref<800x64xf32, #tpu.memory_space<vmem>>
        %get3A_1200 = arith.index_cast %add3A_1195 : i32 to index
        %get3A_1201 = arith.constant 16 : index
        %get3A_1202 = tpu.vector_load %get3A_1199[%get3A_1200, %get3A_1201] {strides = array<i32>} : memref<800x64xf32, #tpu.memory_space<vmem>>, vector<16xf32>,
        %mul3A_1203 = arith.constant 8.000000e+00 : f32
        %mul3A_1204 = vector.broadcast %mul3A_1203 : f32 to vector<16xf32>
        %mul3A_1205 = arith.mulf %get3A_1202, %mul3A_1204 : vector<16xf32>
        %add3A_1206 = arith.constant 0 : i32
        %add3A_1207 = arith.addi %mul3A_1174, %add3A_1206 : i32
        %swap3A_1208 = arith.constant 0 : i32
        %swap3A_1209 = arith.constant 0 : i32
        %swap3A_1210 = tpu.memref_slice %arg6[%scan3A_290, %swap3A_1208, %swap3A_1209] : memref<2x800x64xf32, #tpu.memory_space<vmem>> -> memref<1x800x64xf32, #tpu.memory_space<vmem>>
        %swap3A_1211 = tpu.memref_squeeze %swap3A_1210 : memref<1x800x64xf32, #tpu.memory_space<vmem>> -> memref<800x64xf32, #tpu.memory_space<vmem>>
        %swap3A_1212 = arith.index_cast %add3A_1207 : i32 to index
        %swap3A_1213 = arith.constant 16 : index
        %swap3A_1214 = tpu.vector_load %swap3A_1211[%swap3A_1212, %swap3A_1213] {strides = array<i32>} : memref<800x64xf32, #tpu.memory_space<vmem>>, vector<16xf32>,
        tpu.vector_store %swap3A_1211[%swap3A_1212, %swap3A_1213], %mul3A_1205 {strides = array<i32>} : memref<800x64xf32, #tpu.memory_space<vmem>>, vector<16xf32>,
        %add3A_1215 = arith.constant 0 : i32
        %add3A_1216 = arith.addi %mul3A_1174, %add3A_1215 : i32
        %get3A_1217 = arith.constant 0 : i32
        %get3A_1218 = arith.constant 0 : i32
        %get3A_1219 = tpu.memref_slice %arg6[%scan3A_290, %get3A_1217, %get3A_1218] : memref<2x800x64xf32, #tpu.memory_space<vmem>> -> memref<1x800x64xf32, #tpu.memory_space<vmem>>
        %get3A_1220 = tpu.memref_squeeze %get3A_1219 : memref<1x800x64xf32, #tpu.memory_space<vmem>> -> memref<800x64xf32, #tpu.memory_space<vmem>>
        %get3A_1221 = arith.index_cast %add3A_1216 : i32 to index
        %get3A_1222 = arith.constant 32 : index
        %get3A_1223 = tpu.vector_load %get3A_1220[%get3A_1221, %get3A_1222] {strides = array<i32>} : memref<800x64xf32, #tpu.memory_space<vmem>>, vector<16xf32>,
        %mul3A_1224 = arith.constant 8.000000e+00 : f32
        %mul3A_1225 = vector.broadcast %mul3A_1224 : f32 to vector<16xf32>
        %mul3A_1226 = arith.mulf %get3A_1223, %mul3A_1225 : vector<16xf32>
        %add3A_1227 = arith.constant 0 : i32
        %add3A_1228 = arith.addi %mul3A_1174, %add3A_1227 : i32
        %swap3A_1229 = arith.constant 0 : i32
        %swap3A_1230 = arith.constant 0 : i32
        %swap3A_1231 = tpu.memref_slice %arg6[%scan3A_290, %swap3A_1229, %swap3A_1230] : memref<2x800x64xf32, #tpu.memory_space<vmem>> -> memref<1x800x64xf32, #tpu.memory_space<vmem>>
        %swap3A_1232 = tpu.memref_squeeze %swap3A_1231 : memref<1x800x64xf32, #tpu.memory_space<vmem>> -> memref<800x64xf32, #tpu.memory_space<vmem>>
        %swap3A_1233 = arith.index_cast %add3A_1228 : i32 to index
        %swap3A_1234 = arith.constant 32 : index
        %swap3A_1235 = tpu.vector_load %swap3A_1232[%swap3A_1233, %swap3A_1234] {strides = array<i32>} : memref<800x64xf32, #tpu.memory_space<vmem>>, vector<16xf32>,
        tpu.vector_store %swap3A_1232[%swap3A_1233, %swap3A_1234], %mul3A_1226 {strides = array<i32>} : memref<800x64xf32, #tpu.memory_space<vmem>>, vector<16xf32>,
        %add3A_1236 = arith.constant 0 : i32
        %add3A_1237 = arith.addi %mul3A_1174, %add3A_1236 : i32
        %get3A_1238 = arith.constant 0 : i32
        %get3A_1239 = arith.constant 0 : i32
        %get3A_1240 = tpu.memref_slice %arg6[%scan3A_290, %get3A_1238, %get3A_1239] : memref<2x800x64xf32, #tpu.memory_space<vmem>> -> memref<1x800x64xf32, #tpu.memory_space<vmem>>
        %get3A_1241 = tpu.memref_squeeze %get3A_1240 : memref<1x800x64xf32, #tpu.memory_space<vmem>> -> memref<800x64xf32, #tpu.memory_space<vmem>>
        %get3A_1242 = arith.index_cast %add3A_1237 : i32 to index
        %get3A_1243 = arith.constant 48 : index
        %get3A_1244 = tpu.vector_load %get3A_1241[%get3A_1242, %get3A_1243] {strides = array<i32>} : memref<800x64xf32, #tpu.memory_space<vmem>>, vector<16xf32>,
        %mul3A_1245 = arith.constant 8.000000e+00 : f32
        %mul3A_1246 = vector.broadcast %mul3A_1245 : f32 to vector<16xf32>
        %mul3A_1247 = arith.mulf %get3A_1244, %mul3A_1246 : vector<16xf32>
        %add3A_1248 = arith.constant 0 : i32
        %add3A_1249 = arith.addi %mul3A_1174, %add3A_1248 : i32
        %swap3A_1250 = arith.constant 0 : i32
        %swap3A_1251 = arith.constant 0 : i32
        %swap3A_1252 = tpu.memref_slice %arg6[%scan3A_290, %swap3A_1250, %swap3A_1251] : memref<2x800x64xf32, #tpu.memory_space<vmem>> -> memref<1x800x64xf32, #tpu.memory_space<vmem>>
        %swap3A_1253 = tpu.memref_squeeze %swap3A_1252 : memref<1x800x64xf32, #tpu.memory_space<vmem>> -> memref<800x64xf32, #tpu.memory_space<vmem>>
        %swap3A_1254 = arith.index_cast %add3A_1249 : i32 to index
        %swap3A_1255 = arith.constant 48 : index
        %swap3A_1256 = tpu.vector_load %swap3A_1253[%swap3A_1254, %swap3A_1255] {strides = array<i32>} : memref<800x64xf32, #tpu.memory_space<vmem>>, vector<16xf32>,
        tpu.vector_store %swap3A_1253[%swap3A_1254, %swap3A_1255], %mul3A_1247 {strides = array<i32>} : memref<800x64xf32, #tpu.memory_space<vmem>>, vector<16xf32>,
        %add3A_1257 = arith.constant 1 : i32
        %add3A_1258 = arith.addi %mul3A_1174, %add3A_1257 : i32
        %get3A_1259 = arith.constant 0 : i32
        %get3A_1260 = arith.constant 0 : i32
        %get3A_1261 = tpu.memref_slice %arg6[%scan3A_290, %get3A_1259, %get3A_1260] : memref<2x800x64xf32, #tpu.memory_space<vmem>> -> memref<1x800x64xf32, #tpu.memory_space<vmem>>
        %get3A_1262 = tpu.memref_squeeze %get3A_1261 : memref<1x800x64xf32, #tpu.memory_space<vmem>> -> memref<800x64xf32, #tpu.memory_space<vmem>>
        %get3A_1263 = arith.index_cast %add3A_1258 : i32 to index
        %get3A_1264 = arith.constant 0 : index
        %get3A_1265 = tpu.vector_load %get3A_1262[%get3A_1263, %get3A_1264] {strides = array<i32>} : memref<800x64xf32, #tpu.memory_space<vmem>>, vector<16xf32>,
        %mul3A_1266 = arith.constant 8.000000e+00 : f32
        %mul3A_1267 = vector.broadcast %mul3A_1266 : f32 to vector<16xf32>
        %mul3A_1268 = arith.mulf %get3A_1265, %mul3A_1267 : vector<16xf32>
        %add3A_1269 = arith.constant 1 : i32
        %add3A_1270 = arith.addi %mul3A_1174, %add3A_1269 : i32
        %swap3A_1271 = arith.constant 0 : i32
        %swap3A_1272 = arith.constant 0 : i32
        %swap3A_1273 = tpu.memref_slice %arg6[%scan3A_290, %swap3A_1271, %swap3A_1272] : memref<2x800x64xf32, #tpu.memory_space<vmem>> -> memref<1x800x64xf32, #tpu.memory_space<vmem>>
        %swap3A_1274 = tpu.memref_squeeze %swap3A_1273 : memref<1x800x64xf32, #tpu.memory_space<vmem>> -> memref<800x64xf32, #tpu.memory_space<vmem>>
        %swap3A_1275 = arith.index_cast %add3A_1270 : i32 to index
        %swap3A_1276 = arith.constant 0 : index
        %swap3A_1277 = tpu.vector_load %swap3A_1274[%swap3A_1275, %swap3A_1276] {strides = array<i32>} : memref<800x64xf32, #tpu.memory_space<vmem>>, vector<16xf32>,
        tpu.vector_store %swap3A_1274[%swap3A_1275, %swap3A_1276], %mul3A_1268 {strides = array<i32>} : memref<800x64xf32, #tpu.memory_space<vmem>>, vector<16xf32>,
        %add3A_1278 = arith.constant 1 : i32
        %add3A_1279 = arith.addi %mul3A_1174, %add3A_1278 : i32
        %get3A_1280 = arith.constant 0 : i32
        %get3A_1281 = arith.constant 0 : i32
        %get3A_1282 = tpu.memref_slice %arg6[%scan3A_290, %get3A_1280, %get3A_1281] : memref<2x800x64xf32, #tpu.memory_space<vmem>> -> memref<1x800x64xf32, #tpu.memory_space<vmem>>
        %get3A_1283 = tpu.memref_squeeze %get3A_1282 : memref<1x800x64xf32, #tpu.memory_space<vmem>> -> memref<800x64xf32, #tpu.memory_space<vmem>>
        %get3A_1284 = arith.index_cast %add3A_1279 : i32 to index
        %get3A_1285 = arith.constant 16 : index
        %get3A_1286 = tpu.vector_load %get3A_1283[%get3A_1284, %get3A_1285] {strides = array<i32>} : memref<800x64xf32, #tpu.memory_space<vmem>>, vector<16xf32>,
        %mul3A_1287 = arith.constant 8.000000e+00 : f32
        %mul3A_1288 = vector.broadcast %mul3A_1287 : f32 to vector<16xf32>
        %mul3A_1289 = arith.mulf %get3A_1286, %mul3A_1288 : vector<16xf32>
        %add3A_1290 = arith.constant 1 : i32
        %add3A_1291 = arith.addi %mul3A_1174, %add3A_1290 : i32
        %swap3A_1292 = arith.constant 0 : i32
        %swap3A_1293 = arith.constant 0 : i32
        %swap3A_1294 = tpu.memref_slice %arg6[%scan3A_290, %swap3A_1292, %swap3A_1293] : memref<2x800x64xf32, #tpu.memory_space<vmem>> -> memref<1x800x64xf32, #tpu.memory_space<vmem>>
        %swap3A_1295 = tpu.memref_squeeze %swap3A_1294 : memref<1x800x64xf32, #tpu.memory_space<vmem>> -> memref<800x64xf32, #tpu.memory_space<vmem>>
        %swap3A_1296 = arith.index_cast %add3A_1291 : i32 to index
        %swap3A_1297 = arith.constant 16 : index
        %swap3A_1298 = tpu.vector_load %swap3A_1295[%swap3A_1296, %swap3A_1297] {strides = array<i32>} : memref<800x64xf32, #tpu.memory_space<vmem>>, vector<16xf32>,
        tpu.vector_store %swap3A_1295[%swap3A_1296, %swap3A_1297], %mul3A_1289 {strides = array<i32>} : memref<800x64xf32, #tpu.memory_space<vmem>>, vector<16xf32>,
        %add3A_1299 = arith.constant 1 : i32
        %add3A_1300 = arith.addi %mul3A_1174, %add3A_1299 : i32
        %get3A_1301 = arith.constant 0 : i32
        %get3A_1302 = arith.constant 0 : i32
        %get3A_1303 = tpu.memref_slice %arg6[%scan3A_290, %get3A_1301, %get3A_1302] : memref<2x800x64xf32, #tpu.memory_space<vmem>> -> memref<1x800x64xf32, #tpu.memory_space<vmem>>
        %get3A_1304 = tpu.memref_squeeze %get3A_1303 : memref<1x800x64xf32, #tpu.memory_space<vmem>> -> memref<800x64xf32, #tpu.memory_space<vmem>>
        %get3A_1305 = arith.index_cast %add3A_1300 : i32 to index
        %get3A_1306 = arith.constant 32 : index
        %get3A_1307 = tpu.vector_load %get3A_1304[%get3A_1305, %get3A_1306] {strides = array<i32>} : memref<800x64xf32, #tpu.memory_space<vmem>>, vector<16xf32>,
        %mul3A_1308 = arith.constant 8.000000e+00 : f32
        %mul3A_1309 = vector.broadcast %mul3A_1308 : f32 to vector<16xf32>
        %mul3A_1310 = arith.mulf %get3A_1307, %mul3A_1309 : vector<16xf32>
        %add3A_1311 = arith.constant 1 : i32
        %add3A_1312 = arith.addi %mul3A_1174, %add3A_1311 : i32
        %swap3A_1313 = arith.constant 0 : i32
        %swap3A_1314 = arith.constant 0 : i32
        %swap3A_1315 = tpu.memref_slice %arg6[%scan3A_290, %swap3A_1313, %swap3A_1314] : memref<2x800x64xf32, #tpu.memory_space<vmem>> -> memref<1x800x64xf32, #tpu.memory_space<vmem>>
        %swap3A_1316 = tpu.memref_squeeze %swap3A_1315 : memref<1x800x64xf32, #tpu.memory_space<vmem>> -> memref<800x64xf32, #tpu.memory_space<vmem>>
        %swap3A_1317 = arith.index_cast %add3A_1312 : i32 to index
        %swap3A_1318 = arith.constant 32 : index
        %swap3A_1319 = tpu.vector_load %swap3A_1316[%swap3A_1317, %swap3A_1318] {strides = array<i32>} : memref<800x64xf32, #tpu.memory_space<vmem>>, vector<16xf32>,
        tpu.vector_store %swap3A_1316[%swap3A_1317, %swap3A_1318], %mul3A_1310 {strides = array<i32>} : memref<800x64xf32, #tpu.memory_space<vmem>>, vector<16xf32>,
        %add3A_1320 = arith.constant 1 : i32
        %add3A_1321 = arith.addi %mul3A_1174, %add3A_1320 : i32
        %get3A_1322 = arith.constant 0 : i32
        %get3A_1323 = arith.constant 0 : i32
        %get3A_1324 = tpu.memref_slice %arg6[%scan3A_290, %get3A_1322, %get3A_1323] : memref<2x800x64xf32, #tpu.memory_space<vmem>> -> memref<1x800x64xf32, #tpu.memory_space<vmem>>
        %get3A_1325 = tpu.memref_squeeze %get3A_1324 : memref<1x800x64xf32, #tpu.memory_space<vmem>> -> memref<800x64xf32, #tpu.memory_space<vmem>>
        %get3A_1326 = arith.index_cast %add3A_1321 : i32 to index
        %get3A_1327 = arith.constant 48 : index
        %get3A_1328 = tpu.vector_load %get3A_1325[%get3A_1326, %get3A_1327] {strides = array<i32>} : memref<800x64xf32, #tpu.memory_space<vmem>>, vector<16xf32>,
        %mul3A_1329 = arith.constant 8.000000e+00 : f32
        %mul3A_1330 = vector.broadcast %mul3A_1329 : f32 to vector<16xf32>
        %mul3A_1331 = arith.mulf %get3A_1328, %mul3A_1330 : vector<16xf32>
        %add3A_1332 = arith.constant 1 : i32
        %add3A_1333 = arith.addi %mul3A_1174, %add3A_1332 : i32
        %swap3A_1334 = arith.constant 0 : i32
        %swap3A_1335 = arith.constant 0 : i32
        %swap3A_1336 = tpu.memref_slice %arg6[%scan3A_290, %swap3A_1334, %swap3A_1335] : memref<2x800x64xf32, #tpu.memory_space<vmem>> -> memref<1x800x64xf32, #tpu.memory_space<vmem>>
        %swap3A_1337 = tpu.memref_squeeze %swap3A_1336 : memref<1x800x64xf32, #tpu.memory_space<vmem>> -> memref<800x64xf32, #tpu.memory_space<vmem>>
        %swap3A_1338 = arith.index_cast %add3A_1333 : i32 to index
        %swap3A_1339 = arith.constant 48 : index
        %swap3A_1340 = tpu.vector_load %swap3A_1337[%swap3A_1338, %swap3A_1339] {strides = array<i32>} : memref<800x64xf32, #tpu.memory_space<vmem>>, vector<16xf32>,
        tpu.vector_store %swap3A_1337[%swap3A_1338, %swap3A_1339], %mul3A_1331 {strides = array<i32>} : memref<800x64xf32, #tpu.memory_space<vmem>>, vector<16xf32>,
        %add3A_1341 = arith.constant 2 : i32
        %add3A_1342 = arith.addi %mul3A_1174, %add3A_1341 : i32
        %get3A_1343 = arith.constant 0 : i32
        %get3A_1344 = arith.constant 0 : i32
        %get3A_1345 = tpu.memref_slice %arg6[%scan3A_290, %get3A_1343, %get3A_1344] : memref<2x800x64xf32, #tpu.memory_space<vmem>> -> memref<1x800x64xf32, #tpu.memory_space<vmem>>
        %get3A_1346 = tpu.memref_squeeze %get3A_1345 : memref<1x800x64xf32, #tpu.memory_space<vmem>> -> memref<800x64xf32, #tpu.memory_space<vmem>>
        %get3A_1347 = arith.index_cast %add3A_1342 : i32 to index
        %get3A_1348 = arith.constant 0 : index
        %get3A_1349 = tpu.vector_load %get3A_1346[%get3A_1347, %get3A_1348] {strides = array<i32>} : memref<800x64xf32, #tpu.memory_space<vmem>>, vector<16xf32>,
        %mul3A_1350 = arith.constant 8.000000e+00 : f32
        %mul3A_1351 = vector.broadcast %mul3A_1350 : f32 to vector<16xf32>
        %mul3A_1352 = arith.mulf %get3A_1349, %mul3A_1351 : vector<16xf32>
        %add3A_1353 = arith.constant 2 : i32
        %add3A_1354 = arith.addi %mul3A_1174, %add3A_1353 : i32
        %swap3A_1355 = arith.constant 0 : i32
        %swap3A_1356 = arith.constant 0 : i32
        %swap3A_1357 = tpu.memref_slice %arg6[%scan3A_290, %swap3A_1355, %swap3A_1356] : memref<2x800x64xf32, #tpu.memory_space<vmem>> -> memref<1x800x64xf32, #tpu.memory_space<vmem>>
        %swap3A_1358 = tpu.memref_squeeze %swap3A_1357 : memref<1x800x64xf32, #tpu.memory_space<vmem>> -> memref<800x64xf32, #tpu.memory_space<vmem>>
        %swap3A_1359 = arith.index_cast %add3A_1354 : i32 to index
        %swap3A_1360 = arith.constant 0 : index
        %swap3A_1361 = tpu.vector_load %swap3A_1358[%swap3A_1359, %swap3A_1360] {strides = array<i32>} : memref<800x64xf32, #tpu.memory_space<vmem>>, vector<16xf32>,
        tpu.vector_store %swap3A_1358[%swap3A_1359, %swap3A_1360], %mul3A_1352 {strides = array<i32>} : memref<800x64xf32, #tpu.memory_space<vmem>>, vector<16xf32>,
        %add3A_1362 = arith.constant 2 : i32
        %add3A_1363 = arith.addi %mul3A_1174, %add3A_1362 : i32
        %get3A_1364 = arith.constant 0 : i32
        %get3A_1365 = arith.constant 0 : i32
        %get3A_1366 = tpu.memref_slice %arg6[%scan3A_290, %get3A_1364, %get3A_1365] : memref<2x800x64xf32, #tpu.memory_space<vmem>> -> memref<1x800x64xf32, #tpu.memory_space<vmem>>
        %get3A_1367 = tpu.memref_squeeze %get3A_1366 : memref<1x800x64xf32, #tpu.memory_space<vmem>> -> memref<800x64xf32, #tpu.memory_space<vmem>>
        %get3A_1368 = arith.index_cast %add3A_1363 : i32 to index
        %get3A_1369 = arith.constant 16 : index
        %get3A_1370 = tpu.vector_load %get3A_1367[%get3A_1368, %get3A_1369] {strides = array<i32>} : memref<800x64xf32, #tpu.memory_space<vmem>>, vector<16xf32>,
        %mul3A_1371 = arith.constant 8.000000e+00 : f32
        %mul3A_1372 = vector.broadcast %mul3A_1371 : f32 to vector<16xf32>
        %mul3A_1373 = arith.mulf %get3A_1370, %mul3A_1372 : vector<16xf32>
        %add3A_1374 = arith.constant 2 : i32
        %add3A_1375 = arith.addi %mul3A_1174, %add3A_1374 : i32
        %swap3A_1376 = arith.constant 0 : i32
        %swap3A_1377 = arith.constant 0 : i32
        %swap3A_1378 = tpu.memref_slice %arg6[%scan3A_290, %swap3A_1376, %swap3A_1377] : memref<2x800x64xf32, #tpu.memory_space<vmem>> -> memref<1x800x64xf32, #tpu.memory_space<vmem>>
        %swap3A_1379 = tpu.memref_squeeze %swap3A_1378 : memref<1x800x64xf32, #tpu.memory_space<vmem>> -> memref<800x64xf32, #tpu.memory_space<vmem>>
        %swap3A_1380 = arith.index_cast %add3A_1375 : i32 to index
        %swap3A_1381 = arith.constant 16 : index
        %swap3A_1382 = tpu.vector_load %swap3A_1379[%swap3A_1380, %swap3A_1381] {strides = array<i32>} : memref<800x64xf32, #tpu.memory_space<vmem>>, vector<16xf32>,
        tpu.vector_store %swap3A_1379[%swap3A_1380, %swap3A_1381], %mul3A_1373 {strides = array<i32>} : memref<800x64xf32, #tpu.memory_space<vmem>>, vector<16xf32>,
        %add3A_1383 = arith.constant 2 : i32
        %add3A_1384 = arith.addi %mul3A_1174, %add3A_1383 : i32
        %get3A_1385 = arith.constant 0 : i32
        %get3A_1386 = arith.constant 0 : i32
        %get3A_1387 = tpu.memref_slice %arg6[%scan3A_290, %get3A_1385, %get3A_1386] : memref<2x800x64xf32, #tpu.memory_space<vmem>> -> memref<1x800x64xf32, #tpu.memory_space<vmem>>
        %get3A_1388 = tpu.memref_squeeze %get3A_1387 : memref<1x800x64xf32, #tpu.memory_space<vmem>> -> memref<800x64xf32, #tpu.memory_space<vmem>>
        %get3A_1389 = arith.index_cast %add3A_1384 : i32 to index
        %get3A_1390 = arith.constant 32 : index
        %get3A_1391 = tpu.vector_load %get3A_1388[%get3A_1389, %get3A_1390] {strides = array<i32>} : memref<800x64xf32, #tpu.memory_space<vmem>>, vector<16xf32>,
        %mul3A_1392 = arith.constant 8.000000e+00 : f32
        %mul3A_1393 = vector.broadcast %mul3A_1392 : f32 to vector<16xf32>
        %mul3A_1394 = arith.mulf %get3A_1391, %mul3A_1393 : vector<16xf32>
        %add3A_1395 = arith.constant 2 : i32
        %add3A_1396 = arith.addi %mul3A_1174, %add3A_1395 : i32
        %swap3A_1397 = arith.constant 0 : i32
        %swap3A_1398 = arith.constant 0 : i32
        %swap3A_1399 = tpu.memref_slice %arg6[%scan3A_290, %swap3A_1397, %swap3A_1398] : memref<2x800x64xf32, #tpu.memory_space<vmem>> -> memref<1x800x64xf32, #tpu.memory_space<vmem>>
        %swap3A_1400 = tpu.memref_squeeze %swap3A_1399 : memref<1x800x64xf32, #tpu.memory_space<vmem>> -> memref<800x64xf32, #tpu.memory_space<vmem>>
        %swap3A_1401 = arith.index_cast %add3A_1396 : i32 to index
        %swap3A_1402 = arith.constant 32 : index
        %swap3A_1403 = tpu.vector_load %swap3A_1400[%swap3A_1401, %swap3A_1402] {strides = array<i32>} : memref<800x64xf32, #tpu.memory_space<vmem>>, vector<16xf32>,
        tpu.vector_store %swap3A_1400[%swap3A_1401, %swap3A_1402], %mul3A_1394 {strides = array<i32>} : memref<800x64xf32, #tpu.memory_space<vmem>>, vector<16xf32>,
        %add3A_1404 = arith.constant 2 : i32
        %add3A_1405 = arith.addi %mul3A_1174, %add3A_1404 : i32
        %get3A_1406 = arith.constant 0 : i32
        %get3A_1407 = arith.constant 0 : i32
        %get3A_1408 = tpu.memref_slice %arg6[%scan3A_290, %get3A_1406, %get3A_1407] : memref<2x800x64xf32, #tpu.memory_space<vmem>> -> memref<1x800x64xf32, #tpu.memory_space<vmem>>
        %get3A_1409 = tpu.memref_squeeze %get3A_1408 : memref<1x800x64xf32, #tpu.memory_space<vmem>> -> memref<800x64xf32, #tpu.memory_space<vmem>>
        %get3A_1410 = arith.index_cast %add3A_1405 : i32 to index
        %get3A_1411 = arith.constant 48 : index
        %get3A_1412 = tpu.vector_load %get3A_1409[%get3A_1410, %get3A_1411] {strides = array<i32>} : memref<800x64xf32, #tpu.memory_space<vmem>>, vector<16xf32>,
        %mul3A_1413 = arith.constant 8.000000e+00 : f32
        %mul3A_1414 = vector.broadcast %mul3A_1413 : f32 to vector<16xf32>
        %mul3A_1415 = arith.mulf %get3A_1412, %mul3A_1414 : vector<16xf32>
        %add3A_1416 = arith.constant 2 : i32
        %add3A_1417 = arith.addi %mul3A_1174, %add3A_1416 : i32
        %swap3A_1418 = arith.constant 0 : i32
        %swap3A_1419 = arith.constant 0 : i32
        %swap3A_1420 = tpu.memref_slice %arg6[%scan3A_290, %swap3A_1418, %swap3A_1419] : memref<2x800x64xf32, #tpu.memory_space<vmem>> -> memref<1x800x64xf32, #tpu.memory_space<vmem>>
        %swap3A_1421 = tpu.memref_squeeze %swap3A_1420 : memref<1x800x64xf32, #tpu.memory_space<vmem>> -> memref<800x64xf32, #tpu.memory_space<vmem>>
        %swap3A_1422 = arith.index_cast %add3A_1417 : i32 to index
        %swap3A_1423 = arith.constant 48 : index
        %swap3A_1424 = tpu.vector_load %swap3A_1421[%swap3A_1422, %swap3A_1423] {strides = array<i32>} : memref<800x64xf32, #tpu.memory_space<vmem>>, vector<16xf32>,
        tpu.vector_store %swap3A_1421[%swap3A_1422, %swap3A_1423], %mul3A_1415 {strides = array<i32>} : memref<800x64xf32, #tpu.memory_space<vmem>>, vector<16xf32>,
        %add3A_1425 = arith.constant 3 : i32
        %add3A_1426 = arith.addi %mul3A_1174, %add3A_1425 : i32
        %get3A_1427 = arith.constant 0 : i32
        %get3A_1428 = arith.constant 0 : i32
        %get3A_1429 = tpu.memref_slice %arg6[%scan3A_290, %get3A_1427, %get3A_1428] : memref<2x800x64xf32, #tpu.memory_space<vmem>> -> memref<1x800x64xf32, #tpu.memory_space<vmem>>
        %get3A_1430 = tpu.memref_squeeze %get3A_1429 : memref<1x800x64xf32, #tpu.memory_space<vmem>> -> memref<800x64xf32, #tpu.memory_space<vmem>>
        %get3A_1431 = arith.index_cast %add3A_1426 : i32 to index
        %get3A_1432 = arith.constant 0 : index
        %get3A_1433 = tpu.vector_load %get3A_1430[%get3A_1431, %get3A_1432] {strides = array<i32>} : memref<800x64xf32, #tpu.memory_space<vmem>>, vector<16xf32>,
        %mul3A_1434 = arith.constant 8.000000e+00 : f32
        %mul3A_1435 = vector.broadcast %mul3A_1434 : f32 to vector<16xf32>
        %mul3A_1436 = arith.mulf %get3A_1433, %mul3A_1435 : vector<16xf32>
        %add3A_1437 = arith.constant 3 : i32
        %add3A_1438 = arith.addi %mul3A_1174, %add3A_1437 : i32
        %swap3A_1439 = arith.constant 0 : i32
        %swap3A_1440 = arith.constant 0 : i32
        %swap3A_1441 = tpu.memref_slice %arg6[%scan3A_290, %swap3A_1439, %swap3A_1440] : memref<2x800x64xf32, #tpu.memory_space<vmem>> -> memref<1x800x64xf32, #tpu.memory_space<vmem>>
        %swap3A_1442 = tpu.memref_squeeze %swap3A_1441 : memref<1x800x64xf32, #tpu.memory_space<vmem>> -> memref<800x64xf32, #tpu.memory_space<vmem>>
        %swap3A_1443 = arith.index_cast %add3A_1438 : i32 to index
        %swap3A_1444 = arith.constant 0 : index
        %swap3A_1445 = tpu.vector_load %swap3A_1442[%swap3A_1443, %swap3A_1444] {strides = array<i32>} : memref<800x64xf32, #tpu.memory_space<vmem>>, vector<16xf32>,
        tpu.vector_store %swap3A_1442[%swap3A_1443, %swap3A_1444], %mul3A_1436 {strides = array<i32>} : memref<800x64xf32, #tpu.memory_space<vmem>>, vector<16xf32>,
        %add3A_1446 = arith.constant 3 : i32
        %add3A_1447 = arith.addi %mul3A_1174, %add3A_1446 : i32
        %get3A_1448 = arith.constant 0 : i32
        %get3A_1449 = arith.constant 0 : i32
        %get3A_1450 = tpu.memref_slice %arg6[%scan3A_290, %get3A_1448, %get3A_1449] : memref<2x800x64xf32, #tpu.memory_space<vmem>> -> memref<1x800x64xf32, #tpu.memory_space<vmem>>
        %get3A_1451 = tpu.memref_squeeze %get3A_1450 : memref<1x800x64xf32, #tpu.memory_space<vmem>> -> memref<800x64xf32, #tpu.memory_space<vmem>>
        %get3A_1452 = arith.index_cast %add3A_1447 : i32 to index
        %get3A_1453 = arith.constant 16 : index
        %get3A_1454 = tpu.vector_load %get3A_1451[%get3A_1452, %get3A_1453] {strides = array<i32>} : memref<800x64xf32, #tpu.memory_space<vmem>>, vector<16xf32>,
        %mul3A_1455 = arith.constant 8.000000e+00 : f32
        %mul3A_1456 = vector.broadcast %mul3A_1455 : f32 to vector<16xf32>
        %mul3A_1457 = arith.mulf %get3A_1454, %mul3A_1456 : vector<16xf32>
        %add3A_1458 = arith.constant 3 : i32
        %add3A_1459 = arith.addi %mul3A_1174, %add3A_1458 : i32
        %swap3A_1460 = arith.constant 0 : i32
        %swap3A_1461 = arith.constant 0 : i32
        %swap3A_1462 = tpu.memref_slice %arg6[%scan3A_290, %swap3A_1460, %swap3A_1461] : memref<2x800x64xf32, #tpu.memory_space<vmem>> -> memref<1x800x64xf32, #tpu.memory_space<vmem>>
        %swap3A_1463 = tpu.memref_squeeze %swap3A_1462 : memref<1x800x64xf32, #tpu.memory_space<vmem>> -> memref<800x64xf32, #tpu.memory_space<vmem>>
        %swap3A_1464 = arith.index_cast %add3A_1459 : i32 to index
        %swap3A_1465 = arith.constant 16 : index
        %swap3A_1466 = tpu.vector_load %swap3A_1463[%swap3A_1464, %swap3A_1465] {strides = array<i32>} : memref<800x64xf32, #tpu.memory_space<vmem>>, vector<16xf32>,
        tpu.vector_store %swap3A_1463[%swap3A_1464, %swap3A_1465], %mul3A_1457 {strides = array<i32>} : memref<800x64xf32, #tpu.memory_space<vmem>>, vector<16xf32>,
        %add3A_1467 = arith.constant 3 : i32
        %add3A_1468 = arith.addi %mul3A_1174, %add3A_1467 : i32
        %get3A_1469 = arith.constant 0 : i32
        %get3A_1470 = arith.constant 0 : i32
        %get3A_1471 = tpu.memref_slice %arg6[%scan3A_290, %get3A_1469, %get3A_1470] : memref<2x800x64xf32, #tpu.memory_space<vmem>> -> memref<1x800x64xf32, #tpu.memory_space<vmem>>
        %get3A_1472 = tpu.memref_squeeze %get3A_1471 : memref<1x800x64xf32, #tpu.memory_space<vmem>> -> memref<800x64xf32, #tpu.memory_space<vmem>>
        %get3A_1473 = arith.index_cast %add3A_1468 : i32 to index
        %get3A_1474 = arith.constant 32 : index
        %get3A_1475 = tpu.vector_load %get3A_1472[%get3A_1473, %get3A_1474] {strides = array<i32>} : memref<800x64xf32, #tpu.memory_space<vmem>>, vector<16xf32>,
        %mul3A_1476 = arith.constant 8.000000e+00 : f32
        %mul3A_1477 = vector.broadcast %mul3A_1476 : f32 to vector<16xf32>
        %mul3A_1478 = arith.mulf %get3A_1475, %mul3A_1477 : vector<16xf32>
        %add3A_1479 = arith.constant 3 : i32
        %add3A_1480 = arith.addi %mul3A_1174, %add3A_1479 : i32
        %swap3A_1481 = arith.constant 0 : i32
        %swap3A_1482 = arith.constant 0 : i32
        %swap3A_1483 = tpu.memref_slice %arg6[%scan3A_290, %swap3A_1481, %swap3A_1482] : memref<2x800x64xf32, #tpu.memory_space<vmem>> -> memref<1x800x64xf32, #tpu.memory_space<vmem>>
        %swap3A_1484 = tpu.memref_squeeze %swap3A_1483 : memref<1x800x64xf32, #tpu.memory_space<vmem>> -> memref<800x64xf32, #tpu.memory_space<vmem>>
        %swap3A_1485 = arith.index_cast %add3A_1480 : i32 to index
        %swap3A_1486 = arith.constant 32 : index
        %swap3A_1487 = tpu.vector_load %swap3A_1484[%swap3A_1485, %swap3A_1486] {strides = array<i32>} : memref<800x64xf32, #tpu.memory_space<vmem>>, vector<16xf32>,
        tpu.vector_store %swap3A_1484[%swap3A_1485, %swap3A_1486], %mul3A_1478 {strides = array<i32>} : memref<800x64xf32, #tpu.memory_space<vmem>>, vector<16xf32>,
        %add3A_1488 = arith.constant 3 : i32
        %add3A_1489 = arith.addi %mul3A_1174, %add3A_1488 : i32
        %get3A_1490 = arith.constant 0 : i32
        %get3A_1491 = arith.constant 0 : i32
        %get3A_1492 = tpu.memref_slice %arg6[%scan3A_290, %get3A_1490, %get3A_1491] : memref<2x800x64xf32, #tpu.memory_space<vmem>> -> memref<1x800x64xf32, #tpu.memory_space<vmem>>
        %get3A_1493 = tpu.memref_squeeze %get3A_1492 : memref<1x800x64xf32, #tpu.memory_space<vmem>> -> memref<800x64xf32, #tpu.memory_space<vmem>>
        %get3A_1494 = arith.index_cast %add3A_1489 : i32 to index
        %get3A_1495 = arith.constant 48 : index
        %get3A_1496 = tpu.vector_load %get3A_1493[%get3A_1494, %get3A_1495] {strides = array<i32>} : memref<800x64xf32, #tpu.memory_space<vmem>>, vector<16xf32>,
        %mul3A_1497 = arith.constant 8.000000e+00 : f32
        %mul3A_1498 = vector.broadcast %mul3A_1497 : f32 to vector<16xf32>
        %mul3A_1499 = arith.mulf %get3A_1496, %mul3A_1498 : vector<16xf32>
        %add3A_1500 = arith.constant 3 : i32
        %add3A_1501 = arith.addi %mul3A_1174, %add3A_1500 : i32
        %swap3A_1502 = arith.constant 0 : i32
        %swap3A_1503 = arith.constant 0 : i32
        %swap3A_1504 = tpu.memref_slice %arg6[%scan3A_290, %swap3A_1502, %swap3A_1503] : memref<2x800x64xf32, #tpu.memory_space<vmem>> -> memref<1x800x64xf32, #tpu.memory_space<vmem>>
        %swap3A_1505 = tpu.memref_squeeze %swap3A_1504 : memref<1x800x64xf32, #tpu.memory_space<vmem>> -> memref<800x64xf32, #tpu.memory_space<vmem>>
        %swap3A_1506 = arith.index_cast %add3A_1501 : i32 to index
        %swap3A_1507 = arith.constant 48 : index
        %swap3A_1508 = tpu.vector_load %swap3A_1505[%swap3A_1506, %swap3A_1507] {strides = array<i32>} : memref<800x64xf32, #tpu.memory_space<vmem>>, vector<16xf32>,
        tpu.vector_store %swap3A_1505[%swap3A_1506, %swap3A_1507], %mul3A_1499 {strides = array<i32>} : memref<800x64xf32, #tpu.memory_space<vmem>>, vector<16xf32>,
        %add3A_1509 = arith.constant 4 : i32
        %add3A_1510 = arith.addi %mul3A_1174, %add3A_1509 : i32
        %get3A_1511 = arith.constant 0 : i32
        %get3A_1512 = arith.constant 0 : i32
        %get3A_1513 = tpu.memref_slice %arg6[%scan3A_290, %get3A_1511, %get3A_1512] : memref<2x800x64xf32, #tpu.memory_space<vmem>> -> memref<1x800x64xf32, #tpu.memory_space<vmem>>
        %get3A_1514 = tpu.memref_squeeze %get3A_1513 : memref<1x800x64xf32, #tpu.memory_space<vmem>> -> memref<800x64xf32, #tpu.memory_space<vmem>>
        %get3A_1515 = arith.index_cast %add3A_1510 : i32 to index
        %get3A_1516 = arith.constant 0 : index
        %get3A_1517 = tpu.vector_load %get3A_1514[%get3A_1515, %get3A_1516] {strides = array<i32>} : memref<800x64xf32, #tpu.memory_space<vmem>>, vector<16xf32>,
        %mul3A_1518 = arith.constant 8.000000e+00 : f32
        %mul3A_1519 = vector.broadcast %mul3A_1518 : f32 to vector<16xf32>
        %mul3A_1520 = arith.mulf %get3A_1517, %mul3A_1519 : vector<16xf32>
        %add3A_1521 = arith.constant 4 : i32
        %add3A_1522 = arith.addi %mul3A_1174, %add3A_1521 : i32
        %swap3A_1523 = arith.constant 0 : i32
        %swap3A_1524 = arith.constant 0 : i32
        %swap3A_1525 = tpu.memref_slice %arg6[%scan3A_290, %swap3A_1523, %swap3A_1524] : memref<2x800x64xf32, #tpu.memory_space<vmem>> -> memref<1x800x64xf32, #tpu.memory_space<vmem>>
        %swap3A_1526 = tpu.memref_squeeze %swap3A_1525 : memref<1x800x64xf32, #tpu.memory_space<vmem>> -> memref<800x64xf32, #tpu.memory_space<vmem>>
        %swap3A_1527 = arith.index_cast %add3A_1522 : i32 to index
        %swap3A_1528 = arith.constant 0 : index
        %swap3A_1529 = tpu.vector_load %swap3A_1526[%swap3A_1527, %swap3A_1528] {strides = array<i32>} : memref<800x64xf32, #tpu.memory_space<vmem>>, vector<16xf32>,
        tpu.vector_store %swap3A_1526[%swap3A_1527, %swap3A_1528], %mul3A_1520 {strides = array<i32>} : memref<800x64xf32, #tpu.memory_space<vmem>>, vector<16xf32>,
        %add3A_1530 = arith.constant 4 : i32
        %add3A_1531 = arith.addi %mul3A_1174, %add3A_1530 : i32
        %get3A_1532 = arith.constant 0 : i32
        %get3A_1533 = arith.constant 0 : i32
        %get3A_1534 = tpu.memref_slice %arg6[%scan3A_290, %get3A_1532, %get3A_1533] : memref<2x800x64xf32, #tpu.memory_space<vmem>> -> memref<1x800x64xf32, #tpu.memory_space<vmem>>
        %get3A_1535 = tpu.memref_squeeze %get3A_1534 : memref<1x800x64xf32, #tpu.memory_space<vmem>> -> memref<800x64xf32, #tpu.memory_space<vmem>>
        %get3A_1536 = arith.index_cast %add3A_1531 : i32 to index
        %get3A_1537 = arith.constant 16 : index
        %get3A_1538 = tpu.vector_load %get3A_1535[%get3A_1536, %get3A_1537] {strides = array<i32>} : memref<800x64xf32, #tpu.memory_space<vmem>>, vector<16xf32>,
        %mul3A_1539 = arith.constant 8.000000e+00 : f32
        %mul3A_1540 = vector.broadcast %mul3A_1539 : f32 to vector<16xf32>
        %mul3A_1541 = arith.mulf %get3A_1538, %mul3A_1540 : vector<16xf32>
        %add3A_1542 = arith.constant 4 : i32
        %add3A_1543 = arith.addi %mul3A_1174, %add3A_1542 : i32
        %swap3A_1544 = arith.constant 0 : i32
        %swap3A_1545 = arith.constant 0 : i32
        %swap3A_1546 = tpu.memref_slice %arg6[%scan3A_290, %swap3A_1544, %swap3A_1545] : memref<2x800x64xf32, #tpu.memory_space<vmem>> -> memref<1x800x64xf32, #tpu.memory_space<vmem>>
        %swap3A_1547 = tpu.memref_squeeze %swap3A_1546 : memref<1x800x64xf32, #tpu.memory_space<vmem>> -> memref<800x64xf32, #tpu.memory_space<vmem>>
        %swap3A_1548 = arith.index_cast %add3A_1543 : i32 to index
        %swap3A_1549 = arith.constant 16 : index
        %swap3A_1550 = tpu.vector_load %swap3A_1547[%swap3A_1548, %swap3A_1549] {strides = array<i32>} : memref<800x64xf32, #tpu.memory_space<vmem>>, vector<16xf32>,
        tpu.vector_store %swap3A_1547[%swap3A_1548, %swap3A_1549], %mul3A_1541 {strides = array<i32>} : memref<800x64xf32, #tpu.memory_space<vmem>>, vector<16xf32>,
        %add3A_1551 = arith.constant 4 : i32
        %add3A_1552 = arith.addi %mul3A_1174, %add3A_1551 : i32
        %get3A_1553 = arith.constant 0 : i32
        %get3A_1554 = arith.constant 0 : i32
        %get3A_1555 = tpu.memref_slice %arg6[%scan3A_290, %get3A_1553, %get3A_1554] : memref<2x800x64xf32, #tpu.memory_space<vmem>> -> memref<1x800x64xf32, #tpu.memory_space<vmem>>
        %get3A_1556 = tpu.memref_squeeze %get3A_1555 : memref<1x800x64xf32, #tpu.memory_space<vmem>> -> memref<800x64xf32, #tpu.memory_space<vmem>>
        %get3A_1557 = arith.index_cast %add3A_1552 : i32 to index
        %get3A_1558 = arith.constant 32 : index
        %get3A_1559 = tpu.vector_load %get3A_1556[%get3A_1557, %get3A_1558] {strides = array<i32>} : memref<800x64xf32, #tpu.memory_space<vmem>>, vector<16xf32>,
        %mul3A_1560 = arith.constant 8.000000e+00 : f32
        %mul3A_1561 = vector.broadcast %mul3A_1560 : f32 to vector<16xf32>
        %mul3A_1562 = arith.mulf %get3A_1559, %mul3A_1561 : vector<16xf32>
        %add3A_1563 = arith.constant 4 : i32
        %add3A_1564 = arith.addi %mul3A_1174, %add3A_1563 : i32
        %swap3A_1565 = arith.constant 0 : i32
        %swap3A_1566 = arith.constant 0 : i32
        %swap3A_1567 = tpu.memref_slice %arg6[%scan3A_290, %swap3A_1565, %swap3A_1566] : memref<2x800x64xf32, #tpu.memory_space<vmem>> -> memref<1x800x64xf32, #tpu.memory_space<vmem>>
        %swap3A_1568 = tpu.memref_squeeze %swap3A_1567 : memref<1x800x64xf32, #tpu.memory_space<vmem>> -> memref<800x64xf32, #tpu.memory_space<vmem>>
        %swap3A_1569 = arith.index_cast %add3A_1564 : i32 to index
        %swap3A_1570 = arith.constant 32 : index
        %swap3A_1571 = tpu.vector_load %swap3A_1568[%swap3A_1569, %swap3A_1570] {strides = array<i32>} : memref<800x64xf32, #tpu.memory_space<vmem>>, vector<16xf32>,
        tpu.vector_store %swap3A_1568[%swap3A_1569, %swap3A_1570], %mul3A_1562 {strides = array<i32>} : memref<800x64xf32, #tpu.memory_space<vmem>>, vector<16xf32>,
        %add3A_1572 = arith.constant 4 : i32
        %add3A_1573 = arith.addi %mul3A_1174, %add3A_1572 : i32
        %get3A_1574 = arith.constant 0 : i32
        %get3A_1575 = arith.constant 0 : i32
        %get3A_1576 = tpu.memref_slice %arg6[%scan3A_290, %get3A_1574, %get3A_1575] : memref<2x800x64xf32, #tpu.memory_space<vmem>> -> memref<1x800x64xf32, #tpu.memory_space<vmem>>
        %get3A_1577 = tpu.memref_squeeze %get3A_1576 : memref<1x800x64xf32, #tpu.memory_space<vmem>> -> memref<800x64xf32, #tpu.memory_space<vmem>>
        %get3A_1578 = arith.index_cast %add3A_1573 : i32 to index
        %get3A_1579 = arith.constant 48 : index
        %get3A_1580 = tpu.vector_load %get3A_1577[%get3A_1578, %get3A_1579] {strides = array<i32>} : memref<800x64xf32, #tpu.memory_space<vmem>>, vector<16xf32>,
        %mul3A_1581 = arith.constant 8.000000e+00 : f32
        %mul3A_1582 = vector.broadcast %mul3A_1581 : f32 to vector<16xf32>
        %mul3A_1583 = arith.mulf %get3A_1580, %mul3A_1582 : vector<16xf32>
        %add3A_1584 = arith.constant 4 : i32
        %add3A_1585 = arith.addi %mul3A_1174, %add3A_1584 : i32
        %swap3A_1586 = arith.constant 0 : i32
        %swap3A_1587 = arith.constant 0 : i32
        %swap3A_1588 = tpu.memref_slice %arg6[%scan3A_290, %swap3A_1586, %swap3A_1587] : memref<2x800x64xf32, #tpu.memory_space<vmem>> -> memref<1x800x64xf32, #tpu.memory_space<vmem>>
        %swap3A_1589 = tpu.memref_squeeze %swap3A_1588 : memref<1x800x64xf32, #tpu.memory_space<vmem>> -> memref<800x64xf32, #tpu.memory_space<vmem>>
        %swap3A_1590 = arith.index_cast %add3A_1585 : i32 to index
        %swap3A_1591 = arith.constant 48 : index
        %swap3A_1592 = tpu.vector_load %swap3A_1589[%swap3A_1590, %swap3A_1591] {strides = array<i32>} : memref<800x64xf32, #tpu.memory_space<vmem>>, vector<16xf32>,
        tpu.vector_store %swap3A_1589[%swap3A_1590, %swap3A_1591], %mul3A_1583 {strides = array<i32>} : memref<800x64xf32, #tpu.memory_space<vmem>>, vector<16xf32>,
        %add3A_1593 = arith.constant 5 : i32
        %add3A_1594 = arith.addi %mul3A_1174, %add3A_1593 : i32
        %get3A_1595 = arith.constant 0 : i32
        %get3A_1596 = arith.constant 0 : i32
        %get3A_1597 = tpu.memref_slice %arg6[%scan3A_290, %get3A_1595, %get3A_1596] : memref<2x800x64xf32, #tpu.memory_space<vmem>> -> memref<1x800x64xf32, #tpu.memory_space<vmem>>
        %get3A_1598 = tpu.memref_squeeze %get3A_1597 : memref<1x800x64xf32, #tpu.memory_space<vmem>> -> memref<800x64xf32, #tpu.memory_space<vmem>>
        %get3A_1599 = arith.index_cast %add3A_1594 : i32 to index
        %get3A_1600 = arith.constant 0 : index
        %get3A_1601 = tpu.vector_load %get3A_1598[%get3A_1599, %get3A_1600] {strides = array<i32>} : memref<800x64xf32, #tpu.memory_space<vmem>>, vector<16xf32>,
        %mul3A_1602 = arith.constant 8.000000e+00 : f32
        %mul3A_1603 = vector.broadcast %mul3A_1602 : f32 to vector<16xf32>
        %mul3A_1604 = arith.mulf %get3A_1601, %mul3A_1603 : vector<16xf32>
        %add3A_1605 = arith.constant 5 : i32
        %add3A_1606 = arith.addi %mul3A_1174, %add3A_1605 : i32
        %swap3A_1607 = arith.constant 0 : i32
        %swap3A_1608 = arith.constant 0 : i32
        %swap3A_1609 = tpu.memref_slice %arg6[%scan3A_290, %swap3A_1607, %swap3A_1608] : memref<2x800x64xf32, #tpu.memory_space<vmem>> -> memref<1x800x64xf32, #tpu.memory_space<vmem>>
        %swap3A_1610 = tpu.memref_squeeze %swap3A_1609 : memref<1x800x64xf32, #tpu.memory_space<vmem>> -> memref<800x64xf32, #tpu.memory_space<vmem>>
        %swap3A_1611 = arith.index_cast %add3A_1606 : i32 to index
        %swap3A_1612 = arith.constant 0 : index
        %swap3A_1613 = tpu.vector_load %swap3A_1610[%swap3A_1611, %swap3A_1612] {strides = array<i32>} : memref<800x64xf32, #tpu.memory_space<vmem>>, vector<16xf32>,
        tpu.vector_store %swap3A_1610[%swap3A_1611, %swap3A_1612], %mul3A_1604 {strides = array<i32>} : memref<800x64xf32, #tpu.memory_space<vmem>>, vector<16xf32>,
        %add3A_1614 = arith.constant 5 : i32
        %add3A_1615 = arith.addi %mul3A_1174, %add3A_1614 : i32
        %get3A_1616 = arith.constant 0 : i32
        %get3A_1617 = arith.constant 0 : i32
        %get3A_1618 = tpu.memref_slice %arg6[%scan3A_290, %get3A_1616, %get3A_1617] : memref<2x800x64xf32, #tpu.memory_space<vmem>> -> memref<1x800x64xf32, #tpu.memory_space<vmem>>
        %get3A_1619 = tpu.memref_squeeze %get3A_1618 : memref<1x800x64xf32, #tpu.memory_space<vmem>> -> memref<800x64xf32, #tpu.memory_space<vmem>>
        %get3A_1620 = arith.index_cast %add3A_1615 : i32 to index
        %get3A_1621 = arith.constant 16 : index
        %get3A_1622 = tpu.vector_load %get3A_1619[%get3A_1620, %get3A_1621] {strides = array<i32>} : memref<800x64xf32, #tpu.memory_space<vmem>>, vector<16xf32>,
        %mul3A_1623 = arith.constant 8.000000e+00 : f32
        %mul3A_1624 = vector.broadcast %mul3A_1623 : f32 to vector<16xf32>
        %mul3A_1625 = arith.mulf %get3A_1622, %mul3A_1624 : vector<16xf32>
        %add3A_1626 = arith.constant 5 : i32
        %add3A_1627 = arith.addi %mul3A_1174, %add3A_1626 : i32
        %swap3A_1628 = arith.constant 0 : i32
        %swap3A_1629 = arith.constant 0 : i32
        %swap3A_1630 = tpu.memref_slice %arg6[%scan3A_290, %swap3A_1628, %swap3A_1629] : memref<2x800x64xf32, #tpu.memory_space<vmem>> -> memref<1x800x64xf32, #tpu.memory_space<vmem>>
        %swap3A_1631 = tpu.memref_squeeze %swap3A_1630 : memref<1x800x64xf32, #tpu.memory_space<vmem>> -> memref<800x64xf32, #tpu.memory_space<vmem>>
        %swap3A_1632 = arith.index_cast %add3A_1627 : i32 to index
        %swap3A_1633 = arith.constant 16 : index
        %swap3A_1634 = tpu.vector_load %swap3A_1631[%swap3A_1632, %swap3A_1633] {strides = array<i32>} : memref<800x64xf32, #tpu.memory_space<vmem>>, vector<16xf32>,
        tpu.vector_store %swap3A_1631[%swap3A_1632, %swap3A_1633], %mul3A_1625 {strides = array<i32>} : memref<800x64xf32, #tpu.memory_space<vmem>>, vector<16xf32>,
        %add3A_1635 = arith.constant 5 : i32
        %add3A_1636 = arith.addi %mul3A_1174, %add3A_1635 : i32
        %get3A_1637 = arith.constant 0 : i32
        %get3A_1638 = arith.constant 0 : i32
        %get3A_1639 = tpu.memref_slice %arg6[%scan3A_290, %get3A_1637, %get3A_1638] : memref<2x800x64xf32, #tpu.memory_space<vmem>> -> memref<1x800x64xf32, #tpu.memory_space<vmem>>
        %get3A_1640 = tpu.memref_squeeze %get3A_1639 : memref<1x800x64xf32, #tpu.memory_space<vmem>> -> memref<800x64xf32, #tpu.memory_space<vmem>>
        %get3A_1641 = arith.index_cast %add3A_1636 : i32 to index
        %get3A_1642 = arith.constant 32 : index
        %get3A_1643 = tpu.vector_load %get3A_1640[%get3A_1641, %get3A_1642] {strides = array<i32>} : memref<800x64xf32, #tpu.memory_space<vmem>>, vector<16xf32>,
        %mul3A_1644 = arith.constant 8.000000e+00 : f32
        %mul3A_1645 = vector.broadcast %mul3A_1644 : f32 to vector<16xf32>
        %mul3A_1646 = arith.mulf %get3A_1643, %mul3A_1645 : vector<16xf32>
        %add3A_1647 = arith.constant 5 : i32
        %add3A_1648 = arith.addi %mul3A_1174, %add3A_1647 : i32
        %swap3A_1649 = arith.constant 0 : i32
        %swap3A_1650 = arith.constant 0 : i32
        %swap3A_1651 = tpu.memref_slice %arg6[%scan3A_290, %swap3A_1649, %swap3A_1650] : memref<2x800x64xf32, #tpu.memory_space<vmem>> -> memref<1x800x64xf32, #tpu.memory_space<vmem>>
        %swap3A_1652 = tpu.memref_squeeze %swap3A_1651 : memref<1x800x64xf32, #tpu.memory_space<vmem>> -> memref<800x64xf32, #tpu.memory_space<vmem>>
        %swap3A_1653 = arith.index_cast %add3A_1648 : i32 to index
        %swap3A_1654 = arith.constant 32 : index
        %swap3A_1655 = tpu.vector_load %swap3A_1652[%swap3A_1653, %swap3A_1654] {strides = array<i32>} : memref<800x64xf32, #tpu.memory_space<vmem>>, vector<16xf32>,
        tpu.vector_store %swap3A_1652[%swap3A_1653, %swap3A_1654], %mul3A_1646 {strides = array<i32>} : memref<800x64xf32, #tpu.memory_space<vmem>>, vector<16xf32>,
        %add3A_1656 = arith.constant 5 : i32
        %add3A_1657 = arith.addi %mul3A_1174, %add3A_1656 : i32
        %get3A_1658 = arith.constant 0 : i32
        %get3A_1659 = arith.constant 0 : i32
        %get3A_1660 = tpu.memref_slice %arg6[%scan3A_290, %get3A_1658, %get3A_1659] : memref<2x800x64xf32, #tpu.memory_space<vmem>> -> memref<1x800x64xf32, #tpu.memory_space<vmem>>
        %get3A_1661 = tpu.memref_squeeze %get3A_1660 : memref<1x800x64xf32, #tpu.memory_space<vmem>> -> memref<800x64xf32, #tpu.memory_space<vmem>>
        %get3A_1662 = arith.index_cast %add3A_1657 : i32 to index
        %get3A_1663 = arith.constant 48 : index
        %get3A_1664 = tpu.vector_load %get3A_1661[%get3A_1662, %get3A_1663] {strides = array<i32>} : memref<800x64xf32, #tpu.memory_space<vmem>>, vector<16xf32>,
        %mul3A_1665 = arith.constant 8.000000e+00 : f32
        %mul3A_1666 = vector.broadcast %mul3A_1665 : f32 to vector<16xf32>
        %mul3A_1667 = arith.mulf %get3A_1664, %mul3A_1666 : vector<16xf32>
        %add3A_1668 = arith.constant 5 : i32
        %add3A_1669 = arith.addi %mul3A_1174, %add3A_1668 : i32
        %swap3A_1670 = arith.constant 0 : i32
        %swap3A_1671 = arith.constant 0 : i32
        %swap3A_1672 = tpu.memref_slice %arg6[%scan3A_290, %swap3A_1670, %swap3A_1671] : memref<2x800x64xf32, #tpu.memory_space<vmem>> -> memref<1x800x64xf32, #tpu.memory_space<vmem>>
        %swap3A_1673 = tpu.memref_squeeze %swap3A_1672 : memref<1x800x64xf32, #tpu.memory_space<vmem>> -> memref<800x64xf32, #tpu.memory_space<vmem>>
        %swap3A_1674 = arith.index_cast %add3A_1669 : i32 to index
        %swap3A_1675 = arith.constant 48 : index
        %swap3A_1676 = tpu.vector_load %swap3A_1673[%swap3A_1674, %swap3A_1675] {strides = array<i32>} : memref<800x64xf32, #tpu.memory_space<vmem>>, vector<16xf32>,
        tpu.vector_store %swap3A_1673[%swap3A_1674, %swap3A_1675], %mul3A_1667 {strides = array<i32>} : memref<800x64xf32, #tpu.memory_space<vmem>>, vector<16xf32>,
        %add3A_1677 = arith.constant 6 : i32
        %add3A_1678 = arith.addi %mul3A_1174, %add3A_1677 : i32
        %get3A_1679 = arith.constant 0 : i32
        %get3A_1680 = arith.constant 0 : i32
        %get3A_1681 = tpu.memref_slice %arg6[%scan3A_290, %get3A_1679, %get3A_1680] : memref<2x800x64xf32, #tpu.memory_space<vmem>> -> memref<1x800x64xf32, #tpu.memory_space<vmem>>
        %get3A_1682 = tpu.memref_squeeze %get3A_1681 : memref<1x800x64xf32, #tpu.memory_space<vmem>> -> memref<800x64xf32, #tpu.memory_space<vmem>>
        %get3A_1683 = arith.index_cast %add3A_1678 : i32 to index
        %get3A_1684 = arith.constant 0 : index
        %get3A_1685 = tpu.vector_load %get3A_1682[%get3A_1683, %get3A_1684] {strides = array<i32>} : memref<800x64xf32, #tpu.memory_space<vmem>>, vector<16xf32>,
        %mul3A_1686 = arith.constant 8.000000e+00 : f32
        %mul3A_1687 = vector.broadcast %mul3A_1686 : f32 to vector<16xf32>
        %mul3A_1688 = arith.mulf %get3A_1685, %mul3A_1687 : vector<16xf32>
        %add3A_1689 = arith.constant 6 : i32
        %add3A_1690 = arith.addi %mul3A_1174, %add3A_1689 : i32
        %swap3A_1691 = arith.constant 0 : i32
        %swap3A_1692 = arith.constant 0 : i32
        %swap3A_1693 = tpu.memref_slice %arg6[%scan3A_290, %swap3A_1691, %swap3A_1692] : memref<2x800x64xf32, #tpu.memory_space<vmem>> -> memref<1x800x64xf32, #tpu.memory_space<vmem>>
        %swap3A_1694 = tpu.memref_squeeze %swap3A_1693 : memref<1x800x64xf32, #tpu.memory_space<vmem>> -> memref<800x64xf32, #tpu.memory_space<vmem>>
        %swap3A_1695 = arith.index_cast %add3A_1690 : i32 to index
        %swap3A_1696 = arith.constant 0 : index
        %swap3A_1697 = tpu.vector_load %swap3A_1694[%swap3A_1695, %swap3A_1696] {strides = array<i32>} : memref<800x64xf32, #tpu.memory_space<vmem>>, vector<16xf32>,
        tpu.vector_store %swap3A_1694[%swap3A_1695, %swap3A_1696], %mul3A_1688 {strides = array<i32>} : memref<800x64xf32, #tpu.memory_space<vmem>>, vector<16xf32>,
        %add3A_1698 = arith.constant 6 : i32
        %add3A_1699 = arith.addi %mul3A_1174, %add3A_1698 : i32
        %get3A_1700 = arith.constant 0 : i32
        %get3A_1701 = arith.constant 0 : i32
        %get3A_1702 = tpu.memref_slice %arg6[%scan3A_290, %get3A_1700, %get3A_1701] : memref<2x800x64xf32, #tpu.memory_space<vmem>> -> memref<1x800x64xf32, #tpu.memory_space<vmem>>
        %get3A_1703 = tpu.memref_squeeze %get3A_1702 : memref<1x800x64xf32, #tpu.memory_space<vmem>> -> memref<800x64xf32, #tpu.memory_space<vmem>>
        %get3A_1704 = arith.index_cast %add3A_1699 : i32 to index
        %get3A_1705 = arith.constant 16 : index
        %get3A_1706 = tpu.vector_load %get3A_1703[%get3A_1704, %get3A_1705] {strides = array<i32>} : memref<800x64xf32, #tpu.memory_space<vmem>>, vector<16xf32>,
        %mul3A_1707 = arith.constant 8.000000e+00 : f32
        %mul3A_1708 = vector.broadcast %mul3A_1707 : f32 to vector<16xf32>
        %mul3A_1709 = arith.mulf %get3A_1706, %mul3A_1708 : vector<16xf32>
        %add3A_1710 = arith.constant 6 : i32
        %add3A_1711 = arith.addi %mul3A_1174, %add3A_1710 : i32
        %swap3A_1712 = arith.constant 0 : i32
        %swap3A_1713 = arith.constant 0 : i32
        %swap3A_1714 = tpu.memref_slice %arg6[%scan3A_290, %swap3A_1712, %swap3A_1713] : memref<2x800x64xf32, #tpu.memory_space<vmem>> -> memref<1x800x64xf32, #tpu.memory_space<vmem>>
        %swap3A_1715 = tpu.memref_squeeze %swap3A_1714 : memref<1x800x64xf32, #tpu.memory_space<vmem>> -> memref<800x64xf32, #tpu.memory_space<vmem>>
        %swap3A_1716 = arith.index_cast %add3A_1711 : i32 to index
        %swap3A_1717 = arith.constant 16 : index
        %swap3A_1718 = tpu.vector_load %swap3A_1715[%swap3A_1716, %swap3A_1717] {strides = array<i32>} : memref<800x64xf32, #tpu.memory_space<vmem>>, vector<16xf32>,
        tpu.vector_store %swap3A_1715[%swap3A_1716, %swap3A_1717], %mul3A_1709 {strides = array<i32>} : memref<800x64xf32, #tpu.memory_space<vmem>>, vector<16xf32>,
        %add3A_1719 = arith.constant 6 : i32
        %add3A_1720 = arith.addi %mul3A_1174, %add3A_1719 : i32
        %get3A_1721 = arith.constant 0 : i32
        %get3A_1722 = arith.constant 0 : i32
        %get3A_1723 = tpu.memref_slice %arg6[%scan3A_290, %get3A_1721, %get3A_1722] : memref<2x800x64xf32, #tpu.memory_space<vmem>> -> memref<1x800x64xf32, #tpu.memory_space<vmem>>
        %get3A_1724 = tpu.memref_squeeze %get3A_1723 : memref<1x800x64xf32, #tpu.memory_space<vmem>> -> memref<800x64xf32, #tpu.memory_space<vmem>>
        %get3A_1725 = arith.index_cast %add3A_1720 : i32 to index
        %get3A_1726 = arith.constant 32 : index
        %get3A_1727 = tpu.vector_load %get3A_1724[%get3A_1725, %get3A_1726] {strides = array<i32>} : memref<800x64xf32, #tpu.memory_space<vmem>>, vector<16xf32>,
        %mul3A_1728 = arith.constant 8.000000e+00 : f32
        %mul3A_1729 = vector.broadcast %mul3A_1728 : f32 to vector<16xf32>
        %mul3A_1730 = arith.mulf %get3A_1727, %mul3A_1729 : vector<16xf32>
        %add3A_1731 = arith.constant 6 : i32
        %add3A_1732 = arith.addi %mul3A_1174, %add3A_1731 : i32
        %swap3A_1733 = arith.constant 0 : i32
        %swap3A_1734 = arith.constant 0 : i32
        %swap3A_1735 = tpu.memref_slice %arg6[%scan3A_290, %swap3A_1733, %swap3A_1734] : memref<2x800x64xf32, #tpu.memory_space<vmem>> -> memref<1x800x64xf32, #tpu.memory_space<vmem>>
        %swap3A_1736 = tpu.memref_squeeze %swap3A_1735 : memref<1x800x64xf32, #tpu.memory_space<vmem>> -> memref<800x64xf32, #tpu.memory_space<vmem>>
        %swap3A_1737 = arith.index_cast %add3A_1732 : i32 to index
        %swap3A_1738 = arith.constant 32 : index
        %swap3A_1739 = tpu.vector_load %swap3A_1736[%swap3A_1737, %swap3A_1738] {strides = array<i32>} : memref<800x64xf32, #tpu.memory_space<vmem>>, vector<16xf32>,
        tpu.vector_store %swap3A_1736[%swap3A_1737, %swap3A_1738], %mul3A_1730 {strides = array<i32>} : memref<800x64xf32, #tpu.memory_space<vmem>>, vector<16xf32>,
        %add3A_1740 = arith.constant 6 : i32
        %add3A_1741 = arith.addi %mul3A_1174, %add3A_1740 : i32
        %get3A_1742 = arith.constant 0 : i32
        %get3A_1743 = arith.constant 0 : i32
        %get3A_1744 = tpu.memref_slice %arg6[%scan3A_290, %get3A_1742, %get3A_1743] : memref<2x800x64xf32, #tpu.memory_space<vmem>> -> memref<1x800x64xf32, #tpu.memory_space<vmem>>
        %get3A_1745 = tpu.memref_squeeze %get3A_1744 : memref<1x800x64xf32, #tpu.memory_space<vmem>> -> memref<800x64xf32, #tpu.memory_space<vmem>>
        %get3A_1746 = arith.index_cast %add3A_1741 : i32 to index
        %get3A_1747 = arith.constant 48 : index
        %get3A_1748 = tpu.vector_load %get3A_1745[%get3A_1746, %get3A_1747] {strides = array<i32>} : memref<800x64xf32, #tpu.memory_space<vmem>>, vector<16xf32>,
        %mul3A_1749 = arith.constant 8.000000e+00 : f32
        %mul3A_1750 = vector.broadcast %mul3A_1749 : f32 to vector<16xf32>
        %mul3A_1751 = arith.mulf %get3A_1748, %mul3A_1750 : vector<16xf32>
        %add3A_1752 = arith.constant 6 : i32
        %add3A_1753 = arith.addi %mul3A_1174, %add3A_1752 : i32
        %swap3A_1754 = arith.constant 0 : i32
        %swap3A_1755 = arith.constant 0 : i32
        %swap3A_1756 = tpu.memref_slice %arg6[%scan3A_290, %swap3A_1754, %swap3A_1755] : memref<2x800x64xf32, #tpu.memory_space<vmem>> -> memref<1x800x64xf32, #tpu.memory_space<vmem>>
        %swap3A_1757 = tpu.memref_squeeze %swap3A_1756 : memref<1x800x64xf32, #tpu.memory_space<vmem>> -> memref<800x64xf32, #tpu.memory_space<vmem>>
        %swap3A_1758 = arith.index_cast %add3A_1753 : i32 to index
        %swap3A_1759 = arith.constant 48 : index
        %swap3A_1760 = tpu.vector_load %swap3A_1757[%swap3A_1758, %swap3A_1759] {strides = array<i32>} : memref<800x64xf32, #tpu.memory_space<vmem>>, vector<16xf32>,
        tpu.vector_store %swap3A_1757[%swap3A_1758, %swap3A_1759], %mul3A_1751 {strides = array<i32>} : memref<800x64xf32, #tpu.memory_space<vmem>>, vector<16xf32>,
        %add3A_1761 = arith.constant 7 : i32
        %add3A_1762 = arith.addi %mul3A_1174, %add3A_1761 : i32
        %get3A_1763 = arith.constant 0 : i32
        %get3A_1764 = arith.constant 0 : i32
        %get3A_1765 = tpu.memref_slice %arg6[%scan3A_290, %get3A_1763, %get3A_1764] : memref<2x800x64xf32, #tpu.memory_space<vmem>> -> memref<1x800x64xf32, #tpu.memory_space<vmem>>
        %get3A_1766 = tpu.memref_squeeze %get3A_1765 : memref<1x800x64xf32, #tpu.memory_space<vmem>> -> memref<800x64xf32, #tpu.memory_space<vmem>>
        %get3A_1767 = arith.index_cast %add3A_1762 : i32 to index
        %get3A_1768 = arith.constant 0 : index
        %get3A_1769 = tpu.vector_load %get3A_1766[%get3A_1767, %get3A_1768] {strides = array<i32>} : memref<800x64xf32, #tpu.memory_space<vmem>>, vector<16xf32>,
        %mul3A_1770 = arith.constant 8.000000e+00 : f32
        %mul3A_1771 = vector.broadcast %mul3A_1770 : f32 to vector<16xf32>
        %mul3A_1772 = arith.mulf %get3A_1769, %mul3A_1771 : vector<16xf32>
        %add3A_1773 = arith.constant 7 : i32
        %add3A_1774 = arith.addi %mul3A_1174, %add3A_1773 : i32
        %swap3A_1775 = arith.constant 0 : i32
        %swap3A_1776 = arith.constant 0 : i32
        %swap3A_1777 = tpu.memref_slice %arg6[%scan3A_290, %swap3A_1775, %swap3A_1776] : memref<2x800x64xf32, #tpu.memory_space<vmem>> -> memref<1x800x64xf32, #tpu.memory_space<vmem>>
        %swap3A_1778 = tpu.memref_squeeze %swap3A_1777 : memref<1x800x64xf32, #tpu.memory_space<vmem>> -> memref<800x64xf32, #tpu.memory_space<vmem>>
        %swap3A_1779 = arith.index_cast %add3A_1774 : i32 to index
        %swap3A_1780 = arith.constant 0 : index
        %swap3A_1781 = tpu.vector_load %swap3A_1778[%swap3A_1779, %swap3A_1780] {strides = array<i32>} : memref<800x64xf32, #tpu.memory_space<vmem>>, vector<16xf32>,
        tpu.vector_store %swap3A_1778[%swap3A_1779, %swap3A_1780], %mul3A_1772 {strides = array<i32>} : memref<800x64xf32, #tpu.memory_space<vmem>>, vector<16xf32>,
        %add3A_1782 = arith.constant 7 : i32
        %add3A_1783 = arith.addi %mul3A_1174, %add3A_1782 : i32
        %get3A_1784 = arith.constant 0 : i32
        %get3A_1785 = arith.constant 0 : i32
        %get3A_1786 = tpu.memref_slice %arg6[%scan3A_290, %get3A_1784, %get3A_1785] : memref<2x800x64xf32, #tpu.memory_space<vmem>> -> memref<1x800x64xf32, #tpu.memory_space<vmem>>
        %get3A_1787 = tpu.memref_squeeze %get3A_1786 : memref<1x800x64xf32, #tpu.memory_space<vmem>> -> memref<800x64xf32, #tpu.memory_space<vmem>>
        %get3A_1788 = arith.index_cast %add3A_1783 : i32 to index
        %get3A_1789 = arith.constant 16 : index
        %get3A_1790 = tpu.vector_load %get3A_1787[%get3A_1788, %get3A_1789] {strides = array<i32>} : memref<800x64xf32, #tpu.memory_space<vmem>>, vector<16xf32>,
        %mul3A_1791 = arith.constant 8.000000e+00 : f32
        %mul3A_1792 = vector.broadcast %mul3A_1791 : f32 to vector<16xf32>
        %mul3A_1793 = arith.mulf %get3A_1790, %mul3A_1792 : vector<16xf32>
        %add3A_1794 = arith.constant 7 : i32
        %add3A_1795 = arith.addi %mul3A_1174, %add3A_1794 : i32
        %swap3A_1796 = arith.constant 0 : i32
        %swap3A_1797 = arith.constant 0 : i32
        %swap3A_1798 = tpu.memref_slice %arg6[%scan3A_290, %swap3A_1796, %swap3A_1797] : memref<2x800x64xf32, #tpu.memory_space<vmem>> -> memref<1x800x64xf32, #tpu.memory_space<vmem>>
        %swap3A_1799 = tpu.memref_squeeze %swap3A_1798 : memref<1x800x64xf32, #tpu.memory_space<vmem>> -> memref<800x64xf32, #tpu.memory_space<vmem>>
        %swap3A_1800 = arith.index_cast %add3A_1795 : i32 to index
        %swap3A_1801 = arith.constant 16 : index
        %swap3A_1802 = tpu.vector_load %swap3A_1799[%swap3A_1800, %swap3A_1801] {strides = array<i32>} : memref<800x64xf32, #tpu.memory_space<vmem>>, vector<16xf32>,
        tpu.vector_store %swap3A_1799[%swap3A_1800, %swap3A_1801], %mul3A_1793 {strides = array<i32>} : memref<800x64xf32, #tpu.memory_space<vmem>>, vector<16xf32>,
        %add3A_1803 = arith.constant 7 : i32
        %add3A_1804 = arith.addi %mul3A_1174, %add3A_1803 : i32
        %get3A_1805 = arith.constant 0 : i32
        %get3A_1806 = arith.constant 0 : i32
        %get3A_1807 = tpu.memref_slice %arg6[%scan3A_290, %get3A_1805, %get3A_1806] : memref<2x800x64xf32, #tpu.memory_space<vmem>> -> memref<1x800x64xf32, #tpu.memory_space<vmem>>
        %get3A_1808 = tpu.memref_squeeze %get3A_1807 : memref<1x800x64xf32, #tpu.memory_space<vmem>> -> memref<800x64xf32, #tpu.memory_space<vmem>>
        %get3A_1809 = arith.index_cast %add3A_1804 : i32 to index
        %get3A_1810 = arith.constant 32 : index
        %get3A_1811 = tpu.vector_load %get3A_1808[%get3A_1809, %get3A_1810] {strides = array<i32>} : memref<800x64xf32, #tpu.memory_space<vmem>>, vector<16xf32>,
        %mul3A_1812 = arith.constant 8.000000e+00 : f32
        %mul3A_1813 = vector.broadcast %mul3A_1812 : f32 to vector<16xf32>
        %mul3A_1814 = arith.mulf %get3A_1811, %mul3A_1813 : vector<16xf32>
        %add3A_1815 = arith.constant 7 : i32
        %add3A_1816 = arith.addi %mul3A_1174, %add3A_1815 : i32
        %swap3A_1817 = arith.constant 0 : i32
        %swap3A_1818 = arith.constant 0 : i32
        %swap3A_1819 = tpu.memref_slice %arg6[%scan3A_290, %swap3A_1817, %swap3A_1818] : memref<2x800x64xf32, #tpu.memory_space<vmem>> -> memref<1x800x64xf32, #tpu.memory_space<vmem>>
        %swap3A_1820 = tpu.memref_squeeze %swap3A_1819 : memref<1x800x64xf32, #tpu.memory_space<vmem>> -> memref<800x64xf32, #tpu.memory_space<vmem>>
        %swap3A_1821 = arith.index_cast %add3A_1816 : i32 to index
        %swap3A_1822 = arith.constant 32 : index
        %swap3A_1823 = tpu.vector_load %swap3A_1820[%swap3A_1821, %swap3A_1822] {strides = array<i32>} : memref<800x64xf32, #tpu.memory_space<vmem>>, vector<16xf32>,
        tpu.vector_store %swap3A_1820[%swap3A_1821, %swap3A_1822], %mul3A_1814 {strides = array<i32>} : memref<800x64xf32, #tpu.memory_space<vmem>>, vector<16xf32>,
        %add3A_1824 = arith.constant 7 : i32
        %add3A_1825 = arith.addi %mul3A_1174, %add3A_1824 : i32
        %get3A_1826 = arith.constant 0 : i32
        %get3A_1827 = arith.constant 0 : i32
        %get3A_1828 = tpu.memref_slice %arg6[%scan3A_290, %get3A_1826, %get3A_1827] : memref<2x800x64xf32, #tpu.memory_space<vmem>> -> memref<1x800x64xf32, #tpu.memory_space<vmem>>
        %get3A_1829 = tpu.memref_squeeze %get3A_1828 : memref<1x800x64xf32, #tpu.memory_space<vmem>> -> memref<800x64xf32, #tpu.memory_space<vmem>>
        %get3A_1830 = arith.index_cast %add3A_1825 : i32 to index
        %get3A_1831 = arith.constant 48 : index
        %get3A_1832 = tpu.vector_load %get3A_1829[%get3A_1830, %get3A_1831] {strides = array<i32>} : memref<800x64xf32, #tpu.memory_space<vmem>>, vector<16xf32>,
        %mul3A_1833 = arith.constant 8.000000e+00 : f32
        %mul3A_1834 = vector.broadcast %mul3A_1833 : f32 to vector<16xf32>
        %mul3A_1835 = arith.mulf %get3A_1832, %mul3A_1834 : vector<16xf32>
        %add3A_1836 = arith.constant 7 : i32
        %add3A_1837 = arith.addi %mul3A_1174, %add3A_1836 : i32
        %swap3A_1838 = arith.constant 0 : i32
        %swap3A_1839 = arith.constant 0 : i32
        %swap3A_1840 = tpu.memref_slice %arg6[%scan3A_290, %swap3A_1838, %swap3A_1839] : memref<2x800x64xf32, #tpu.memory_space<vmem>> -> memref<1x800x64xf32, #tpu.memory_space<vmem>>
        %swap3A_1841 = tpu.memref_squeeze %swap3A_1840 : memref<1x800x64xf32, #tpu.memory_space<vmem>> -> memref<800x64xf32, #tpu.memory_space<vmem>>
        %swap3A_1842 = arith.index_cast %add3A_1837 : i32 to index
        %swap3A_1843 = arith.constant 48 : index
        %swap3A_1844 = tpu.vector_load %swap3A_1841[%swap3A_1842, %swap3A_1843] {strides = array<i32>} : memref<800x64xf32, #tpu.memory_space<vmem>>, vector<16xf32>,
        tpu.vector_store %swap3A_1841[%swap3A_1842, %swap3A_1843], %mul3A_1835 {strides = array<i32>} : memref<800x64xf32, #tpu.memory_space<vmem>>, vector<16xf32>,
      }
      %scan3A_745 = arith.constant 100 : i32
      %mul3A_746 = arith.constant 4 : i32
      %mul3A_747 = arith.muli %mul3A_611, %mul3A_746 : i32
      %add3A_748 = arith.addi %mul3A_2, %mul3A_747 : i32
      %mul3A_749 = arith.constant 200 : i32
      %mul3A_750 = arith.muli %add3A_748, %mul3A_749 : i32
      "tpu.region"() ({
        %run_scoped3A_1172 = tpu.sem_alloc : memref<!tpu.dma_semaphore, #tpu.memory_space<semaphore_mem>>
        %dma_start3A_1173 = arith.constant 0 : i32
        %dma_start3A_1174 = arith.constant 0 : i32
        %dma_start3A_1175 = tpu.memref_slice %arg6[%scan3A_290, %dma_start3A_1173, %dma_start3A_1174] : memref<2x800x64xf32, #tpu.memory_space<vmem>> -> memref<1x800x64xf32, #tpu.memory_space<vmem>>
        %dma_start3A_1176 = tpu.memref_squeeze %dma_start3A_1175 : memref<1x800x64xf32, #tpu.memory_space<vmem>> -> memref<800x64xf32, #tpu.memory_space<vmem>>
        %dma_start3A_1177 = arith.constant 0 : i32
        %dma_start3A_1178 = tpu.memref_slice %arg4[%mul3A_750, %dma_start3A_1177] : memref<819200x128xf32, #tpu.memory_space<hbm>> -> memref<800x64xf32, #tpu.memory_space<hbm>>
        %dma_start3A_1179 = arith.constant 0 : i32
        %dma_start3A_1180 = tpu.memref_slice %arg4[%mul3A_750, %dma_start3A_1179] : memref<819200x128xf32, #tpu.memory_space<hbm>> -> memref<800x64xf32, #tpu.memory_space<hbm>>
        %dma_start3A_1181 = arith.constant 0 : i32
        %dma_start3A_1182 = arith.constant 0 : i32
        %dma_start3A_1183 = tpu.memref_slice %arg6[%scan3A_290, %dma_start3A_1181, %dma_start3A_1182] : memref<2x800x64xf32, #tpu.memory_space<vmem>> -> memref<1x800x64xf32, #tpu.memory_space<vmem>>
        %dma_start3A_1184 = tpu.memref_squeeze %dma_start3A_1183 : memref<1x800x64xf32, #tpu.memory_space<vmem>> -> memref<800x64xf32, #tpu.memory_space<vmem>>
        tpu.enqueue_dma source(%dma_start3A_1184 : memref<800x64xf32, #tpu.memory_space<vmem>>) target(%dma_start3A_1180 : memref<800x64xf32, #tpu.memory_space<hbm>>) target_semaphore(%run_scoped3A_1172 : memref<!tpu.dma_semaphore, #tpu.memory_space<semaphore_mem>>)
        %dma_wait3A_1185 = arith.constant 0 : i32
        %dma_wait3A_1186 = arith.constant 0 : i32
        %dma_wait3A_1187 = tpu.memref_slice %arg6[%scan3A_290, %dma_wait3A_1185, %dma_wait3A_1186] : memref<2x800x64xf32, #tpu.memory_space<vmem>> -> memref<1x800x64xf32, #tpu.memory_space<vmem>>
        %dma_wait3A_1188 = tpu.memref_squeeze %dma_wait3A_1187 : memref<1x800x64xf32, #tpu.memory_space<vmem>> -> memref<800x64xf32, #tpu.memory_space<vmem>>
        %dma_wait3A_1189 = arith.constant 0 : i32
        %dma_wait3A_1190 = tpu.memref_slice %arg4[%mul3A_750, %dma_wait3A_1189] : memref<819200x128xf32, #tpu.memory_space<hbm>> -> memref<800x64xf32, #tpu.memory_space<hbm>>
        %dma_wait3A_1191 = arith.constant 0 : i32
        %dma_wait3A_1192 = tpu.memref_slice %arg4[%mul3A_750, %dma_wait3A_1191] : memref<819200x128xf32, #tpu.memory_space<hbm>> -> memref<800x64xf32, #tpu.memory_space<hbm>>
        %dma_wait3A_1193 = arith.constant 0 : i32
        %dma_wait3A_1194 = arith.constant 0 : i32
        %dma_wait3A_1195 = tpu.memref_slice %arg6[%scan3A_290, %dma_wait3A_1193, %dma_wait3A_1194] : memref<2x800x64xf32, #tpu.memory_space<vmem>> -> memref<1x800x64xf32, #tpu.memory_space<vmem>>
        %dma_wait3A_1196 = tpu.memref_squeeze %dma_wait3A_1195 : memref<1x800x64xf32, #tpu.memory_space<vmem>> -> memref<800x64xf32, #tpu.memory_space<vmem>>
        tpu.wait_dma2 semaphore(%run_scoped3A_1172 : memref<!tpu.dma_semaphore, #tpu.memory_space<semaphore_mem>>) src(%dma_wait3A_1196 : memref<800x64xf32, #tpu.memory_space<vmem>>) dst(%dma_wait3A_1192 : memref<800x64xf32, #tpu.memory_space<hbm>>)
        tpu.yield
      }) : () -> ()
      %add3A_751 = arith.constant 2 : i32
      %add3A_752 = arith.addi %mul3A_611, %add3A_751 : i32
      %mul3A_753 = arith.constant 4 : i32
      %mul3A_754 = arith.muli %add3A_752, %mul3A_753 : i32
      %add3A_755 = arith.constant 0 : i32
      %add3A_756 = arith.addi %mul3A_754, %add3A_755 : i32
      %dma_start3A_757 = arith.constant 0 : i32
      %dma_start3A_758 = arith.constant 0 : i32
      %dma_start3A_759 = tpu.memref_slice %arg6[%scan3A_290, %dma_start3A_757, %dma_start3A_758] : memref<2x800x64xf32, #tpu.memory_space<vmem>> -> memref<1x800x64xf32, #tpu.memory_space<vmem>>
      %dma_start3A_760 = tpu.memref_squeeze %dma_start3A_759 : memref<1x800x64xf32, #tpu.memory_space<vmem>> -> memref<800x64xf32, #tpu.memory_space<vmem>>
      %dma_start3A_761 = arith.constant 0 : i32
      %dma_start3A_762 = arith.constant 0 : i32
      %dma_start3A_763 = tpu.memref_slice %dma_start3A_760[%dma_start3A_761, %dma_start3A_762] : memref<800x64xf32, #tpu.memory_space<vmem>> -> memref<128x64xf32, #tpu.memory_space<vmem>>
      %dma_start3A_764 = arith.constant 0 : i32
      %dma_start3A_765 = tpu.memref_slice %arg5[%add3A_756, %dma_start3A_764] : memref<128x200xi32, #tpu.memory_space<vmem>> -> memref<1x128xi32, #tpu.memory_space<vmem>>
      %dma_start3A_766 = tpu.memref_squeeze %dma_start3A_765 : memref<1x128xi32, #tpu.memory_space<vmem>> -> memref<128xi32, #tpu.memory_space<vmem>>
      %dma_start3A_767 = arith.constant 0 : i32
      %dma_start3A_768 = arith.constant 0 : i32
      %dma_start3A_769 = tpu.memref_slice %arg2[%dma_start3A_767, %dma_start3A_768] : memref<1000000x64xf32, #tpu.memory_space<hbm>> -> memref<1000000x64xf32, #tpu.memory_space<hbm>>
      %dma_start3A_770 = tpu.memref_slice %arg7[%scan3A_291] : memref<2x!tpu.dma_semaphore, #tpu.memory_space<semaphore_mem>> -> memref<1x!tpu.dma_semaphore, #tpu.memory_space<semaphore_mem>>
      %dma_start3A_771 = tpu.memref_squeeze %dma_start3A_770 : memref<1x!tpu.dma_semaphore, #tpu.memory_space<semaphore_mem>> -> memref<!tpu.dma_semaphore, #tpu.memory_space<semaphore_mem>>
      tpu.enqueue_indirect_dma source(%dma_start3A_769 : memref<1000000x64xf32, #tpu.memory_space<hbm>>) target(%dma_start3A_763 : memref<128x64xf32, #tpu.memory_space<vmem>>) offsets(%dma_start3A_766 : memref<128xi32, #tpu.memory_space<vmem>>) semaphore(%dma_start3A_771 : memref<!tpu.dma_semaphore, #tpu.memory_space<semaphore_mem>>)
      %add3A_772 = arith.constant 0 : i32
      %add3A_773 = arith.addi %mul3A_754, %add3A_772 : i32
      %dma_start3A_774 = arith.constant 0 : i32
      %dma_start3A_775 = arith.constant 0 : i32
      %dma_start3A_776 = tpu.memref_slice %arg6[%scan3A_290, %dma_start3A_774, %dma_start3A_775] : memref<2x800x64xf32, #tpu.memory_space<vmem>> -> memref<1x800x64xf32, #tpu.memory_space<vmem>>
      %dma_start3A_777 = tpu.memref_squeeze %dma_start3A_776 : memref<1x800x64xf32, #tpu.memory_space<vmem>> -> memref<800x64xf32, #tpu.memory_space<vmem>>
      %dma_start3A_778 = arith.constant 128 : i32
      %dma_start3A_779 = arith.constant 0 : i32
      %dma_start3A_780 = tpu.memref_slice %dma_start3A_777[%dma_start3A_778, %dma_start3A_779] : memref<800x64xf32, #tpu.memory_space<vmem>> -> memref<72x64xf32, #tpu.memory_space<vmem>>
      %dma_start3A_781 = arith.constant 128 : i32
      %dma_start3A_782 = tpu.memref_slice %arg5[%add3A_773, %dma_start3A_781] : memref<128x200xi32, #tpu.memory_space<vmem>> -> memref<1x72xi32, #tpu.memory_space<vmem>>
      %dma_start3A_783 = tpu.memref_squeeze %dma_start3A_782 : memref<1x72xi32, #tpu.memory_space<vmem>> -> memref<72xi32, #tpu.memory_space<vmem>>
      %dma_start3A_784 = arith.constant 0 : i32
      %dma_start3A_785 = arith.constant 0 : i32
      %dma_start3A_786 = tpu.memref_slice %arg2[%dma_start3A_784, %dma_start3A_785] : memref<1000000x64xf32, #tpu.memory_space<hbm>> -> memref<1000000x64xf32, #tpu.memory_space<hbm>>
      %dma_start3A_787 = tpu.memref_slice %arg7[%scan3A_291] : memref<2x!tpu.dma_semaphore, #tpu.memory_space<semaphore_mem>> -> memref<1x!tpu.dma_semaphore, #tpu.memory_space<semaphore_mem>>
      %dma_start3A_788 = tpu.memref_squeeze %dma_start3A_787 : memref<1x!tpu.dma_semaphore, #tpu.memory_space<semaphore_mem>> -> memref<!tpu.dma_semaphore, #tpu.memory_space<semaphore_mem>>
      tpu.enqueue_indirect_dma source(%dma_start3A_786 : memref<1000000x64xf32, #tpu.memory_space<hbm>>) target(%dma_start3A_780 : memref<72x64xf32, #tpu.memory_space<vmem>>) offsets(%dma_start3A_783 : memref<72xi32, #tpu.memory_space<vmem>>) semaphore(%dma_start3A_788 : memref<!tpu.dma_semaphore, #tpu.memory_space<semaphore_mem>>)
      %add3A_789 = arith.constant 1 : i32
      %add3A_790 = arith.addi %mul3A_754, %add3A_789 : i32
      %dma_start3A_791 = arith.constant 0 : i32
      %dma_start3A_792 = arith.constant 0 : i32
      %dma_start3A_793 = tpu.memref_slice %arg6[%scan3A_290, %dma_start3A_791, %dma_start3A_792] : memref<2x800x64xf32, #tpu.memory_space<vmem>> -> memref<1x800x64xf32, #tpu.memory_space<vmem>>
      %dma_start3A_794 = tpu.memref_squeeze %dma_start3A_793 : memref<1x800x64xf32, #tpu.memory_space<vmem>> -> memref<800x64xf32, #tpu.memory_space<vmem>>
      %dma_start3A_795 = arith.constant 200 : i32
      %dma_start3A_796 = arith.constant 0 : i32
      %dma_start3A_797 = tpu.memref_slice %dma_start3A_794[%dma_start3A_795, %dma_start3A_796] : memref<800x64xf32, #tpu.memory_space<vmem>> -> memref<128x64xf32, #tpu.memory_space<vmem>>
      %dma_start3A_798 = arith.constant 0 : i32
      %dma_start3A_799 = tpu.memref_slice %arg5[%add3A_790, %dma_start3A_798] : memref<128x200xi32, #tpu.memory_space<vmem>> -> memref<1x128xi32, #tpu.memory_space<vmem>>
      %dma_start3A_800 = tpu.memref_squeeze %dma_start3A_799 : memref<1x128xi32, #tpu.memory_space<vmem>> -> memref<128xi32, #tpu.memory_space<vmem>>
      %dma_start3A_801 = arith.constant 0 : i32
      %dma_start3A_802 = arith.constant 0 : i32
      %dma_start3A_803 = tpu.memref_slice %arg2[%dma_start3A_801, %dma_start3A_802] : memref<1000000x64xf32, #tpu.memory_space<hbm>> -> memref<1000000x64xf32, #tpu.memory_space<hbm>>
      %dma_start3A_804 = tpu.memref_slice %arg7[%scan3A_291] : memref<2x!tpu.dma_semaphore, #tpu.memory_space<semaphore_mem>> -> memref<1x!tpu.dma_semaphore, #tpu.memory_space<semaphore_mem>>
      %dma_start3A_805 = tpu.memref_squeeze %dma_start3A_804 : memref<1x!tpu.dma_semaphore, #tpu.memory_space<semaphore_mem>> -> memref<!tpu.dma_semaphore, #tpu.memory_space<semaphore_mem>>
      tpu.enqueue_indirect_dma source(%dma_start3A_803 : memref<1000000x64xf32, #tpu.memory_space<hbm>>) target(%dma_start3A_797 : memref<128x64xf32, #tpu.memory_space<vmem>>) offsets(%dma_start3A_800 : memref<128xi32, #tpu.memory_space<vmem>>) semaphore(%dma_start3A_805 : memref<!tpu.dma_semaphore, #tpu.memory_space<semaphore_mem>>)
      %add3A_806 = arith.constant 1 : i32
      %add3A_807 = arith.addi %mul3A_754, %add3A_806 : i32
      %dma_start3A_808 = arith.constant 0 : i32
      %dma_start3A_809 = arith.constant 0 : i32
      %dma_start3A_810 = tpu.memref_slice %arg6[%scan3A_290, %dma_start3A_808, %dma_start3A_809] : memref<2x800x64xf32, #tpu.memory_space<vmem>> -> memref<1x800x64xf32, #tpu.memory_space<vmem>>
      %dma_start3A_811 = tpu.memref_squeeze %dma_start3A_810 : memref<1x800x64xf32, #tpu.memory_space<vmem>> -> memref<800x64xf32, #tpu.memory_space<vmem>>
      %dma_start3A_812 = arith.constant 328 : i32
      %dma_start3A_813 = arith.constant 0 : i32
      %dma_start3A_814 = tpu.memref_slice %dma_start3A_811[%dma_start3A_812, %dma_start3A_813] : memref<800x64xf32, #tpu.memory_space<vmem>> -> memref<72x64xf32, #tpu.memory_space<vmem>>
      %dma_start3A_815 = arith.constant 128 : i32
      %dma_start3A_816 = tpu.memref_slice %arg5[%add3A_807, %dma_start3A_815] : memref<128x200xi32, #tpu.memory_space<vmem>> -> memref<1x72xi32, #tpu.memory_space<vmem>>
      %dma_start3A_817 = tpu.memref_squeeze %dma_start3A_816 : memref<1x72xi32, #tpu.memory_space<vmem>> -> memref<72xi32, #tpu.memory_space<vmem>>
      %dma_start3A_818 = arith.constant 0 : i32
      %dma_start3A_819 = arith.constant 0 : i32
      %dma_start3A_820 = tpu.memref_slice %arg2[%dma_start3A_818, %dma_start3A_819] : memref<1000000x64xf32, #tpu.memory_space<hbm>> -> memref<1000000x64xf32, #tpu.memory_space<hbm>>
      %dma_start3A_821 = tpu.memref_slice %arg7[%scan3A_291] : memref<2x!tpu.dma_semaphore, #tpu.memory_space<semaphore_mem>> -> memref<1x!tpu.dma_semaphore, #tpu.memory_space<semaphore_mem>>
      %dma_start3A_822 = tpu.memref_squeeze %dma_start3A_821 : memref<1x!tpu.dma_semaphore, #tpu.memory_space<semaphore_mem>> -> memref<!tpu.dma_semaphore, #tpu.memory_space<semaphore_mem>>
      tpu.enqueue_indirect_dma source(%dma_start3A_820 : memref<1000000x64xf32, #tpu.memory_space<hbm>>) target(%dma_start3A_814 : memref<72x64xf32, #tpu.memory_space<vmem>>) offsets(%dma_start3A_817 : memref<72xi32, #tpu.memory_space<vmem>>) semaphore(%dma_start3A_822 : memref<!tpu.dma_semaphore, #tpu.memory_space<semaphore_mem>>)
      %add3A_823 = arith.constant 2 : i32
      %add3A_824 = arith.addi %mul3A_754, %add3A_823 : i32
      %dma_start3A_825 = arith.constant 0 : i32
      %dma_start3A_826 = arith.constant 0 : i32
      %dma_start3A_827 = tpu.memref_slice %arg6[%scan3A_290, %dma_start3A_825, %dma_start3A_826] : memref<2x800x64xf32, #tpu.memory_space<vmem>> -> memref<1x800x64xf32, #tpu.memory_space<vmem>>
      %dma_start3A_828 = tpu.memref_squeeze %dma_start3A_827 : memref<1x800x64xf32, #tpu.memory_space<vmem>> -> memref<800x64xf32, #tpu.memory_space<vmem>>
      %dma_start3A_829 = arith.constant 400 : i32
      %dma_start3A_830 = arith.constant 0 : i32
      %dma_start3A_831 = tpu.memref_slice %dma_start3A_828[%dma_start3A_829, %dma_start3A_830] : memref<800x64xf32, #tpu.memory_space<vmem>> -> memref<128x64xf32, #tpu.memory_space<vmem>>
      %dma_start3A_832 = arith.constant 0 : i32
      %dma_start3A_833 = tpu.memref_slice %arg5[%add3A_824, %dma_start3A_832] : memref<128x200xi32, #tpu.memory_space<vmem>> -> memref<1x128xi32, #tpu.memory_space<vmem>>
      %dma_start3A_834 = tpu.memref_squeeze %dma_start3A_833 : memref<1x128xi32, #tpu.memory_space<vmem>> -> memref<128xi32, #tpu.memory_space<vmem>>
      %dma_start3A_835 = arith.constant 0 : i32
      %dma_start3A_836 = arith.constant 0 : i32
      %dma_start3A_837 = tpu.memref_slice %arg2[%dma_start3A_835, %dma_start3A_836] : memref<1000000x64xf32, #tpu.memory_space<hbm>> -> memref<1000000x64xf32, #tpu.memory_space<hbm>>
      %dma_start3A_838 = tpu.memref_slice %arg7[%scan3A_291] : memref<2x!tpu.dma_semaphore, #tpu.memory_space<semaphore_mem>> -> memref<1x!tpu.dma_semaphore, #tpu.memory_space<semaphore_mem>>
      %dma_start3A_839 = tpu.memref_squeeze %dma_start3A_838 : memref<1x!tpu.dma_semaphore, #tpu.memory_space<semaphore_mem>> -> memref<!tpu.dma_semaphore, #tpu.memory_space<semaphore_mem>>
      tpu.enqueue_indirect_dma source(%dma_start3A_837 : memref<1000000x64xf32, #tpu.memory_space<hbm>>) target(%dma_start3A_831 : memref<128x64xf32, #tpu.memory_space<vmem>>) offsets(%dma_start3A_834 : memref<128xi32, #tpu.memory_space<vmem>>) semaphore(%dma_start3A_839 : memref<!tpu.dma_semaphore, #tpu.memory_space<semaphore_mem>>)
      %add3A_840 = arith.constant 2 : i32
      %add3A_841 = arith.addi %mul3A_754, %add3A_840 : i32
      %dma_start3A_842 = arith.constant 0 : i32
      %dma_start3A_843 = arith.constant 0 : i32
      %dma_start3A_844 = tpu.memref_slice %arg6[%scan3A_290, %dma_start3A_842, %dma_start3A_843] : memref<2x800x64xf32, #tpu.memory_space<vmem>> -> memref<1x800x64xf32, #tpu.memory_space<vmem>>
      %dma_start3A_845 = tpu.memref_squeeze %dma_start3A_844 : memref<1x800x64xf32, #tpu.memory_space<vmem>> -> memref<800x64xf32, #tpu.memory_space<vmem>>
      %dma_start3A_846 = arith.constant 528 : i32
      %dma_start3A_847 = arith.constant 0 : i32
      %dma_start3A_848 = tpu.memref_slice %dma_start3A_845[%dma_start3A_846, %dma_start3A_847] : memref<800x64xf32, #tpu.memory_space<vmem>> -> memref<72x64xf32, #tpu.memory_space<vmem>>
      %dma_start3A_849 = arith.constant 128 : i32
      %dma_start3A_850 = tpu.memref_slice %arg5[%add3A_841, %dma_start3A_849] : memref<128x200xi32, #tpu.memory_space<vmem>> -> memref<1x72xi32, #tpu.memory_space<vmem>>
      %dma_start3A_851 = tpu.memref_squeeze %dma_start3A_850 : memref<1x72xi32, #tpu.memory_space<vmem>> -> memref<72xi32, #tpu.memory_space<vmem>>
      %dma_start3A_852 = arith.constant 0 : i32
      %dma_start3A_853 = arith.constant 0 : i32
      %dma_start3A_854 = tpu.memref_slice %arg2[%dma_start3A_852, %dma_start3A_853] : memref<1000000x64xf32, #tpu.memory_space<hbm>> -> memref<1000000x64xf32, #tpu.memory_space<hbm>>
      %dma_start3A_855 = tpu.memref_slice %arg7[%scan3A_291] : memref<2x!tpu.dma_semaphore, #tpu.memory_space<semaphore_mem>> -> memref<1x!tpu.dma_semaphore, #tpu.memory_space<semaphore_mem>>
      %dma_start3A_856 = tpu.memref_squeeze %dma_start3A_855 : memref<1x!tpu.dma_semaphore, #tpu.memory_space<semaphore_mem>> -> memref<!tpu.dma_semaphore, #tpu.memory_space<semaphore_mem>>
      tpu.enqueue_indirect_dma source(%dma_start3A_854 : memref<1000000x64xf32, #tpu.memory_space<hbm>>) target(%dma_start3A_848 : memref<72x64xf32, #tpu.memory_space<vmem>>) offsets(%dma_start3A_851 : memref<72xi32, #tpu.memory_space<vmem>>) semaphore(%dma_start3A_856 : memref<!tpu.dma_semaphore, #tpu.memory_space<semaphore_mem>>)
      %add3A_857 = arith.constant 3 : i32
      %add3A_858 = arith.addi %mul3A_754, %add3A_857 : i32
      %dma_start3A_859 = arith.constant 0 : i32
      %dma_start3A_860 = arith.constant 0 : i32
      %dma_start3A_861 = tpu.memref_slice %arg6[%scan3A_290, %dma_start3A_859, %dma_start3A_860] : memref<2x800x64xf32, #tpu.memory_space<vmem>> -> memref<1x800x64xf32, #tpu.memory_space<vmem>>
      %dma_start3A_862 = tpu.memref_squeeze %dma_start3A_861 : memref<1x800x64xf32, #tpu.memory_space<vmem>> -> memref<800x64xf32, #tpu.memory_space<vmem>>
      %dma_start3A_863 = arith.constant 600 : i32
      %dma_start3A_864 = arith.constant 0 : i32
      %dma_start3A_865 = tpu.memref_slice %dma_start3A_862[%dma_start3A_863, %dma_start3A_864] : memref<800x64xf32, #tpu.memory_space<vmem>> -> memref<128x64xf32, #tpu.memory_space<vmem>>
      %dma_start3A_866 = arith.constant 0 : i32
      %dma_start3A_867 = tpu.memref_slice %arg5[%add3A_858, %dma_start3A_866] : memref<128x200xi32, #tpu.memory_space<vmem>> -> memref<1x128xi32, #tpu.memory_space<vmem>>
      %dma_start3A_868 = tpu.memref_squeeze %dma_start3A_867 : memref<1x128xi32, #tpu.memory_space<vmem>> -> memref<128xi32, #tpu.memory_space<vmem>>
      %dma_start3A_869 = arith.constant 0 : i32
      %dma_start3A_870 = arith.constant 0 : i32
      %dma_start3A_871 = tpu.memref_slice %arg2[%dma_start3A_869, %dma_start3A_870] : memref<1000000x64xf32, #tpu.memory_space<hbm>> -> memref<1000000x64xf32, #tpu.memory_space<hbm>>
      %dma_start3A_872 = tpu.memref_slice %arg7[%scan3A_291] : memref<2x!tpu.dma_semaphore, #tpu.memory_space<semaphore_mem>> -> memref<1x!tpu.dma_semaphore, #tpu.memory_space<semaphore_mem>>
      %dma_start3A_873 = tpu.memref_squeeze %dma_start3A_872 : memref<1x!tpu.dma_semaphore, #tpu.memory_space<semaphore_mem>> -> memref<!tpu.dma_semaphore, #tpu.memory_space<semaphore_mem>>
      tpu.enqueue_indirect_dma source(%dma_start3A_871 : memref<1000000x64xf32, #tpu.memory_space<hbm>>) target(%dma_start3A_865 : memref<128x64xf32, #tpu.memory_space<vmem>>) offsets(%dma_start3A_868 : memref<128xi32, #tpu.memory_space<vmem>>) semaphore(%dma_start3A_873 : memref<!tpu.dma_semaphore, #tpu.memory_space<semaphore_mem>>)
      %add3A_874 = arith.constant 3 : i32
      %add3A_875 = arith.addi %mul3A_754, %add3A_874 : i32
      %dma_start3A_876 = arith.constant 0 : i32
      %dma_start3A_877 = arith.constant 0 : i32
      %dma_start3A_878 = tpu.memref_slice %arg6[%scan3A_290, %dma_start3A_876, %dma_start3A_877] : memref<2x800x64xf32, #tpu.memory_space<vmem>> -> memref<1x800x64xf32, #tpu.memory_space<vmem>>
      %dma_start3A_879 = tpu.memref_squeeze %dma_start3A_878 : memref<1x800x64xf32, #tpu.memory_space<vmem>> -> memref<800x64xf32, #tpu.memory_space<vmem>>
      %dma_start3A_880 = arith.constant 728 : i32
      %dma_start3A_881 = arith.constant 0 : i32
      %dma_start3A_882 = tpu.memref_slice %dma_start3A_879[%dma_start3A_880, %dma_start3A_881] : memref<800x64xf32, #tpu.memory_space<vmem>> -> memref<72x64xf32, #tpu.memory_space<vmem>>
      %dma_start3A_883 = arith.constant 128 : i32
      %dma_start3A_884 = tpu.memref_slice %arg5[%add3A_875, %dma_start3A_883] : memref<128x200xi32, #tpu.memory_space<vmem>> -> memref<1x72xi32, #tpu.memory_space<vmem>>
      %dma_start3A_885 = tpu.memref_squeeze %dma_start3A_884 : memref<1x72xi32, #tpu.memory_space<vmem>> -> memref<72xi32, #tpu.memory_space<vmem>>
      %dma_start3A_886 = arith.constant 0 : i32
      %dma_start3A_887 = arith.constant 0 : i32
      %dma_start3A_888 = tpu.memref_slice %arg2[%dma_start3A_886, %dma_start3A_887] : memref<1000000x64xf32, #tpu.memory_space<hbm>> -> memref<1000000x64xf32, #tpu.memory_space<hbm>>
      %dma_start3A_889 = tpu.memref_slice %arg7[%scan3A_291] : memref<2x!tpu.dma_semaphore, #tpu.memory_space<semaphore_mem>> -> memref<1x!tpu.dma_semaphore, #tpu.memory_space<semaphore_mem>>
      %dma_start3A_890 = tpu.memref_squeeze %dma_start3A_889 : memref<1x!tpu.dma_semaphore, #tpu.memory_space<semaphore_mem>> -> memref<!tpu.dma_semaphore, #tpu.memory_space<semaphore_mem>>
      tpu.enqueue_indirect_dma source(%dma_start3A_888 : memref<1000000x64xf32, #tpu.memory_space<hbm>>) target(%dma_start3A_882 : memref<72x64xf32, #tpu.memory_space<vmem>>) offsets(%dma_start3A_885 : memref<72xi32, #tpu.memory_space<vmem>>) semaphore(%dma_start3A_890 : memref<!tpu.dma_semaphore, #tpu.memory_space<semaphore_mem>>)
      %dma_wait3A_891 = arith.constant 0 : i32
      %dma_wait3A_892 = arith.constant 0 : i32
      %dma_wait3A_893 = arith.constant 0 : i32
      %dma_wait3A_894 = tpu.memref_slice %arg6[%scan3A_292, %dma_wait3A_892, %dma_wait3A_893] : memref<2x800x64xf32, #tpu.memory_space<vmem>> -> memref<1x800x64xf32, #tpu.memory_space<vmem>>
      %dma_wait3A_895 = tpu.memref_squeeze %dma_wait3A_894 : memref<1x800x64xf32, #tpu.memory_space<vmem>> -> memref<800x64xf32, #tpu.memory_space<vmem>>
      %dma_wait3A_896 = arith.constant 0 : i32
      %dma_wait3A_897 = arith.constant 0 : i32
      %dma_wait3A_898 = tpu.memref_slice %dma_wait3A_895[%dma_wait3A_896, %dma_wait3A_897] : memref<800x64xf32, #tpu.memory_space<vmem>> -> memref<128x64xf32, #tpu.memory_space<vmem>>
      %dma_wait3A_899 = arith.constant 0 : i32
      %dma_wait3A_900 = tpu.memref_slice %arg5[%dma_wait3A_891, %dma_wait3A_899] : memref<128x200xi32, #tpu.memory_space<vmem>> -> memref<1x128xi32, #tpu.memory_space<vmem>>
      %dma_wait3A_901 = tpu.memref_squeeze %dma_wait3A_900 : memref<1x128xi32, #tpu.memory_space<vmem>> -> memref<128xi32, #tpu.memory_space<vmem>>
      %dma_wait3A_902 = arith.constant 0 : i32
      %dma_wait3A_903 = arith.constant 0 : i32
      %dma_wait3A_904 = tpu.memref_slice %arg2[%dma_wait3A_902, %dma_wait3A_903] : memref<1000000x64xf32, #tpu.memory_space<hbm>> -> memref<1000000x64xf32, #tpu.memory_space<hbm>>
      %dma_wait3A_905 = tpu.memref_slice %arg7[%scan3A_293] : memref<2x!tpu.dma_semaphore, #tpu.memory_space<semaphore_mem>> -> memref<1x!tpu.dma_semaphore, #tpu.memory_space<semaphore_mem>>
      %dma_wait3A_906 = tpu.memref_squeeze %dma_wait3A_905 : memref<1x!tpu.dma_semaphore, #tpu.memory_space<semaphore_mem>> -> memref<!tpu.dma_semaphore, #tpu.memory_space<semaphore_mem>>
      tpu.wait_indirect_dma semaphore(%dma_wait3A_906 : memref<!tpu.dma_semaphore, #tpu.memory_space<semaphore_mem>>) src(%dma_wait3A_904 : memref<1000000x64xf32, #tpu.memory_space<hbm>>) dst(%dma_wait3A_898 : memref<128x64xf32, #tpu.memory_space<vmem>>)
      %dma_wait3A_907 = arith.constant 0 : i32
      %dma_wait3A_908 = arith.constant 0 : i32
      %dma_wait3A_909 = arith.constant 0 : i32
      %dma_wait3A_910 = tpu.memref_slice %arg6[%scan3A_292, %dma_wait3A_908, %dma_wait3A_909] : memref<2x800x64xf32, #tpu.memory_space<vmem>> -> memref<1x800x64xf32, #tpu.memory_space<vmem>>
      %dma_wait3A_911 = tpu.memref_squeeze %dma_wait3A_910 : memref<1x800x64xf32, #tpu.memory_space<vmem>> -> memref<800x64xf32, #tpu.memory_space<vmem>>
      %dma_wait3A_912 = arith.constant 128 : i32
      %dma_wait3A_913 = arith.constant 0 : i32
      %dma_wait3A_914 = tpu.memref_slice %dma_wait3A_911[%dma_wait3A_912, %dma_wait3A_913] : memref<800x64xf32, #tpu.memory_space<vmem>> -> memref<72x64xf32, #tpu.memory_space<vmem>>
      %dma_wait3A_915 = arith.constant 128 : i32
      %dma_wait3A_916 = tpu.memref_slice %arg5[%dma_wait3A_907, %dma_wait3A_915] : memref<128x200xi32, #tpu.memory_space<vmem>> -> memref<1x72xi32, #tpu.memory_space<vmem>>
      %dma_wait3A_917 = tpu.memref_squeeze %dma_wait3A_916 : memref<1x72xi32, #tpu.memory_space<vmem>> -> memref<72xi32, #tpu.memory_space<vmem>>
      %dma_wait3A_918 = arith.constant 0 : i32
      %dma_wait3A_919 = arith.constant 0 : i32
      %dma_wait3A_920 = tpu.memref_slice %arg2[%dma_wait3A_918, %dma_wait3A_919] : memref<1000000x64xf32, #tpu.memory_space<hbm>> -> memref<1000000x64xf32, #tpu.memory_space<hbm>>
      %dma_wait3A_921 = tpu.memref_slice %arg7[%scan3A_293] : memref<2x!tpu.dma_semaphore, #tpu.memory_space<semaphore_mem>> -> memref<1x!tpu.dma_semaphore, #tpu.memory_space<semaphore_mem>>
      %dma_wait3A_922 = tpu.memref_squeeze %dma_wait3A_921 : memref<1x!tpu.dma_semaphore, #tpu.memory_space<semaphore_mem>> -> memref<!tpu.dma_semaphore, #tpu.memory_space<semaphore_mem>>
      tpu.wait_indirect_dma semaphore(%dma_wait3A_922 : memref<!tpu.dma_semaphore, #tpu.memory_space<semaphore_mem>>) src(%dma_wait3A_920 : memref<1000000x64xf32, #tpu.memory_space<hbm>>) dst(%dma_wait3A_914 : memref<72x64xf32, #tpu.memory_space<vmem>>)
      %dma_wait3A_923 = arith.constant 1 : i32
      %dma_wait3A_924 = arith.constant 0 : i32
      %dma_wait3A_925 = arith.constant 0 : i32
      %dma_wait3A_926 = tpu.memref_slice %arg6[%scan3A_292, %dma_wait3A_924, %dma_wait3A_925] : memref<2x800x64xf32, #tpu.memory_space<vmem>> -> memref<1x800x64xf32, #tpu.memory_space<vmem>>
      %dma_wait3A_927 = tpu.memref_squeeze %dma_wait3A_926 : memref<1x800x64xf32, #tpu.memory_space<vmem>> -> memref<800x64xf32, #tpu.memory_space<vmem>>
      %dma_wait3A_928 = arith.constant 200 : i32
      %dma_wait3A_929 = arith.constant 0 : i32
      %dma_wait3A_930 = tpu.memref_slice %dma_wait3A_927[%dma_wait3A_928, %dma_wait3A_929] : memref<800x64xf32, #tpu.memory_space<vmem>> -> memref<128x64xf32, #tpu.memory_space<vmem>>
      %dma_wait3A_931 = arith.constant 0 : i32
      %dma_wait3A_932 = tpu.memref_slice %arg5[%dma_wait3A_923, %dma_wait3A_931] : memref<128x200xi32, #tpu.memory_space<vmem>> -> memref<1x128xi32, #tpu.memory_space<vmem>>
      %dma_wait3A_933 = tpu.memref_squeeze %dma_wait3A_932 : memref<1x128xi32, #tpu.memory_space<vmem>> -> memref<128xi32, #tpu.memory_space<vmem>>
      %dma_wait3A_934 = arith.constant 0 : i32
      %dma_wait3A_935 = arith.constant 0 : i32
      %dma_wait3A_936 = tpu.memref_slice %arg2[%dma_wait3A_934, %dma_wait3A_935] : memref<1000000x64xf32, #tpu.memory_space<hbm>> -> memref<1000000x64xf32, #tpu.memory_space<hbm>>
      %dma_wait3A_937 = tpu.memref_slice %arg7[%scan3A_293] : memref<2x!tpu.dma_semaphore, #tpu.memory_space<semaphore_mem>> -> memref<1x!tpu.dma_semaphore, #tpu.memory_space<semaphore_mem>>
      %dma_wait3A_938 = tpu.memref_squeeze %dma_wait3A_937 : memref<1x!tpu.dma_semaphore, #tpu.memory_space<semaphore_mem>> -> memref<!tpu.dma_semaphore, #tpu.memory_space<semaphore_mem>>
      tpu.wait_indirect_dma semaphore(%dma_wait3A_938 : memref<!tpu.dma_semaphore, #tpu.memory_space<semaphore_mem>>) src(%dma_wait3A_936 : memref<1000000x64xf32, #tpu.memory_space<hbm>>) dst(%dma_wait3A_930 : memref<128x64xf32, #tpu.memory_space<vmem>>)
      %dma_wait3A_939 = arith.constant 1 : i32
      %dma_wait3A_940 = arith.constant 0 : i32
      %dma_wait3A_941 = arith.constant 0 : i32
      %dma_wait3A_942 = tpu.memref_slice %arg6[%scan3A_292, %dma_wait3A_940, %dma_wait3A_941] : memref<2x800x64xf32, #tpu.memory_space<vmem>> -> memref<1x800x64xf32, #tpu.memory_space<vmem>>
      %dma_wait3A_943 = tpu.memref_squeeze %dma_wait3A_942 : memref<1x800x64xf32, #tpu.memory_space<vmem>> -> memref<800x64xf32, #tpu.memory_space<vmem>>
      %dma_wait3A_944 = arith.constant 328 : i32
      %dma_wait3A_945 = arith.constant 0 : i32
      %dma_wait3A_946 = tpu.memref_slice %dma_wait3A_943[%dma_wait3A_944, %dma_wait3A_945] : memref<800x64xf32, #tpu.memory_space<vmem>> -> memref<72x64xf32, #tpu.memory_space<vmem>>
      %dma_wait3A_947 = arith.constant 128 : i32
      %dma_wait3A_948 = tpu.memref_slice %arg5[%dma_wait3A_939, %dma_wait3A_947] : memref<128x200xi32, #tpu.memory_space<vmem>> -> memref<1x72xi32, #tpu.memory_space<vmem>>
      %dma_wait3A_949 = tpu.memref_squeeze %dma_wait3A_948 : memref<1x72xi32, #tpu.memory_space<vmem>> -> memref<72xi32, #tpu.memory_space<vmem>>
      %dma_wait3A_950 = arith.constant 0 : i32
      %dma_wait3A_951 = arith.constant 0 : i32
      %dma_wait3A_952 = tpu.memref_slice %arg2[%dma_wait3A_950, %dma_wait3A_951] : memref<1000000x64xf32, #tpu.memory_space<hbm>> -> memref<1000000x64xf32, #tpu.memory_space<hbm>>
      %dma_wait3A_953 = tpu.memref_slice %arg7[%scan3A_293] : memref<2x!tpu.dma_semaphore, #tpu.memory_space<semaphore_mem>> -> memref<1x!tpu.dma_semaphore, #tpu.memory_space<semaphore_mem>>
      %dma_wait3A_954 = tpu.memref_squeeze %dma_wait3A_953 : memref<1x!tpu.dma_semaphore, #tpu.memory_space<semaphore_mem>> -> memref<!tpu.dma_semaphore, #tpu.memory_space<semaphore_mem>>
      tpu.wait_indirect_dma semaphore(%dma_wait3A_954 : memref<!tpu.dma_semaphore, #tpu.memory_space<semaphore_mem>>) src(%dma_wait3A_952 : memref<1000000x64xf32, #tpu.memory_space<hbm>>) dst(%dma_wait3A_946 : memref<72x64xf32, #tpu.memory_space<vmem>>)
      %dma_wait3A_955 = arith.constant 2 : i32
      %dma_wait3A_956 = arith.constant 0 : i32
      %dma_wait3A_957 = arith.constant 0 : i32
      %dma_wait3A_958 = tpu.memref_slice %arg6[%scan3A_292, %dma_wait3A_956, %dma_wait3A_957] : memref<2x800x64xf32, #tpu.memory_space<vmem>> -> memref<1x800x64xf32, #tpu.memory_space<vmem>>
      %dma_wait3A_959 = tpu.memref_squeeze %dma_wait3A_958 : memref<1x800x64xf32, #tpu.memory_space<vmem>> -> memref<800x64xf32, #tpu.memory_space<vmem>>
      %dma_wait3A_960 = arith.constant 400 : i32
      %dma_wait3A_961 = arith.constant 0 : i32
      %dma_wait3A_962 = tpu.memref_slice %dma_wait3A_959[%dma_wait3A_960, %dma_wait3A_961] : memref<800x64xf32, #tpu.memory_space<vmem>> -> memref<128x64xf32, #tpu.memory_space<vmem>>
      %dma_wait3A_963 = arith.constant 0 : i32
      %dma_wait3A_964 = tpu.memref_slice %arg5[%dma_wait3A_955, %dma_wait3A_963] : memref<128x200xi32, #tpu.memory_space<vmem>> -> memref<1x128xi32, #tpu.memory_space<vmem>>
      %dma_wait3A_965 = tpu.memref_squeeze %dma_wait3A_964 : memref<1x128xi32, #tpu.memory_space<vmem>> -> memref<128xi32, #tpu.memory_space<vmem>>
      %dma_wait3A_966 = arith.constant 0 : i32
      %dma_wait3A_967 = arith.constant 0 : i32
      %dma_wait3A_968 = tpu.memref_slice %arg2[%dma_wait3A_966, %dma_wait3A_967] : memref<1000000x64xf32, #tpu.memory_space<hbm>> -> memref<1000000x64xf32, #tpu.memory_space<hbm>>
      %dma_wait3A_969 = tpu.memref_slice %arg7[%scan3A_293] : memref<2x!tpu.dma_semaphore, #tpu.memory_space<semaphore_mem>> -> memref<1x!tpu.dma_semaphore, #tpu.memory_space<semaphore_mem>>
      %dma_wait3A_970 = tpu.memref_squeeze %dma_wait3A_969 : memref<1x!tpu.dma_semaphore, #tpu.memory_space<semaphore_mem>> -> memref<!tpu.dma_semaphore, #tpu.memory_space<semaphore_mem>>
      tpu.wait_indirect_dma semaphore(%dma_wait3A_970 : memref<!tpu.dma_semaphore, #tpu.memory_space<semaphore_mem>>) src(%dma_wait3A_968 : memref<1000000x64xf32, #tpu.memory_space<hbm>>) dst(%dma_wait3A_962 : memref<128x64xf32, #tpu.memory_space<vmem>>)
      %dma_wait3A_971 = arith.constant 2 : i32
      %dma_wait3A_972 = arith.constant 0 : i32
      %dma_wait3A_973 = arith.constant 0 : i32
      %dma_wait3A_974 = tpu.memref_slice %arg6[%scan3A_292, %dma_wait3A_972, %dma_wait3A_973] : memref<2x800x64xf32, #tpu.memory_space<vmem>> -> memref<1x800x64xf32, #tpu.memory_space<vmem>>
      %dma_wait3A_975 = tpu.memref_squeeze %dma_wait3A_974 : memref<1x800x64xf32, #tpu.memory_space<vmem>> -> memref<800x64xf32, #tpu.memory_space<vmem>>
      %dma_wait3A_976 = arith.constant 528 : i32
      %dma_wait3A_977 = arith.constant 0 : i32
      %dma_wait3A_978 = tpu.memref_slice %dma_wait3A_975[%dma_wait3A_976, %dma_wait3A_977] : memref<800x64xf32, #tpu.memory_space<vmem>> -> memref<72x64xf32, #tpu.memory_space<vmem>>
      %dma_wait3A_979 = arith.constant 128 : i32
      %dma_wait3A_980 = tpu.memref_slice %arg5[%dma_wait3A_971, %dma_wait3A_979] : memref<128x200xi32, #tpu.memory_space<vmem>> -> memref<1x72xi32, #tpu.memory_space<vmem>>
      %dma_wait3A_981 = tpu.memref_squeeze %dma_wait3A_980 : memref<1x72xi32, #tpu.memory_space<vmem>> -> memref<72xi32, #tpu.memory_space<vmem>>
      %dma_wait3A_982 = arith.constant 0 : i32
      %dma_wait3A_983 = arith.constant 0 : i32
      %dma_wait3A_984 = tpu.memref_slice %arg2[%dma_wait3A_982, %dma_wait3A_983] : memref<1000000x64xf32, #tpu.memory_space<hbm>> -> memref<1000000x64xf32, #tpu.memory_space<hbm>>
      %dma_wait3A_985 = tpu.memref_slice %arg7[%scan3A_293] : memref<2x!tpu.dma_semaphore, #tpu.memory_space<semaphore_mem>> -> memref<1x!tpu.dma_semaphore, #tpu.memory_space<semaphore_mem>>
      %dma_wait3A_986 = tpu.memref_squeeze %dma_wait3A_985 : memref<1x!tpu.dma_semaphore, #tpu.memory_space<semaphore_mem>> -> memref<!tpu.dma_semaphore, #tpu.memory_space<semaphore_mem>>
      tpu.wait_indirect_dma semaphore(%dma_wait3A_986 : memref<!tpu.dma_semaphore, #tpu.memory_space<semaphore_mem>>) src(%dma_wait3A_984 : memref<1000000x64xf32, #tpu.memory_space<hbm>>) dst(%dma_wait3A_978 : memref<72x64xf32, #tpu.memory_space<vmem>>)
      %dma_wait3A_987 = arith.constant 3 : i32
      %dma_wait3A_988 = arith.constant 0 : i32
      %dma_wait3A_989 = arith.constant 0 : i32
      %dma_wait3A_990 = tpu.memref_slice %arg6[%scan3A_292, %dma_wait3A_988, %dma_wait3A_989] : memref<2x800x64xf32, #tpu.memory_space<vmem>> -> memref<1x800x64xf32, #tpu.memory_space<vmem>>
      %dma_wait3A_991 = tpu.memref_squeeze %dma_wait3A_990 : memref<1x800x64xf32, #tpu.memory_space<vmem>> -> memref<800x64xf32, #tpu.memory_space<vmem>>
      %dma_wait3A_992 = arith.constant 600 : i32
      %dma_wait3A_993 = arith.constant 0 : i32
      %dma_wait3A_994 = tpu.memref_slice %dma_wait3A_991[%dma_wait3A_992, %dma_wait3A_993] : memref<800x64xf32, #tpu.memory_space<vmem>> -> memref<128x64xf32, #tpu.memory_space<vmem>>
      %dma_wait3A_995 = arith.constant 0 : i32
      %dma_wait3A_996 = tpu.memref_slice %arg5[%dma_wait3A_987, %dma_wait3A_995] : memref<128x200xi32, #tpu.memory_space<vmem>> -> memref<1x128xi32, #tpu.memory_space<vmem>>
      %dma_wait3A_997 = tpu.memref_squeeze %dma_wait3A_996 : memref<1x128xi32, #tpu.memory_space<vmem>> -> memref<128xi32, #tpu.memory_space<vmem>>
      %dma_wait3A_998 = arith.constant 0 : i32
      %dma_wait3A_999 = arith.constant 0 : i32
      %dma_wait3A_1000 = tpu.memref_slice %arg2[%dma_wait3A_998, %dma_wait3A_999] : memref<1000000x64xf32, #tpu.memory_space<hbm>> -> memref<1000000x64xf32, #tpu.memory_space<hbm>>
      %dma_wait3A_1001 = tpu.memref_slice %arg7[%scan3A_293] : memref<2x!tpu.dma_semaphore, #tpu.memory_space<semaphore_mem>> -> memref<1x!tpu.dma_semaphore, #tpu.memory_space<semaphore_mem>>
      %dma_wait3A_1002 = tpu.memref_squeeze %dma_wait3A_1001 : memref<1x!tpu.dma_semaphore, #tpu.memory_space<semaphore_mem>> -> memref<!tpu.dma_semaphore, #tpu.memory_space<semaphore_mem>>
      tpu.wait_indirect_dma semaphore(%dma_wait3A_1002 : memref<!tpu.dma_semaphore, #tpu.memory_space<semaphore_mem>>) src(%dma_wait3A_1000 : memref<1000000x64xf32, #tpu.memory_space<hbm>>) dst(%dma_wait3A_994 : memref<128x64xf32, #tpu.memory_space<vmem>>)
      %dma_wait3A_1003 = arith.constant 3 : i32
      %dma_wait3A_1004 = arith.constant 0 : i32
      %dma_wait3A_1005 = arith.constant 0 : i32
      %dma_wait3A_1006 = tpu.memref_slice %arg6[%scan3A_292, %dma_wait3A_1004, %dma_wait3A_1005] : memref<2x800x64xf32, #tpu.memory_space<vmem>> -> memref<1x800x64xf32, #tpu.memory_space<vmem>>
      %dma_wait3A_1007 = tpu.memref_squeeze %dma_wait3A_1006 : memref<1x800x64xf32, #tpu.memory_space<vmem>> -> memref<800x64xf32, #tpu.memory_space<vmem>>
      %dma_wait3A_1008 = arith.constant 728 : i32
      %dma_wait3A_1009 = arith.constant 0 : i32
      %dma_wait3A_1010 = tpu.memref_slice %dma_wait3A_1007[%dma_wait3A_1008, %dma_wait3A_1009] : memref<800x64xf32, #tpu.memory_space<vmem>> -> memref<72x64xf32, #tpu.memory_space<vmem>>
      %dma_wait3A_1011 = arith.constant 128 : i32
      %dma_wait3A_1012 = tpu.memref_slice %arg5[%dma_wait3A_1003, %dma_wait3A_1011] : memref<128x200xi32, #tpu.memory_space<vmem>> -> memref<1x72xi32, #tpu.memory_space<vmem>>
      %dma_wait3A_1013 = tpu.memref_squeeze %dma_wait3A_1012 : memref<1x72xi32, #tpu.memory_space<vmem>> -> memref<72xi32, #tpu.memory_space<vmem>>
      %dma_wait3A_1014 = arith.constant 0 : i32
      %dma_wait3A_1015 = arith.constant 0 : i32
      %dma_wait3A_1016 = tpu.memref_slice %arg2[%dma_wait3A_1014, %dma_wait3A_1015] : memref<1000000x64xf32, #tpu.memory_space<hbm>> -> memref<1000000x64xf32, #tpu.memory_space<hbm>>
      %dma_wait3A_1017 = tpu.memref_slice %arg7[%scan3A_293] : memref<2x!tpu.dma_semaphore, #tpu.memory_space<semaphore_mem>> -> memref<1x!tpu.dma_semaphore, #tpu.memory_space<semaphore_mem>>
      %dma_wait3A_1018 = tpu.memref_squeeze %dma_wait3A_1017 : memref<1x!tpu.dma_semaphore, #tpu.memory_space<semaphore_mem>> -> memref<!tpu.dma_semaphore, #tpu.memory_space<semaphore_mem>>
      tpu.wait_indirect_dma semaphore(%dma_wait3A_1018 : memref<!tpu.dma_semaphore, #tpu.memory_space<semaphore_mem>>) src(%dma_wait3A_1016 : memref<1000000x64xf32, #tpu.memory_space<hbm>>) dst(%dma_wait3A_1010 : memref<72x64xf32, #tpu.memory_space<vmem>>)
      %add3A_1019 = arith.constant 1 : i32
      %add3A_1020 = arith.addi %mul3A_611, %add3A_1019 : i32
      %scan3A_1021 = arith.constant 0 : i32
      %scan3A_1022 = arith.constant 0 : i32
      %scan3A_1023 = arith.constant 100 : i32
      %scan3A_1024 = arith.addi %scan3A_1022, %scan3A_1023 : i32
      %scan3A_1025 = arith.constant 1 : i32
      scf.for %scan3A_1172 = %scan3A_1022 to %scan3A_1024 step %scan3A_1025  : i32 {
        %mul3A_1173 = arith.constant 8 : i32
        %mul3A_1174 = arith.muli %scan3A_1172, %mul3A_1173 : i32
        %add3A_1175 = arith.constant 0 : i32
        %add3A_1176 = arith.addi %mul3A_1174, %add3A_1175 : i32
        %get3A = arith.constant 0 : i32
        %get3A_1177 = arith.constant 0 : i32
        %get3A_1178 = tpu.memref_slice %arg6[%scan3A_292, %get3A, %get3A_1177] : memref<2x800x64xf32, #tpu.memory_space<vmem>> -> memref<1x800x64xf32, #tpu.memory_space<vmem>>
        %get3A_1179 = tpu.memref_squeeze %get3A_1178 : memref<1x800x64xf32, #tpu.memory_space<vmem>> -> memref<800x64xf32, #tpu.memory_space<vmem>>
        %get3A_1180 = arith.index_cast %add3A_1176 : i32 to index
        %get3A_1181 = arith.constant 0 : index
        %get3A_1182 = tpu.vector_load %get3A_1179[%get3A_1180, %get3A_1181] {strides = array<i32>} : memref<800x64xf32, #tpu.memory_space<vmem>>, vector<16xf32>,
        %mul3A_1183 = arith.constant 8.000000e+00 : f32
        %mul3A_1184 = vector.broadcast %mul3A_1183 : f32 to vector<16xf32>
        %mul3A_1185 = arith.mulf %get3A_1182, %mul3A_1184 : vector<16xf32>
        %add3A_1186 = arith.constant 0 : i32
        %add3A_1187 = arith.addi %mul3A_1174, %add3A_1186 : i32
        %swap3A = arith.constant 0 : i32
        %swap3A_1188 = arith.constant 0 : i32
        %swap3A_1189 = tpu.memref_slice %arg6[%scan3A_292, %swap3A, %swap3A_1188] : memref<2x800x64xf32, #tpu.memory_space<vmem>> -> memref<1x800x64xf32, #tpu.memory_space<vmem>>
        %swap3A_1190 = tpu.memref_squeeze %swap3A_1189 : memref<1x800x64xf32, #tpu.memory_space<vmem>> -> memref<800x64xf32, #tpu.memory_space<vmem>>
        %swap3A_1191 = arith.index_cast %add3A_1187 : i32 to index
        %swap3A_1192 = arith.constant 0 : index
        %swap3A_1193 = tpu.vector_load %swap3A_1190[%swap3A_1191, %swap3A_1192] {strides = array<i32>} : memref<800x64xf32, #tpu.memory_space<vmem>>, vector<16xf32>,
        tpu.vector_store %swap3A_1190[%swap3A_1191, %swap3A_1192], %mul3A_1185 {strides = array<i32>} : memref<800x64xf32, #tpu.memory_space<vmem>>, vector<16xf32>,
        %add3A_1194 = arith.constant 0 : i32
        %add3A_1195 = arith.addi %mul3A_1174, %add3A_1194 : i32
        %get3A_1196 = arith.constant 0 : i32
        %get3A_1197 = arith.constant 0 : i32
        %get3A_1198 = tpu.memref_slice %arg6[%scan3A_292, %get3A_1196, %get3A_1197] : memref<2x800x64xf32, #tpu.memory_space<vmem>> -> memref<1x800x64xf32, #tpu.memory_space<vmem>>
        %get3A_1199 = tpu.memref_squeeze %get3A_1198 : memref<1x800x64xf32, #tpu.memory_space<vmem>> -> memref<800x64xf32, #tpu.memory_space<vmem>>
        %get3A_1200 = arith.index_cast %add3A_1195 : i32 to index
        %get3A_1201 = arith.constant 16 : index
        %get3A_1202 = tpu.vector_load %get3A_1199[%get3A_1200, %get3A_1201] {strides = array<i32>} : memref<800x64xf32, #tpu.memory_space<vmem>>, vector<16xf32>,
        %mul3A_1203 = arith.constant 8.000000e+00 : f32
        %mul3A_1204 = vector.broadcast %mul3A_1203 : f32 to vector<16xf32>
        %mul3A_1205 = arith.mulf %get3A_1202, %mul3A_1204 : vector<16xf32>
        %add3A_1206 = arith.constant 0 : i32
        %add3A_1207 = arith.addi %mul3A_1174, %add3A_1206 : i32
        %swap3A_1208 = arith.constant 0 : i32
        %swap3A_1209 = arith.constant 0 : i32
        %swap3A_1210 = tpu.memref_slice %arg6[%scan3A_292, %swap3A_1208, %swap3A_1209] : memref<2x800x64xf32, #tpu.memory_space<vmem>> -> memref<1x800x64xf32, #tpu.memory_space<vmem>>
        %swap3A_1211 = tpu.memref_squeeze %swap3A_1210 : memref<1x800x64xf32, #tpu.memory_space<vmem>> -> memref<800x64xf32, #tpu.memory_space<vmem>>
        %swap3A_1212 = arith.index_cast %add3A_1207 : i32 to index
        %swap3A_1213 = arith.constant 16 : index
        %swap3A_1214 = tpu.vector_load %swap3A_1211[%swap3A_1212, %swap3A_1213] {strides = array<i32>} : memref<800x64xf32, #tpu.memory_space<vmem>>, vector<16xf32>,
        tpu.vector_store %swap3A_1211[%swap3A_1212, %swap3A_1213], %mul3A_1205 {strides = array<i32>} : memref<800x64xf32, #tpu.memory_space<vmem>>, vector<16xf32>,
        %add3A_1215 = arith.constant 0 : i32
        %add3A_1216 = arith.addi %mul3A_1174, %add3A_1215 : i32
        %get3A_1217 = arith.constant 0 : i32
        %get3A_1218 = arith.constant 0 : i32
        %get3A_1219 = tpu.memref_slice %arg6[%scan3A_292, %get3A_1217, %get3A_1218] : memref<2x800x64xf32, #tpu.memory_space<vmem>> -> memref<1x800x64xf32, #tpu.memory_space<vmem>>
        %get3A_1220 = tpu.memref_squeeze %get3A_1219 : memref<1x800x64xf32, #tpu.memory_space<vmem>> -> memref<800x64xf32, #tpu.memory_space<vmem>>
        %get3A_1221 = arith.index_cast %add3A_1216 : i32 to index
        %get3A_1222 = arith.constant 32 : index
        %get3A_1223 = tpu.vector_load %get3A_1220[%get3A_1221, %get3A_1222] {strides = array<i32>} : memref<800x64xf32, #tpu.memory_space<vmem>>, vector<16xf32>,
        %mul3A_1224 = arith.constant 8.000000e+00 : f32
        %mul3A_1225 = vector.broadcast %mul3A_1224 : f32 to vector<16xf32>
        %mul3A_1226 = arith.mulf %get3A_1223, %mul3A_1225 : vector<16xf32>
        %add3A_1227 = arith.constant 0 : i32
        %add3A_1228 = arith.addi %mul3A_1174, %add3A_1227 : i32
        %swap3A_1229 = arith.constant 0 : i32
        %swap3A_1230 = arith.constant 0 : i32
        %swap3A_1231 = tpu.memref_slice %arg6[%scan3A_292, %swap3A_1229, %swap3A_1230] : memref<2x800x64xf32, #tpu.memory_space<vmem>> -> memref<1x800x64xf32, #tpu.memory_space<vmem>>
        %swap3A_1232 = tpu.memref_squeeze %swap3A_1231 : memref<1x800x64xf32, #tpu.memory_space<vmem>> -> memref<800x64xf32, #tpu.memory_space<vmem>>
        %swap3A_1233 = arith.index_cast %add3A_1228 : i32 to index
        %swap3A_1234 = arith.constant 32 : index
        %swap3A_1235 = tpu.vector_load %swap3A_1232[%swap3A_1233, %swap3A_1234] {strides = array<i32>} : memref<800x64xf32, #tpu.memory_space<vmem>>, vector<16xf32>,
        tpu.vector_store %swap3A_1232[%swap3A_1233, %swap3A_1234], %mul3A_1226 {strides = array<i32>} : memref<800x64xf32, #tpu.memory_space<vmem>>, vector<16xf32>,
        %add3A_1236 = arith.constant 0 : i32
        %add3A_1237 = arith.addi %mul3A_1174, %add3A_1236 : i32
        %get3A_1238 = arith.constant 0 : i32
        %get3A_1239 = arith.constant 0 : i32
        %get3A_1240 = tpu.memref_slice %arg6[%scan3A_292, %get3A_1238, %get3A_1239] : memref<2x800x64xf32, #tpu.memory_space<vmem>> -> memref<1x800x64xf32, #tpu.memory_space<vmem>>
        %get3A_1241 = tpu.memref_squeeze %get3A_1240 : memref<1x800x64xf32, #tpu.memory_space<vmem>> -> memref<800x64xf32, #tpu.memory_space<vmem>>
        %get3A_1242 = arith.index_cast %add3A_1237 : i32 to index
        %get3A_1243 = arith.constant 48 : index
        %get3A_1244 = tpu.vector_load %get3A_1241[%get3A_1242, %get3A_1243] {strides = array<i32>} : memref<800x64xf32, #tpu.memory_space<vmem>>, vector<16xf32>,
        %mul3A_1245 = arith.constant 8.000000e+00 : f32
        %mul3A_1246 = vector.broadcast %mul3A_1245 : f32 to vector<16xf32>
        %mul3A_1247 = arith.mulf %get3A_1244, %mul3A_1246 : vector<16xf32>
        %add3A_1248 = arith.constant 0 : i32
        %add3A_1249 = arith.addi %mul3A_1174, %add3A_1248 : i32
        %swap3A_1250 = arith.constant 0 : i32
        %swap3A_1251 = arith.constant 0 : i32
        %swap3A_1252 = tpu.memref_slice %arg6[%scan3A_292, %swap3A_1250, %swap3A_1251] : memref<2x800x64xf32, #tpu.memory_space<vmem>> -> memref<1x800x64xf32, #tpu.memory_space<vmem>>
        %swap3A_1253 = tpu.memref_squeeze %swap3A_1252 : memref<1x800x64xf32, #tpu.memory_space<vmem>> -> memref<800x64xf32, #tpu.memory_space<vmem>>
        %swap3A_1254 = arith.index_cast %add3A_1249 : i32 to index
        %swap3A_1255 = arith.constant 48 : index
        %swap3A_1256 = tpu.vector_load %swap3A_1253[%swap3A_1254, %swap3A_1255] {strides = array<i32>} : memref<800x64xf32, #tpu.memory_space<vmem>>, vector<16xf32>,
        tpu.vector_store %swap3A_1253[%swap3A_1254, %swap3A_1255], %mul3A_1247 {strides = array<i32>} : memref<800x64xf32, #tpu.memory_space<vmem>>, vector<16xf32>,
        %add3A_1257 = arith.constant 1 : i32
        %add3A_1258 = arith.addi %mul3A_1174, %add3A_1257 : i32
        %get3A_1259 = arith.constant 0 : i32
        %get3A_1260 = arith.constant 0 : i32
        %get3A_1261 = tpu.memref_slice %arg6[%scan3A_292, %get3A_1259, %get3A_1260] : memref<2x800x64xf32, #tpu.memory_space<vmem>> -> memref<1x800x64xf32, #tpu.memory_space<vmem>>
        %get3A_1262 = tpu.memref_squeeze %get3A_1261 : memref<1x800x64xf32, #tpu.memory_space<vmem>> -> memref<800x64xf32, #tpu.memory_space<vmem>>
        %get3A_1263 = arith.index_cast %add3A_1258 : i32 to index
        %get3A_1264 = arith.constant 0 : index
        %get3A_1265 = tpu.vector_load %get3A_1262[%get3A_1263, %get3A_1264] {strides = array<i32>} : memref<800x64xf32, #tpu.memory_space<vmem>>, vector<16xf32>,
        %mul3A_1266 = arith.constant 8.000000e+00 : f32
        %mul3A_1267 = vector.broadcast %mul3A_1266 : f32 to vector<16xf32>
        %mul3A_1268 = arith.mulf %get3A_1265, %mul3A_1267 : vector<16xf32>
        %add3A_1269 = arith.constant 1 : i32
        %add3A_1270 = arith.addi %mul3A_1174, %add3A_1269 : i32
        %swap3A_1271 = arith.constant 0 : i32
        %swap3A_1272 = arith.constant 0 : i32
        %swap3A_1273 = tpu.memref_slice %arg6[%scan3A_292, %swap3A_1271, %swap3A_1272] : memref<2x800x64xf32, #tpu.memory_space<vmem>> -> memref<1x800x64xf32, #tpu.memory_space<vmem>>
        %swap3A_1274 = tpu.memref_squeeze %swap3A_1273 : memref<1x800x64xf32, #tpu.memory_space<vmem>> -> memref<800x64xf32, #tpu.memory_space<vmem>>
        %swap3A_1275 = arith.index_cast %add3A_1270 : i32 to index
        %swap3A_1276 = arith.constant 0 : index
        %swap3A_1277 = tpu.vector_load %swap3A_1274[%swap3A_1275, %swap3A_1276] {strides = array<i32>} : memref<800x64xf32, #tpu.memory_space<vmem>>, vector<16xf32>,
        tpu.vector_store %swap3A_1274[%swap3A_1275, %swap3A_1276], %mul3A_1268 {strides = array<i32>} : memref<800x64xf32, #tpu.memory_space<vmem>>, vector<16xf32>,
        %add3A_1278 = arith.constant 1 : i32
        %add3A_1279 = arith.addi %mul3A_1174, %add3A_1278 : i32
        %get3A_1280 = arith.constant 0 : i32
        %get3A_1281 = arith.constant 0 : i32
        %get3A_1282 = tpu.memref_slice %arg6[%scan3A_292, %get3A_1280, %get3A_1281] : memref<2x800x64xf32, #tpu.memory_space<vmem>> -> memref<1x800x64xf32, #tpu.memory_space<vmem>>
        %get3A_1283 = tpu.memref_squeeze %get3A_1282 : memref<1x800x64xf32, #tpu.memory_space<vmem>> -> memref<800x64xf32, #tpu.memory_space<vmem>>
        %get3A_1284 = arith.index_cast %add3A_1279 : i32 to index
        %get3A_1285 = arith.constant 16 : index
        %get3A_1286 = tpu.vector_load %get3A_1283[%get3A_1284, %get3A_1285] {strides = array<i32>} : memref<800x64xf32, #tpu.memory_space<vmem>>, vector<16xf32>,
        %mul3A_1287 = arith.constant 8.000000e+00 : f32
        %mul3A_1288 = vector.broadcast %mul3A_1287 : f32 to vector<16xf32>
        %mul3A_1289 = arith.mulf %get3A_1286, %mul3A_1288 : vector<16xf32>
        %add3A_1290 = arith.constant 1 : i32
        %add3A_1291 = arith.addi %mul3A_1174, %add3A_1290 : i32
        %swap3A_1292 = arith.constant 0 : i32
        %swap3A_1293 = arith.constant 0 : i32
        %swap3A_1294 = tpu.memref_slice %arg6[%scan3A_292, %swap3A_1292, %swap3A_1293] : memref<2x800x64xf32, #tpu.memory_space<vmem>> -> memref<1x800x64xf32, #tpu.memory_space<vmem>>
        %swap3A_1295 = tpu.memref_squeeze %swap3A_1294 : memref<1x800x64xf32, #tpu.memory_space<vmem>> -> memref<800x64xf32, #tpu.memory_space<vmem>>
        %swap3A_1296 = arith.index_cast %add3A_1291 : i32 to index
        %swap3A_1297 = arith.constant 16 : index
        %swap3A_1298 = tpu.vector_load %swap3A_1295[%swap3A_1296, %swap3A_1297] {strides = array<i32>} : memref<800x64xf32, #tpu.memory_space<vmem>>, vector<16xf32>,
        tpu.vector_store %swap3A_1295[%swap3A_1296, %swap3A_1297], %mul3A_1289 {strides = array<i32>} : memref<800x64xf32, #tpu.memory_space<vmem>>, vector<16xf32>,
        %add3A_1299 = arith.constant 1 : i32
        %add3A_1300 = arith.addi %mul3A_1174, %add3A_1299 : i32
        %get3A_1301 = arith.constant 0 : i32
        %get3A_1302 = arith.constant 0 : i32
        %get3A_1303 = tpu.memref_slice %arg6[%scan3A_292, %get3A_1301, %get3A_1302] : memref<2x800x64xf32, #tpu.memory_space<vmem>> -> memref<1x800x64xf32, #tpu.memory_space<vmem>>
        %get3A_1304 = tpu.memref_squeeze %get3A_1303 : memref<1x800x64xf32, #tpu.memory_space<vmem>> -> memref<800x64xf32, #tpu.memory_space<vmem>>
        %get3A_1305 = arith.index_cast %add3A_1300 : i32 to index
        %get3A_1306 = arith.constant 32 : index
        %get3A_1307 = tpu.vector_load %get3A_1304[%get3A_1305, %get3A_1306] {strides = array<i32>} : memref<800x64xf32, #tpu.memory_space<vmem>>, vector<16xf32>,
        %mul3A_1308 = arith.constant 8.000000e+00 : f32
        %mul3A_1309 = vector.broadcast %mul3A_1308 : f32 to vector<16xf32>
        %mul3A_1310 = arith.mulf %get3A_1307, %mul3A_1309 : vector<16xf32>
        %add3A_1311 = arith.constant 1 : i32
        %add3A_1312 = arith.addi %mul3A_1174, %add3A_1311 : i32
        %swap3A_1313 = arith.constant 0 : i32
        %swap3A_1314 = arith.constant 0 : i32
        %swap3A_1315 = tpu.memref_slice %arg6[%scan3A_292, %swap3A_1313, %swap3A_1314] : memref<2x800x64xf32, #tpu.memory_space<vmem>> -> memref<1x800x64xf32, #tpu.memory_space<vmem>>
        %swap3A_1316 = tpu.memref_squeeze %swap3A_1315 : memref<1x800x64xf32, #tpu.memory_space<vmem>> -> memref<800x64xf32, #tpu.memory_space<vmem>>
        %swap3A_1317 = arith.index_cast %add3A_1312 : i32 to index
        %swap3A_1318 = arith.constant 32 : index
        %swap3A_1319 = tpu.vector_load %swap3A_1316[%swap3A_1317, %swap3A_1318] {strides = array<i32>} : memref<800x64xf32, #tpu.memory_space<vmem>>, vector<16xf32>,
        tpu.vector_store %swap3A_1316[%swap3A_1317, %swap3A_1318], %mul3A_1310 {strides = array<i32>} : memref<800x64xf32, #tpu.memory_space<vmem>>, vector<16xf32>,
        %add3A_1320 = arith.constant 1 : i32
        %add3A_1321 = arith.addi %mul3A_1174, %add3A_1320 : i32
        %get3A_1322 = arith.constant 0 : i32
        %get3A_1323 = arith.constant 0 : i32
        %get3A_1324 = tpu.memref_slice %arg6[%scan3A_292, %get3A_1322, %get3A_1323] : memref<2x800x64xf32, #tpu.memory_space<vmem>> -> memref<1x800x64xf32, #tpu.memory_space<vmem>>
        %get3A_1325 = tpu.memref_squeeze %get3A_1324 : memref<1x800x64xf32, #tpu.memory_space<vmem>> -> memref<800x64xf32, #tpu.memory_space<vmem>>
        %get3A_1326 = arith.index_cast %add3A_1321 : i32 to index
        %get3A_1327 = arith.constant 48 : index
        %get3A_1328 = tpu.vector_load %get3A_1325[%get3A_1326, %get3A_1327] {strides = array<i32>} : memref<800x64xf32, #tpu.memory_space<vmem>>, vector<16xf32>,
        %mul3A_1329 = arith.constant 8.000000e+00 : f32
        %mul3A_1330 = vector.broadcast %mul3A_1329 : f32 to vector<16xf32>
        %mul3A_1331 = arith.mulf %get3A_1328, %mul3A_1330 : vector<16xf32>
        %add3A_1332 = arith.constant 1 : i32
        %add3A_1333 = arith.addi %mul3A_1174, %add3A_1332 : i32
        %swap3A_1334 = arith.constant 0 : i32
        %swap3A_1335 = arith.constant 0 : i32
        %swap3A_1336 = tpu.memref_slice %arg6[%scan3A_292, %swap3A_1334, %swap3A_1335] : memref<2x800x64xf32, #tpu.memory_space<vmem>> -> memref<1x800x64xf32, #tpu.memory_space<vmem>>
        %swap3A_1337 = tpu.memref_squeeze %swap3A_1336 : memref<1x800x64xf32, #tpu.memory_space<vmem>> -> memref<800x64xf32, #tpu.memory_space<vmem>>
        %swap3A_1338 = arith.index_cast %add3A_1333 : i32 to index
        %swap3A_1339 = arith.constant 48 : index
        %swap3A_1340 = tpu.vector_load %swap3A_1337[%swap3A_1338, %swap3A_1339] {strides = array<i32>} : memref<800x64xf32, #tpu.memory_space<vmem>>, vector<16xf32>,
        tpu.vector_store %swap3A_1337[%swap3A_1338, %swap3A_1339], %mul3A_1331 {strides = array<i32>} : memref<800x64xf32, #tpu.memory_space<vmem>>, vector<16xf32>,
        %add3A_1341 = arith.constant 2 : i32
        %add3A_1342 = arith.addi %mul3A_1174, %add3A_1341 : i32
        %get3A_1343 = arith.constant 0 : i32
        %get3A_1344 = arith.constant 0 : i32
        %get3A_1345 = tpu.memref_slice %arg6[%scan3A_292, %get3A_1343, %get3A_1344] : memref<2x800x64xf32, #tpu.memory_space<vmem>> -> memref<1x800x64xf32, #tpu.memory_space<vmem>>
        %get3A_1346 = tpu.memref_squeeze %get3A_1345 : memref<1x800x64xf32, #tpu.memory_space<vmem>> -> memref<800x64xf32, #tpu.memory_space<vmem>>
        %get3A_1347 = arith.index_cast %add3A_1342 : i32 to index
        %get3A_1348 = arith.constant 0 : index
        %get3A_1349 = tpu.vector_load %get3A_1346[%get3A_1347, %get3A_1348] {strides = array<i32>} : memref<800x64xf32, #tpu.memory_space<vmem>>, vector<16xf32>,
        %mul3A_1350 = arith.constant 8.000000e+00 : f32
        %mul3A_1351 = vector.broadcast %mul3A_1350 : f32 to vector<16xf32>
        %mul3A_1352 = arith.mulf %get3A_1349, %mul3A_1351 : vector<16xf32>
        %add3A_1353 = arith.constant 2 : i32
        %add3A_1354 = arith.addi %mul3A_1174, %add3A_1353 : i32
        %swap3A_1355 = arith.constant 0 : i32
        %swap3A_1356 = arith.constant 0 : i32
        %swap3A_1357 = tpu.memref_slice %arg6[%scan3A_292, %swap3A_1355, %swap3A_1356] : memref<2x800x64xf32, #tpu.memory_space<vmem>> -> memref<1x800x64xf32, #tpu.memory_space<vmem>>
        %swap3A_1358 = tpu.memref_squeeze %swap3A_1357 : memref<1x800x64xf32, #tpu.memory_space<vmem>> -> memref<800x64xf32, #tpu.memory_space<vmem>>
        %swap3A_1359 = arith.index_cast %add3A_1354 : i32 to index
        %swap3A_1360 = arith.constant 0 : index
        %swap3A_1361 = tpu.vector_load %swap3A_1358[%swap3A_1359, %swap3A_1360] {strides = array<i32>} : memref<800x64xf32, #tpu.memory_space<vmem>>, vector<16xf32>,
        tpu.vector_store %swap3A_1358[%swap3A_1359, %swap3A_1360], %mul3A_1352 {strides = array<i32>} : memref<800x64xf32, #tpu.memory_space<vmem>>, vector<16xf32>,
        %add3A_1362 = arith.constant 2 : i32
        %add3A_1363 = arith.addi %mul3A_1174, %add3A_1362 : i32
        %get3A_1364 = arith.constant 0 : i32
        %get3A_1365 = arith.constant 0 : i32
        %get3A_1366 = tpu.memref_slice %arg6[%scan3A_292, %get3A_1364, %get3A_1365] : memref<2x800x64xf32, #tpu.memory_space<vmem>> -> memref<1x800x64xf32, #tpu.memory_space<vmem>>
        %get3A_1367 = tpu.memref_squeeze %get3A_1366 : memref<1x800x64xf32, #tpu.memory_space<vmem>> -> memref<800x64xf32, #tpu.memory_space<vmem>>
        %get3A_1368 = arith.index_cast %add3A_1363 : i32 to index
        %get3A_1369 = arith.constant 16 : index
        %get3A_1370 = tpu.vector_load %get3A_1367[%get3A_1368, %get3A_1369] {strides = array<i32>} : memref<800x64xf32, #tpu.memory_space<vmem>>, vector<16xf32>,
        %mul3A_1371 = arith.constant 8.000000e+00 : f32
        %mul3A_1372 = vector.broadcast %mul3A_1371 : f32 to vector<16xf32>
        %mul3A_1373 = arith.mulf %get3A_1370, %mul3A_1372 : vector<16xf32>
        %add3A_1374 = arith.constant 2 : i32
        %add3A_1375 = arith.addi %mul3A_1174, %add3A_1374 : i32
        %swap3A_1376 = arith.constant 0 : i32
        %swap3A_1377 = arith.constant 0 : i32
        %swap3A_1378 = tpu.memref_slice %arg6[%scan3A_292, %swap3A_1376, %swap3A_1377] : memref<2x800x64xf32, #tpu.memory_space<vmem>> -> memref<1x800x64xf32, #tpu.memory_space<vmem>>
        %swap3A_1379 = tpu.memref_squeeze %swap3A_1378 : memref<1x800x64xf32, #tpu.memory_space<vmem>> -> memref<800x64xf32, #tpu.memory_space<vmem>>
        %swap3A_1380 = arith.index_cast %add3A_1375 : i32 to index
        %swap3A_1381 = arith.constant 16 : index
        %swap3A_1382 = tpu.vector_load %swap3A_1379[%swap3A_1380, %swap3A_1381] {strides = array<i32>} : memref<800x64xf32, #tpu.memory_space<vmem>>, vector<16xf32>,
        tpu.vector_store %swap3A_1379[%swap3A_1380, %swap3A_1381], %mul3A_1373 {strides = array<i32>} : memref<800x64xf32, #tpu.memory_space<vmem>>, vector<16xf32>,
        %add3A_1383 = arith.constant 2 : i32
        %add3A_1384 = arith.addi %mul3A_1174, %add3A_1383 : i32
        %get3A_1385 = arith.constant 0 : i32
        %get3A_1386 = arith.constant 0 : i32
        %get3A_1387 = tpu.memref_slice %arg6[%scan3A_292, %get3A_1385, %get3A_1386] : memref<2x800x64xf32, #tpu.memory_space<vmem>> -> memref<1x800x64xf32, #tpu.memory_space<vmem>>
        %get3A_1388 = tpu.memref_squeeze %get3A_1387 : memref<1x800x64xf32, #tpu.memory_space<vmem>> -> memref<800x64xf32, #tpu.memory_space<vmem>>
        %get3A_1389 = arith.index_cast %add3A_1384 : i32 to index
        %get3A_1390 = arith.constant 32 : index
        %get3A_1391 = tpu.vector_load %get3A_1388[%get3A_1389, %get3A_1390] {strides = array<i32>} : memref<800x64xf32, #tpu.memory_space<vmem>>, vector<16xf32>,
        %mul3A_1392 = arith.constant 8.000000e+00 : f32
        %mul3A_1393 = vector.broadcast %mul3A_1392 : f32 to vector<16xf32>
        %mul3A_1394 = arith.mulf %get3A_1391, %mul3A_1393 : vector<16xf32>
        %add3A_1395 = arith.constant 2 : i32
        %add3A_1396 = arith.addi %mul3A_1174, %add3A_1395 : i32
        %swap3A_1397 = arith.constant 0 : i32
        %swap3A_1398 = arith.constant 0 : i32
        %swap3A_1399 = tpu.memref_slice %arg6[%scan3A_292, %swap3A_1397, %swap3A_1398] : memref<2x800x64xf32, #tpu.memory_space<vmem>> -> memref<1x800x64xf32, #tpu.memory_space<vmem>>
        %swap3A_1400 = tpu.memref_squeeze %swap3A_1399 : memref<1x800x64xf32, #tpu.memory_space<vmem>> -> memref<800x64xf32, #tpu.memory_space<vmem>>
        %swap3A_1401 = arith.index_cast %add3A_1396 : i32 to index
        %swap3A_1402 = arith.constant 32 : index
        %swap3A_1403 = tpu.vector_load %swap3A_1400[%swap3A_1401, %swap3A_1402] {strides = array<i32>} : memref<800x64xf32, #tpu.memory_space<vmem>>, vector<16xf32>,
        tpu.vector_store %swap3A_1400[%swap3A_1401, %swap3A_1402], %mul3A_1394 {strides = array<i32>} : memref<800x64xf32, #tpu.memory_space<vmem>>, vector<16xf32>,
        %add3A_1404 = arith.constant 2 : i32
        %add3A_1405 = arith.addi %mul3A_1174, %add3A_1404 : i32
        %get3A_1406 = arith.constant 0 : i32
        %get3A_1407 = arith.constant 0 : i32
        %get3A_1408 = tpu.memref_slice %arg6[%scan3A_292, %get3A_1406, %get3A_1407] : memref<2x800x64xf32, #tpu.memory_space<vmem>> -> memref<1x800x64xf32, #tpu.memory_space<vmem>>
        %get3A_1409 = tpu.memref_squeeze %get3A_1408 : memref<1x800x64xf32, #tpu.memory_space<vmem>> -> memref<800x64xf32, #tpu.memory_space<vmem>>
        %get3A_1410 = arith.index_cast %add3A_1405 : i32 to index
        %get3A_1411 = arith.constant 48 : index
        %get3A_1412 = tpu.vector_load %get3A_1409[%get3A_1410, %get3A_1411] {strides = array<i32>} : memref<800x64xf32, #tpu.memory_space<vmem>>, vector<16xf32>,
        %mul3A_1413 = arith.constant 8.000000e+00 : f32
        %mul3A_1414 = vector.broadcast %mul3A_1413 : f32 to vector<16xf32>
        %mul3A_1415 = arith.mulf %get3A_1412, %mul3A_1414 : vector<16xf32>
        %add3A_1416 = arith.constant 2 : i32
        %add3A_1417 = arith.addi %mul3A_1174, %add3A_1416 : i32
        %swap3A_1418 = arith.constant 0 : i32
        %swap3A_1419 = arith.constant 0 : i32
        %swap3A_1420 = tpu.memref_slice %arg6[%scan3A_292, %swap3A_1418, %swap3A_1419] : memref<2x800x64xf32, #tpu.memory_space<vmem>> -> memref<1x800x64xf32, #tpu.memory_space<vmem>>
        %swap3A_1421 = tpu.memref_squeeze %swap3A_1420 : memref<1x800x64xf32, #tpu.memory_space<vmem>> -> memref<800x64xf32, #tpu.memory_space<vmem>>
        %swap3A_1422 = arith.index_cast %add3A_1417 : i32 to index
        %swap3A_1423 = arith.constant 48 : index
        %swap3A_1424 = tpu.vector_load %swap3A_1421[%swap3A_1422, %swap3A_1423] {strides = array<i32>} : memref<800x64xf32, #tpu.memory_space<vmem>>, vector<16xf32>,
        tpu.vector_store %swap3A_1421[%swap3A_1422, %swap3A_1423], %mul3A_1415 {strides = array<i32>} : memref<800x64xf32, #tpu.memory_space<vmem>>, vector<16xf32>,
        %add3A_1425 = arith.constant 3 : i32
        %add3A_1426 = arith.addi %mul3A_1174, %add3A_1425 : i32
        %get3A_1427 = arith.constant 0 : i32
        %get3A_1428 = arith.constant 0 : i32
        %get3A_1429 = tpu.memref_slice %arg6[%scan3A_292, %get3A_1427, %get3A_1428] : memref<2x800x64xf32, #tpu.memory_space<vmem>> -> memref<1x800x64xf32, #tpu.memory_space<vmem>>
        %get3A_1430 = tpu.memref_squeeze %get3A_1429 : memref<1x800x64xf32, #tpu.memory_space<vmem>> -> memref<800x64xf32, #tpu.memory_space<vmem>>
        %get3A_1431 = arith.index_cast %add3A_1426 : i32 to index
        %get3A_1432 = arith.constant 0 : index
        %get3A_1433 = tpu.vector_load %get3A_1430[%get3A_1431, %get3A_1432] {strides = array<i32>} : memref<800x64xf32, #tpu.memory_space<vmem>>, vector<16xf32>,
        %mul3A_1434 = arith.constant 8.000000e+00 : f32
        %mul3A_1435 = vector.broadcast %mul3A_1434 : f32 to vector<16xf32>
        %mul3A_1436 = arith.mulf %get3A_1433, %mul3A_1435 : vector<16xf32>
        %add3A_1437 = arith.constant 3 : i32
        %add3A_1438 = arith.addi %mul3A_1174, %add3A_1437 : i32
        %swap3A_1439 = arith.constant 0 : i32
        %swap3A_1440 = arith.constant 0 : i32
        %swap3A_1441 = tpu.memref_slice %arg6[%scan3A_292, %swap3A_1439, %swap3A_1440] : memref<2x800x64xf32, #tpu.memory_space<vmem>> -> memref<1x800x64xf32, #tpu.memory_space<vmem>>
        %swap3A_1442 = tpu.memref_squeeze %swap3A_1441 : memref<1x800x64xf32, #tpu.memory_space<vmem>> -> memref<800x64xf32, #tpu.memory_space<vmem>>
        %swap3A_1443 = arith.index_cast %add3A_1438 : i32 to index
        %swap3A_1444 = arith.constant 0 : index
        %swap3A_1445 = tpu.vector_load %swap3A_1442[%swap3A_1443, %swap3A_1444] {strides = array<i32>} : memref<800x64xf32, #tpu.memory_space<vmem>>, vector<16xf32>,
        tpu.vector_store %swap3A_1442[%swap3A_1443, %swap3A_1444], %mul3A_1436 {strides = array<i32>} : memref<800x64xf32, #tpu.memory_space<vmem>>, vector<16xf32>,
        %add3A_1446 = arith.constant 3 : i32
        %add3A_1447 = arith.addi %mul3A_1174, %add3A_1446 : i32
        %get3A_1448 = arith.constant 0 : i32
        %get3A_1449 = arith.constant 0 : i32
        %get3A_1450 = tpu.memref_slice %arg6[%scan3A_292, %get3A_1448, %get3A_1449] : memref<2x800x64xf32, #tpu.memory_space<vmem>> -> memref<1x800x64xf32, #tpu.memory_space<vmem>>
        %get3A_1451 = tpu.memref_squeeze %get3A_1450 : memref<1x800x64xf32, #tpu.memory_space<vmem>> -> memref<800x64xf32, #tpu.memory_space<vmem>>
        %get3A_1452 = arith.index_cast %add3A_1447 : i32 to index
        %get3A_1453 = arith.constant 16 : index
        %get3A_1454 = tpu.vector_load %get3A_1451[%get3A_1452, %get3A_1453] {strides = array<i32>} : memref<800x64xf32, #tpu.memory_space<vmem>>, vector<16xf32>,
        %mul3A_1455 = arith.constant 8.000000e+00 : f32
        %mul3A_1456 = vector.broadcast %mul3A_1455 : f32 to vector<16xf32>
        %mul3A_1457 = arith.mulf %get3A_1454, %mul3A_1456 : vector<16xf32>
        %add3A_1458 = arith.constant 3 : i32
        %add3A_1459 = arith.addi %mul3A_1174, %add3A_1458 : i32
        %swap3A_1460 = arith.constant 0 : i32
        %swap3A_1461 = arith.constant 0 : i32
        %swap3A_1462 = tpu.memref_slice %arg6[%scan3A_292, %swap3A_1460, %swap3A_1461] : memref<2x800x64xf32, #tpu.memory_space<vmem>> -> memref<1x800x64xf32, #tpu.memory_space<vmem>>
        %swap3A_1463 = tpu.memref_squeeze %swap3A_1462 : memref<1x800x64xf32, #tpu.memory_space<vmem>> -> memref<800x64xf32, #tpu.memory_space<vmem>>
        %swap3A_1464 = arith.index_cast %add3A_1459 : i32 to index
        %swap3A_1465 = arith.constant 16 : index
        %swap3A_1466 = tpu.vector_load %swap3A_1463[%swap3A_1464, %swap3A_1465] {strides = array<i32>} : memref<800x64xf32, #tpu.memory_space<vmem>>, vector<16xf32>,
        tpu.vector_store %swap3A_1463[%swap3A_1464, %swap3A_1465], %mul3A_1457 {strides = array<i32>} : memref<800x64xf32, #tpu.memory_space<vmem>>, vector<16xf32>,
        %add3A_1467 = arith.constant 3 : i32
        %add3A_1468 = arith.addi %mul3A_1174, %add3A_1467 : i32
        %get3A_1469 = arith.constant 0 : i32
        %get3A_1470 = arith.constant 0 : i32
        %get3A_1471 = tpu.memref_slice %arg6[%scan3A_292, %get3A_1469, %get3A_1470] : memref<2x800x64xf32, #tpu.memory_space<vmem>> -> memref<1x800x64xf32, #tpu.memory_space<vmem>>
        %get3A_1472 = tpu.memref_squeeze %get3A_1471 : memref<1x800x64xf32, #tpu.memory_space<vmem>> -> memref<800x64xf32, #tpu.memory_space<vmem>>
        %get3A_1473 = arith.index_cast %add3A_1468 : i32 to index
        %get3A_1474 = arith.constant 32 : index
        %get3A_1475 = tpu.vector_load %get3A_1472[%get3A_1473, %get3A_1474] {strides = array<i32>} : memref<800x64xf32, #tpu.memory_space<vmem>>, vector<16xf32>,
        %mul3A_1476 = arith.constant 8.000000e+00 : f32
        %mul3A_1477 = vector.broadcast %mul3A_1476 : f32 to vector<16xf32>
        %mul3A_1478 = arith.mulf %get3A_1475, %mul3A_1477 : vector<16xf32>
        %add3A_1479 = arith.constant 3 : i32
        %add3A_1480 = arith.addi %mul3A_1174, %add3A_1479 : i32
        %swap3A_1481 = arith.constant 0 : i32
        %swap3A_1482 = arith.constant 0 : i32
        %swap3A_1483 = tpu.memref_slice %arg6[%scan3A_292, %swap3A_1481, %swap3A_1482] : memref<2x800x64xf32, #tpu.memory_space<vmem>> -> memref<1x800x64xf32, #tpu.memory_space<vmem>>
        %swap3A_1484 = tpu.memref_squeeze %swap3A_1483 : memref<1x800x64xf32, #tpu.memory_space<vmem>> -> memref<800x64xf32, #tpu.memory_space<vmem>>
        %swap3A_1485 = arith.index_cast %add3A_1480 : i32 to index
        %swap3A_1486 = arith.constant 32 : index
        %swap3A_1487 = tpu.vector_load %swap3A_1484[%swap3A_1485, %swap3A_1486] {strides = array<i32>} : memref<800x64xf32, #tpu.memory_space<vmem>>, vector<16xf32>,
        tpu.vector_store %swap3A_1484[%swap3A_1485, %swap3A_1486], %mul3A_1478 {strides = array<i32>} : memref<800x64xf32, #tpu.memory_space<vmem>>, vector<16xf32>,
        %add3A_1488 = arith.constant 3 : i32
        %add3A_1489 = arith.addi %mul3A_1174, %add3A_1488 : i32
        %get3A_1490 = arith.constant 0 : i32
        %get3A_1491 = arith.constant 0 : i32
        %get3A_1492 = tpu.memref_slice %arg6[%scan3A_292, %get3A_1490, %get3A_1491] : memref<2x800x64xf32, #tpu.memory_space<vmem>> -> memref<1x800x64xf32, #tpu.memory_space<vmem>>
        %get3A_1493 = tpu.memref_squeeze %get3A_1492 : memref<1x800x64xf32, #tpu.memory_space<vmem>> -> memref<800x64xf32, #tpu.memory_space<vmem>>
        %get3A_1494 = arith.index_cast %add3A_1489 : i32 to index
        %get3A_1495 = arith.constant 48 : index
        %get3A_1496 = tpu.vector_load %get3A_1493[%get3A_1494, %get3A_1495] {strides = array<i32>} : memref<800x64xf32, #tpu.memory_space<vmem>>, vector<16xf32>,
        %mul3A_1497 = arith.constant 8.000000e+00 : f32
        %mul3A_1498 = vector.broadcast %mul3A_1497 : f32 to vector<16xf32>
        %mul3A_1499 = arith.mulf %get3A_1496, %mul3A_1498 : vector<16xf32>
        %add3A_1500 = arith.constant 3 : i32
        %add3A_1501 = arith.addi %mul3A_1174, %add3A_1500 : i32
        %swap3A_1502 = arith.constant 0 : i32
        %swap3A_1503 = arith.constant 0 : i32
        %swap3A_1504 = tpu.memref_slice %arg6[%scan3A_292, %swap3A_1502, %swap3A_1503] : memref<2x800x64xf32, #tpu.memory_space<vmem>> -> memref<1x800x64xf32, #tpu.memory_space<vmem>>
        %swap3A_1505 = tpu.memref_squeeze %swap3A_1504 : memref<1x800x64xf32, #tpu.memory_space<vmem>> -> memref<800x64xf32, #tpu.memory_space<vmem>>
        %swap3A_1506 = arith.index_cast %add3A_1501 : i32 to index
        %swap3A_1507 = arith.constant 48 : index
        %swap3A_1508 = tpu.vector_load %swap3A_1505[%swap3A_1506, %swap3A_1507] {strides = array<i32>} : memref<800x64xf32, #tpu.memory_space<vmem>>, vector<16xf32>,
        tpu.vector_store %swap3A_1505[%swap3A_1506, %swap3A_1507], %mul3A_1499 {strides = array<i32>} : memref<800x64xf32, #tpu.memory_space<vmem>>, vector<16xf32>,
        %add3A_1509 = arith.constant 4 : i32
        %add3A_1510 = arith.addi %mul3A_1174, %add3A_1509 : i32
        %get3A_1511 = arith.constant 0 : i32
        %get3A_1512 = arith.constant 0 : i32
        %get3A_1513 = tpu.memref_slice %arg6[%scan3A_292, %get3A_1511, %get3A_1512] : memref<2x800x64xf32, #tpu.memory_space<vmem>> -> memref<1x800x64xf32, #tpu.memory_space<vmem>>
        %get3A_1514 = tpu.memref_squeeze %get3A_1513 : memref<1x800x64xf32, #tpu.memory_space<vmem>> -> memref<800x64xf32, #tpu.memory_space<vmem>>
        %get3A_1515 = arith.index_cast %add3A_1510 : i32 to index
        %get3A_1516 = arith.constant 0 : index
        %get3A_1517 = tpu.vector_load %get3A_1514[%get3A_1515, %get3A_1516] {strides = array<i32>} : memref<800x64xf32, #tpu.memory_space<vmem>>, vector<16xf32>,
        %mul3A_1518 = arith.constant 8.000000e+00 : f32
        %mul3A_1519 = vector.broadcast %mul3A_1518 : f32 to vector<16xf32>
        %mul3A_1520 = arith.mulf %get3A_1517, %mul3A_1519 : vector<16xf32>
        %add3A_1521 = arith.constant 4 : i32
        %add3A_1522 = arith.addi %mul3A_1174, %add3A_1521 : i32
        %swap3A_1523 = arith.constant 0 : i32
        %swap3A_1524 = arith.constant 0 : i32
        %swap3A_1525 = tpu.memref_slice %arg6[%scan3A_292, %swap3A_1523, %swap3A_1524] : memref<2x800x64xf32, #tpu.memory_space<vmem>> -> memref<1x800x64xf32, #tpu.memory_space<vmem>>
        %swap3A_1526 = tpu.memref_squeeze %swap3A_1525 : memref<1x800x64xf32, #tpu.memory_space<vmem>> -> memref<800x64xf32, #tpu.memory_space<vmem>>
        %swap3A_1527 = arith.index_cast %add3A_1522 : i32 to index
        %swap3A_1528 = arith.constant 0 : index
        %swap3A_1529 = tpu.vector_load %swap3A_1526[%swap3A_1527, %swap3A_1528] {strides = array<i32>} : memref<800x64xf32, #tpu.memory_space<vmem>>, vector<16xf32>,
        tpu.vector_store %swap3A_1526[%swap3A_1527, %swap3A_1528], %mul3A_1520 {strides = array<i32>} : memref<800x64xf32, #tpu.memory_space<vmem>>, vector<16xf32>,
        %add3A_1530 = arith.constant 4 : i32
        %add3A_1531 = arith.addi %mul3A_1174, %add3A_1530 : i32
        %get3A_1532 = arith.constant 0 : i32
        %get3A_1533 = arith.constant 0 : i32
        %get3A_1534 = tpu.memref_slice %arg6[%scan3A_292, %get3A_1532, %get3A_1533] : memref<2x800x64xf32, #tpu.memory_space<vmem>> -> memref<1x800x64xf32, #tpu.memory_space<vmem>>
        %get3A_1535 = tpu.memref_squeeze %get3A_1534 : memref<1x800x64xf32, #tpu.memory_space<vmem>> -> memref<800x64xf32, #tpu.memory_space<vmem>>
        %get3A_1536 = arith.index_cast %add3A_1531 : i32 to index
        %get3A_1537 = arith.constant 16 : index
        %get3A_1538 = tpu.vector_load %get3A_1535[%get3A_1536, %get3A_1537] {strides = array<i32>} : memref<800x64xf32, #tpu.memory_space<vmem>>, vector<16xf32>,
        %mul3A_1539 = arith.constant 8.000000e+00 : f32
        %mul3A_1540 = vector.broadcast %mul3A_1539 : f32 to vector<16xf32>
        %mul3A_1541 = arith.mulf %get3A_1538, %mul3A_1540 : vector<16xf32>
        %add3A_1542 = arith.constant 4 : i32
        %add3A_1543 = arith.addi %mul3A_1174, %add3A_1542 : i32
        %swap3A_1544 = arith.constant 0 : i32
        %swap3A_1545 = arith.constant 0 : i32
        %swap3A_1546 = tpu.memref_slice %arg6[%scan3A_292, %swap3A_1544, %swap3A_1545] : memref<2x800x64xf32, #tpu.memory_space<vmem>> -> memref<1x800x64xf32, #tpu.memory_space<vmem>>
        %swap3A_1547 = tpu.memref_squeeze %swap3A_1546 : memref<1x800x64xf32, #tpu.memory_space<vmem>> -> memref<800x64xf32, #tpu.memory_space<vmem>>
        %swap3A_1548 = arith.index_cast %add3A_1543 : i32 to index
        %swap3A_1549 = arith.constant 16 : index
        %swap3A_1550 = tpu.vector_load %swap3A_1547[%swap3A_1548, %swap3A_1549] {strides = array<i32>} : memref<800x64xf32, #tpu.memory_space<vmem>>, vector<16xf32>,
        tpu.vector_store %swap3A_1547[%swap3A_1548, %swap3A_1549], %mul3A_1541 {strides = array<i32>} : memref<800x64xf32, #tpu.memory_space<vmem>>, vector<16xf32>,
        %add3A_1551 = arith.constant 4 : i32
        %add3A_1552 = arith.addi %mul3A_1174, %add3A_1551 : i32
        %get3A_1553 = arith.constant 0 : i32
        %get3A_1554 = arith.constant 0 : i32
        %get3A_1555 = tpu.memref_slice %arg6[%scan3A_292, %get3A_1553, %get3A_1554] : memref<2x800x64xf32, #tpu.memory_space<vmem>> -> memref<1x800x64xf32, #tpu.memory_space<vmem>>
        %get3A_1556 = tpu.memref_squeeze %get3A_1555 : memref<1x800x64xf32, #tpu.memory_space<vmem>> -> memref<800x64xf32, #tpu.memory_space<vmem>>
        %get3A_1557 = arith.index_cast %add3A_1552 : i32 to index
        %get3A_1558 = arith.constant 32 : index
        %get3A_1559 = tpu.vector_load %get3A_1556[%get3A_1557, %get3A_1558] {strides = array<i32>} : memref<800x64xf32, #tpu.memory_space<vmem>>, vector<16xf32>,
        %mul3A_1560 = arith.constant 8.000000e+00 : f32
        %mul3A_1561 = vector.broadcast %mul3A_1560 : f32 to vector<16xf32>
        %mul3A_1562 = arith.mulf %get3A_1559, %mul3A_1561 : vector<16xf32>
        %add3A_1563 = arith.constant 4 : i32
        %add3A_1564 = arith.addi %mul3A_1174, %add3A_1563 : i32
        %swap3A_1565 = arith.constant 0 : i32
        %swap3A_1566 = arith.constant 0 : i32
        %swap3A_1567 = tpu.memref_slice %arg6[%scan3A_292, %swap3A_1565, %swap3A_1566] : memref<2x800x64xf32, #tpu.memory_space<vmem>> -> memref<1x800x64xf32, #tpu.memory_space<vmem>>
        %swap3A_1568 = tpu.memref_squeeze %swap3A_1567 : memref<1x800x64xf32, #tpu.memory_space<vmem>> -> memref<800x64xf32, #tpu.memory_space<vmem>>
        %swap3A_1569 = arith.index_cast %add3A_1564 : i32 to index
        %swap3A_1570 = arith.constant 32 : index
        %swap3A_1571 = tpu.vector_load %swap3A_1568[%swap3A_1569, %swap3A_1570] {strides = array<i32>} : memref<800x64xf32, #tpu.memory_space<vmem>>, vector<16xf32>,
        tpu.vector_store %swap3A_1568[%swap3A_1569, %swap3A_1570], %mul3A_1562 {strides = array<i32>} : memref<800x64xf32, #tpu.memory_space<vmem>>, vector<16xf32>,
        %add3A_1572 = arith.constant 4 : i32
        %add3A_1573 = arith.addi %mul3A_1174, %add3A_1572 : i32
        %get3A_1574 = arith.constant 0 : i32
        %get3A_1575 = arith.constant 0 : i32
        %get3A_1576 = tpu.memref_slice %arg6[%scan3A_292, %get3A_1574, %get3A_1575] : memref<2x800x64xf32, #tpu.memory_space<vmem>> -> memref<1x800x64xf32, #tpu.memory_space<vmem>>
        %get3A_1577 = tpu.memref_squeeze %get3A_1576 : memref<1x800x64xf32, #tpu.memory_space<vmem>> -> memref<800x64xf32, #tpu.memory_space<vmem>>
        %get3A_1578 = arith.index_cast %add3A_1573 : i32 to index
        %get3A_1579 = arith.constant 48 : index
        %get3A_1580 = tpu.vector_load %get3A_1577[%get3A_1578, %get3A_1579] {strides = array<i32>} : memref<800x64xf32, #tpu.memory_space<vmem>>, vector<16xf32>,
        %mul3A_1581 = arith.constant 8.000000e+00 : f32
        %mul3A_1582 = vector.broadcast %mul3A_1581 : f32 to vector<16xf32>
        %mul3A_1583 = arith.mulf %get3A_1580, %mul3A_1582 : vector<16xf32>
        %add3A_1584 = arith.constant 4 : i32
        %add3A_1585 = arith.addi %mul3A_1174, %add3A_1584 : i32
        %swap3A_1586 = arith.constant 0 : i32
        %swap3A_1587 = arith.constant 0 : i32
        %swap3A_1588 = tpu.memref_slice %arg6[%scan3A_292, %swap3A_1586, %swap3A_1587] : memref<2x800x64xf32, #tpu.memory_space<vmem>> -> memref<1x800x64xf32, #tpu.memory_space<vmem>>
        %swap3A_1589 = tpu.memref_squeeze %swap3A_1588 : memref<1x800x64xf32, #tpu.memory_space<vmem>> -> memref<800x64xf32, #tpu.memory_space<vmem>>
        %swap3A_1590 = arith.index_cast %add3A_1585 : i32 to index
        %swap3A_1591 = arith.constant 48 : index
        %swap3A_1592 = tpu.vector_load %swap3A_1589[%swap3A_1590, %swap3A_1591] {strides = array<i32>} : memref<800x64xf32, #tpu.memory_space<vmem>>, vector<16xf32>,
        tpu.vector_store %swap3A_1589[%swap3A_1590, %swap3A_1591], %mul3A_1583 {strides = array<i32>} : memref<800x64xf32, #tpu.memory_space<vmem>>, vector<16xf32>,
        %add3A_1593 = arith.constant 5 : i32
        %add3A_1594 = arith.addi %mul3A_1174, %add3A_1593 : i32
        %get3A_1595 = arith.constant 0 : i32
        %get3A_1596 = arith.constant 0 : i32
        %get3A_1597 = tpu.memref_slice %arg6[%scan3A_292, %get3A_1595, %get3A_1596] : memref<2x800x64xf32, #tpu.memory_space<vmem>> -> memref<1x800x64xf32, #tpu.memory_space<vmem>>
        %get3A_1598 = tpu.memref_squeeze %get3A_1597 : memref<1x800x64xf32, #tpu.memory_space<vmem>> -> memref<800x64xf32, #tpu.memory_space<vmem>>
        %get3A_1599 = arith.index_cast %add3A_1594 : i32 to index
        %get3A_1600 = arith.constant 0 : index
        %get3A_1601 = tpu.vector_load %get3A_1598[%get3A_1599, %get3A_1600] {strides = array<i32>} : memref<800x64xf32, #tpu.memory_space<vmem>>, vector<16xf32>,
        %mul3A_1602 = arith.constant 8.000000e+00 : f32
        %mul3A_1603 = vector.broadcast %mul3A_1602 : f32 to vector<16xf32>
        %mul3A_1604 = arith.mulf %get3A_1601, %mul3A_1603 : vector<16xf32>
        %add3A_1605 = arith.constant 5 : i32
        %add3A_1606 = arith.addi %mul3A_1174, %add3A_1605 : i32
        %swap3A_1607 = arith.constant 0 : i32
        %swap3A_1608 = arith.constant 0 : i32
        %swap3A_1609 = tpu.memref_slice %arg6[%scan3A_292, %swap3A_1607, %swap3A_1608] : memref<2x800x64xf32, #tpu.memory_space<vmem>> -> memref<1x800x64xf32, #tpu.memory_space<vmem>>
        %swap3A_1610 = tpu.memref_squeeze %swap3A_1609 : memref<1x800x64xf32, #tpu.memory_space<vmem>> -> memref<800x64xf32, #tpu.memory_space<vmem>>
        %swap3A_1611 = arith.index_cast %add3A_1606 : i32 to index
        %swap3A_1612 = arith.constant 0 : index
        %swap3A_1613 = tpu.vector_load %swap3A_1610[%swap3A_1611, %swap3A_1612] {strides = array<i32>} : memref<800x64xf32, #tpu.memory_space<vmem>>, vector<16xf32>,
        tpu.vector_store %swap3A_1610[%swap3A_1611, %swap3A_1612], %mul3A_1604 {strides = array<i32>} : memref<800x64xf32, #tpu.memory_space<vmem>>, vector<16xf32>,
        %add3A_1614 = arith.constant 5 : i32
        %add3A_1615 = arith.addi %mul3A_1174, %add3A_1614 : i32
        %get3A_1616 = arith.constant 0 : i32
        %get3A_1617 = arith.constant 0 : i32
        %get3A_1618 = tpu.memref_slice %arg6[%scan3A_292, %get3A_1616, %get3A_1617] : memref<2x800x64xf32, #tpu.memory_space<vmem>> -> memref<1x800x64xf32, #tpu.memory_space<vmem>>
        %get3A_1619 = tpu.memref_squeeze %get3A_1618 : memref<1x800x64xf32, #tpu.memory_space<vmem>> -> memref<800x64xf32, #tpu.memory_space<vmem>>
        %get3A_1620 = arith.index_cast %add3A_1615 : i32 to index
        %get3A_1621 = arith.constant 16 : index
        %get3A_1622 = tpu.vector_load %get3A_1619[%get3A_1620, %get3A_1621] {strides = array<i32>} : memref<800x64xf32, #tpu.memory_space<vmem>>, vector<16xf32>,
        %mul3A_1623 = arith.constant 8.000000e+00 : f32
        %mul3A_1624 = vector.broadcast %mul3A_1623 : f32 to vector<16xf32>
        %mul3A_1625 = arith.mulf %get3A_1622, %mul3A_1624 : vector<16xf32>
        %add3A_1626 = arith.constant 5 : i32
        %add3A_1627 = arith.addi %mul3A_1174, %add3A_1626 : i32
        %swap3A_1628 = arith.constant 0 : i32
        %swap3A_1629 = arith.constant 0 : i32
        %swap3A_1630 = tpu.memref_slice %arg6[%scan3A_292, %swap3A_1628, %swap3A_1629] : memref<2x800x64xf32, #tpu.memory_space<vmem>> -> memref<1x800x64xf32, #tpu.memory_space<vmem>>
        %swap3A_1631 = tpu.memref_squeeze %swap3A_1630 : memref<1x800x64xf32, #tpu.memory_space<vmem>> -> memref<800x64xf32, #tpu.memory_space<vmem>>
        %swap3A_1632 = arith.index_cast %add3A_1627 : i32 to index
        %swap3A_1633 = arith.constant 16 : index
        %swap3A_1634 = tpu.vector_load %swap3A_1631[%swap3A_1632, %swap3A_1633] {strides = array<i32>} : memref<800x64xf32, #tpu.memory_space<vmem>>, vector<16xf32>,
        tpu.vector_store %swap3A_1631[%swap3A_1632, %swap3A_1633], %mul3A_1625 {strides = array<i32>} : memref<800x64xf32, #tpu.memory_space<vmem>>, vector<16xf32>,
        %add3A_1635 = arith.constant 5 : i32
        %add3A_1636 = arith.addi %mul3A_1174, %add3A_1635 : i32
        %get3A_1637 = arith.constant 0 : i32
        %get3A_1638 = arith.constant 0 : i32
        %get3A_1639 = tpu.memref_slice %arg6[%scan3A_292, %get3A_1637, %get3A_1638] : memref<2x800x64xf32, #tpu.memory_space<vmem>> -> memref<1x800x64xf32, #tpu.memory_space<vmem>>
        %get3A_1640 = tpu.memref_squeeze %get3A_1639 : memref<1x800x64xf32, #tpu.memory_space<vmem>> -> memref<800x64xf32, #tpu.memory_space<vmem>>
        %get3A_1641 = arith.index_cast %add3A_1636 : i32 to index
        %get3A_1642 = arith.constant 32 : index
        %get3A_1643 = tpu.vector_load %get3A_1640[%get3A_1641, %get3A_1642] {strides = array<i32>} : memref<800x64xf32, #tpu.memory_space<vmem>>, vector<16xf32>,
        %mul3A_1644 = arith.constant 8.000000e+00 : f32
        %mul3A_1645 = vector.broadcast %mul3A_1644 : f32 to vector<16xf32>
        %mul3A_1646 = arith.mulf %get3A_1643, %mul3A_1645 : vector<16xf32>
        %add3A_1647 = arith.constant 5 : i32
        %add3A_1648 = arith.addi %mul3A_1174, %add3A_1647 : i32
        %swap3A_1649 = arith.constant 0 : i32
        %swap3A_1650 = arith.constant 0 : i32
        %swap3A_1651 = tpu.memref_slice %arg6[%scan3A_292, %swap3A_1649, %swap3A_1650] : memref<2x800x64xf32, #tpu.memory_space<vmem>> -> memref<1x800x64xf32, #tpu.memory_space<vmem>>
        %swap3A_1652 = tpu.memref_squeeze %swap3A_1651 : memref<1x800x64xf32, #tpu.memory_space<vmem>> -> memref<800x64xf32, #tpu.memory_space<vmem>>
        %swap3A_1653 = arith.index_cast %add3A_1648 : i32 to index
        %swap3A_1654 = arith.constant 32 : index
        %swap3A_1655 = tpu.vector_load %swap3A_1652[%swap3A_1653, %swap3A_1654] {strides = array<i32>} : memref<800x64xf32, #tpu.memory_space<vmem>>, vector<16xf32>,
        tpu.vector_store %swap3A_1652[%swap3A_1653, %swap3A_1654], %mul3A_1646 {strides = array<i32>} : memref<800x64xf32, #tpu.memory_space<vmem>>, vector<16xf32>,
        %add3A_1656 = arith.constant 5 : i32
        %add3A_1657 = arith.addi %mul3A_1174, %add3A_1656 : i32
        %get3A_1658 = arith.constant 0 : i32
        %get3A_1659 = arith.constant 0 : i32
        %get3A_1660 = tpu.memref_slice %arg6[%scan3A_292, %get3A_1658, %get3A_1659] : memref<2x800x64xf32, #tpu.memory_space<vmem>> -> memref<1x800x64xf32, #tpu.memory_space<vmem>>
        %get3A_1661 = tpu.memref_squeeze %get3A_1660 : memref<1x800x64xf32, #tpu.memory_space<vmem>> -> memref<800x64xf32, #tpu.memory_space<vmem>>
        %get3A_1662 = arith.index_cast %add3A_1657 : i32 to index
        %get3A_1663 = arith.constant 48 : index
        %get3A_1664 = tpu.vector_load %get3A_1661[%get3A_1662, %get3A_1663] {strides = array<i32>} : memref<800x64xf32, #tpu.memory_space<vmem>>, vector<16xf32>,
        %mul3A_1665 = arith.constant 8.000000e+00 : f32
        %mul3A_1666 = vector.broadcast %mul3A_1665 : f32 to vector<16xf32>
        %mul3A_1667 = arith.mulf %get3A_1664, %mul3A_1666 : vector<16xf32>
        %add3A_1668 = arith.constant 5 : i32
        %add3A_1669 = arith.addi %mul3A_1174, %add3A_1668 : i32
        %swap3A_1670 = arith.constant 0 : i32
        %swap3A_1671 = arith.constant 0 : i32
        %swap3A_1672 = tpu.memref_slice %arg6[%scan3A_292, %swap3A_1670, %swap3A_1671] : memref<2x800x64xf32, #tpu.memory_space<vmem>> -> memref<1x800x64xf32, #tpu.memory_space<vmem>>
        %swap3A_1673 = tpu.memref_squeeze %swap3A_1672 : memref<1x800x64xf32, #tpu.memory_space<vmem>> -> memref<800x64xf32, #tpu.memory_space<vmem>>
        %swap3A_1674 = arith.index_cast %add3A_1669 : i32 to index
        %swap3A_1675 = arith.constant 48 : index
        %swap3A_1676 = tpu.vector_load %swap3A_1673[%swap3A_1674, %swap3A_1675] {strides = array<i32>} : memref<800x64xf32, #tpu.memory_space<vmem>>, vector<16xf32>,
        tpu.vector_store %swap3A_1673[%swap3A_1674, %swap3A_1675], %mul3A_1667 {strides = array<i32>} : memref<800x64xf32, #tpu.memory_space<vmem>>, vector<16xf32>,
        %add3A_1677 = arith.constant 6 : i32
        %add3A_1678 = arith.addi %mul3A_1174, %add3A_1677 : i32
        %get3A_1679 = arith.constant 0 : i32
        %get3A_1680 = arith.constant 0 : i32
        %get3A_1681 = tpu.memref_slice %arg6[%scan3A_292, %get3A_1679, %get3A_1680] : memref<2x800x64xf32, #tpu.memory_space<vmem>> -> memref<1x800x64xf32, #tpu.memory_space<vmem>>
        %get3A_1682 = tpu.memref_squeeze %get3A_1681 : memref<1x800x64xf32, #tpu.memory_space<vmem>> -> memref<800x64xf32, #tpu.memory_space<vmem>>
        %get3A_1683 = arith.index_cast %add3A_1678 : i32 to index
        %get3A_1684 = arith.constant 0 : index
        %get3A_1685 = tpu.vector_load %get3A_1682[%get3A_1683, %get3A_1684] {strides = array<i32>} : memref<800x64xf32, #tpu.memory_space<vmem>>, vector<16xf32>,
        %mul3A_1686 = arith.constant 8.000000e+00 : f32
        %mul3A_1687 = vector.broadcast %mul3A_1686 : f32 to vector<16xf32>
        %mul3A_1688 = arith.mulf %get3A_1685, %mul3A_1687 : vector<16xf32>
        %add3A_1689 = arith.constant 6 : i32
        %add3A_1690 = arith.addi %mul3A_1174, %add3A_1689 : i32
        %swap3A_1691 = arith.constant 0 : i32
        %swap3A_1692 = arith.constant 0 : i32
        %swap3A_1693 = tpu.memref_slice %arg6[%scan3A_292, %swap3A_1691, %swap3A_1692] : memref<2x800x64xf32, #tpu.memory_space<vmem>> -> memref<1x800x64xf32, #tpu.memory_space<vmem>>
        %swap3A_1694 = tpu.memref_squeeze %swap3A_1693 : memref<1x800x64xf32, #tpu.memory_space<vmem>> -> memref<800x64xf32, #tpu.memory_space<vmem>>
        %swap3A_1695 = arith.index_cast %add3A_1690 : i32 to index
        %swap3A_1696 = arith.constant 0 : index
        %swap3A_1697 = tpu.vector_load %swap3A_1694[%swap3A_1695, %swap3A_1696] {strides = array<i32>} : memref<800x64xf32, #tpu.memory_space<vmem>>, vector<16xf32>,
        tpu.vector_store %swap3A_1694[%swap3A_1695, %swap3A_1696], %mul3A_1688 {strides = array<i32>} : memref<800x64xf32, #tpu.memory_space<vmem>>, vector<16xf32>,
        %add3A_1698 = arith.constant 6 : i32
        %add3A_1699 = arith.addi %mul3A_1174, %add3A_1698 : i32
        %get3A_1700 = arith.constant 0 : i32
        %get3A_1701 = arith.constant 0 : i32
        %get3A_1702 = tpu.memref_slice %arg6[%scan3A_292, %get3A_1700, %get3A_1701] : memref<2x800x64xf32, #tpu.memory_space<vmem>> -> memref<1x800x64xf32, #tpu.memory_space<vmem>>
        %get3A_1703 = tpu.memref_squeeze %get3A_1702 : memref<1x800x64xf32, #tpu.memory_space<vmem>> -> memref<800x64xf32, #tpu.memory_space<vmem>>
        %get3A_1704 = arith.index_cast %add3A_1699 : i32 to index
        %get3A_1705 = arith.constant 16 : index
        %get3A_1706 = tpu.vector_load %get3A_1703[%get3A_1704, %get3A_1705] {strides = array<i32>} : memref<800x64xf32, #tpu.memory_space<vmem>>, vector<16xf32>,
        %mul3A_1707 = arith.constant 8.000000e+00 : f32
        %mul3A_1708 = vector.broadcast %mul3A_1707 : f32 to vector<16xf32>
        %mul3A_1709 = arith.mulf %get3A_1706, %mul3A_1708 : vector<16xf32>
        %add3A_1710 = arith.constant 6 : i32
        %add3A_1711 = arith.addi %mul3A_1174, %add3A_1710 : i32
        %swap3A_1712 = arith.constant 0 : i32
        %swap3A_1713 = arith.constant 0 : i32
        %swap3A_1714 = tpu.memref_slice %arg6[%scan3A_292, %swap3A_1712, %swap3A_1713] : memref<2x800x64xf32, #tpu.memory_space<vmem>> -> memref<1x800x64xf32, #tpu.memory_space<vmem>>
        %swap3A_1715 = tpu.memref_squeeze %swap3A_1714 : memref<1x800x64xf32, #tpu.memory_space<vmem>> -> memref<800x64xf32, #tpu.memory_space<vmem>>
        %swap3A_1716 = arith.index_cast %add3A_1711 : i32 to index
        %swap3A_1717 = arith.constant 16 : index
        %swap3A_1718 = tpu.vector_load %swap3A_1715[%swap3A_1716, %swap3A_1717] {strides = array<i32>} : memref<800x64xf32, #tpu.memory_space<vmem>>, vector<16xf32>,
        tpu.vector_store %swap3A_1715[%swap3A_1716, %swap3A_1717], %mul3A_1709 {strides = array<i32>} : memref<800x64xf32, #tpu.memory_space<vmem>>, vector<16xf32>,
        %add3A_1719 = arith.constant 6 : i32
        %add3A_1720 = arith.addi %mul3A_1174, %add3A_1719 : i32
        %get3A_1721 = arith.constant 0 : i32
        %get3A_1722 = arith.constant 0 : i32
        %get3A_1723 = tpu.memref_slice %arg6[%scan3A_292, %get3A_1721, %get3A_1722] : memref<2x800x64xf32, #tpu.memory_space<vmem>> -> memref<1x800x64xf32, #tpu.memory_space<vmem>>
        %get3A_1724 = tpu.memref_squeeze %get3A_1723 : memref<1x800x64xf32, #tpu.memory_space<vmem>> -> memref<800x64xf32, #tpu.memory_space<vmem>>
        %get3A_1725 = arith.index_cast %add3A_1720 : i32 to index
        %get3A_1726 = arith.constant 32 : index
        %get3A_1727 = tpu.vector_load %get3A_1724[%get3A_1725, %get3A_1726] {strides = array<i32>} : memref<800x64xf32, #tpu.memory_space<vmem>>, vector<16xf32>,
        %mul3A_1728 = arith.constant 8.000000e+00 : f32
        %mul3A_1729 = vector.broadcast %mul3A_1728 : f32 to vector<16xf32>
        %mul3A_1730 = arith.mulf %get3A_1727, %mul3A_1729 : vector<16xf32>
        %add3A_1731 = arith.constant 6 : i32
        %add3A_1732 = arith.addi %mul3A_1174, %add3A_1731 : i32
        %swap3A_1733 = arith.constant 0 : i32
        %swap3A_1734 = arith.constant 0 : i32
        %swap3A_1735 = tpu.memref_slice %arg6[%scan3A_292, %swap3A_1733, %swap3A_1734] : memref<2x800x64xf32, #tpu.memory_space<vmem>> -> memref<1x800x64xf32, #tpu.memory_space<vmem>>
        %swap3A_1736 = tpu.memref_squeeze %swap3A_1735 : memref<1x800x64xf32, #tpu.memory_space<vmem>> -> memref<800x64xf32, #tpu.memory_space<vmem>>
        %swap3A_1737 = arith.index_cast %add3A_1732 : i32 to index
        %swap3A_1738 = arith.constant 32 : index
        %swap3A_1739 = tpu.vector_load %swap3A_1736[%swap3A_1737, %swap3A_1738] {strides = array<i32>} : memref<800x64xf32, #tpu.memory_space<vmem>>, vector<16xf32>,
        tpu.vector_store %swap3A_1736[%swap3A_1737, %swap3A_1738], %mul3A_1730 {strides = array<i32>} : memref<800x64xf32, #tpu.memory_space<vmem>>, vector<16xf32>,
        %add3A_1740 = arith.constant 6 : i32
        %add3A_1741 = arith.addi %mul3A_1174, %add3A_1740 : i32
        %get3A_1742 = arith.constant 0 : i32
        %get3A_1743 = arith.constant 0 : i32
        %get3A_1744 = tpu.memref_slice %arg6[%scan3A_292, %get3A_1742, %get3A_1743] : memref<2x800x64xf32, #tpu.memory_space<vmem>> -> memref<1x800x64xf32, #tpu.memory_space<vmem>>
        %get3A_1745 = tpu.memref_squeeze %get3A_1744 : memref<1x800x64xf32, #tpu.memory_space<vmem>> -> memref<800x64xf32, #tpu.memory_space<vmem>>
        %get3A_1746 = arith.index_cast %add3A_1741 : i32 to index
        %get3A_1747 = arith.constant 48 : index
        %get3A_1748 = tpu.vector_load %get3A_1745[%get3A_1746, %get3A_1747] {strides = array<i32>} : memref<800x64xf32, #tpu.memory_space<vmem>>, vector<16xf32>,
        %mul3A_1749 = arith.constant 8.000000e+00 : f32
        %mul3A_1750 = vector.broadcast %mul3A_1749 : f32 to vector<16xf32>
        %mul3A_1751 = arith.mulf %get3A_1748, %mul3A_1750 : vector<16xf32>
        %add3A_1752 = arith.constant 6 : i32
        %add3A_1753 = arith.addi %mul3A_1174, %add3A_1752 : i32
        %swap3A_1754 = arith.constant 0 : i32
        %swap3A_1755 = arith.constant 0 : i32
        %swap3A_1756 = tpu.memref_slice %arg6[%scan3A_292, %swap3A_1754, %swap3A_1755] : memref<2x800x64xf32, #tpu.memory_space<vmem>> -> memref<1x800x64xf32, #tpu.memory_space<vmem>>
        %swap3A_1757 = tpu.memref_squeeze %swap3A_1756 : memref<1x800x64xf32, #tpu.memory_space<vmem>> -> memref<800x64xf32, #tpu.memory_space<vmem>>
        %swap3A_1758 = arith.index_cast %add3A_1753 : i32 to index
        %swap3A_1759 = arith.constant 48 : index
        %swap3A_1760 = tpu.vector_load %swap3A_1757[%swap3A_1758, %swap3A_1759] {strides = array<i32>} : memref<800x64xf32, #tpu.memory_space<vmem>>, vector<16xf32>,
        tpu.vector_store %swap3A_1757[%swap3A_1758, %swap3A_1759], %mul3A_1751 {strides = array<i32>} : memref<800x64xf32, #tpu.memory_space<vmem>>, vector<16xf32>,
        %add3A_1761 = arith.constant 7 : i32
        %add3A_1762 = arith.addi %mul3A_1174, %add3A_1761 : i32
        %get3A_1763 = arith.constant 0 : i32
        %get3A_1764 = arith.constant 0 : i32
        %get3A_1765 = tpu.memref_slice %arg6[%scan3A_292, %get3A_1763, %get3A_1764] : memref<2x800x64xf32, #tpu.memory_space<vmem>> -> memref<1x800x64xf32, #tpu.memory_space<vmem>>
        %get3A_1766 = tpu.memref_squeeze %get3A_1765 : memref<1x800x64xf32, #tpu.memory_space<vmem>> -> memref<800x64xf32, #tpu.memory_space<vmem>>
        %get3A_1767 = arith.index_cast %add3A_1762 : i32 to index
        %get3A_1768 = arith.constant 0 : index
        %get3A_1769 = tpu.vector_load %get3A_1766[%get3A_1767, %get3A_1768] {strides = array<i32>} : memref<800x64xf32, #tpu.memory_space<vmem>>, vector<16xf32>,
        %mul3A_1770 = arith.constant 8.000000e+00 : f32
        %mul3A_1771 = vector.broadcast %mul3A_1770 : f32 to vector<16xf32>
        %mul3A_1772 = arith.mulf %get3A_1769, %mul3A_1771 : vector<16xf32>
        %add3A_1773 = arith.constant 7 : i32
        %add3A_1774 = arith.addi %mul3A_1174, %add3A_1773 : i32
        %swap3A_1775 = arith.constant 0 : i32
        %swap3A_1776 = arith.constant 0 : i32
        %swap3A_1777 = tpu.memref_slice %arg6[%scan3A_292, %swap3A_1775, %swap3A_1776] : memref<2x800x64xf32, #tpu.memory_space<vmem>> -> memref<1x800x64xf32, #tpu.memory_space<vmem>>
        %swap3A_1778 = tpu.memref_squeeze %swap3A_1777 : memref<1x800x64xf32, #tpu.memory_space<vmem>> -> memref<800x64xf32, #tpu.memory_space<vmem>>
        %swap3A_1779 = arith.index_cast %add3A_1774 : i32 to index
        %swap3A_1780 = arith.constant 0 : index
        %swap3A_1781 = tpu.vector_load %swap3A_1778[%swap3A_1779, %swap3A_1780] {strides = array<i32>} : memref<800x64xf32, #tpu.memory_space<vmem>>, vector<16xf32>,
        tpu.vector_store %swap3A_1778[%swap3A_1779, %swap3A_1780], %mul3A_1772 {strides = array<i32>} : memref<800x64xf32, #tpu.memory_space<vmem>>, vector<16xf32>,
        %add3A_1782 = arith.constant 7 : i32
        %add3A_1783 = arith.addi %mul3A_1174, %add3A_1782 : i32
        %get3A_1784 = arith.constant 0 : i32
        %get3A_1785 = arith.constant 0 : i32
        %get3A_1786 = tpu.memref_slice %arg6[%scan3A_292, %get3A_1784, %get3A_1785] : memref<2x800x64xf32, #tpu.memory_space<vmem>> -> memref<1x800x64xf32, #tpu.memory_space<vmem>>
        %get3A_1787 = tpu.memref_squeeze %get3A_1786 : memref<1x800x64xf32, #tpu.memory_space<vmem>> -> memref<800x64xf32, #tpu.memory_space<vmem>>
        %get3A_1788 = arith.index_cast %add3A_1783 : i32 to index
        %get3A_1789 = arith.constant 16 : index
        %get3A_1790 = tpu.vector_load %get3A_1787[%get3A_1788, %get3A_1789] {strides = array<i32>} : memref<800x64xf32, #tpu.memory_space<vmem>>, vector<16xf32>,
        %mul3A_1791 = arith.constant 8.000000e+00 : f32
        %mul3A_1792 = vector.broadcast %mul3A_1791 : f32 to vector<16xf32>
        %mul3A_1793 = arith.mulf %get3A_1790, %mul3A_1792 : vector<16xf32>
        %add3A_1794 = arith.constant 7 : i32
        %add3A_1795 = arith.addi %mul3A_1174, %add3A_1794 : i32
        %swap3A_1796 = arith.constant 0 : i32
        %swap3A_1797 = arith.constant 0 : i32
        %swap3A_1798 = tpu.memref_slice %arg6[%scan3A_292, %swap3A_1796, %swap3A_1797] : memref<2x800x64xf32, #tpu.memory_space<vmem>> -> memref<1x800x64xf32, #tpu.memory_space<vmem>>
        %swap3A_1799 = tpu.memref_squeeze %swap3A_1798 : memref<1x800x64xf32, #tpu.memory_space<vmem>> -> memref<800x64xf32, #tpu.memory_space<vmem>>
        %swap3A_1800 = arith.index_cast %add3A_1795 : i32 to index
        %swap3A_1801 = arith.constant 16 : index
        %swap3A_1802 = tpu.vector_load %swap3A_1799[%swap3A_1800, %swap3A_1801] {strides = array<i32>} : memref<800x64xf32, #tpu.memory_space<vmem>>, vector<16xf32>,
        tpu.vector_store %swap3A_1799[%swap3A_1800, %swap3A_1801], %mul3A_1793 {strides = array<i32>} : memref<800x64xf32, #tpu.memory_space<vmem>>, vector<16xf32>,
        %add3A_1803 = arith.constant 7 : i32
        %add3A_1804 = arith.addi %mul3A_1174, %add3A_1803 : i32
        %get3A_1805 = arith.constant 0 : i32
        %get3A_1806 = arith.constant 0 : i32
        %get3A_1807 = tpu.memref_slice %arg6[%scan3A_292, %get3A_1805, %get3A_1806] : memref<2x800x64xf32, #tpu.memory_space<vmem>> -> memref<1x800x64xf32, #tpu.memory_space<vmem>>
        %get3A_1808 = tpu.memref_squeeze %get3A_1807 : memref<1x800x64xf32, #tpu.memory_space<vmem>> -> memref<800x64xf32, #tpu.memory_space<vmem>>
        %get3A_1809 = arith.index_cast %add3A_1804 : i32 to index
        %get3A_1810 = arith.constant 32 : index
        %get3A_1811 = tpu.vector_load %get3A_1808[%get3A_1809, %get3A_1810] {strides = array<i32>} : memref<800x64xf32, #tpu.memory_space<vmem>>, vector<16xf32>,
        %mul3A_1812 = arith.constant 8.000000e+00 : f32
        %mul3A_1813 = vector.broadcast %mul3A_1812 : f32 to vector<16xf32>
        %mul3A_1814 = arith.mulf %get3A_1811, %mul3A_1813 : vector<16xf32>
        %add3A_1815 = arith.constant 7 : i32
        %add3A_1816 = arith.addi %mul3A_1174, %add3A_1815 : i32
        %swap3A_1817 = arith.constant 0 : i32
        %swap3A_1818 = arith.constant 0 : i32
        %swap3A_1819 = tpu.memref_slice %arg6[%scan3A_292, %swap3A_1817, %swap3A_1818] : memref<2x800x64xf32, #tpu.memory_space<vmem>> -> memref<1x800x64xf32, #tpu.memory_space<vmem>>
        %swap3A_1820 = tpu.memref_squeeze %swap3A_1819 : memref<1x800x64xf32, #tpu.memory_space<vmem>> -> memref<800x64xf32, #tpu.memory_space<vmem>>
        %swap3A_1821 = arith.index_cast %add3A_1816 : i32 to index
        %swap3A_1822 = arith.constant 32 : index
        %swap3A_1823 = tpu.vector_load %swap3A_1820[%swap3A_1821, %swap3A_1822] {strides = array<i32>} : memref<800x64xf32, #tpu.memory_space<vmem>>, vector<16xf32>,
        tpu.vector_store %swap3A_1820[%swap3A_1821, %swap3A_1822], %mul3A_1814 {strides = array<i32>} : memref<800x64xf32, #tpu.memory_space<vmem>>, vector<16xf32>,
        %add3A_1824 = arith.constant 7 : i32
        %add3A_1825 = arith.addi %mul3A_1174, %add3A_1824 : i32
        %get3A_1826 = arith.constant 0 : i32
        %get3A_1827 = arith.constant 0 : i32
        %get3A_1828 = tpu.memref_slice %arg6[%scan3A_292, %get3A_1826, %get3A_1827] : memref<2x800x64xf32, #tpu.memory_space<vmem>> -> memref<1x800x64xf32, #tpu.memory_space<vmem>>
        %get3A_1829 = tpu.memref_squeeze %get3A_1828 : memref<1x800x64xf32, #tpu.memory_space<vmem>> -> memref<800x64xf32, #tpu.memory_space<vmem>>
        %get3A_1830 = arith.index_cast %add3A_1825 : i32 to index
        %get3A_1831 = arith.constant 48 : index
        %get3A_1832 = tpu.vector_load %get3A_1829[%get3A_1830, %get3A_1831] {strides = array<i32>} : memref<800x64xf32, #tpu.memory_space<vmem>>, vector<16xf32>,
        %mul3A_1833 = arith.constant 8.000000e+00 : f32
        %mul3A_1834 = vector.broadcast %mul3A_1833 : f32 to vector<16xf32>
        %mul3A_1835 = arith.mulf %get3A_1832, %mul3A_1834 : vector<16xf32>
        %add3A_1836 = arith.constant 7 : i32
        %add3A_1837 = arith.addi %mul3A_1174, %add3A_1836 : i32
        %swap3A_1838 = arith.constant 0 : i32
        %swap3A_1839 = arith.constant 0 : i32
        %swap3A_1840 = tpu.memref_slice %arg6[%scan3A_292, %swap3A_1838, %swap3A_1839] : memref<2x800x64xf32, #tpu.memory_space<vmem>> -> memref<1x800x64xf32, #tpu.memory_space<vmem>>
        %swap3A_1841 = tpu.memref_squeeze %swap3A_1840 : memref<1x800x64xf32, #tpu.memory_space<vmem>> -> memref<800x64xf32, #tpu.memory_space<vmem>>
        %swap3A_1842 = arith.index_cast %add3A_1837 : i32 to index
        %swap3A_1843 = arith.constant 48 : index
        %swap3A_1844 = tpu.vector_load %swap3A_1841[%swap3A_1842, %swap3A_1843] {strides = array<i32>} : memref<800x64xf32, #tpu.memory_space<vmem>>, vector<16xf32>,
        tpu.vector_store %swap3A_1841[%swap3A_1842, %swap3A_1843], %mul3A_1835 {strides = array<i32>} : memref<800x64xf32, #tpu.memory_space<vmem>>, vector<16xf32>,
      }
      %scan3A_1026 = arith.constant 100 : i32
      %mul3A_1027 = arith.constant 4 : i32
      %mul3A_1028 = arith.muli %add3A_1020, %mul3A_1027 : i32
      %add3A_1029 = arith.addi %mul3A_2, %mul3A_1028 : i32
      %mul3A_1030 = arith.constant 200 : i32
      %mul3A_1031 = arith.muli %add3A_1029, %mul3A_1030 : i32
      "tpu.region"() ({
        %run_scoped3A_1172 = tpu.sem_alloc : memref<!tpu.dma_semaphore, #tpu.memory_space<semaphore_mem>>
        %dma_start3A_1173 = arith.constant 0 : i32
        %dma_start3A_1174 = arith.constant 0 : i32
        %dma_start3A_1175 = tpu.memref_slice %arg6[%scan3A_292, %dma_start3A_1173, %dma_start3A_1174] : memref<2x800x64xf32, #tpu.memory_space<vmem>> -> memref<1x800x64xf32, #tpu.memory_space<vmem>>
        %dma_start3A_1176 = tpu.memref_squeeze %dma_start3A_1175 : memref<1x800x64xf32, #tpu.memory_space<vmem>> -> memref<800x64xf32, #tpu.memory_space<vmem>>
        %dma_start3A_1177 = arith.constant 0 : i32
        %dma_start3A_1178 = tpu.memref_slice %arg4[%mul3A_1031, %dma_start3A_1177] : memref<819200x128xf32, #tpu.memory_space<hbm>> -> memref<800x64xf32, #tpu.memory_space<hbm>>
        %dma_start3A_1179 = arith.constant 0 : i32
        %dma_start3A_1180 = tpu.memref_slice %arg4[%mul3A_1031, %dma_start3A_1179] : memref<819200x128xf32, #tpu.memory_space<hbm>> -> memref<800x64xf32, #tpu.memory_space<hbm>>
        %dma_start3A_1181 = arith.constant 0 : i32
        %dma_start3A_1182 = arith.constant 0 : i32
        %dma_start3A_1183 = tpu.memref_slice %arg6[%scan3A_292, %dma_start3A_1181, %dma_start3A_1182] : memref<2x800x64xf32, #tpu.memory_space<vmem>> -> memref<1x800x64xf32, #tpu.memory_space<vmem>>
        %dma_start3A_1184 = tpu.memref_squeeze %dma_start3A_1183 : memref<1x800x64xf32, #tpu.memory_space<vmem>> -> memref<800x64xf32, #tpu.memory_space<vmem>>
        tpu.enqueue_dma source(%dma_start3A_1184 : memref<800x64xf32, #tpu.memory_space<vmem>>) target(%dma_start3A_1180 : memref<800x64xf32, #tpu.memory_space<hbm>>) target_semaphore(%run_scoped3A_1172 : memref<!tpu.dma_semaphore, #tpu.memory_space<semaphore_mem>>)
        %dma_wait3A_1185 = arith.constant 0 : i32
        %dma_wait3A_1186 = arith.constant 0 : i32
        %dma_wait3A_1187 = tpu.memref_slice %arg6[%scan3A_292, %dma_wait3A_1185, %dma_wait3A_1186] : memref<2x800x64xf32, #tpu.memory_space<vmem>> -> memref<1x800x64xf32, #tpu.memory_space<vmem>>
        %dma_wait3A_1188 = tpu.memref_squeeze %dma_wait3A_1187 : memref<1x800x64xf32, #tpu.memory_space<vmem>> -> memref<800x64xf32, #tpu.memory_space<vmem>>
        %dma_wait3A_1189 = arith.constant 0 : i32
        %dma_wait3A_1190 = tpu.memref_slice %arg4[%mul3A_1031, %dma_wait3A_1189] : memref<819200x128xf32, #tpu.memory_space<hbm>> -> memref<800x64xf32, #tpu.memory_space<hbm>>
        %dma_wait3A_1191 = arith.constant 0 : i32
        %dma_wait3A_1192 = tpu.memref_slice %arg4[%mul3A_1031, %dma_wait3A_1191] : memref<819200x128xf32, #tpu.memory_space<hbm>> -> memref<800x64xf32, #tpu.memory_space<hbm>>
        %dma_wait3A_1193 = arith.constant 0 : i32
        %dma_wait3A_1194 = arith.constant 0 : i32
        %dma_wait3A_1195 = tpu.memref_slice %arg6[%scan3A_292, %dma_wait3A_1193, %dma_wait3A_1194] : memref<2x800x64xf32, #tpu.memory_space<vmem>> -> memref<1x800x64xf32, #tpu.memory_space<vmem>>
        %dma_wait3A_1196 = tpu.memref_squeeze %dma_wait3A_1195 : memref<1x800x64xf32, #tpu.memory_space<vmem>> -> memref<800x64xf32, #tpu.memory_space<vmem>>
        tpu.wait_dma2 semaphore(%run_scoped3A_1172 : memref<!tpu.dma_semaphore, #tpu.memory_space<semaphore_mem>>) src(%dma_wait3A_1196 : memref<800x64xf32, #tpu.memory_space<vmem>>) dst(%dma_wait3A_1192 : memref<800x64xf32, #tpu.memory_space<hbm>>)
        tpu.yield
      }) : () -> ()
      %add3A_1032 = arith.constant 3 : i32
      %add3A_1033 = arith.addi %mul3A_611, %add3A_1032 : i32
      %mul3A_1034 = arith.constant 4 : i32
      %mul3A_1035 = arith.muli %add3A_1033, %mul3A_1034 : i32
      %add3A_1036 = arith.constant 0 : i32
      %add3A_1037 = arith.addi %mul3A_1035, %add3A_1036 : i32
      %dma_start3A_1038 = arith.constant 0 : i32
      %dma_start3A_1039 = arith.constant 0 : i32
      %dma_start3A_1040 = tpu.memref_slice %arg6[%scan3A_292, %dma_start3A_1038, %dma_start3A_1039] : memref<2x800x64xf32, #tpu.memory_space<vmem>> -> memref<1x800x64xf32, #tpu.memory_space<vmem>>
      %dma_start3A_1041 = tpu.memref_squeeze %dma_start3A_1040 : memref<1x800x64xf32, #tpu.memory_space<vmem>> -> memref<800x64xf32, #tpu.memory_space<vmem>>
      %dma_start3A_1042 = arith.constant 0 : i32
      %dma_start3A_1043 = arith.constant 0 : i32
      %dma_start3A_1044 = tpu.memref_slice %dma_start3A_1041[%dma_start3A_1042, %dma_start3A_1043] : memref<800x64xf32, #tpu.memory_space<vmem>> -> memref<128x64xf32, #tpu.memory_space<vmem>>
      %dma_start3A_1045 = arith.constant 0 : i32
      %dma_start3A_1046 = tpu.memref_slice %arg5[%add3A_1037, %dma_start3A_1045] : memref<128x200xi32, #tpu.memory_space<vmem>> -> memref<1x128xi32, #tpu.memory_space<vmem>>
      %dma_start3A_1047 = tpu.memref_squeeze %dma_start3A_1046 : memref<1x128xi32, #tpu.memory_space<vmem>> -> memref<128xi32, #tpu.memory_space<vmem>>
      %dma_start3A_1048 = arith.constant 0 : i32
      %dma_start3A_1049 = arith.constant 0 : i32
      %dma_start3A_1050 = tpu.memref_slice %arg2[%dma_start3A_1048, %dma_start3A_1049] : memref<1000000x64xf32, #tpu.memory_space<hbm>> -> memref<1000000x64xf32, #tpu.memory_space<hbm>>
      %dma_start3A_1051 = tpu.memref_slice %arg7[%scan3A_293] : memref<2x!tpu.dma_semaphore, #tpu.memory_space<semaphore_mem>> -> memref<1x!tpu.dma_semaphore, #tpu.memory_space<semaphore_mem>>
      %dma_start3A_1052 = tpu.memref_squeeze %dma_start3A_1051 : memref<1x!tpu.dma_semaphore, #tpu.memory_space<semaphore_mem>> -> memref<!tpu.dma_semaphore, #tpu.memory_space<semaphore_mem>>
      tpu.enqueue_indirect_dma source(%dma_start3A_1050 : memref<1000000x64xf32, #tpu.memory_space<hbm>>) target(%dma_start3A_1044 : memref<128x64xf32, #tpu.memory_space<vmem>>) offsets(%dma_start3A_1047 : memref<128xi32, #tpu.memory_space<vmem>>) semaphore(%dma_start3A_1052 : memref<!tpu.dma_semaphore, #tpu.memory_space<semaphore_mem>>)
      %add3A_1053 = arith.constant 0 : i32
      %add3A_1054 = arith.addi %mul3A_1035, %add3A_1053 : i32
      %dma_start3A_1055 = arith.constant 0 : i32
      %dma_start3A_1056 = arith.constant 0 : i32
      %dma_start3A_1057 = tpu.memref_slice %arg6[%scan3A_292, %dma_start3A_1055, %dma_start3A_1056] : memref<2x800x64xf32, #tpu.memory_space<vmem>> -> memref<1x800x64xf32, #tpu.memory_space<vmem>>
      %dma_start3A_1058 = tpu.memref_squeeze %dma_start3A_1057 : memref<1x800x64xf32, #tpu.memory_space<vmem>> -> memref<800x64xf32, #tpu.memory_space<vmem>>
      %dma_start3A_1059 = arith.constant 128 : i32
      %dma_start3A_1060 = arith.constant 0 : i32
      %dma_start3A_1061 = tpu.memref_slice %dma_start3A_1058[%dma_start3A_1059, %dma_start3A_1060] : memref<800x64xf32, #tpu.memory_space<vmem>> -> memref<72x64xf32, #tpu.memory_space<vmem>>
      %dma_start3A_1062 = arith.constant 128 : i32
      %dma_start3A_1063 = tpu.memref_slice %arg5[%add3A_1054, %dma_start3A_1062] : memref<128x200xi32, #tpu.memory_space<vmem>> -> memref<1x72xi32, #tpu.memory_space<vmem>>
      %dma_start3A_1064 = tpu.memref_squeeze %dma_start3A_1063 : memref<1x72xi32, #tpu.memory_space<vmem>> -> memref<72xi32, #tpu.memory_space<vmem>>
      %dma_start3A_1065 = arith.constant 0 : i32
      %dma_start3A_1066 = arith.constant 0 : i32
      %dma_start3A_1067 = tpu.memref_slice %arg2[%dma_start3A_1065, %dma_start3A_1066] : memref<1000000x64xf32, #tpu.memory_space<hbm>> -> memref<1000000x64xf32, #tpu.memory_space<hbm>>
      %dma_start3A_1068 = tpu.memref_slice %arg7[%scan3A_293] : memref<2x!tpu.dma_semaphore, #tpu.memory_space<semaphore_mem>> -> memref<1x!tpu.dma_semaphore, #tpu.memory_space<semaphore_mem>>
      %dma_start3A_1069 = tpu.memref_squeeze %dma_start3A_1068 : memref<1x!tpu.dma_semaphore, #tpu.memory_space<semaphore_mem>> -> memref<!tpu.dma_semaphore, #tpu.memory_space<semaphore_mem>>
      tpu.enqueue_indirect_dma source(%dma_start3A_1067 : memref<1000000x64xf32, #tpu.memory_space<hbm>>) target(%dma_start3A_1061 : memref<72x64xf32, #tpu.memory_space<vmem>>) offsets(%dma_start3A_1064 : memref<72xi32, #tpu.memory_space<vmem>>) semaphore(%dma_start3A_1069 : memref<!tpu.dma_semaphore, #tpu.memory_space<semaphore_mem>>)
      %add3A_1070 = arith.constant 1 : i32
      %add3A_1071 = arith.addi %mul3A_1035, %add3A_1070 : i32
      %dma_start3A_1072 = arith.constant 0 : i32
      %dma_start3A_1073 = arith.constant 0 : i32
      %dma_start3A_1074 = tpu.memref_slice %arg6[%scan3A_292, %dma_start3A_1072, %dma_start3A_1073] : memref<2x800x64xf32, #tpu.memory_space<vmem>> -> memref<1x800x64xf32, #tpu.memory_space<vmem>>
      %dma_start3A_1075 = tpu.memref_squeeze %dma_start3A_1074 : memref<1x800x64xf32, #tpu.memory_space<vmem>> -> memref<800x64xf32, #tpu.memory_space<vmem>>
      %dma_start3A_1076 = arith.constant 200 : i32
      %dma_start3A_1077 = arith.constant 0 : i32
      %dma_start3A_1078 = tpu.memref_slice %dma_start3A_1075[%dma_start3A_1076, %dma_start3A_1077] : memref<800x64xf32, #tpu.memory_space<vmem>> -> memref<128x64xf32, #tpu.memory_space<vmem>>
      %dma_start3A_1079 = arith.constant 0 : i32
      %dma_start3A_1080 = tpu.memref_slice %arg5[%add3A_1071, %dma_start3A_1079] : memref<128x200xi32, #tpu.memory_space<vmem>> -> memref<1x128xi32, #tpu.memory_space<vmem>>
      %dma_start3A_1081 = tpu.memref_squeeze %dma_start3A_1080 : memref<1x128xi32, #tpu.memory_space<vmem>> -> memref<128xi32, #tpu.memory_space<vmem>>
      %dma_start3A_1082 = arith.constant 0 : i32
      %dma_start3A_1083 = arith.constant 0 : i32
      %dma_start3A_1084 = tpu.memref_slice %arg2[%dma_start3A_1082, %dma_start3A_1083] : memref<1000000x64xf32, #tpu.memory_space<hbm>> -> memref<1000000x64xf32, #tpu.memory_space<hbm>>
      %dma_start3A_1085 = tpu.memref_slice %arg7[%scan3A_293] : memref<2x!tpu.dma_semaphore, #tpu.memory_space<semaphore_mem>> -> memref<1x!tpu.dma_semaphore, #tpu.memory_space<semaphore_mem>>
      %dma_start3A_1086 = tpu.memref_squeeze %dma_start3A_1085 : memref<1x!tpu.dma_semaphore, #tpu.memory_space<semaphore_mem>> -> memref<!tpu.dma_semaphore, #tpu.memory_space<semaphore_mem>>
      tpu.enqueue_indirect_dma source(%dma_start3A_1084 : memref<1000000x64xf32, #tpu.memory_space<hbm>>) target(%dma_start3A_1078 : memref<128x64xf32, #tpu.memory_space<vmem>>) offsets(%dma_start3A_1081 : memref<128xi32, #tpu.memory_space<vmem>>) semaphore(%dma_start3A_1086 : memref<!tpu.dma_semaphore, #tpu.memory_space<semaphore_mem>>)
      %add3A_1087 = arith.constant 1 : i32
      %add3A_1088 = arith.addi %mul3A_1035, %add3A_1087 : i32
      %dma_start3A_1089 = arith.constant 0 : i32
      %dma_start3A_1090 = arith.constant 0 : i32
      %dma_start3A_1091 = tpu.memref_slice %arg6[%scan3A_292, %dma_start3A_1089, %dma_start3A_1090] : memref<2x800x64xf32, #tpu.memory_space<vmem>> -> memref<1x800x64xf32, #tpu.memory_space<vmem>>
      %dma_start3A_1092 = tpu.memref_squeeze %dma_start3A_1091 : memref<1x800x64xf32, #tpu.memory_space<vmem>> -> memref<800x64xf32, #tpu.memory_space<vmem>>
      %dma_start3A_1093 = arith.constant 328 : i32
      %dma_start3A_1094 = arith.constant 0 : i32
      %dma_start3A_1095 = tpu.memref_slice %dma_start3A_1092[%dma_start3A_1093, %dma_start3A_1094] : memref<800x64xf32, #tpu.memory_space<vmem>> -> memref<72x64xf32, #tpu.memory_space<vmem>>
      %dma_start3A_1096 = arith.constant 128 : i32
      %dma_start3A_1097 = tpu.memref_slice %arg5[%add3A_1088, %dma_start3A_1096] : memref<128x200xi32, #tpu.memory_space<vmem>> -> memref<1x72xi32, #tpu.memory_space<vmem>>
      %dma_start3A_1098 = tpu.memref_squeeze %dma_start3A_1097 : memref<1x72xi32, #tpu.memory_space<vmem>> -> memref<72xi32, #tpu.memory_space<vmem>>
      %dma_start3A_1099 = arith.constant 0 : i32
      %dma_start3A_1100 = arith.constant 0 : i32
      %dma_start3A_1101 = tpu.memref_slice %arg2[%dma_start3A_1099, %dma_start3A_1100] : memref<1000000x64xf32, #tpu.memory_space<hbm>> -> memref<1000000x64xf32, #tpu.memory_space<hbm>>
      %dma_start3A_1102 = tpu.memref_slice %arg7[%scan3A_293] : memref<2x!tpu.dma_semaphore, #tpu.memory_space<semaphore_mem>> -> memref<1x!tpu.dma_semaphore, #tpu.memory_space<semaphore_mem>>
      %dma_start3A_1103 = tpu.memref_squeeze %dma_start3A_1102 : memref<1x!tpu.dma_semaphore, #tpu.memory_space<semaphore_mem>> -> memref<!tpu.dma_semaphore, #tpu.memory_space<semaphore_mem>>
      tpu.enqueue_indirect_dma source(%dma_start3A_1101 : memref<1000000x64xf32, #tpu.memory_space<hbm>>) target(%dma_start3A_1095 : memref<72x64xf32, #tpu.memory_space<vmem>>) offsets(%dma_start3A_1098 : memref<72xi32, #tpu.memory_space<vmem>>) semaphore(%dma_start3A_1103 : memref<!tpu.dma_semaphore, #tpu.memory_space<semaphore_mem>>)
      %add3A_1104 = arith.constant 2 : i32
      %add3A_1105 = arith.addi %mul3A_1035, %add3A_1104 : i32
      %dma_start3A_1106 = arith.constant 0 : i32
      %dma_start3A_1107 = arith.constant 0 : i32
      %dma_start3A_1108 = tpu.memref_slice %arg6[%scan3A_292, %dma_start3A_1106, %dma_start3A_1107] : memref<2x800x64xf32, #tpu.memory_space<vmem>> -> memref<1x800x64xf32, #tpu.memory_space<vmem>>
      %dma_start3A_1109 = tpu.memref_squeeze %dma_start3A_1108 : memref<1x800x64xf32, #tpu.memory_space<vmem>> -> memref<800x64xf32, #tpu.memory_space<vmem>>
      %dma_start3A_1110 = arith.constant 400 : i32
      %dma_start3A_1111 = arith.constant 0 : i32
      %dma_start3A_1112 = tpu.memref_slice %dma_start3A_1109[%dma_start3A_1110, %dma_start3A_1111] : memref<800x64xf32, #tpu.memory_space<vmem>> -> memref<128x64xf32, #tpu.memory_space<vmem>>
      %dma_start3A_1113 = arith.constant 0 : i32
      %dma_start3A_1114 = tpu.memref_slice %arg5[%add3A_1105, %dma_start3A_1113] : memref<128x200xi32, #tpu.memory_space<vmem>> -> memref<1x128xi32, #tpu.memory_space<vmem>>
      %dma_start3A_1115 = tpu.memref_squeeze %dma_start3A_1114 : memref<1x128xi32, #tpu.memory_space<vmem>> -> memref<128xi32, #tpu.memory_space<vmem>>
      %dma_start3A_1116 = arith.constant 0 : i32
      %dma_start3A_1117 = arith.constant 0 : i32
      %dma_start3A_1118 = tpu.memref_slice %arg2[%dma_start3A_1116, %dma_start3A_1117] : memref<1000000x64xf32, #tpu.memory_space<hbm>> -> memref<1000000x64xf32, #tpu.memory_space<hbm>>
      %dma_start3A_1119 = tpu.memref_slice %arg7[%scan3A_293] : memref<2x!tpu.dma_semaphore, #tpu.memory_space<semaphore_mem>> -> memref<1x!tpu.dma_semaphore, #tpu.memory_space<semaphore_mem>>
      %dma_start3A_1120 = tpu.memref_squeeze %dma_start3A_1119 : memref<1x!tpu.dma_semaphore, #tpu.memory_space<semaphore_mem>> -> memref<!tpu.dma_semaphore, #tpu.memory_space<semaphore_mem>>
      tpu.enqueue_indirect_dma source(%dma_start3A_1118 : memref<1000000x64xf32, #tpu.memory_space<hbm>>) target(%dma_start3A_1112 : memref<128x64xf32, #tpu.memory_space<vmem>>) offsets(%dma_start3A_1115 : memref<128xi32, #tpu.memory_space<vmem>>) semaphore(%dma_start3A_1120 : memref<!tpu.dma_semaphore, #tpu.memory_space<semaphore_mem>>)
      %add3A_1121 = arith.constant 2 : i32
      %add3A_1122 = arith.addi %mul3A_1035, %add3A_1121 : i32
      %dma_start3A_1123 = arith.constant 0 : i32
      %dma_start3A_1124 = arith.constant 0 : i32
      %dma_start3A_1125 = tpu.memref_slice %arg6[%scan3A_292, %dma_start3A_1123, %dma_start3A_1124] : memref<2x800x64xf32, #tpu.memory_space<vmem>> -> memref<1x800x64xf32, #tpu.memory_space<vmem>>
      %dma_start3A_1126 = tpu.memref_squeeze %dma_start3A_1125 : memref<1x800x64xf32, #tpu.memory_space<vmem>> -> memref<800x64xf32, #tpu.memory_space<vmem>>
      %dma_start3A_1127 = arith.constant 528 : i32
      %dma_start3A_1128 = arith.constant 0 : i32
      %dma_start3A_1129 = tpu.memref_slice %dma_start3A_1126[%dma_start3A_1127, %dma_start3A_1128] : memref<800x64xf32, #tpu.memory_space<vmem>> -> memref<72x64xf32, #tpu.memory_space<vmem>>
      %dma_start3A_1130 = arith.constant 128 : i32
      %dma_start3A_1131 = tpu.memref_slice %arg5[%add3A_1122, %dma_start3A_1130] : memref<128x200xi32, #tpu.memory_space<vmem>> -> memref<1x72xi32, #tpu.memory_space<vmem>>
      %dma_start3A_1132 = tpu.memref_squeeze %dma_start3A_1131 : memref<1x72xi32, #tpu.memory_space<vmem>> -> memref<72xi32, #tpu.memory_space<vmem>>
      %dma_start3A_1133 = arith.constant 0 : i32
      %dma_start3A_1134 = arith.constant 0 : i32
      %dma_start3A_1135 = tpu.memref_slice %arg2[%dma_start3A_1133, %dma_start3A_1134] : memref<1000000x64xf32, #tpu.memory_space<hbm>> -> memref<1000000x64xf32, #tpu.memory_space<hbm>>
      %dma_start3A_1136 = tpu.memref_slice %arg7[%scan3A_293] : memref<2x!tpu.dma_semaphore, #tpu.memory_space<semaphore_mem>> -> memref<1x!tpu.dma_semaphore, #tpu.memory_space<semaphore_mem>>
      %dma_start3A_1137 = tpu.memref_squeeze %dma_start3A_1136 : memref<1x!tpu.dma_semaphore, #tpu.memory_space<semaphore_mem>> -> memref<!tpu.dma_semaphore, #tpu.memory_space<semaphore_mem>>
      tpu.enqueue_indirect_dma source(%dma_start3A_1135 : memref<1000000x64xf32, #tpu.memory_space<hbm>>) target(%dma_start3A_1129 : memref<72x64xf32, #tpu.memory_space<vmem>>) offsets(%dma_start3A_1132 : memref<72xi32, #tpu.memory_space<vmem>>) semaphore(%dma_start3A_1137 : memref<!tpu.dma_semaphore, #tpu.memory_space<semaphore_mem>>)
      %add3A_1138 = arith.constant 3 : i32
      %add3A_1139 = arith.addi %mul3A_1035, %add3A_1138 : i32
      %dma_start3A_1140 = arith.constant 0 : i32
      %dma_start3A_1141 = arith.constant 0 : i32
      %dma_start3A_1142 = tpu.memref_slice %arg6[%scan3A_292, %dma_start3A_1140, %dma_start3A_1141] : memref<2x800x64xf32, #tpu.memory_space<vmem>> -> memref<1x800x64xf32, #tpu.memory_space<vmem>>
      %dma_start3A_1143 = tpu.memref_squeeze %dma_start3A_1142 : memref<1x800x64xf32, #tpu.memory_space<vmem>> -> memref<800x64xf32, #tpu.memory_space<vmem>>
      %dma_start3A_1144 = arith.constant 600 : i32
      %dma_start3A_1145 = arith.constant 0 : i32
      %dma_start3A_1146 = tpu.memref_slice %dma_start3A_1143[%dma_start3A_1144, %dma_start3A_1145] : memref<800x64xf32, #tpu.memory_space<vmem>> -> memref<128x64xf32, #tpu.memory_space<vmem>>
      %dma_start3A_1147 = arith.constant 0 : i32
      %dma_start3A_1148 = tpu.memref_slice %arg5[%add3A_1139, %dma_start3A_1147] : memref<128x200xi32, #tpu.memory_space<vmem>> -> memref<1x128xi32, #tpu.memory_space<vmem>>
      %dma_start3A_1149 = tpu.memref_squeeze %dma_start3A_1148 : memref<1x128xi32, #tpu.memory_space<vmem>> -> memref<128xi32, #tpu.memory_space<vmem>>
      %dma_start3A_1150 = arith.constant 0 : i32
      %dma_start3A_1151 = arith.constant 0 : i32
      %dma_start3A_1152 = tpu.memref_slice %arg2[%dma_start3A_1150, %dma_start3A_1151] : memref<1000000x64xf32, #tpu.memory_space<hbm>> -> memref<1000000x64xf32, #tpu.memory_space<hbm>>
      %dma_start3A_1153 = tpu.memref_slice %arg7[%scan3A_293] : memref<2x!tpu.dma_semaphore, #tpu.memory_space<semaphore_mem>> -> memref<1x!tpu.dma_semaphore, #tpu.memory_space<semaphore_mem>>
      %dma_start3A_1154 = tpu.memref_squeeze %dma_start3A_1153 : memref<1x!tpu.dma_semaphore, #tpu.memory_space<semaphore_mem>> -> memref<!tpu.dma_semaphore, #tpu.memory_space<semaphore_mem>>
      tpu.enqueue_indirect_dma source(%dma_start3A_1152 : memref<1000000x64xf32, #tpu.memory_space<hbm>>) target(%dma_start3A_1146 : memref<128x64xf32, #tpu.memory_space<vmem>>) offsets(%dma_start3A_1149 : memref<128xi32, #tpu.memory_space<vmem>>) semaphore(%dma_start3A_1154 : memref<!tpu.dma_semaphore, #tpu.memory_space<semaphore_mem>>)
      %add3A_1155 = arith.constant 3 : i32
      %add3A_1156 = arith.addi %mul3A_1035, %add3A_1155 : i32
      %dma_start3A_1157 = arith.constant 0 : i32
      %dma_start3A_1158 = arith.constant 0 : i32
      %dma_start3A_1159 = tpu.memref_slice %arg6[%scan3A_292, %dma_start3A_1157, %dma_start3A_1158] : memref<2x800x64xf32, #tpu.memory_space<vmem>> -> memref<1x800x64xf32, #tpu.memory_space<vmem>>
      %dma_start3A_1160 = tpu.memref_squeeze %dma_start3A_1159 : memref<1x800x64xf32, #tpu.memory_space<vmem>> -> memref<800x64xf32, #tpu.memory_space<vmem>>
      %dma_start3A_1161 = arith.constant 728 : i32
      %dma_start3A_1162 = arith.constant 0 : i32
      %dma_start3A_1163 = tpu.memref_slice %dma_start3A_1160[%dma_start3A_1161, %dma_start3A_1162] : memref<800x64xf32, #tpu.memory_space<vmem>> -> memref<72x64xf32, #tpu.memory_space<vmem>>
      %dma_start3A_1164 = arith.constant 128 : i32
      %dma_start3A_1165 = tpu.memref_slice %arg5[%add3A_1156, %dma_start3A_1164] : memref<128x200xi32, #tpu.memory_space<vmem>> -> memref<1x72xi32, #tpu.memory_space<vmem>>
      %dma_start3A_1166 = tpu.memref_squeeze %dma_start3A_1165 : memref<1x72xi32, #tpu.memory_space<vmem>> -> memref<72xi32, #tpu.memory_space<vmem>>
      %dma_start3A_1167 = arith.constant 0 : i32
      %dma_start3A_1168 = arith.constant 0 : i32
      %dma_start3A_1169 = tpu.memref_slice %arg2[%dma_start3A_1167, %dma_start3A_1168] : memref<1000000x64xf32, #tpu.memory_space<hbm>> -> memref<1000000x64xf32, #tpu.memory_space<hbm>>
      %dma_start3A_1170 = tpu.memref_slice %arg7[%scan3A_293] : memref<2x!tpu.dma_semaphore, #tpu.memory_space<semaphore_mem>> -> memref<1x!tpu.dma_semaphore, #tpu.memory_space<semaphore_mem>>
      %dma_start3A_1171 = tpu.memref_squeeze %dma_start3A_1170 : memref<1x!tpu.dma_semaphore, #tpu.memory_space<semaphore_mem>> -> memref<!tpu.dma_semaphore, #tpu.memory_space<semaphore_mem>>
      tpu.enqueue_indirect_dma source(%dma_start3A_1169 : memref<1000000x64xf32, #tpu.memory_space<hbm>>) target(%dma_start3A_1163 : memref<72x64xf32, #tpu.memory_space<vmem>>) offsets(%dma_start3A_1166 : memref<72xi32, #tpu.memory_space<vmem>>) semaphore(%dma_start3A_1171 : memref<!tpu.dma_semaphore, #tpu.memory_space<semaphore_mem>>)
    }
    %scan3A_298 = arith.constant 15 : i32
    %dma_wait3A = arith.constant 0 : i32
    %dma_wait3A_299 = arith.constant 0 : i32
    %dma_wait3A_300 = arith.constant 0 : i32
    %dma_wait3A_301 = arith.constant 0 : i32
    %dma_wait3A_302 = arith.constant 0 : i32
    %dma_wait3A_303 = tpu.memref_slice %arg6[%dma_wait3A_299, %dma_wait3A_301, %dma_wait3A_302] : memref<2x800x64xf32, #tpu.memory_space<vmem>> -> memref<1x800x64xf32, #tpu.memory_space<vmem>>
    %dma_wait3A_304 = tpu.memref_squeeze %dma_wait3A_303 : memref<1x800x64xf32, #tpu.memory_space<vmem>> -> memref<800x64xf32, #tpu.memory_space<vmem>>
    %dma_wait3A_305 = arith.constant 0 : i32
    %dma_wait3A_306 = arith.constant 0 : i32
    %dma_wait3A_307 = tpu.memref_slice %dma_wait3A_304[%dma_wait3A_305, %dma_wait3A_306] : memref<800x64xf32, #tpu.memory_space<vmem>> -> memref<128x64xf32, #tpu.memory_space<vmem>>
    %dma_wait3A_308 = arith.constant 0 : i32
    %dma_wait3A_309 = tpu.memref_slice %arg5[%dma_wait3A, %dma_wait3A_308] : memref<128x200xi32, #tpu.memory_space<vmem>> -> memref<1x128xi32, #tpu.memory_space<vmem>>
    %dma_wait3A_310 = tpu.memref_squeeze %dma_wait3A_309 : memref<1x128xi32, #tpu.memory_space<vmem>> -> memref<128xi32, #tpu.memory_space<vmem>>
    %dma_wait3A_311 = arith.constant 0 : i32
    %dma_wait3A_312 = arith.constant 0 : i32
    %dma_wait3A_313 = tpu.memref_slice %arg2[%dma_wait3A_311, %dma_wait3A_312] : memref<1000000x64xf32, #tpu.memory_space<hbm>> -> memref<1000000x64xf32, #tpu.memory_space<hbm>>
    %dma_wait3A_314 = tpu.memref_slice %arg7[%dma_wait3A_300] : memref<2x!tpu.dma_semaphore, #tpu.memory_space<semaphore_mem>> -> memref<1x!tpu.dma_semaphore, #tpu.memory_space<semaphore_mem>>
    %dma_wait3A_315 = tpu.memref_squeeze %dma_wait3A_314 : memref<1x!tpu.dma_semaphore, #tpu.memory_space<semaphore_mem>> -> memref<!tpu.dma_semaphore, #tpu.memory_space<semaphore_mem>>
    tpu.wait_indirect_dma semaphore(%dma_wait3A_315 : memref<!tpu.dma_semaphore, #tpu.memory_space<semaphore_mem>>) src(%dma_wait3A_313 : memref<1000000x64xf32, #tpu.memory_space<hbm>>) dst(%dma_wait3A_307 : memref<128x64xf32, #tpu.memory_space<vmem>>)
    %dma_wait3A_316 = arith.constant 0 : i32
    %dma_wait3A_317 = arith.constant 0 : i32
    %dma_wait3A_318 = arith.constant 0 : i32
    %dma_wait3A_319 = arith.constant 0 : i32
    %dma_wait3A_320 = arith.constant 0 : i32
    %dma_wait3A_321 = tpu.memref_slice %arg6[%dma_wait3A_317, %dma_wait3A_319, %dma_wait3A_320] : memref<2x800x64xf32, #tpu.memory_space<vmem>> -> memref<1x800x64xf32, #tpu.memory_space<vmem>>
    %dma_wait3A_322 = tpu.memref_squeeze %dma_wait3A_321 : memref<1x800x64xf32, #tpu.memory_space<vmem>> -> memref<800x64xf32, #tpu.memory_space<vmem>>
    %dma_wait3A_323 = arith.constant 128 : i32
    %dma_wait3A_324 = arith.constant 0 : i32
    %dma_wait3A_325 = tpu.memref_slice %dma_wait3A_322[%dma_wait3A_323, %dma_wait3A_324] : memref<800x64xf32, #tpu.memory_space<vmem>> -> memref<72x64xf32, #tpu.memory_space<vmem>>
    %dma_wait3A_326 = arith.constant 128 : i32
    %dma_wait3A_327 = tpu.memref_slice %arg5[%dma_wait3A_316, %dma_wait3A_326] : memref<128x200xi32, #tpu.memory_space<vmem>> -> memref<1x72xi32, #tpu.memory_space<vmem>>
    %dma_wait3A_328 = tpu.memref_squeeze %dma_wait3A_327 : memref<1x72xi32, #tpu.memory_space<vmem>> -> memref<72xi32, #tpu.memory_space<vmem>>
    %dma_wait3A_329 = arith.constant 0 : i32
    %dma_wait3A_330 = arith.constant 0 : i32
    %dma_wait3A_331 = tpu.memref_slice %arg2[%dma_wait3A_329, %dma_wait3A_330] : memref<1000000x64xf32, #tpu.memory_space<hbm>> -> memref<1000000x64xf32, #tpu.memory_space<hbm>>
    %dma_wait3A_332 = tpu.memref_slice %arg7[%dma_wait3A_318] : memref<2x!tpu.dma_semaphore, #tpu.memory_space<semaphore_mem>> -> memref<1x!tpu.dma_semaphore, #tpu.memory_space<semaphore_mem>>
    %dma_wait3A_333 = tpu.memref_squeeze %dma_wait3A_332 : memref<1x!tpu.dma_semaphore, #tpu.memory_space<semaphore_mem>> -> memref<!tpu.dma_semaphore, #tpu.memory_space<semaphore_mem>>
    tpu.wait_indirect_dma semaphore(%dma_wait3A_333 : memref<!tpu.dma_semaphore, #tpu.memory_space<semaphore_mem>>) src(%dma_wait3A_331 : memref<1000000x64xf32, #tpu.memory_space<hbm>>) dst(%dma_wait3A_325 : memref<72x64xf32, #tpu.memory_space<vmem>>)
    %dma_wait3A_334 = arith.constant 1 : i32
    %dma_wait3A_335 = arith.constant 0 : i32
    %dma_wait3A_336 = arith.constant 0 : i32
    %dma_wait3A_337 = arith.constant 0 : i32
    %dma_wait3A_338 = arith.constant 0 : i32
    %dma_wait3A_339 = tpu.memref_slice %arg6[%dma_wait3A_335, %dma_wait3A_337, %dma_wait3A_338] : memref<2x800x64xf32, #tpu.memory_space<vmem>> -> memref<1x800x64xf32, #tpu.memory_space<vmem>>
    %dma_wait3A_340 = tpu.memref_squeeze %dma_wait3A_339 : memref<1x800x64xf32, #tpu.memory_space<vmem>> -> memref<800x64xf32, #tpu.memory_space<vmem>>
    %dma_wait3A_341 = arith.constant 200 : i32
    %dma_wait3A_342 = arith.constant 0 : i32
    %dma_wait3A_343 = tpu.memref_slice %dma_wait3A_340[%dma_wait3A_341, %dma_wait3A_342] : memref<800x64xf32, #tpu.memory_space<vmem>> -> memref<128x64xf32, #tpu.memory_space<vmem>>
    %dma_wait3A_344 = arith.constant 0 : i32
    %dma_wait3A_345 = tpu.memref_slice %arg5[%dma_wait3A_334, %dma_wait3A_344] : memref<128x200xi32, #tpu.memory_space<vmem>> -> memref<1x128xi32, #tpu.memory_space<vmem>>
    %dma_wait3A_346 = tpu.memref_squeeze %dma_wait3A_345 : memref<1x128xi32, #tpu.memory_space<vmem>> -> memref<128xi32, #tpu.memory_space<vmem>>
    %dma_wait3A_347 = arith.constant 0 : i32
    %dma_wait3A_348 = arith.constant 0 : i32
    %dma_wait3A_349 = tpu.memref_slice %arg2[%dma_wait3A_347, %dma_wait3A_348] : memref<1000000x64xf32, #tpu.memory_space<hbm>> -> memref<1000000x64xf32, #tpu.memory_space<hbm>>
    %dma_wait3A_350 = tpu.memref_slice %arg7[%dma_wait3A_336] : memref<2x!tpu.dma_semaphore, #tpu.memory_space<semaphore_mem>> -> memref<1x!tpu.dma_semaphore, #tpu.memory_space<semaphore_mem>>
    %dma_wait3A_351 = tpu.memref_squeeze %dma_wait3A_350 : memref<1x!tpu.dma_semaphore, #tpu.memory_space<semaphore_mem>> -> memref<!tpu.dma_semaphore, #tpu.memory_space<semaphore_mem>>
    tpu.wait_indirect_dma semaphore(%dma_wait3A_351 : memref<!tpu.dma_semaphore, #tpu.memory_space<semaphore_mem>>) src(%dma_wait3A_349 : memref<1000000x64xf32, #tpu.memory_space<hbm>>) dst(%dma_wait3A_343 : memref<128x64xf32, #tpu.memory_space<vmem>>)
    %dma_wait3A_352 = arith.constant 1 : i32
    %dma_wait3A_353 = arith.constant 0 : i32
    %dma_wait3A_354 = arith.constant 0 : i32
    %dma_wait3A_355 = arith.constant 0 : i32
    %dma_wait3A_356 = arith.constant 0 : i32
    %dma_wait3A_357 = tpu.memref_slice %arg6[%dma_wait3A_353, %dma_wait3A_355, %dma_wait3A_356] : memref<2x800x64xf32, #tpu.memory_space<vmem>> -> memref<1x800x64xf32, #tpu.memory_space<vmem>>
    %dma_wait3A_358 = tpu.memref_squeeze %dma_wait3A_357 : memref<1x800x64xf32, #tpu.memory_space<vmem>> -> memref<800x64xf32, #tpu.memory_space<vmem>>
    %dma_wait3A_359 = arith.constant 328 : i32
    %dma_wait3A_360 = arith.constant 0 : i32
    %dma_wait3A_361 = tpu.memref_slice %dma_wait3A_358[%dma_wait3A_359, %dma_wait3A_360] : memref<800x64xf32, #tpu.memory_space<vmem>> -> memref<72x64xf32, #tpu.memory_space<vmem>>
    %dma_wait3A_362 = arith.constant 128 : i32
    %dma_wait3A_363 = tpu.memref_slice %arg5[%dma_wait3A_352, %dma_wait3A_362] : memref<128x200xi32, #tpu.memory_space<vmem>> -> memref<1x72xi32, #tpu.memory_space<vmem>>
    %dma_wait3A_364 = tpu.memref_squeeze %dma_wait3A_363 : memref<1x72xi32, #tpu.memory_space<vmem>> -> memref<72xi32, #tpu.memory_space<vmem>>
    %dma_wait3A_365 = arith.constant 0 : i32
    %dma_wait3A_366 = arith.constant 0 : i32
    %dma_wait3A_367 = tpu.memref_slice %arg2[%dma_wait3A_365, %dma_wait3A_366] : memref<1000000x64xf32, #tpu.memory_space<hbm>> -> memref<1000000x64xf32, #tpu.memory_space<hbm>>
    %dma_wait3A_368 = tpu.memref_slice %arg7[%dma_wait3A_354] : memref<2x!tpu.dma_semaphore, #tpu.memory_space<semaphore_mem>> -> memref<1x!tpu.dma_semaphore, #tpu.memory_space<semaphore_mem>>
    %dma_wait3A_369 = tpu.memref_squeeze %dma_wait3A_368 : memref<1x!tpu.dma_semaphore, #tpu.memory_space<semaphore_mem>> -> memref<!tpu.dma_semaphore, #tpu.memory_space<semaphore_mem>>
    tpu.wait_indirect_dma semaphore(%dma_wait3A_369 : memref<!tpu.dma_semaphore, #tpu.memory_space<semaphore_mem>>) src(%dma_wait3A_367 : memref<1000000x64xf32, #tpu.memory_space<hbm>>) dst(%dma_wait3A_361 : memref<72x64xf32, #tpu.memory_space<vmem>>)
    %dma_wait3A_370 = arith.constant 2 : i32
    %dma_wait3A_371 = arith.constant 0 : i32
    %dma_wait3A_372 = arith.constant 0 : i32
    %dma_wait3A_373 = arith.constant 0 : i32
    %dma_wait3A_374 = arith.constant 0 : i32
    %dma_wait3A_375 = tpu.memref_slice %arg6[%dma_wait3A_371, %dma_wait3A_373, %dma_wait3A_374] : memref<2x800x64xf32, #tpu.memory_space<vmem>> -> memref<1x800x64xf32, #tpu.memory_space<vmem>>
    %dma_wait3A_376 = tpu.memref_squeeze %dma_wait3A_375 : memref<1x800x64xf32, #tpu.memory_space<vmem>> -> memref<800x64xf32, #tpu.memory_space<vmem>>
    %dma_wait3A_377 = arith.constant 400 : i32
    %dma_wait3A_378 = arith.constant 0 : i32
    %dma_wait3A_379 = tpu.memref_slice %dma_wait3A_376[%dma_wait3A_377, %dma_wait3A_378] : memref<800x64xf32, #tpu.memory_space<vmem>> -> memref<128x64xf32, #tpu.memory_space<vmem>>
    %dma_wait3A_380 = arith.constant 0 : i32
    %dma_wait3A_381 = tpu.memref_slice %arg5[%dma_wait3A_370, %dma_wait3A_380] : memref<128x200xi32, #tpu.memory_space<vmem>> -> memref<1x128xi32, #tpu.memory_space<vmem>>
    %dma_wait3A_382 = tpu.memref_squeeze %dma_wait3A_381 : memref<1x128xi32, #tpu.memory_space<vmem>> -> memref<128xi32, #tpu.memory_space<vmem>>
    %dma_wait3A_383 = arith.constant 0 : i32
    %dma_wait3A_384 = arith.constant 0 : i32
    %dma_wait3A_385 = tpu.memref_slice %arg2[%dma_wait3A_383, %dma_wait3A_384] : memref<1000000x64xf32, #tpu.memory_space<hbm>> -> memref<1000000x64xf32, #tpu.memory_space<hbm>>
    %dma_wait3A_386 = tpu.memref_slice %arg7[%dma_wait3A_372] : memref<2x!tpu.dma_semaphore, #tpu.memory_space<semaphore_mem>> -> memref<1x!tpu.dma_semaphore, #tpu.memory_space<semaphore_mem>>
    %dma_wait3A_387 = tpu.memref_squeeze %dma_wait3A_386 : memref<1x!tpu.dma_semaphore, #tpu.memory_space<semaphore_mem>> -> memref<!tpu.dma_semaphore, #tpu.memory_space<semaphore_mem>>
    tpu.wait_indirect_dma semaphore(%dma_wait3A_387 : memref<!tpu.dma_semaphore, #tpu.memory_space<semaphore_mem>>) src(%dma_wait3A_385 : memref<1000000x64xf32, #tpu.memory_space<hbm>>) dst(%dma_wait3A_379 : memref<128x64xf32, #tpu.memory_space<vmem>>)
    %dma_wait3A_388 = arith.constant 2 : i32
    %dma_wait3A_389 = arith.constant 0 : i32
    %dma_wait3A_390 = arith.constant 0 : i32
    %dma_wait3A_391 = arith.constant 0 : i32
    %dma_wait3A_392 = arith.constant 0 : i32
    %dma_wait3A_393 = tpu.memref_slice %arg6[%dma_wait3A_389, %dma_wait3A_391, %dma_wait3A_392] : memref<2x800x64xf32, #tpu.memory_space<vmem>> -> memref<1x800x64xf32, #tpu.memory_space<vmem>>
    %dma_wait3A_394 = tpu.memref_squeeze %dma_wait3A_393 : memref<1x800x64xf32, #tpu.memory_space<vmem>> -> memref<800x64xf32, #tpu.memory_space<vmem>>
    %dma_wait3A_395 = arith.constant 528 : i32
    %dma_wait3A_396 = arith.constant 0 : i32
    %dma_wait3A_397 = tpu.memref_slice %dma_wait3A_394[%dma_wait3A_395, %dma_wait3A_396] : memref<800x64xf32, #tpu.memory_space<vmem>> -> memref<72x64xf32, #tpu.memory_space<vmem>>
    %dma_wait3A_398 = arith.constant 128 : i32
    %dma_wait3A_399 = tpu.memref_slice %arg5[%dma_wait3A_388, %dma_wait3A_398] : memref<128x200xi32, #tpu.memory_space<vmem>> -> memref<1x72xi32, #tpu.memory_space<vmem>>
    %dma_wait3A_400 = tpu.memref_squeeze %dma_wait3A_399 : memref<1x72xi32, #tpu.memory_space<vmem>> -> memref<72xi32, #tpu.memory_space<vmem>>
    %dma_wait3A_401 = arith.constant 0 : i32
    %dma_wait3A_402 = arith.constant 0 : i32
    %dma_wait3A_403 = tpu.memref_slice %arg2[%dma_wait3A_401, %dma_wait3A_402] : memref<1000000x64xf32, #tpu.memory_space<hbm>> -> memref<1000000x64xf32, #tpu.memory_space<hbm>>
    %dma_wait3A_404 = tpu.memref_slice %arg7[%dma_wait3A_390] : memref<2x!tpu.dma_semaphore, #tpu.memory_space<semaphore_mem>> -> memref<1x!tpu.dma_semaphore, #tpu.memory_space<semaphore_mem>>
    %dma_wait3A_405 = tpu.memref_squeeze %dma_wait3A_404 : memref<1x!tpu.dma_semaphore, #tpu.memory_space<semaphore_mem>> -> memref<!tpu.dma_semaphore, #tpu.memory_space<semaphore_mem>>
    tpu.wait_indirect_dma semaphore(%dma_wait3A_405 : memref<!tpu.dma_semaphore, #tpu.memory_space<semaphore_mem>>) src(%dma_wait3A_403 : memref<1000000x64xf32, #tpu.memory_space<hbm>>) dst(%dma_wait3A_397 : memref<72x64xf32, #tpu.memory_space<vmem>>)
    %dma_wait3A_406 = arith.constant 3 : i32
    %dma_wait3A_407 = arith.constant 0 : i32
    %dma_wait3A_408 = arith.constant 0 : i32
    %dma_wait3A_409 = arith.constant 0 : i32
    %dma_wait3A_410 = arith.constant 0 : i32
    %dma_wait3A_411 = tpu.memref_slice %arg6[%dma_wait3A_407, %dma_wait3A_409, %dma_wait3A_410] : memref<2x800x64xf32, #tpu.memory_space<vmem>> -> memref<1x800x64xf32, #tpu.memory_space<vmem>>
    %dma_wait3A_412 = tpu.memref_squeeze %dma_wait3A_411 : memref<1x800x64xf32, #tpu.memory_space<vmem>> -> memref<800x64xf32, #tpu.memory_space<vmem>>
    %dma_wait3A_413 = arith.constant 600 : i32
    %dma_wait3A_414 = arith.constant 0 : i32
    %dma_wait3A_415 = tpu.memref_slice %dma_wait3A_412[%dma_wait3A_413, %dma_wait3A_414] : memref<800x64xf32, #tpu.memory_space<vmem>> -> memref<128x64xf32, #tpu.memory_space<vmem>>
    %dma_wait3A_416 = arith.constant 0 : i32
    %dma_wait3A_417 = tpu.memref_slice %arg5[%dma_wait3A_406, %dma_wait3A_416] : memref<128x200xi32, #tpu.memory_space<vmem>> -> memref<1x128xi32, #tpu.memory_space<vmem>>
    %dma_wait3A_418 = tpu.memref_squeeze %dma_wait3A_417 : memref<1x128xi32, #tpu.memory_space<vmem>> -> memref<128xi32, #tpu.memory_space<vmem>>
    %dma_wait3A_419 = arith.constant 0 : i32
    %dma_wait3A_420 = arith.constant 0 : i32
    %dma_wait3A_421 = tpu.memref_slice %arg2[%dma_wait3A_419, %dma_wait3A_420] : memref<1000000x64xf32, #tpu.memory_space<hbm>> -> memref<1000000x64xf32, #tpu.memory_space<hbm>>
    %dma_wait3A_422 = tpu.memref_slice %arg7[%dma_wait3A_408] : memref<2x!tpu.dma_semaphore, #tpu.memory_space<semaphore_mem>> -> memref<1x!tpu.dma_semaphore, #tpu.memory_space<semaphore_mem>>
    %dma_wait3A_423 = tpu.memref_squeeze %dma_wait3A_422 : memref<1x!tpu.dma_semaphore, #tpu.memory_space<semaphore_mem>> -> memref<!tpu.dma_semaphore, #tpu.memory_space<semaphore_mem>>
    tpu.wait_indirect_dma semaphore(%dma_wait3A_423 : memref<!tpu.dma_semaphore, #tpu.memory_space<semaphore_mem>>) src(%dma_wait3A_421 : memref<1000000x64xf32, #tpu.memory_space<hbm>>) dst(%dma_wait3A_415 : memref<128x64xf32, #tpu.memory_space<vmem>>)
    %dma_wait3A_424 = arith.constant 3 : i32
    %dma_wait3A_425 = arith.constant 0 : i32
    %dma_wait3A_426 = arith.constant 0 : i32
    %dma_wait3A_427 = arith.constant 0 : i32
    %dma_wait3A_428 = arith.constant 0 : i32
    %dma_wait3A_429 = tpu.memref_slice %arg6[%dma_wait3A_425, %dma_wait3A_427, %dma_wait3A_428] : memref<2x800x64xf32, #tpu.memory_space<vmem>> -> memref<1x800x64xf32, #tpu.memory_space<vmem>>
    %dma_wait3A_430 = tpu.memref_squeeze %dma_wait3A_429 : memref<1x800x64xf32, #tpu.memory_space<vmem>> -> memref<800x64xf32, #tpu.memory_space<vmem>>
    %dma_wait3A_431 = arith.constant 728 : i32
    %dma_wait3A_432 = arith.constant 0 : i32
    %dma_wait3A_433 = tpu.memref_slice %dma_wait3A_430[%dma_wait3A_431, %dma_wait3A_432] : memref<800x64xf32, #tpu.memory_space<vmem>> -> memref<72x64xf32, #tpu.memory_space<vmem>>
    %dma_wait3A_434 = arith.constant 128 : i32
    %dma_wait3A_435 = tpu.memref_slice %arg5[%dma_wait3A_424, %dma_wait3A_434] : memref<128x200xi32, #tpu.memory_space<vmem>> -> memref<1x72xi32, #tpu.memory_space<vmem>>
    %dma_wait3A_436 = tpu.memref_squeeze %dma_wait3A_435 : memref<1x72xi32, #tpu.memory_space<vmem>> -> memref<72xi32, #tpu.memory_space<vmem>>
    %dma_wait3A_437 = arith.constant 0 : i32
    %dma_wait3A_438 = arith.constant 0 : i32
    %dma_wait3A_439 = tpu.memref_slice %arg2[%dma_wait3A_437, %dma_wait3A_438] : memref<1000000x64xf32, #tpu.memory_space<hbm>> -> memref<1000000x64xf32, #tpu.memory_space<hbm>>
    %dma_wait3A_440 = tpu.memref_slice %arg7[%dma_wait3A_426] : memref<2x!tpu.dma_semaphore, #tpu.memory_space<semaphore_mem>> -> memref<1x!tpu.dma_semaphore, #tpu.memory_space<semaphore_mem>>
    %dma_wait3A_441 = tpu.memref_squeeze %dma_wait3A_440 : memref<1x!tpu.dma_semaphore, #tpu.memory_space<semaphore_mem>> -> memref<!tpu.dma_semaphore, #tpu.memory_space<semaphore_mem>>
    tpu.wait_indirect_dma semaphore(%dma_wait3A_441 : memref<!tpu.dma_semaphore, #tpu.memory_space<semaphore_mem>>) src(%dma_wait3A_439 : memref<1000000x64xf32, #tpu.memory_space<hbm>>) dst(%dma_wait3A_433 : memref<72x64xf32, #tpu.memory_space<vmem>>)
    %scan3A_442 = arith.constant 0 : i32
    %scan3A_443 = arith.constant 0 : i32
    %scan3A_444 = arith.constant 0 : i32
    %scan3A_445 = arith.constant 100 : i32
    %scan3A_446 = arith.addi %scan3A_444, %scan3A_445 : i32
    %scan3A_447 = arith.constant 1 : i32
    scf.for %scan3A_609 = %scan3A_444 to %scan3A_446 step %scan3A_447  : i32 {
      %mul3A_610 = arith.constant 8 : i32
      %mul3A_611 = arith.muli %scan3A_609, %mul3A_610 : i32
      %add3A_612 = arith.constant 0 : i32
      %add3A_613 = arith.addi %mul3A_611, %add3A_612 : i32
      %get3A = arith.constant 0 : i32
      %get3A_614 = arith.constant 0 : i32
      %get3A_615 = tpu.memref_slice %arg6[%scan3A_443, %get3A, %get3A_614] : memref<2x800x64xf32, #tpu.memory_space<vmem>> -> memref<1x800x64xf32, #tpu.memory_space<vmem>>
      %get3A_616 = tpu.memref_squeeze %get3A_615 : memref<1x800x64xf32, #tpu.memory_space<vmem>> -> memref<800x64xf32, #tpu.memory_space<vmem>>
      %get3A_617 = arith.index_cast %add3A_613 : i32 to index
      %get3A_618 = arith.constant 0 : index
      %get3A_619 = tpu.vector_load %get3A_616[%get3A_617, %get3A_618] {strides = array<i32>} : memref<800x64xf32, #tpu.memory_space<vmem>>, vector<16xf32>,
      %mul3A_620 = arith.constant 8.000000e+00 : f32
      %mul3A_621 = vector.broadcast %mul3A_620 : f32 to vector<16xf32>
      %mul3A_622 = arith.mulf %get3A_619, %mul3A_621 : vector<16xf32>
      %add3A_623 = arith.constant 0 : i32
      %add3A_624 = arith.addi %mul3A_611, %add3A_623 : i32
      %swap3A = arith.constant 0 : i32
      %swap3A_625 = arith.constant 0 : i32
      %swap3A_626 = tpu.memref_slice %arg6[%scan3A_443, %swap3A, %swap3A_625] : memref<2x800x64xf32, #tpu.memory_space<vmem>> -> memref<1x800x64xf32, #tpu.memory_space<vmem>>
      %swap3A_627 = tpu.memref_squeeze %swap3A_626 : memref<1x800x64xf32, #tpu.memory_space<vmem>> -> memref<800x64xf32, #tpu.memory_space<vmem>>
      %swap3A_628 = arith.index_cast %add3A_624 : i32 to index
      %swap3A_629 = arith.constant 0 : index
      %swap3A_630 = tpu.vector_load %swap3A_627[%swap3A_628, %swap3A_629] {strides = array<i32>} : memref<800x64xf32, #tpu.memory_space<vmem>>, vector<16xf32>,
      tpu.vector_store %swap3A_627[%swap3A_628, %swap3A_629], %mul3A_622 {strides = array<i32>} : memref<800x64xf32, #tpu.memory_space<vmem>>, vector<16xf32>,
      %add3A_631 = arith.constant 0 : i32
      %add3A_632 = arith.addi %mul3A_611, %add3A_631 : i32
      %get3A_633 = arith.constant 0 : i32
      %get3A_634 = arith.constant 0 : i32
      %get3A_635 = tpu.memref_slice %arg6[%scan3A_443, %get3A_633, %get3A_634] : memref<2x800x64xf32, #tpu.memory_space<vmem>> -> memref<1x800x64xf32, #tpu.memory_space<vmem>>
      %get3A_636 = tpu.memref_squeeze %get3A_635 : memref<1x800x64xf32, #tpu.memory_space<vmem>> -> memref<800x64xf32, #tpu.memory_space<vmem>>
      %get3A_637 = arith.index_cast %add3A_632 : i32 to index
      %get3A_638 = arith.constant 16 : index
      %get3A_639 = tpu.vector_load %get3A_636[%get3A_637, %get3A_638] {strides = array<i32>} : memref<800x64xf32, #tpu.memory_space<vmem>>, vector<16xf32>,
      %mul3A_640 = arith.constant 8.000000e+00 : f32
      %mul3A_641 = vector.broadcast %mul3A_640 : f32 to vector<16xf32>
      %mul3A_642 = arith.mulf %get3A_639, %mul3A_641 : vector<16xf32>
      %add3A_643 = arith.constant 0 : i32
      %add3A_644 = arith.addi %mul3A_611, %add3A_643 : i32
      %swap3A_645 = arith.constant 0 : i32
      %swap3A_646 = arith.constant 0 : i32
      %swap3A_647 = tpu.memref_slice %arg6[%scan3A_443, %swap3A_645, %swap3A_646] : memref<2x800x64xf32, #tpu.memory_space<vmem>> -> memref<1x800x64xf32, #tpu.memory_space<vmem>>
      %swap3A_648 = tpu.memref_squeeze %swap3A_647 : memref<1x800x64xf32, #tpu.memory_space<vmem>> -> memref<800x64xf32, #tpu.memory_space<vmem>>
      %swap3A_649 = arith.index_cast %add3A_644 : i32 to index
      %swap3A_650 = arith.constant 16 : index
      %swap3A_651 = tpu.vector_load %swap3A_648[%swap3A_649, %swap3A_650] {strides = array<i32>} : memref<800x64xf32, #tpu.memory_space<vmem>>, vector<16xf32>,
      tpu.vector_store %swap3A_648[%swap3A_649, %swap3A_650], %mul3A_642 {strides = array<i32>} : memref<800x64xf32, #tpu.memory_space<vmem>>, vector<16xf32>,
      %add3A_652 = arith.constant 0 : i32
      %add3A_653 = arith.addi %mul3A_611, %add3A_652 : i32
      %get3A_654 = arith.constant 0 : i32
      %get3A_655 = arith.constant 0 : i32
      %get3A_656 = tpu.memref_slice %arg6[%scan3A_443, %get3A_654, %get3A_655] : memref<2x800x64xf32, #tpu.memory_space<vmem>> -> memref<1x800x64xf32, #tpu.memory_space<vmem>>
      %get3A_657 = tpu.memref_squeeze %get3A_656 : memref<1x800x64xf32, #tpu.memory_space<vmem>> -> memref<800x64xf32, #tpu.memory_space<vmem>>
      %get3A_658 = arith.index_cast %add3A_653 : i32 to index
      %get3A_659 = arith.constant 32 : index
      %get3A_660 = tpu.vector_load %get3A_657[%get3A_658, %get3A_659] {strides = array<i32>} : memref<800x64xf32, #tpu.memory_space<vmem>>, vector<16xf32>,
      %mul3A_661 = arith.constant 8.000000e+00 : f32
      %mul3A_662 = vector.broadcast %mul3A_661 : f32 to vector<16xf32>
      %mul3A_663 = arith.mulf %get3A_660, %mul3A_662 : vector<16xf32>
      %add3A_664 = arith.constant 0 : i32
      %add3A_665 = arith.addi %mul3A_611, %add3A_664 : i32
      %swap3A_666 = arith.constant 0 : i32
      %swap3A_667 = arith.constant 0 : i32
      %swap3A_668 = tpu.memref_slice %arg6[%scan3A_443, %swap3A_666, %swap3A_667] : memref<2x800x64xf32, #tpu.memory_space<vmem>> -> memref<1x800x64xf32, #tpu.memory_space<vmem>>
      %swap3A_669 = tpu.memref_squeeze %swap3A_668 : memref<1x800x64xf32, #tpu.memory_space<vmem>> -> memref<800x64xf32, #tpu.memory_space<vmem>>
      %swap3A_670 = arith.index_cast %add3A_665 : i32 to index
      %swap3A_671 = arith.constant 32 : index
      %swap3A_672 = tpu.vector_load %swap3A_669[%swap3A_670, %swap3A_671] {strides = array<i32>} : memref<800x64xf32, #tpu.memory_space<vmem>>, vector<16xf32>,
      tpu.vector_store %swap3A_669[%swap3A_670, %swap3A_671], %mul3A_663 {strides = array<i32>} : memref<800x64xf32, #tpu.memory_space<vmem>>, vector<16xf32>,
      %add3A_673 = arith.constant 0 : i32
      %add3A_674 = arith.addi %mul3A_611, %add3A_673 : i32
      %get3A_675 = arith.constant 0 : i32
      %get3A_676 = arith.constant 0 : i32
      %get3A_677 = tpu.memref_slice %arg6[%scan3A_443, %get3A_675, %get3A_676] : memref<2x800x64xf32, #tpu.memory_space<vmem>> -> memref<1x800x64xf32, #tpu.memory_space<vmem>>
      %get3A_678 = tpu.memref_squeeze %get3A_677 : memref<1x800x64xf32, #tpu.memory_space<vmem>> -> memref<800x64xf32, #tpu.memory_space<vmem>>
      %get3A_679 = arith.index_cast %add3A_674 : i32 to index
      %get3A_680 = arith.constant 48 : index
      %get3A_681 = tpu.vector_load %get3A_678[%get3A_679, %get3A_680] {strides = array<i32>} : memref<800x64xf32, #tpu.memory_space<vmem>>, vector<16xf32>,
      %mul3A_682 = arith.constant 8.000000e+00 : f32
      %mul3A_683 = vector.broadcast %mul3A_682 : f32 to vector<16xf32>
      %mul3A_684 = arith.mulf %get3A_681, %mul3A_683 : vector<16xf32>
      %add3A_685 = arith.constant 0 : i32
      %add3A_686 = arith.addi %mul3A_611, %add3A_685 : i32
      %swap3A_687 = arith.constant 0 : i32
      %swap3A_688 = arith.constant 0 : i32
      %swap3A_689 = tpu.memref_slice %arg6[%scan3A_443, %swap3A_687, %swap3A_688] : memref<2x800x64xf32, #tpu.memory_space<vmem>> -> memref<1x800x64xf32, #tpu.memory_space<vmem>>
      %swap3A_690 = tpu.memref_squeeze %swap3A_689 : memref<1x800x64xf32, #tpu.memory_space<vmem>> -> memref<800x64xf32, #tpu.memory_space<vmem>>
      %swap3A_691 = arith.index_cast %add3A_686 : i32 to index
      %swap3A_692 = arith.constant 48 : index
      %swap3A_693 = tpu.vector_load %swap3A_690[%swap3A_691, %swap3A_692] {strides = array<i32>} : memref<800x64xf32, #tpu.memory_space<vmem>>, vector<16xf32>,
      tpu.vector_store %swap3A_690[%swap3A_691, %swap3A_692], %mul3A_684 {strides = array<i32>} : memref<800x64xf32, #tpu.memory_space<vmem>>, vector<16xf32>,
      %add3A_694 = arith.constant 1 : i32
      %add3A_695 = arith.addi %mul3A_611, %add3A_694 : i32
      %get3A_696 = arith.constant 0 : i32
      %get3A_697 = arith.constant 0 : i32
      %get3A_698 = tpu.memref_slice %arg6[%scan3A_443, %get3A_696, %get3A_697] : memref<2x800x64xf32, #tpu.memory_space<vmem>> -> memref<1x800x64xf32, #tpu.memory_space<vmem>>
      %get3A_699 = tpu.memref_squeeze %get3A_698 : memref<1x800x64xf32, #tpu.memory_space<vmem>> -> memref<800x64xf32, #tpu.memory_space<vmem>>
      %get3A_700 = arith.index_cast %add3A_695 : i32 to index
      %get3A_701 = arith.constant 0 : index
      %get3A_702 = tpu.vector_load %get3A_699[%get3A_700, %get3A_701] {strides = array<i32>} : memref<800x64xf32, #tpu.memory_space<vmem>>, vector<16xf32>,
      %mul3A_703 = arith.constant 8.000000e+00 : f32
      %mul3A_704 = vector.broadcast %mul3A_703 : f32 to vector<16xf32>
      %mul3A_705 = arith.mulf %get3A_702, %mul3A_704 : vector<16xf32>
      %add3A_706 = arith.constant 1 : i32
      %add3A_707 = arith.addi %mul3A_611, %add3A_706 : i32
      %swap3A_708 = arith.constant 0 : i32
      %swap3A_709 = arith.constant 0 : i32
      %swap3A_710 = tpu.memref_slice %arg6[%scan3A_443, %swap3A_708, %swap3A_709] : memref<2x800x64xf32, #tpu.memory_space<vmem>> -> memref<1x800x64xf32, #tpu.memory_space<vmem>>
      %swap3A_711 = tpu.memref_squeeze %swap3A_710 : memref<1x800x64xf32, #tpu.memory_space<vmem>> -> memref<800x64xf32, #tpu.memory_space<vmem>>
      %swap3A_712 = arith.index_cast %add3A_707 : i32 to index
      %swap3A_713 = arith.constant 0 : index
      %swap3A_714 = tpu.vector_load %swap3A_711[%swap3A_712, %swap3A_713] {strides = array<i32>} : memref<800x64xf32, #tpu.memory_space<vmem>>, vector<16xf32>,
      tpu.vector_store %swap3A_711[%swap3A_712, %swap3A_713], %mul3A_705 {strides = array<i32>} : memref<800x64xf32, #tpu.memory_space<vmem>>, vector<16xf32>,
      %add3A_715 = arith.constant 1 : i32
      %add3A_716 = arith.addi %mul3A_611, %add3A_715 : i32
      %get3A_717 = arith.constant 0 : i32
      %get3A_718 = arith.constant 0 : i32
      %get3A_719 = tpu.memref_slice %arg6[%scan3A_443, %get3A_717, %get3A_718] : memref<2x800x64xf32, #tpu.memory_space<vmem>> -> memref<1x800x64xf32, #tpu.memory_space<vmem>>
      %get3A_720 = tpu.memref_squeeze %get3A_719 : memref<1x800x64xf32, #tpu.memory_space<vmem>> -> memref<800x64xf32, #tpu.memory_space<vmem>>
      %get3A_721 = arith.index_cast %add3A_716 : i32 to index
      %get3A_722 = arith.constant 16 : index
      %get3A_723 = tpu.vector_load %get3A_720[%get3A_721, %get3A_722] {strides = array<i32>} : memref<800x64xf32, #tpu.memory_space<vmem>>, vector<16xf32>,
      %mul3A_724 = arith.constant 8.000000e+00 : f32
      %mul3A_725 = vector.broadcast %mul3A_724 : f32 to vector<16xf32>
      %mul3A_726 = arith.mulf %get3A_723, %mul3A_725 : vector<16xf32>
      %add3A_727 = arith.constant 1 : i32
      %add3A_728 = arith.addi %mul3A_611, %add3A_727 : i32
      %swap3A_729 = arith.constant 0 : i32
      %swap3A_730 = arith.constant 0 : i32
      %swap3A_731 = tpu.memref_slice %arg6[%scan3A_443, %swap3A_729, %swap3A_730] : memref<2x800x64xf32, #tpu.memory_space<vmem>> -> memref<1x800x64xf32, #tpu.memory_space<vmem>>
      %swap3A_732 = tpu.memref_squeeze %swap3A_731 : memref<1x800x64xf32, #tpu.memory_space<vmem>> -> memref<800x64xf32, #tpu.memory_space<vmem>>
      %swap3A_733 = arith.index_cast %add3A_728 : i32 to index
      %swap3A_734 = arith.constant 16 : index
      %swap3A_735 = tpu.vector_load %swap3A_732[%swap3A_733, %swap3A_734] {strides = array<i32>} : memref<800x64xf32, #tpu.memory_space<vmem>>, vector<16xf32>,
      tpu.vector_store %swap3A_732[%swap3A_733, %swap3A_734], %mul3A_726 {strides = array<i32>} : memref<800x64xf32, #tpu.memory_space<vmem>>, vector<16xf32>,
      %add3A_736 = arith.constant 1 : i32
      %add3A_737 = arith.addi %mul3A_611, %add3A_736 : i32
      %get3A_738 = arith.constant 0 : i32
      %get3A_739 = arith.constant 0 : i32
      %get3A_740 = tpu.memref_slice %arg6[%scan3A_443, %get3A_738, %get3A_739] : memref<2x800x64xf32, #tpu.memory_space<vmem>> -> memref<1x800x64xf32, #tpu.memory_space<vmem>>
      %get3A_741 = tpu.memref_squeeze %get3A_740 : memref<1x800x64xf32, #tpu.memory_space<vmem>> -> memref<800x64xf32, #tpu.memory_space<vmem>>
      %get3A_742 = arith.index_cast %add3A_737 : i32 to index
      %get3A_743 = arith.constant 32 : index
      %get3A_744 = tpu.vector_load %get3A_741[%get3A_742, %get3A_743] {strides = array<i32>} : memref<800x64xf32, #tpu.memory_space<vmem>>, vector<16xf32>,
      %mul3A_745 = arith.constant 8.000000e+00 : f32
      %mul3A_746 = vector.broadcast %mul3A_745 : f32 to vector<16xf32>
      %mul3A_747 = arith.mulf %get3A_744, %mul3A_746 : vector<16xf32>
      %add3A_748 = arith.constant 1 : i32
      %add3A_749 = arith.addi %mul3A_611, %add3A_748 : i32
      %swap3A_750 = arith.constant 0 : i32
      %swap3A_751 = arith.constant 0 : i32
      %swap3A_752 = tpu.memref_slice %arg6[%scan3A_443, %swap3A_750, %swap3A_751] : memref<2x800x64xf32, #tpu.memory_space<vmem>> -> memref<1x800x64xf32, #tpu.memory_space<vmem>>
      %swap3A_753 = tpu.memref_squeeze %swap3A_752 : memref<1x800x64xf32, #tpu.memory_space<vmem>> -> memref<800x64xf32, #tpu.memory_space<vmem>>
      %swap3A_754 = arith.index_cast %add3A_749 : i32 to index
      %swap3A_755 = arith.constant 32 : index
      %swap3A_756 = tpu.vector_load %swap3A_753[%swap3A_754, %swap3A_755] {strides = array<i32>} : memref<800x64xf32, #tpu.memory_space<vmem>>, vector<16xf32>,
      tpu.vector_store %swap3A_753[%swap3A_754, %swap3A_755], %mul3A_747 {strides = array<i32>} : memref<800x64xf32, #tpu.memory_space<vmem>>, vector<16xf32>,
      %add3A_757 = arith.constant 1 : i32
      %add3A_758 = arith.addi %mul3A_611, %add3A_757 : i32
      %get3A_759 = arith.constant 0 : i32
      %get3A_760 = arith.constant 0 : i32
      %get3A_761 = tpu.memref_slice %arg6[%scan3A_443, %get3A_759, %get3A_760] : memref<2x800x64xf32, #tpu.memory_space<vmem>> -> memref<1x800x64xf32, #tpu.memory_space<vmem>>
      %get3A_762 = tpu.memref_squeeze %get3A_761 : memref<1x800x64xf32, #tpu.memory_space<vmem>> -> memref<800x64xf32, #tpu.memory_space<vmem>>
      %get3A_763 = arith.index_cast %add3A_758 : i32 to index
      %get3A_764 = arith.constant 48 : index
      %get3A_765 = tpu.vector_load %get3A_762[%get3A_763, %get3A_764] {strides = array<i32>} : memref<800x64xf32, #tpu.memory_space<vmem>>, vector<16xf32>,
      %mul3A_766 = arith.constant 8.000000e+00 : f32
      %mul3A_767 = vector.broadcast %mul3A_766 : f32 to vector<16xf32>
      %mul3A_768 = arith.mulf %get3A_765, %mul3A_767 : vector<16xf32>
      %add3A_769 = arith.constant 1 : i32
      %add3A_770 = arith.addi %mul3A_611, %add3A_769 : i32
      %swap3A_771 = arith.constant 0 : i32
      %swap3A_772 = arith.constant 0 : i32
      %swap3A_773 = tpu.memref_slice %arg6[%scan3A_443, %swap3A_771, %swap3A_772] : memref<2x800x64xf32, #tpu.memory_space<vmem>> -> memref<1x800x64xf32, #tpu.memory_space<vmem>>
      %swap3A_774 = tpu.memref_squeeze %swap3A_773 : memref<1x800x64xf32, #tpu.memory_space<vmem>> -> memref<800x64xf32, #tpu.memory_space<vmem>>
      %swap3A_775 = arith.index_cast %add3A_770 : i32 to index
      %swap3A_776 = arith.constant 48 : index
      %swap3A_777 = tpu.vector_load %swap3A_774[%swap3A_775, %swap3A_776] {strides = array<i32>} : memref<800x64xf32, #tpu.memory_space<vmem>>, vector<16xf32>,
      tpu.vector_store %swap3A_774[%swap3A_775, %swap3A_776], %mul3A_768 {strides = array<i32>} : memref<800x64xf32, #tpu.memory_space<vmem>>, vector<16xf32>,
      %add3A_778 = arith.constant 2 : i32
      %add3A_779 = arith.addi %mul3A_611, %add3A_778 : i32
      %get3A_780 = arith.constant 0 : i32
      %get3A_781 = arith.constant 0 : i32
      %get3A_782 = tpu.memref_slice %arg6[%scan3A_443, %get3A_780, %get3A_781] : memref<2x800x64xf32, #tpu.memory_space<vmem>> -> memref<1x800x64xf32, #tpu.memory_space<vmem>>
      %get3A_783 = tpu.memref_squeeze %get3A_782 : memref<1x800x64xf32, #tpu.memory_space<vmem>> -> memref<800x64xf32, #tpu.memory_space<vmem>>
      %get3A_784 = arith.index_cast %add3A_779 : i32 to index
      %get3A_785 = arith.constant 0 : index
      %get3A_786 = tpu.vector_load %get3A_783[%get3A_784, %get3A_785] {strides = array<i32>} : memref<800x64xf32, #tpu.memory_space<vmem>>, vector<16xf32>,
      %mul3A_787 = arith.constant 8.000000e+00 : f32
      %mul3A_788 = vector.broadcast %mul3A_787 : f32 to vector<16xf32>
      %mul3A_789 = arith.mulf %get3A_786, %mul3A_788 : vector<16xf32>
      %add3A_790 = arith.constant 2 : i32
      %add3A_791 = arith.addi %mul3A_611, %add3A_790 : i32
      %swap3A_792 = arith.constant 0 : i32
      %swap3A_793 = arith.constant 0 : i32
      %swap3A_794 = tpu.memref_slice %arg6[%scan3A_443, %swap3A_792, %swap3A_793] : memref<2x800x64xf32, #tpu.memory_space<vmem>> -> memref<1x800x64xf32, #tpu.memory_space<vmem>>
      %swap3A_795 = tpu.memref_squeeze %swap3A_794 : memref<1x800x64xf32, #tpu.memory_space<vmem>> -> memref<800x64xf32, #tpu.memory_space<vmem>>
      %swap3A_796 = arith.index_cast %add3A_791 : i32 to index
      %swap3A_797 = arith.constant 0 : index
      %swap3A_798 = tpu.vector_load %swap3A_795[%swap3A_796, %swap3A_797] {strides = array<i32>} : memref<800x64xf32, #tpu.memory_space<vmem>>, vector<16xf32>,
      tpu.vector_store %swap3A_795[%swap3A_796, %swap3A_797], %mul3A_789 {strides = array<i32>} : memref<800x64xf32, #tpu.memory_space<vmem>>, vector<16xf32>,
      %add3A_799 = arith.constant 2 : i32
      %add3A_800 = arith.addi %mul3A_611, %add3A_799 : i32
      %get3A_801 = arith.constant 0 : i32
      %get3A_802 = arith.constant 0 : i32
      %get3A_803 = tpu.memref_slice %arg6[%scan3A_443, %get3A_801, %get3A_802] : memref<2x800x64xf32, #tpu.memory_space<vmem>> -> memref<1x800x64xf32, #tpu.memory_space<vmem>>
      %get3A_804 = tpu.memref_squeeze %get3A_803 : memref<1x800x64xf32, #tpu.memory_space<vmem>> -> memref<800x64xf32, #tpu.memory_space<vmem>>
      %get3A_805 = arith.index_cast %add3A_800 : i32 to index
      %get3A_806 = arith.constant 16 : index
      %get3A_807 = tpu.vector_load %get3A_804[%get3A_805, %get3A_806] {strides = array<i32>} : memref<800x64xf32, #tpu.memory_space<vmem>>, vector<16xf32>,
      %mul3A_808 = arith.constant 8.000000e+00 : f32
      %mul3A_809 = vector.broadcast %mul3A_808 : f32 to vector<16xf32>
      %mul3A_810 = arith.mulf %get3A_807, %mul3A_809 : vector<16xf32>
      %add3A_811 = arith.constant 2 : i32
      %add3A_812 = arith.addi %mul3A_611, %add3A_811 : i32
      %swap3A_813 = arith.constant 0 : i32
      %swap3A_814 = arith.constant 0 : i32
      %swap3A_815 = tpu.memref_slice %arg6[%scan3A_443, %swap3A_813, %swap3A_814] : memref<2x800x64xf32, #tpu.memory_space<vmem>> -> memref<1x800x64xf32, #tpu.memory_space<vmem>>
      %swap3A_816 = tpu.memref_squeeze %swap3A_815 : memref<1x800x64xf32, #tpu.memory_space<vmem>> -> memref<800x64xf32, #tpu.memory_space<vmem>>
      %swap3A_817 = arith.index_cast %add3A_812 : i32 to index
      %swap3A_818 = arith.constant 16 : index
      %swap3A_819 = tpu.vector_load %swap3A_816[%swap3A_817, %swap3A_818] {strides = array<i32>} : memref<800x64xf32, #tpu.memory_space<vmem>>, vector<16xf32>,
      tpu.vector_store %swap3A_816[%swap3A_817, %swap3A_818], %mul3A_810 {strides = array<i32>} : memref<800x64xf32, #tpu.memory_space<vmem>>, vector<16xf32>,
      %add3A_820 = arith.constant 2 : i32
      %add3A_821 = arith.addi %mul3A_611, %add3A_820 : i32
      %get3A_822 = arith.constant 0 : i32
      %get3A_823 = arith.constant 0 : i32
      %get3A_824 = tpu.memref_slice %arg6[%scan3A_443, %get3A_822, %get3A_823] : memref<2x800x64xf32, #tpu.memory_space<vmem>> -> memref<1x800x64xf32, #tpu.memory_space<vmem>>
      %get3A_825 = tpu.memref_squeeze %get3A_824 : memref<1x800x64xf32, #tpu.memory_space<vmem>> -> memref<800x64xf32, #tpu.memory_space<vmem>>
      %get3A_826 = arith.index_cast %add3A_821 : i32 to index
      %get3A_827 = arith.constant 32 : index
      %get3A_828 = tpu.vector_load %get3A_825[%get3A_826, %get3A_827] {strides = array<i32>} : memref<800x64xf32, #tpu.memory_space<vmem>>, vector<16xf32>,
      %mul3A_829 = arith.constant 8.000000e+00 : f32
      %mul3A_830 = vector.broadcast %mul3A_829 : f32 to vector<16xf32>
      %mul3A_831 = arith.mulf %get3A_828, %mul3A_830 : vector<16xf32>
      %add3A_832 = arith.constant 2 : i32
      %add3A_833 = arith.addi %mul3A_611, %add3A_832 : i32
      %swap3A_834 = arith.constant 0 : i32
      %swap3A_835 = arith.constant 0 : i32
      %swap3A_836 = tpu.memref_slice %arg6[%scan3A_443, %swap3A_834, %swap3A_835] : memref<2x800x64xf32, #tpu.memory_space<vmem>> -> memref<1x800x64xf32, #tpu.memory_space<vmem>>
      %swap3A_837 = tpu.memref_squeeze %swap3A_836 : memref<1x800x64xf32, #tpu.memory_space<vmem>> -> memref<800x64xf32, #tpu.memory_space<vmem>>
      %swap3A_838 = arith.index_cast %add3A_833 : i32 to index
      %swap3A_839 = arith.constant 32 : index
      %swap3A_840 = tpu.vector_load %swap3A_837[%swap3A_838, %swap3A_839] {strides = array<i32>} : memref<800x64xf32, #tpu.memory_space<vmem>>, vector<16xf32>,
      tpu.vector_store %swap3A_837[%swap3A_838, %swap3A_839], %mul3A_831 {strides = array<i32>} : memref<800x64xf32, #tpu.memory_space<vmem>>, vector<16xf32>,
      %add3A_841 = arith.constant 2 : i32
      %add3A_842 = arith.addi %mul3A_611, %add3A_841 : i32
      %get3A_843 = arith.constant 0 : i32
      %get3A_844 = arith.constant 0 : i32
      %get3A_845 = tpu.memref_slice %arg6[%scan3A_443, %get3A_843, %get3A_844] : memref<2x800x64xf32, #tpu.memory_space<vmem>> -> memref<1x800x64xf32, #tpu.memory_space<vmem>>
      %get3A_846 = tpu.memref_squeeze %get3A_845 : memref<1x800x64xf32, #tpu.memory_space<vmem>> -> memref<800x64xf32, #tpu.memory_space<vmem>>
      %get3A_847 = arith.index_cast %add3A_842 : i32 to index
      %get3A_848 = arith.constant 48 : index
      %get3A_849 = tpu.vector_load %get3A_846[%get3A_847, %get3A_848] {strides = array<i32>} : memref<800x64xf32, #tpu.memory_space<vmem>>, vector<16xf32>,
      %mul3A_850 = arith.constant 8.000000e+00 : f32
      %mul3A_851 = vector.broadcast %mul3A_850 : f32 to vector<16xf32>
      %mul3A_852 = arith.mulf %get3A_849, %mul3A_851 : vector<16xf32>
      %add3A_853 = arith.constant 2 : i32
      %add3A_854 = arith.addi %mul3A_611, %add3A_853 : i32
      %swap3A_855 = arith.constant 0 : i32
      %swap3A_856 = arith.constant 0 : i32
      %swap3A_857 = tpu.memref_slice %arg6[%scan3A_443, %swap3A_855, %swap3A_856] : memref<2x800x64xf32, #tpu.memory_space<vmem>> -> memref<1x800x64xf32, #tpu.memory_space<vmem>>
      %swap3A_858 = tpu.memref_squeeze %swap3A_857 : memref<1x800x64xf32, #tpu.memory_space<vmem>> -> memref<800x64xf32, #tpu.memory_space<vmem>>
      %swap3A_859 = arith.index_cast %add3A_854 : i32 to index
      %swap3A_860 = arith.constant 48 : index
      %swap3A_861 = tpu.vector_load %swap3A_858[%swap3A_859, %swap3A_860] {strides = array<i32>} : memref<800x64xf32, #tpu.memory_space<vmem>>, vector<16xf32>,
      tpu.vector_store %swap3A_858[%swap3A_859, %swap3A_860], %mul3A_852 {strides = array<i32>} : memref<800x64xf32, #tpu.memory_space<vmem>>, vector<16xf32>,
      %add3A_862 = arith.constant 3 : i32
      %add3A_863 = arith.addi %mul3A_611, %add3A_862 : i32
      %get3A_864 = arith.constant 0 : i32
      %get3A_865 = arith.constant 0 : i32
      %get3A_866 = tpu.memref_slice %arg6[%scan3A_443, %get3A_864, %get3A_865] : memref<2x800x64xf32, #tpu.memory_space<vmem>> -> memref<1x800x64xf32, #tpu.memory_space<vmem>>
      %get3A_867 = tpu.memref_squeeze %get3A_866 : memref<1x800x64xf32, #tpu.memory_space<vmem>> -> memref<800x64xf32, #tpu.memory_space<vmem>>
      %get3A_868 = arith.index_cast %add3A_863 : i32 to index
      %get3A_869 = arith.constant 0 : index
      %get3A_870 = tpu.vector_load %get3A_867[%get3A_868, %get3A_869] {strides = array<i32>} : memref<800x64xf32, #tpu.memory_space<vmem>>, vector<16xf32>,
      %mul3A_871 = arith.constant 8.000000e+00 : f32
      %mul3A_872 = vector.broadcast %mul3A_871 : f32 to vector<16xf32>
      %mul3A_873 = arith.mulf %get3A_870, %mul3A_872 : vector<16xf32>
      %add3A_874 = arith.constant 3 : i32
      %add3A_875 = arith.addi %mul3A_611, %add3A_874 : i32
      %swap3A_876 = arith.constant 0 : i32
      %swap3A_877 = arith.constant 0 : i32
      %swap3A_878 = tpu.memref_slice %arg6[%scan3A_443, %swap3A_876, %swap3A_877] : memref<2x800x64xf32, #tpu.memory_space<vmem>> -> memref<1x800x64xf32, #tpu.memory_space<vmem>>
      %swap3A_879 = tpu.memref_squeeze %swap3A_878 : memref<1x800x64xf32, #tpu.memory_space<vmem>> -> memref<800x64xf32, #tpu.memory_space<vmem>>
      %swap3A_880 = arith.index_cast %add3A_875 : i32 to index
      %swap3A_881 = arith.constant 0 : index
      %swap3A_882 = tpu.vector_load %swap3A_879[%swap3A_880, %swap3A_881] {strides = array<i32>} : memref<800x64xf32, #tpu.memory_space<vmem>>, vector<16xf32>,
      tpu.vector_store %swap3A_879[%swap3A_880, %swap3A_881], %mul3A_873 {strides = array<i32>} : memref<800x64xf32, #tpu.memory_space<vmem>>, vector<16xf32>,
      %add3A_883 = arith.constant 3 : i32
      %add3A_884 = arith.addi %mul3A_611, %add3A_883 : i32
      %get3A_885 = arith.constant 0 : i32
      %get3A_886 = arith.constant 0 : i32
      %get3A_887 = tpu.memref_slice %arg6[%scan3A_443, %get3A_885, %get3A_886] : memref<2x800x64xf32, #tpu.memory_space<vmem>> -> memref<1x800x64xf32, #tpu.memory_space<vmem>>
      %get3A_888 = tpu.memref_squeeze %get3A_887 : memref<1x800x64xf32, #tpu.memory_space<vmem>> -> memref<800x64xf32, #tpu.memory_space<vmem>>
      %get3A_889 = arith.index_cast %add3A_884 : i32 to index
      %get3A_890 = arith.constant 16 : index
      %get3A_891 = tpu.vector_load %get3A_888[%get3A_889, %get3A_890] {strides = array<i32>} : memref<800x64xf32, #tpu.memory_space<vmem>>, vector<16xf32>,
      %mul3A_892 = arith.constant 8.000000e+00 : f32
      %mul3A_893 = vector.broadcast %mul3A_892 : f32 to vector<16xf32>
      %mul3A_894 = arith.mulf %get3A_891, %mul3A_893 : vector<16xf32>
      %add3A_895 = arith.constant 3 : i32
      %add3A_896 = arith.addi %mul3A_611, %add3A_895 : i32
      %swap3A_897 = arith.constant 0 : i32
      %swap3A_898 = arith.constant 0 : i32
      %swap3A_899 = tpu.memref_slice %arg6[%scan3A_443, %swap3A_897, %swap3A_898] : memref<2x800x64xf32, #tpu.memory_space<vmem>> -> memref<1x800x64xf32, #tpu.memory_space<vmem>>
      %swap3A_900 = tpu.memref_squeeze %swap3A_899 : memref<1x800x64xf32, #tpu.memory_space<vmem>> -> memref<800x64xf32, #tpu.memory_space<vmem>>
      %swap3A_901 = arith.index_cast %add3A_896 : i32 to index
      %swap3A_902 = arith.constant 16 : index
      %swap3A_903 = tpu.vector_load %swap3A_900[%swap3A_901, %swap3A_902] {strides = array<i32>} : memref<800x64xf32, #tpu.memory_space<vmem>>, vector<16xf32>,
      tpu.vector_store %swap3A_900[%swap3A_901, %swap3A_902], %mul3A_894 {strides = array<i32>} : memref<800x64xf32, #tpu.memory_space<vmem>>, vector<16xf32>,
      %add3A_904 = arith.constant 3 : i32
      %add3A_905 = arith.addi %mul3A_611, %add3A_904 : i32
      %get3A_906 = arith.constant 0 : i32
      %get3A_907 = arith.constant 0 : i32
      %get3A_908 = tpu.memref_slice %arg6[%scan3A_443, %get3A_906, %get3A_907] : memref<2x800x64xf32, #tpu.memory_space<vmem>> -> memref<1x800x64xf32, #tpu.memory_space<vmem>>
      %get3A_909 = tpu.memref_squeeze %get3A_908 : memref<1x800x64xf32, #tpu.memory_space<vmem>> -> memref<800x64xf32, #tpu.memory_space<vmem>>
      %get3A_910 = arith.index_cast %add3A_905 : i32 to index
      %get3A_911 = arith.constant 32 : index
      %get3A_912 = tpu.vector_load %get3A_909[%get3A_910, %get3A_911] {strides = array<i32>} : memref<800x64xf32, #tpu.memory_space<vmem>>, vector<16xf32>,
      %mul3A_913 = arith.constant 8.000000e+00 : f32
      %mul3A_914 = vector.broadcast %mul3A_913 : f32 to vector<16xf32>
      %mul3A_915 = arith.mulf %get3A_912, %mul3A_914 : vector<16xf32>
      %add3A_916 = arith.constant 3 : i32
      %add3A_917 = arith.addi %mul3A_611, %add3A_916 : i32
      %swap3A_918 = arith.constant 0 : i32
      %swap3A_919 = arith.constant 0 : i32
      %swap3A_920 = tpu.memref_slice %arg6[%scan3A_443, %swap3A_918, %swap3A_919] : memref<2x800x64xf32, #tpu.memory_space<vmem>> -> memref<1x800x64xf32, #tpu.memory_space<vmem>>
      %swap3A_921 = tpu.memref_squeeze %swap3A_920 : memref<1x800x64xf32, #tpu.memory_space<vmem>> -> memref<800x64xf32, #tpu.memory_space<vmem>>
      %swap3A_922 = arith.index_cast %add3A_917 : i32 to index
      %swap3A_923 = arith.constant 32 : index
      %swap3A_924 = tpu.vector_load %swap3A_921[%swap3A_922, %swap3A_923] {strides = array<i32>} : memref<800x64xf32, #tpu.memory_space<vmem>>, vector<16xf32>,
      tpu.vector_store %swap3A_921[%swap3A_922, %swap3A_923], %mul3A_915 {strides = array<i32>} : memref<800x64xf32, #tpu.memory_space<vmem>>, vector<16xf32>,
      %add3A_925 = arith.constant 3 : i32
      %add3A_926 = arith.addi %mul3A_611, %add3A_925 : i32
      %get3A_927 = arith.constant 0 : i32
      %get3A_928 = arith.constant 0 : i32
      %get3A_929 = tpu.memref_slice %arg6[%scan3A_443, %get3A_927, %get3A_928] : memref<2x800x64xf32, #tpu.memory_space<vmem>> -> memref<1x800x64xf32, #tpu.memory_space<vmem>>
      %get3A_930 = tpu.memref_squeeze %get3A_929 : memref<1x800x64xf32, #tpu.memory_space<vmem>> -> memref<800x64xf32, #tpu.memory_space<vmem>>
      %get3A_931 = arith.index_cast %add3A_926 : i32 to index
      %get3A_932 = arith.constant 48 : index
      %get3A_933 = tpu.vector_load %get3A_930[%get3A_931, %get3A_932] {strides = array<i32>} : memref<800x64xf32, #tpu.memory_space<vmem>>, vector<16xf32>,
      %mul3A_934 = arith.constant 8.000000e+00 : f32
      %mul3A_935 = vector.broadcast %mul3A_934 : f32 to vector<16xf32>
      %mul3A_936 = arith.mulf %get3A_933, %mul3A_935 : vector<16xf32>
      %add3A_937 = arith.constant 3 : i32
      %add3A_938 = arith.addi %mul3A_611, %add3A_937 : i32
      %swap3A_939 = arith.constant 0 : i32
      %swap3A_940 = arith.constant 0 : i32
      %swap3A_941 = tpu.memref_slice %arg6[%scan3A_443, %swap3A_939, %swap3A_940] : memref<2x800x64xf32, #tpu.memory_space<vmem>> -> memref<1x800x64xf32, #tpu.memory_space<vmem>>
      %swap3A_942 = tpu.memref_squeeze %swap3A_941 : memref<1x800x64xf32, #tpu.memory_space<vmem>> -> memref<800x64xf32, #tpu.memory_space<vmem>>
      %swap3A_943 = arith.index_cast %add3A_938 : i32 to index
      %swap3A_944 = arith.constant 48 : index
      %swap3A_945 = tpu.vector_load %swap3A_942[%swap3A_943, %swap3A_944] {strides = array<i32>} : memref<800x64xf32, #tpu.memory_space<vmem>>, vector<16xf32>,
      tpu.vector_store %swap3A_942[%swap3A_943, %swap3A_944], %mul3A_936 {strides = array<i32>} : memref<800x64xf32, #tpu.memory_space<vmem>>, vector<16xf32>,
      %add3A_946 = arith.constant 4 : i32
      %add3A_947 = arith.addi %mul3A_611, %add3A_946 : i32
      %get3A_948 = arith.constant 0 : i32
      %get3A_949 = arith.constant 0 : i32
      %get3A_950 = tpu.memref_slice %arg6[%scan3A_443, %get3A_948, %get3A_949] : memref<2x800x64xf32, #tpu.memory_space<vmem>> -> memref<1x800x64xf32, #tpu.memory_space<vmem>>
      %get3A_951 = tpu.memref_squeeze %get3A_950 : memref<1x800x64xf32, #tpu.memory_space<vmem>> -> memref<800x64xf32, #tpu.memory_space<vmem>>
      %get3A_952 = arith.index_cast %add3A_947 : i32 to index
      %get3A_953 = arith.constant 0 : index
      %get3A_954 = tpu.vector_load %get3A_951[%get3A_952, %get3A_953] {strides = array<i32>} : memref<800x64xf32, #tpu.memory_space<vmem>>, vector<16xf32>,
      %mul3A_955 = arith.constant 8.000000e+00 : f32
      %mul3A_956 = vector.broadcast %mul3A_955 : f32 to vector<16xf32>
      %mul3A_957 = arith.mulf %get3A_954, %mul3A_956 : vector<16xf32>
      %add3A_958 = arith.constant 4 : i32
      %add3A_959 = arith.addi %mul3A_611, %add3A_958 : i32
      %swap3A_960 = arith.constant 0 : i32
      %swap3A_961 = arith.constant 0 : i32
      %swap3A_962 = tpu.memref_slice %arg6[%scan3A_443, %swap3A_960, %swap3A_961] : memref<2x800x64xf32, #tpu.memory_space<vmem>> -> memref<1x800x64xf32, #tpu.memory_space<vmem>>
      %swap3A_963 = tpu.memref_squeeze %swap3A_962 : memref<1x800x64xf32, #tpu.memory_space<vmem>> -> memref<800x64xf32, #tpu.memory_space<vmem>>
      %swap3A_964 = arith.index_cast %add3A_959 : i32 to index
      %swap3A_965 = arith.constant 0 : index
      %swap3A_966 = tpu.vector_load %swap3A_963[%swap3A_964, %swap3A_965] {strides = array<i32>} : memref<800x64xf32, #tpu.memory_space<vmem>>, vector<16xf32>,
      tpu.vector_store %swap3A_963[%swap3A_964, %swap3A_965], %mul3A_957 {strides = array<i32>} : memref<800x64xf32, #tpu.memory_space<vmem>>, vector<16xf32>,
      %add3A_967 = arith.constant 4 : i32
      %add3A_968 = arith.addi %mul3A_611, %add3A_967 : i32
      %get3A_969 = arith.constant 0 : i32
      %get3A_970 = arith.constant 0 : i32
      %get3A_971 = tpu.memref_slice %arg6[%scan3A_443, %get3A_969, %get3A_970] : memref<2x800x64xf32, #tpu.memory_space<vmem>> -> memref<1x800x64xf32, #tpu.memory_space<vmem>>
      %get3A_972 = tpu.memref_squeeze %get3A_971 : memref<1x800x64xf32, #tpu.memory_space<vmem>> -> memref<800x64xf32, #tpu.memory_space<vmem>>
      %get3A_973 = arith.index_cast %add3A_968 : i32 to index
      %get3A_974 = arith.constant 16 : index
      %get3A_975 = tpu.vector_load %get3A_972[%get3A_973, %get3A_974] {strides = array<i32>} : memref<800x64xf32, #tpu.memory_space<vmem>>, vector<16xf32>,
      %mul3A_976 = arith.constant 8.000000e+00 : f32
      %mul3A_977 = vector.broadcast %mul3A_976 : f32 to vector<16xf32>
      %mul3A_978 = arith.mulf %get3A_975, %mul3A_977 : vector<16xf32>
      %add3A_979 = arith.constant 4 : i32
      %add3A_980 = arith.addi %mul3A_611, %add3A_979 : i32
      %swap3A_981 = arith.constant 0 : i32
      %swap3A_982 = arith.constant 0 : i32
      %swap3A_983 = tpu.memref_slice %arg6[%scan3A_443, %swap3A_981, %swap3A_982] : memref<2x800x64xf32, #tpu.memory_space<vmem>> -> memref<1x800x64xf32, #tpu.memory_space<vmem>>
      %swap3A_984 = tpu.memref_squeeze %swap3A_983 : memref<1x800x64xf32, #tpu.memory_space<vmem>> -> memref<800x64xf32, #tpu.memory_space<vmem>>
      %swap3A_985 = arith.index_cast %add3A_980 : i32 to index
      %swap3A_986 = arith.constant 16 : index
      %swap3A_987 = tpu.vector_load %swap3A_984[%swap3A_985, %swap3A_986] {strides = array<i32>} : memref<800x64xf32, #tpu.memory_space<vmem>>, vector<16xf32>,
      tpu.vector_store %swap3A_984[%swap3A_985, %swap3A_986], %mul3A_978 {strides = array<i32>} : memref<800x64xf32, #tpu.memory_space<vmem>>, vector<16xf32>,
      %add3A_988 = arith.constant 4 : i32
      %add3A_989 = arith.addi %mul3A_611, %add3A_988 : i32
      %get3A_990 = arith.constant 0 : i32
      %get3A_991 = arith.constant 0 : i32
      %get3A_992 = tpu.memref_slice %arg6[%scan3A_443, %get3A_990, %get3A_991] : memref<2x800x64xf32, #tpu.memory_space<vmem>> -> memref<1x800x64xf32, #tpu.memory_space<vmem>>
      %get3A_993 = tpu.memref_squeeze %get3A_992 : memref<1x800x64xf32, #tpu.memory_space<vmem>> -> memref<800x64xf32, #tpu.memory_space<vmem>>
      %get3A_994 = arith.index_cast %add3A_989 : i32 to index
      %get3A_995 = arith.constant 32 : index
      %get3A_996 = tpu.vector_load %get3A_993[%get3A_994, %get3A_995] {strides = array<i32>} : memref<800x64xf32, #tpu.memory_space<vmem>>, vector<16xf32>,
      %mul3A_997 = arith.constant 8.000000e+00 : f32
      %mul3A_998 = vector.broadcast %mul3A_997 : f32 to vector<16xf32>
      %mul3A_999 = arith.mulf %get3A_996, %mul3A_998 : vector<16xf32>
      %add3A_1000 = arith.constant 4 : i32
      %add3A_1001 = arith.addi %mul3A_611, %add3A_1000 : i32
      %swap3A_1002 = arith.constant 0 : i32
      %swap3A_1003 = arith.constant 0 : i32
      %swap3A_1004 = tpu.memref_slice %arg6[%scan3A_443, %swap3A_1002, %swap3A_1003] : memref<2x800x64xf32, #tpu.memory_space<vmem>> -> memref<1x800x64xf32, #tpu.memory_space<vmem>>
      %swap3A_1005 = tpu.memref_squeeze %swap3A_1004 : memref<1x800x64xf32, #tpu.memory_space<vmem>> -> memref<800x64xf32, #tpu.memory_space<vmem>>
      %swap3A_1006 = arith.index_cast %add3A_1001 : i32 to index
      %swap3A_1007 = arith.constant 32 : index
      %swap3A_1008 = tpu.vector_load %swap3A_1005[%swap3A_1006, %swap3A_1007] {strides = array<i32>} : memref<800x64xf32, #tpu.memory_space<vmem>>, vector<16xf32>,
      tpu.vector_store %swap3A_1005[%swap3A_1006, %swap3A_1007], %mul3A_999 {strides = array<i32>} : memref<800x64xf32, #tpu.memory_space<vmem>>, vector<16xf32>,
      %add3A_1009 = arith.constant 4 : i32
      %add3A_1010 = arith.addi %mul3A_611, %add3A_1009 : i32
      %get3A_1011 = arith.constant 0 : i32
      %get3A_1012 = arith.constant 0 : i32
      %get3A_1013 = tpu.memref_slice %arg6[%scan3A_443, %get3A_1011, %get3A_1012] : memref<2x800x64xf32, #tpu.memory_space<vmem>> -> memref<1x800x64xf32, #tpu.memory_space<vmem>>
      %get3A_1014 = tpu.memref_squeeze %get3A_1013 : memref<1x800x64xf32, #tpu.memory_space<vmem>> -> memref<800x64xf32, #tpu.memory_space<vmem>>
      %get3A_1015 = arith.index_cast %add3A_1010 : i32 to index
      %get3A_1016 = arith.constant 48 : index
      %get3A_1017 = tpu.vector_load %get3A_1014[%get3A_1015, %get3A_1016] {strides = array<i32>} : memref<800x64xf32, #tpu.memory_space<vmem>>, vector<16xf32>,
      %mul3A_1018 = arith.constant 8.000000e+00 : f32
      %mul3A_1019 = vector.broadcast %mul3A_1018 : f32 to vector<16xf32>
      %mul3A_1020 = arith.mulf %get3A_1017, %mul3A_1019 : vector<16xf32>
      %add3A_1021 = arith.constant 4 : i32
      %add3A_1022 = arith.addi %mul3A_611, %add3A_1021 : i32
      %swap3A_1023 = arith.constant 0 : i32
      %swap3A_1024 = arith.constant 0 : i32
      %swap3A_1025 = tpu.memref_slice %arg6[%scan3A_443, %swap3A_1023, %swap3A_1024] : memref<2x800x64xf32, #tpu.memory_space<vmem>> -> memref<1x800x64xf32, #tpu.memory_space<vmem>>
      %swap3A_1026 = tpu.memref_squeeze %swap3A_1025 : memref<1x800x64xf32, #tpu.memory_space<vmem>> -> memref<800x64xf32, #tpu.memory_space<vmem>>
      %swap3A_1027 = arith.index_cast %add3A_1022 : i32 to index
      %swap3A_1028 = arith.constant 48 : index
      %swap3A_1029 = tpu.vector_load %swap3A_1026[%swap3A_1027, %swap3A_1028] {strides = array<i32>} : memref<800x64xf32, #tpu.memory_space<vmem>>, vector<16xf32>,
      tpu.vector_store %swap3A_1026[%swap3A_1027, %swap3A_1028], %mul3A_1020 {strides = array<i32>} : memref<800x64xf32, #tpu.memory_space<vmem>>, vector<16xf32>,
      %add3A_1030 = arith.constant 5 : i32
      %add3A_1031 = arith.addi %mul3A_611, %add3A_1030 : i32
      %get3A_1032 = arith.constant 0 : i32
      %get3A_1033 = arith.constant 0 : i32
      %get3A_1034 = tpu.memref_slice %arg6[%scan3A_443, %get3A_1032, %get3A_1033] : memref<2x800x64xf32, #tpu.memory_space<vmem>> -> memref<1x800x64xf32, #tpu.memory_space<vmem>>
      %get3A_1035 = tpu.memref_squeeze %get3A_1034 : memref<1x800x64xf32, #tpu.memory_space<vmem>> -> memref<800x64xf32, #tpu.memory_space<vmem>>
      %get3A_1036 = arith.index_cast %add3A_1031 : i32 to index
      %get3A_1037 = arith.constant 0 : index
      %get3A_1038 = tpu.vector_load %get3A_1035[%get3A_1036, %get3A_1037] {strides = array<i32>} : memref<800x64xf32, #tpu.memory_space<vmem>>, vector<16xf32>,
      %mul3A_1039 = arith.constant 8.000000e+00 : f32
      %mul3A_1040 = vector.broadcast %mul3A_1039 : f32 to vector<16xf32>
      %mul3A_1041 = arith.mulf %get3A_1038, %mul3A_1040 : vector<16xf32>
      %add3A_1042 = arith.constant 5 : i32
      %add3A_1043 = arith.addi %mul3A_611, %add3A_1042 : i32
      %swap3A_1044 = arith.constant 0 : i32
      %swap3A_1045 = arith.constant 0 : i32
      %swap3A_1046 = tpu.memref_slice %arg6[%scan3A_443, %swap3A_1044, %swap3A_1045] : memref<2x800x64xf32, #tpu.memory_space<vmem>> -> memref<1x800x64xf32, #tpu.memory_space<vmem>>
      %swap3A_1047 = tpu.memref_squeeze %swap3A_1046 : memref<1x800x64xf32, #tpu.memory_space<vmem>> -> memref<800x64xf32, #tpu.memory_space<vmem>>
      %swap3A_1048 = arith.index_cast %add3A_1043 : i32 to index
      %swap3A_1049 = arith.constant 0 : index
      %swap3A_1050 = tpu.vector_load %swap3A_1047[%swap3A_1048, %swap3A_1049] {strides = array<i32>} : memref<800x64xf32, #tpu.memory_space<vmem>>, vector<16xf32>,
      tpu.vector_store %swap3A_1047[%swap3A_1048, %swap3A_1049], %mul3A_1041 {strides = array<i32>} : memref<800x64xf32, #tpu.memory_space<vmem>>, vector<16xf32>,
      %add3A_1051 = arith.constant 5 : i32
      %add3A_1052 = arith.addi %mul3A_611, %add3A_1051 : i32
      %get3A_1053 = arith.constant 0 : i32
      %get3A_1054 = arith.constant 0 : i32
      %get3A_1055 = tpu.memref_slice %arg6[%scan3A_443, %get3A_1053, %get3A_1054] : memref<2x800x64xf32, #tpu.memory_space<vmem>> -> memref<1x800x64xf32, #tpu.memory_space<vmem>>
      %get3A_1056 = tpu.memref_squeeze %get3A_1055 : memref<1x800x64xf32, #tpu.memory_space<vmem>> -> memref<800x64xf32, #tpu.memory_space<vmem>>
      %get3A_1057 = arith.index_cast %add3A_1052 : i32 to index
      %get3A_1058 = arith.constant 16 : index
      %get3A_1059 = tpu.vector_load %get3A_1056[%get3A_1057, %get3A_1058] {strides = array<i32>} : memref<800x64xf32, #tpu.memory_space<vmem>>, vector<16xf32>,
      %mul3A_1060 = arith.constant 8.000000e+00 : f32
      %mul3A_1061 = vector.broadcast %mul3A_1060 : f32 to vector<16xf32>
      %mul3A_1062 = arith.mulf %get3A_1059, %mul3A_1061 : vector<16xf32>
      %add3A_1063 = arith.constant 5 : i32
      %add3A_1064 = arith.addi %mul3A_611, %add3A_1063 : i32
      %swap3A_1065 = arith.constant 0 : i32
      %swap3A_1066 = arith.constant 0 : i32
      %swap3A_1067 = tpu.memref_slice %arg6[%scan3A_443, %swap3A_1065, %swap3A_1066] : memref<2x800x64xf32, #tpu.memory_space<vmem>> -> memref<1x800x64xf32, #tpu.memory_space<vmem>>
      %swap3A_1068 = tpu.memref_squeeze %swap3A_1067 : memref<1x800x64xf32, #tpu.memory_space<vmem>> -> memref<800x64xf32, #tpu.memory_space<vmem>>
      %swap3A_1069 = arith.index_cast %add3A_1064 : i32 to index
      %swap3A_1070 = arith.constant 16 : index
      %swap3A_1071 = tpu.vector_load %swap3A_1068[%swap3A_1069, %swap3A_1070] {strides = array<i32>} : memref<800x64xf32, #tpu.memory_space<vmem>>, vector<16xf32>,
      tpu.vector_store %swap3A_1068[%swap3A_1069, %swap3A_1070], %mul3A_1062 {strides = array<i32>} : memref<800x64xf32, #tpu.memory_space<vmem>>, vector<16xf32>,
      %add3A_1072 = arith.constant 5 : i32
      %add3A_1073 = arith.addi %mul3A_611, %add3A_1072 : i32
      %get3A_1074 = arith.constant 0 : i32
      %get3A_1075 = arith.constant 0 : i32
      %get3A_1076 = tpu.memref_slice %arg6[%scan3A_443, %get3A_1074, %get3A_1075] : memref<2x800x64xf32, #tpu.memory_space<vmem>> -> memref<1x800x64xf32, #tpu.memory_space<vmem>>
      %get3A_1077 = tpu.memref_squeeze %get3A_1076 : memref<1x800x64xf32, #tpu.memory_space<vmem>> -> memref<800x64xf32, #tpu.memory_space<vmem>>
      %get3A_1078 = arith.index_cast %add3A_1073 : i32 to index
      %get3A_1079 = arith.constant 32 : index
      %get3A_1080 = tpu.vector_load %get3A_1077[%get3A_1078, %get3A_1079] {strides = array<i32>} : memref<800x64xf32, #tpu.memory_space<vmem>>, vector<16xf32>,
      %mul3A_1081 = arith.constant 8.000000e+00 : f32
      %mul3A_1082 = vector.broadcast %mul3A_1081 : f32 to vector<16xf32>
      %mul3A_1083 = arith.mulf %get3A_1080, %mul3A_1082 : vector<16xf32>
      %add3A_1084 = arith.constant 5 : i32
      %add3A_1085 = arith.addi %mul3A_611, %add3A_1084 : i32
      %swap3A_1086 = arith.constant 0 : i32
      %swap3A_1087 = arith.constant 0 : i32
      %swap3A_1088 = tpu.memref_slice %arg6[%scan3A_443, %swap3A_1086, %swap3A_1087] : memref<2x800x64xf32, #tpu.memory_space<vmem>> -> memref<1x800x64xf32, #tpu.memory_space<vmem>>
      %swap3A_1089 = tpu.memref_squeeze %swap3A_1088 : memref<1x800x64xf32, #tpu.memory_space<vmem>> -> memref<800x64xf32, #tpu.memory_space<vmem>>
      %swap3A_1090 = arith.index_cast %add3A_1085 : i32 to index
      %swap3A_1091 = arith.constant 32 : index
      %swap3A_1092 = tpu.vector_load %swap3A_1089[%swap3A_1090, %swap3A_1091] {strides = array<i32>} : memref<800x64xf32, #tpu.memory_space<vmem>>, vector<16xf32>,
      tpu.vector_store %swap3A_1089[%swap3A_1090, %swap3A_1091], %mul3A_1083 {strides = array<i32>} : memref<800x64xf32, #tpu.memory_space<vmem>>, vector<16xf32>,
      %add3A_1093 = arith.constant 5 : i32
      %add3A_1094 = arith.addi %mul3A_611, %add3A_1093 : i32
      %get3A_1095 = arith.constant 0 : i32
      %get3A_1096 = arith.constant 0 : i32
      %get3A_1097 = tpu.memref_slice %arg6[%scan3A_443, %get3A_1095, %get3A_1096] : memref<2x800x64xf32, #tpu.memory_space<vmem>> -> memref<1x800x64xf32, #tpu.memory_space<vmem>>
      %get3A_1098 = tpu.memref_squeeze %get3A_1097 : memref<1x800x64xf32, #tpu.memory_space<vmem>> -> memref<800x64xf32, #tpu.memory_space<vmem>>
      %get3A_1099 = arith.index_cast %add3A_1094 : i32 to index
      %get3A_1100 = arith.constant 48 : index
      %get3A_1101 = tpu.vector_load %get3A_1098[%get3A_1099, %get3A_1100] {strides = array<i32>} : memref<800x64xf32, #tpu.memory_space<vmem>>, vector<16xf32>,
      %mul3A_1102 = arith.constant 8.000000e+00 : f32
      %mul3A_1103 = vector.broadcast %mul3A_1102 : f32 to vector<16xf32>
      %mul3A_1104 = arith.mulf %get3A_1101, %mul3A_1103 : vector<16xf32>
      %add3A_1105 = arith.constant 5 : i32
      %add3A_1106 = arith.addi %mul3A_611, %add3A_1105 : i32
      %swap3A_1107 = arith.constant 0 : i32
      %swap3A_1108 = arith.constant 0 : i32
      %swap3A_1109 = tpu.memref_slice %arg6[%scan3A_443, %swap3A_1107, %swap3A_1108] : memref<2x800x64xf32, #tpu.memory_space<vmem>> -> memref<1x800x64xf32, #tpu.memory_space<vmem>>
      %swap3A_1110 = tpu.memref_squeeze %swap3A_1109 : memref<1x800x64xf32, #tpu.memory_space<vmem>> -> memref<800x64xf32, #tpu.memory_space<vmem>>
      %swap3A_1111 = arith.index_cast %add3A_1106 : i32 to index
      %swap3A_1112 = arith.constant 48 : index
      %swap3A_1113 = tpu.vector_load %swap3A_1110[%swap3A_1111, %swap3A_1112] {strides = array<i32>} : memref<800x64xf32, #tpu.memory_space<vmem>>, vector<16xf32>,
      tpu.vector_store %swap3A_1110[%swap3A_1111, %swap3A_1112], %mul3A_1104 {strides = array<i32>} : memref<800x64xf32, #tpu.memory_space<vmem>>, vector<16xf32>,
      %add3A_1114 = arith.constant 6 : i32
      %add3A_1115 = arith.addi %mul3A_611, %add3A_1114 : i32
      %get3A_1116 = arith.constant 0 : i32
      %get3A_1117 = arith.constant 0 : i32
      %get3A_1118 = tpu.memref_slice %arg6[%scan3A_443, %get3A_1116, %get3A_1117] : memref<2x800x64xf32, #tpu.memory_space<vmem>> -> memref<1x800x64xf32, #tpu.memory_space<vmem>>
      %get3A_1119 = tpu.memref_squeeze %get3A_1118 : memref<1x800x64xf32, #tpu.memory_space<vmem>> -> memref<800x64xf32, #tpu.memory_space<vmem>>
      %get3A_1120 = arith.index_cast %add3A_1115 : i32 to index
      %get3A_1121 = arith.constant 0 : index
      %get3A_1122 = tpu.vector_load %get3A_1119[%get3A_1120, %get3A_1121] {strides = array<i32>} : memref<800x64xf32, #tpu.memory_space<vmem>>, vector<16xf32>,
      %mul3A_1123 = arith.constant 8.000000e+00 : f32
      %mul3A_1124 = vector.broadcast %mul3A_1123 : f32 to vector<16xf32>
      %mul3A_1125 = arith.mulf %get3A_1122, %mul3A_1124 : vector<16xf32>
      %add3A_1126 = arith.constant 6 : i32
      %add3A_1127 = arith.addi %mul3A_611, %add3A_1126 : i32
      %swap3A_1128 = arith.constant 0 : i32
      %swap3A_1129 = arith.constant 0 : i32
      %swap3A_1130 = tpu.memref_slice %arg6[%scan3A_443, %swap3A_1128, %swap3A_1129] : memref<2x800x64xf32, #tpu.memory_space<vmem>> -> memref<1x800x64xf32, #tpu.memory_space<vmem>>
      %swap3A_1131 = tpu.memref_squeeze %swap3A_1130 : memref<1x800x64xf32, #tpu.memory_space<vmem>> -> memref<800x64xf32, #tpu.memory_space<vmem>>
      %swap3A_1132 = arith.index_cast %add3A_1127 : i32 to index
      %swap3A_1133 = arith.constant 0 : index
      %swap3A_1134 = tpu.vector_load %swap3A_1131[%swap3A_1132, %swap3A_1133] {strides = array<i32>} : memref<800x64xf32, #tpu.memory_space<vmem>>, vector<16xf32>,
      tpu.vector_store %swap3A_1131[%swap3A_1132, %swap3A_1133], %mul3A_1125 {strides = array<i32>} : memref<800x64xf32, #tpu.memory_space<vmem>>, vector<16xf32>,
      %add3A_1135 = arith.constant 6 : i32
      %add3A_1136 = arith.addi %mul3A_611, %add3A_1135 : i32
      %get3A_1137 = arith.constant 0 : i32
      %get3A_1138 = arith.constant 0 : i32
      %get3A_1139 = tpu.memref_slice %arg6[%scan3A_443, %get3A_1137, %get3A_1138] : memref<2x800x64xf32, #tpu.memory_space<vmem>> -> memref<1x800x64xf32, #tpu.memory_space<vmem>>
      %get3A_1140 = tpu.memref_squeeze %get3A_1139 : memref<1x800x64xf32, #tpu.memory_space<vmem>> -> memref<800x64xf32, #tpu.memory_space<vmem>>
      %get3A_1141 = arith.index_cast %add3A_1136 : i32 to index
      %get3A_1142 = arith.constant 16 : index
      %get3A_1143 = tpu.vector_load %get3A_1140[%get3A_1141, %get3A_1142] {strides = array<i32>} : memref<800x64xf32, #tpu.memory_space<vmem>>, vector<16xf32>,
      %mul3A_1144 = arith.constant 8.000000e+00 : f32
      %mul3A_1145 = vector.broadcast %mul3A_1144 : f32 to vector<16xf32>
      %mul3A_1146 = arith.mulf %get3A_1143, %mul3A_1145 : vector<16xf32>
      %add3A_1147 = arith.constant 6 : i32
      %add3A_1148 = arith.addi %mul3A_611, %add3A_1147 : i32
      %swap3A_1149 = arith.constant 0 : i32
      %swap3A_1150 = arith.constant 0 : i32
      %swap3A_1151 = tpu.memref_slice %arg6[%scan3A_443, %swap3A_1149, %swap3A_1150] : memref<2x800x64xf32, #tpu.memory_space<vmem>> -> memref<1x800x64xf32, #tpu.memory_space<vmem>>
      %swap3A_1152 = tpu.memref_squeeze %swap3A_1151 : memref<1x800x64xf32, #tpu.memory_space<vmem>> -> memref<800x64xf32, #tpu.memory_space<vmem>>
      %swap3A_1153 = arith.index_cast %add3A_1148 : i32 to index
      %swap3A_1154 = arith.constant 16 : index
      %swap3A_1155 = tpu.vector_load %swap3A_1152[%swap3A_1153, %swap3A_1154] {strides = array<i32>} : memref<800x64xf32, #tpu.memory_space<vmem>>, vector<16xf32>,
      tpu.vector_store %swap3A_1152[%swap3A_1153, %swap3A_1154], %mul3A_1146 {strides = array<i32>} : memref<800x64xf32, #tpu.memory_space<vmem>>, vector<16xf32>,
      %add3A_1156 = arith.constant 6 : i32
      %add3A_1157 = arith.addi %mul3A_611, %add3A_1156 : i32
      %get3A_1158 = arith.constant 0 : i32
      %get3A_1159 = arith.constant 0 : i32
      %get3A_1160 = tpu.memref_slice %arg6[%scan3A_443, %get3A_1158, %get3A_1159] : memref<2x800x64xf32, #tpu.memory_space<vmem>> -> memref<1x800x64xf32, #tpu.memory_space<vmem>>
      %get3A_1161 = tpu.memref_squeeze %get3A_1160 : memref<1x800x64xf32, #tpu.memory_space<vmem>> -> memref<800x64xf32, #tpu.memory_space<vmem>>
      %get3A_1162 = arith.index_cast %add3A_1157 : i32 to index
      %get3A_1163 = arith.constant 32 : index
      %get3A_1164 = tpu.vector_load %get3A_1161[%get3A_1162, %get3A_1163] {strides = array<i32>} : memref<800x64xf32, #tpu.memory_space<vmem>>, vector<16xf32>,
      %mul3A_1165 = arith.constant 8.000000e+00 : f32
      %mul3A_1166 = vector.broadcast %mul3A_1165 : f32 to vector<16xf32>
      %mul3A_1167 = arith.mulf %get3A_1164, %mul3A_1166 : vector<16xf32>
      %add3A_1168 = arith.constant 6 : i32
      %add3A_1169 = arith.addi %mul3A_611, %add3A_1168 : i32
      %swap3A_1170 = arith.constant 0 : i32
      %swap3A_1171 = arith.constant 0 : i32
      %swap3A_1172 = tpu.memref_slice %arg6[%scan3A_443, %swap3A_1170, %swap3A_1171] : memref<2x800x64xf32, #tpu.memory_space<vmem>> -> memref<1x800x64xf32, #tpu.memory_space<vmem>>
      %swap3A_1173 = tpu.memref_squeeze %swap3A_1172 : memref<1x800x64xf32, #tpu.memory_space<vmem>> -> memref<800x64xf32, #tpu.memory_space<vmem>>
      %swap3A_1174 = arith.index_cast %add3A_1169 : i32 to index
      %swap3A_1175 = arith.constant 32 : index
      %swap3A_1176 = tpu.vector_load %swap3A_1173[%swap3A_1174, %swap3A_1175] {strides = array<i32>} : memref<800x64xf32, #tpu.memory_space<vmem>>, vector<16xf32>,
      tpu.vector_store %swap3A_1173[%swap3A_1174, %swap3A_1175], %mul3A_1167 {strides = array<i32>} : memref<800x64xf32, #tpu.memory_space<vmem>>, vector<16xf32>,
      %add3A_1177 = arith.constant 6 : i32
      %add3A_1178 = arith.addi %mul3A_611, %add3A_1177 : i32
      %get3A_1179 = arith.constant 0 : i32
      %get3A_1180 = arith.constant 0 : i32
      %get3A_1181 = tpu.memref_slice %arg6[%scan3A_443, %get3A_1179, %get3A_1180] : memref<2x800x64xf32, #tpu.memory_space<vmem>> -> memref<1x800x64xf32, #tpu.memory_space<vmem>>
      %get3A_1182 = tpu.memref_squeeze %get3A_1181 : memref<1x800x64xf32, #tpu.memory_space<vmem>> -> memref<800x64xf32, #tpu.memory_space<vmem>>
      %get3A_1183 = arith.index_cast %add3A_1178 : i32 to index
      %get3A_1184 = arith.constant 48 : index
      %get3A_1185 = tpu.vector_load %get3A_1182[%get3A_1183, %get3A_1184] {strides = array<i32>} : memref<800x64xf32, #tpu.memory_space<vmem>>, vector<16xf32>,
      %mul3A_1186 = arith.constant 8.000000e+00 : f32
      %mul3A_1187 = vector.broadcast %mul3A_1186 : f32 to vector<16xf32>
      %mul3A_1188 = arith.mulf %get3A_1185, %mul3A_1187 : vector<16xf32>
      %add3A_1189 = arith.constant 6 : i32
      %add3A_1190 = arith.addi %mul3A_611, %add3A_1189 : i32
      %swap3A_1191 = arith.constant 0 : i32
      %swap3A_1192 = arith.constant 0 : i32
      %swap3A_1193 = tpu.memref_slice %arg6[%scan3A_443, %swap3A_1191, %swap3A_1192] : memref<2x800x64xf32, #tpu.memory_space<vmem>> -> memref<1x800x64xf32, #tpu.memory_space<vmem>>
      %swap3A_1194 = tpu.memref_squeeze %swap3A_1193 : memref<1x800x64xf32, #tpu.memory_space<vmem>> -> memref<800x64xf32, #tpu.memory_space<vmem>>
      %swap3A_1195 = arith.index_cast %add3A_1190 : i32 to index
      %swap3A_1196 = arith.constant 48 : index
      %swap3A_1197 = tpu.vector_load %swap3A_1194[%swap3A_1195, %swap3A_1196] {strides = array<i32>} : memref<800x64xf32, #tpu.memory_space<vmem>>, vector<16xf32>,
      tpu.vector_store %swap3A_1194[%swap3A_1195, %swap3A_1196], %mul3A_1188 {strides = array<i32>} : memref<800x64xf32, #tpu.memory_space<vmem>>, vector<16xf32>,
      %add3A_1198 = arith.constant 7 : i32
      %add3A_1199 = arith.addi %mul3A_611, %add3A_1198 : i32
      %get3A_1200 = arith.constant 0 : i32
      %get3A_1201 = arith.constant 0 : i32
      %get3A_1202 = tpu.memref_slice %arg6[%scan3A_443, %get3A_1200, %get3A_1201] : memref<2x800x64xf32, #tpu.memory_space<vmem>> -> memref<1x800x64xf32, #tpu.memory_space<vmem>>
      %get3A_1203 = tpu.memref_squeeze %get3A_1202 : memref<1x800x64xf32, #tpu.memory_space<vmem>> -> memref<800x64xf32, #tpu.memory_space<vmem>>
      %get3A_1204 = arith.index_cast %add3A_1199 : i32 to index
      %get3A_1205 = arith.constant 0 : index
      %get3A_1206 = tpu.vector_load %get3A_1203[%get3A_1204, %get3A_1205] {strides = array<i32>} : memref<800x64xf32, #tpu.memory_space<vmem>>, vector<16xf32>,
      %mul3A_1207 = arith.constant 8.000000e+00 : f32
      %mul3A_1208 = vector.broadcast %mul3A_1207 : f32 to vector<16xf32>
      %mul3A_1209 = arith.mulf %get3A_1206, %mul3A_1208 : vector<16xf32>
      %add3A_1210 = arith.constant 7 : i32
      %add3A_1211 = arith.addi %mul3A_611, %add3A_1210 : i32
      %swap3A_1212 = arith.constant 0 : i32
      %swap3A_1213 = arith.constant 0 : i32
      %swap3A_1214 = tpu.memref_slice %arg6[%scan3A_443, %swap3A_1212, %swap3A_1213] : memref<2x800x64xf32, #tpu.memory_space<vmem>> -> memref<1x800x64xf32, #tpu.memory_space<vmem>>
      %swap3A_1215 = tpu.memref_squeeze %swap3A_1214 : memref<1x800x64xf32, #tpu.memory_space<vmem>> -> memref<800x64xf32, #tpu.memory_space<vmem>>
      %swap3A_1216 = arith.index_cast %add3A_1211 : i32 to index
      %swap3A_1217 = arith.constant 0 : index
      %swap3A_1218 = tpu.vector_load %swap3A_1215[%swap3A_1216, %swap3A_1217] {strides = array<i32>} : memref<800x64xf32, #tpu.memory_space<vmem>>, vector<16xf32>,
      tpu.vector_store %swap3A_1215[%swap3A_1216, %swap3A_1217], %mul3A_1209 {strides = array<i32>} : memref<800x64xf32, #tpu.memory_space<vmem>>, vector<16xf32>,
      %add3A_1219 = arith.constant 7 : i32
      %add3A_1220 = arith.addi %mul3A_611, %add3A_1219 : i32
      %get3A_1221 = arith.constant 0 : i32
      %get3A_1222 = arith.constant 0 : i32
      %get3A_1223 = tpu.memref_slice %arg6[%scan3A_443, %get3A_1221, %get3A_1222] : memref<2x800x64xf32, #tpu.memory_space<vmem>> -> memref<1x800x64xf32, #tpu.memory_space<vmem>>
      %get3A_1224 = tpu.memref_squeeze %get3A_1223 : memref<1x800x64xf32, #tpu.memory_space<vmem>> -> memref<800x64xf32, #tpu.memory_space<vmem>>
      %get3A_1225 = arith.index_cast %add3A_1220 : i32 to index
      %get3A_1226 = arith.constant 16 : index
      %get3A_1227 = tpu.vector_load %get3A_1224[%get3A_1225, %get3A_1226] {strides = array<i32>} : memref<800x64xf32, #tpu.memory_space<vmem>>, vector<16xf32>,
      %mul3A_1228 = arith.constant 8.000000e+00 : f32
      %mul3A_1229 = vector.broadcast %mul3A_1228 : f32 to vector<16xf32>
      %mul3A_1230 = arith.mulf %get3A_1227, %mul3A_1229 : vector<16xf32>
      %add3A_1231 = arith.constant 7 : i32
      %add3A_1232 = arith.addi %mul3A_611, %add3A_1231 : i32
      %swap3A_1233 = arith.constant 0 : i32
      %swap3A_1234 = arith.constant 0 : i32
      %swap3A_1235 = tpu.memref_slice %arg6[%scan3A_443, %swap3A_1233, %swap3A_1234] : memref<2x800x64xf32, #tpu.memory_space<vmem>> -> memref<1x800x64xf32, #tpu.memory_space<vmem>>
      %swap3A_1236 = tpu.memref_squeeze %swap3A_1235 : memref<1x800x64xf32, #tpu.memory_space<vmem>> -> memref<800x64xf32, #tpu.memory_space<vmem>>
      %swap3A_1237 = arith.index_cast %add3A_1232 : i32 to index
      %swap3A_1238 = arith.constant 16 : index
      %swap3A_1239 = tpu.vector_load %swap3A_1236[%swap3A_1237, %swap3A_1238] {strides = array<i32>} : memref<800x64xf32, #tpu.memory_space<vmem>>, vector<16xf32>,
      tpu.vector_store %swap3A_1236[%swap3A_1237, %swap3A_1238], %mul3A_1230 {strides = array<i32>} : memref<800x64xf32, #tpu.memory_space<vmem>>, vector<16xf32>,
      %add3A_1240 = arith.constant 7 : i32
      %add3A_1241 = arith.addi %mul3A_611, %add3A_1240 : i32
      %get3A_1242 = arith.constant 0 : i32
      %get3A_1243 = arith.constant 0 : i32
      %get3A_1244 = tpu.memref_slice %arg6[%scan3A_443, %get3A_1242, %get3A_1243] : memref<2x800x64xf32, #tpu.memory_space<vmem>> -> memref<1x800x64xf32, #tpu.memory_space<vmem>>
      %get3A_1245 = tpu.memref_squeeze %get3A_1244 : memref<1x800x64xf32, #tpu.memory_space<vmem>> -> memref<800x64xf32, #tpu.memory_space<vmem>>
      %get3A_1246 = arith.index_cast %add3A_1241 : i32 to index
      %get3A_1247 = arith.constant 32 : index
      %get3A_1248 = tpu.vector_load %get3A_1245[%get3A_1246, %get3A_1247] {strides = array<i32>} : memref<800x64xf32, #tpu.memory_space<vmem>>, vector<16xf32>,
      %mul3A_1249 = arith.constant 8.000000e+00 : f32
      %mul3A_1250 = vector.broadcast %mul3A_1249 : f32 to vector<16xf32>
      %mul3A_1251 = arith.mulf %get3A_1248, %mul3A_1250 : vector<16xf32>
      %add3A_1252 = arith.constant 7 : i32
      %add3A_1253 = arith.addi %mul3A_611, %add3A_1252 : i32
      %swap3A_1254 = arith.constant 0 : i32
      %swap3A_1255 = arith.constant 0 : i32
      %swap3A_1256 = tpu.memref_slice %arg6[%scan3A_443, %swap3A_1254, %swap3A_1255] : memref<2x800x64xf32, #tpu.memory_space<vmem>> -> memref<1x800x64xf32, #tpu.memory_space<vmem>>
      %swap3A_1257 = tpu.memref_squeeze %swap3A_1256 : memref<1x800x64xf32, #tpu.memory_space<vmem>> -> memref<800x64xf32, #tpu.memory_space<vmem>>
      %swap3A_1258 = arith.index_cast %add3A_1253 : i32 to index
      %swap3A_1259 = arith.constant 32 : index
      %swap3A_1260 = tpu.vector_load %swap3A_1257[%swap3A_1258, %swap3A_1259] {strides = array<i32>} : memref<800x64xf32, #tpu.memory_space<vmem>>, vector<16xf32>,
      tpu.vector_store %swap3A_1257[%swap3A_1258, %swap3A_1259], %mul3A_1251 {strides = array<i32>} : memref<800x64xf32, #tpu.memory_space<vmem>>, vector<16xf32>,
      %add3A_1261 = arith.constant 7 : i32
      %add3A_1262 = arith.addi %mul3A_611, %add3A_1261 : i32
      %get3A_1263 = arith.constant 0 : i32
      %get3A_1264 = arith.constant 0 : i32
      %get3A_1265 = tpu.memref_slice %arg6[%scan3A_443, %get3A_1263, %get3A_1264] : memref<2x800x64xf32, #tpu.memory_space<vmem>> -> memref<1x800x64xf32, #tpu.memory_space<vmem>>
      %get3A_1266 = tpu.memref_squeeze %get3A_1265 : memref<1x800x64xf32, #tpu.memory_space<vmem>> -> memref<800x64xf32, #tpu.memory_space<vmem>>
      %get3A_1267 = arith.index_cast %add3A_1262 : i32 to index
      %get3A_1268 = arith.constant 48 : index
      %get3A_1269 = tpu.vector_load %get3A_1266[%get3A_1267, %get3A_1268] {strides = array<i32>} : memref<800x64xf32, #tpu.memory_space<vmem>>, vector<16xf32>,
      %mul3A_1270 = arith.constant 8.000000e+00 : f32
      %mul3A_1271 = vector.broadcast %mul3A_1270 : f32 to vector<16xf32>
      %mul3A_1272 = arith.mulf %get3A_1269, %mul3A_1271 : vector<16xf32>
      %add3A_1273 = arith.constant 7 : i32
      %add3A_1274 = arith.addi %mul3A_611, %add3A_1273 : i32
      %swap3A_1275 = arith.constant 0 : i32
      %swap3A_1276 = arith.constant 0 : i32
      %swap3A_1277 = tpu.memref_slice %arg6[%scan3A_443, %swap3A_1275, %swap3A_1276] : memref<2x800x64xf32, #tpu.memory_space<vmem>> -> memref<1x800x64xf32, #tpu.memory_space<vmem>>
      %swap3A_1278 = tpu.memref_squeeze %swap3A_1277 : memref<1x800x64xf32, #tpu.memory_space<vmem>> -> memref<800x64xf32, #tpu.memory_space<vmem>>
      %swap3A_1279 = arith.index_cast %add3A_1274 : i32 to index
      %swap3A_1280 = arith.constant 48 : index
      %swap3A_1281 = tpu.vector_load %swap3A_1278[%swap3A_1279, %swap3A_1280] {strides = array<i32>} : memref<800x64xf32, #tpu.memory_space<vmem>>, vector<16xf32>,
      tpu.vector_store %swap3A_1278[%swap3A_1279, %swap3A_1280], %mul3A_1272 {strides = array<i32>} : memref<800x64xf32, #tpu.memory_space<vmem>>, vector<16xf32>,
    }
    %scan3A_448 = arith.constant 100 : i32
    %add3A_449 = arith.constant 120 : i32
    %add3A_450 = arith.addi %mul3A_2, %add3A_449 : i32
    %mul3A_451 = arith.constant 200 : i32
    %mul3A_452 = arith.muli %add3A_450, %mul3A_451 : i32
    %run_scoped3A = arith.constant 0 : i32
    "tpu.region"() ({
      %run_scoped3A_609 = tpu.sem_alloc : memref<!tpu.dma_semaphore, #tpu.memory_space<semaphore_mem>>
      %dma_start3A_610 = arith.constant 0 : i32
      %dma_start3A_611 = arith.constant 0 : i32
      %dma_start3A_612 = tpu.memref_slice %arg6[%run_scoped3A, %dma_start3A_610, %dma_start3A_611] : memref<2x800x64xf32, #tpu.memory_space<vmem>> -> memref<1x800x64xf32, #tpu.memory_space<vmem>>
      %dma_start3A_613 = tpu.memref_squeeze %dma_start3A_612 : memref<1x800x64xf32, #tpu.memory_space<vmem>> -> memref<800x64xf32, #tpu.memory_space<vmem>>
      %dma_start3A_614 = arith.constant 0 : i32
      %dma_start3A_615 = tpu.memref_slice %arg4[%mul3A_452, %dma_start3A_614] : memref<819200x128xf32, #tpu.memory_space<hbm>> -> memref<800x64xf32, #tpu.memory_space<hbm>>
      %dma_start3A_616 = arith.constant 0 : i32
      %dma_start3A_617 = tpu.memref_slice %arg4[%mul3A_452, %dma_start3A_616] : memref<819200x128xf32, #tpu.memory_space<hbm>> -> memref<800x64xf32, #tpu.memory_space<hbm>>
      %dma_start3A_618 = arith.constant 0 : i32
      %dma_start3A_619 = arith.constant 0 : i32
      %dma_start3A_620 = tpu.memref_slice %arg6[%run_scoped3A, %dma_start3A_618, %dma_start3A_619] : memref<2x800x64xf32, #tpu.memory_space<vmem>> -> memref<1x800x64xf32, #tpu.memory_space<vmem>>
      %dma_start3A_621 = tpu.memref_squeeze %dma_start3A_620 : memref<1x800x64xf32, #tpu.memory_space<vmem>> -> memref<800x64xf32, #tpu.memory_space<vmem>>
      tpu.enqueue_dma source(%dma_start3A_621 : memref<800x64xf32, #tpu.memory_space<vmem>>) target(%dma_start3A_617 : memref<800x64xf32, #tpu.memory_space<hbm>>) target_semaphore(%run_scoped3A_609 : memref<!tpu.dma_semaphore, #tpu.memory_space<semaphore_mem>>)
      %dma_wait3A_622 = arith.constant 0 : i32
      %dma_wait3A_623 = arith.constant 0 : i32
      %dma_wait3A_624 = tpu.memref_slice %arg6[%run_scoped3A, %dma_wait3A_622, %dma_wait3A_623] : memref<2x800x64xf32, #tpu.memory_space<vmem>> -> memref<1x800x64xf32, #tpu.memory_space<vmem>>
      %dma_wait3A_625 = tpu.memref_squeeze %dma_wait3A_624 : memref<1x800x64xf32, #tpu.memory_space<vmem>> -> memref<800x64xf32, #tpu.memory_space<vmem>>
      %dma_wait3A_626 = arith.constant 0 : i32
      %dma_wait3A_627 = tpu.memref_slice %arg4[%mul3A_452, %dma_wait3A_626] : memref<819200x128xf32, #tpu.memory_space<hbm>> -> memref<800x64xf32, #tpu.memory_space<hbm>>
      %dma_wait3A_628 = arith.constant 0 : i32
      %dma_wait3A_629 = tpu.memref_slice %arg4[%mul3A_452, %dma_wait3A_628] : memref<819200x128xf32, #tpu.memory_space<hbm>> -> memref<800x64xf32, #tpu.memory_space<hbm>>
      %dma_wait3A_630 = arith.constant 0 : i32
      %dma_wait3A_631 = arith.constant 0 : i32
      %dma_wait3A_632 = tpu.memref_slice %arg6[%run_scoped3A, %dma_wait3A_630, %dma_wait3A_631] : memref<2x800x64xf32, #tpu.memory_space<vmem>> -> memref<1x800x64xf32, #tpu.memory_space<vmem>>
      %dma_wait3A_633 = tpu.memref_squeeze %dma_wait3A_632 : memref<1x800x64xf32, #tpu.memory_space<vmem>> -> memref<800x64xf32, #tpu.memory_space<vmem>>
      tpu.wait_dma2 semaphore(%run_scoped3A_609 : memref<!tpu.dma_semaphore, #tpu.memory_space<semaphore_mem>>) src(%dma_wait3A_633 : memref<800x64xf32, #tpu.memory_space<vmem>>) dst(%dma_wait3A_629 : memref<800x64xf32, #tpu.memory_space<hbm>>)
      tpu.yield
    }) : () -> ()
    %dma_wait3A_453 = arith.constant 0 : i32
    %dma_wait3A_454 = arith.constant 1 : i32
    %dma_wait3A_455 = arith.constant 1 : i32
    %dma_wait3A_456 = arith.constant 0 : i32
    %dma_wait3A_457 = arith.constant 0 : i32
    %dma_wait3A_458 = tpu.memref_slice %arg6[%dma_wait3A_454, %dma_wait3A_456, %dma_wait3A_457] : memref<2x800x64xf32, #tpu.memory_space<vmem>> -> memref<1x800x64xf32, #tpu.memory_space<vmem>>
    %dma_wait3A_459 = tpu.memref_squeeze %dma_wait3A_458 : memref<1x800x64xf32, #tpu.memory_space<vmem>> -> memref<800x64xf32, #tpu.memory_space<vmem>>
    %dma_wait3A_460 = arith.constant 0 : i32
    %dma_wait3A_461 = arith.constant 0 : i32
    %dma_wait3A_462 = tpu.memref_slice %dma_wait3A_459[%dma_wait3A_460, %dma_wait3A_461] : memref<800x64xf32, #tpu.memory_space<vmem>> -> memref<128x64xf32, #tpu.memory_space<vmem>>
    %dma_wait3A_463 = arith.constant 0 : i32
    %dma_wait3A_464 = tpu.memref_slice %arg5[%dma_wait3A_453, %dma_wait3A_463] : memref<128x200xi32, #tpu.memory_space<vmem>> -> memref<1x128xi32, #tpu.memory_space<vmem>>
    %dma_wait3A_465 = tpu.memref_squeeze %dma_wait3A_464 : memref<1x128xi32, #tpu.memory_space<vmem>> -> memref<128xi32, #tpu.memory_space<vmem>>
    %dma_wait3A_466 = arith.constant 0 : i32
    %dma_wait3A_467 = arith.constant 0 : i32
    %dma_wait3A_468 = tpu.memref_slice %arg2[%dma_wait3A_466, %dma_wait3A_467] : memref<1000000x64xf32, #tpu.memory_space<hbm>> -> memref<1000000x64xf32, #tpu.memory_space<hbm>>
    %dma_wait3A_469 = tpu.memref_slice %arg7[%dma_wait3A_455] : memref<2x!tpu.dma_semaphore, #tpu.memory_space<semaphore_mem>> -> memref<1x!tpu.dma_semaphore, #tpu.memory_space<semaphore_mem>>
    %dma_wait3A_470 = tpu.memref_squeeze %dma_wait3A_469 : memref<1x!tpu.dma_semaphore, #tpu.memory_space<semaphore_mem>> -> memref<!tpu.dma_semaphore, #tpu.memory_space<semaphore_mem>>
    tpu.wait_indirect_dma semaphore(%dma_wait3A_470 : memref<!tpu.dma_semaphore, #tpu.memory_space<semaphore_mem>>) src(%dma_wait3A_468 : memref<1000000x64xf32, #tpu.memory_space<hbm>>) dst(%dma_wait3A_462 : memref<128x64xf32, #tpu.memory_space<vmem>>)
    %dma_wait3A_471 = arith.constant 0 : i32
    %dma_wait3A_472 = arith.constant 1 : i32
    %dma_wait3A_473 = arith.constant 1 : i32
    %dma_wait3A_474 = arith.constant 0 : i32
    %dma_wait3A_475 = arith.constant 0 : i32
    %dma_wait3A_476 = tpu.memref_slice %arg6[%dma_wait3A_472, %dma_wait3A_474, %dma_wait3A_475] : memref<2x800x64xf32, #tpu.memory_space<vmem>> -> memref<1x800x64xf32, #tpu.memory_space<vmem>>
    %dma_wait3A_477 = tpu.memref_squeeze %dma_wait3A_476 : memref<1x800x64xf32, #tpu.memory_space<vmem>> -> memref<800x64xf32, #tpu.memory_space<vmem>>
    %dma_wait3A_478 = arith.constant 128 : i32
    %dma_wait3A_479 = arith.constant 0 : i32
    %dma_wait3A_480 = tpu.memref_slice %dma_wait3A_477[%dma_wait3A_478, %dma_wait3A_479] : memref<800x64xf32, #tpu.memory_space<vmem>> -> memref<72x64xf32, #tpu.memory_space<vmem>>
    %dma_wait3A_481 = arith.constant 128 : i32
    %dma_wait3A_482 = tpu.memref_slice %arg5[%dma_wait3A_471, %dma_wait3A_481] : memref<128x200xi32, #tpu.memory_space<vmem>> -> memref<1x72xi32, #tpu.memory_space<vmem>>
    %dma_wait3A_483 = tpu.memref_squeeze %dma_wait3A_482 : memref<1x72xi32, #tpu.memory_space<vmem>> -> memref<72xi32, #tpu.memory_space<vmem>>
    %dma_wait3A_484 = arith.constant 0 : i32
    %dma_wait3A_485 = arith.constant 0 : i32
    %dma_wait3A_486 = tpu.memref_slice %arg2[%dma_wait3A_484, %dma_wait3A_485] : memref<1000000x64xf32, #tpu.memory_space<hbm>> -> memref<1000000x64xf32, #tpu.memory_space<hbm>>
    %dma_wait3A_487 = tpu.memref_slice %arg7[%dma_wait3A_473] : memref<2x!tpu.dma_semaphore, #tpu.memory_space<semaphore_mem>> -> memref<1x!tpu.dma_semaphore, #tpu.memory_space<semaphore_mem>>
    %dma_wait3A_488 = tpu.memref_squeeze %dma_wait3A_487 : memref<1x!tpu.dma_semaphore, #tpu.memory_space<semaphore_mem>> -> memref<!tpu.dma_semaphore, #tpu.memory_space<semaphore_mem>>
    tpu.wait_indirect_dma semaphore(%dma_wait3A_488 : memref<!tpu.dma_semaphore, #tpu.memory_space<semaphore_mem>>) src(%dma_wait3A_486 : memref<1000000x64xf32, #tpu.memory_space<hbm>>) dst(%dma_wait3A_480 : memref<72x64xf32, #tpu.memory_space<vmem>>)
    %dma_wait3A_489 = arith.constant 1 : i32
    %dma_wait3A_490 = arith.constant 1 : i32
    %dma_wait3A_491 = arith.constant 1 : i32
    %dma_wait3A_492 = arith.constant 0 : i32
    %dma_wait3A_493 = arith.constant 0 : i32
    %dma_wait3A_494 = tpu.memref_slice %arg6[%dma_wait3A_490, %dma_wait3A_492, %dma_wait3A_493] : memref<2x800x64xf32, #tpu.memory_space<vmem>> -> memref<1x800x64xf32, #tpu.memory_space<vmem>>
    %dma_wait3A_495 = tpu.memref_squeeze %dma_wait3A_494 : memref<1x800x64xf32, #tpu.memory_space<vmem>> -> memref<800x64xf32, #tpu.memory_space<vmem>>
    %dma_wait3A_496 = arith.constant 200 : i32
    %dma_wait3A_497 = arith.constant 0 : i32
    %dma_wait3A_498 = tpu.memref_slice %dma_wait3A_495[%dma_wait3A_496, %dma_wait3A_497] : memref<800x64xf32, #tpu.memory_space<vmem>> -> memref<128x64xf32, #tpu.memory_space<vmem>>
    %dma_wait3A_499 = arith.constant 0 : i32
    %dma_wait3A_500 = tpu.memref_slice %arg5[%dma_wait3A_489, %dma_wait3A_499] : memref<128x200xi32, #tpu.memory_space<vmem>> -> memref<1x128xi32, #tpu.memory_space<vmem>>
    %dma_wait3A_501 = tpu.memref_squeeze %dma_wait3A_500 : memref<1x128xi32, #tpu.memory_space<vmem>> -> memref<128xi32, #tpu.memory_space<vmem>>
    %dma_wait3A_502 = arith.constant 0 : i32
    %dma_wait3A_503 = arith.constant 0 : i32
    %dma_wait3A_504 = tpu.memref_slice %arg2[%dma_wait3A_502, %dma_wait3A_503] : memref<1000000x64xf32, #tpu.memory_space<hbm>> -> memref<1000000x64xf32, #tpu.memory_space<hbm>>
    %dma_wait3A_505 = tpu.memref_slice %arg7[%dma_wait3A_491] : memref<2x!tpu.dma_semaphore, #tpu.memory_space<semaphore_mem>> -> memref<1x!tpu.dma_semaphore, #tpu.memory_space<semaphore_mem>>
    %dma_wait3A_506 = tpu.memref_squeeze %dma_wait3A_505 : memref<1x!tpu.dma_semaphore, #tpu.memory_space<semaphore_mem>> -> memref<!tpu.dma_semaphore, #tpu.memory_space<semaphore_mem>>
    tpu.wait_indirect_dma semaphore(%dma_wait3A_506 : memref<!tpu.dma_semaphore, #tpu.memory_space<semaphore_mem>>) src(%dma_wait3A_504 : memref<1000000x64xf32, #tpu.memory_space<hbm>>) dst(%dma_wait3A_498 : memref<128x64xf32, #tpu.memory_space<vmem>>)
    %dma_wait3A_507 = arith.constant 1 : i32
    %dma_wait3A_508 = arith.constant 1 : i32
    %dma_wait3A_509 = arith.constant 1 : i32
    %dma_wait3A_510 = arith.constant 0 : i32
    %dma_wait3A_511 = arith.constant 0 : i32
    %dma_wait3A_512 = tpu.memref_slice %arg6[%dma_wait3A_508, %dma_wait3A_510, %dma_wait3A_511] : memref<2x800x64xf32, #tpu.memory_space<vmem>> -> memref<1x800x64xf32, #tpu.memory_space<vmem>>
    %dma_wait3A_513 = tpu.memref_squeeze %dma_wait3A_512 : memref<1x800x64xf32, #tpu.memory_space<vmem>> -> memref<800x64xf32, #tpu.memory_space<vmem>>
    %dma_wait3A_514 = arith.constant 328 : i32
    %dma_wait3A_515 = arith.constant 0 : i32
    %dma_wait3A_516 = tpu.memref_slice %dma_wait3A_513[%dma_wait3A_514, %dma_wait3A_515] : memref<800x64xf32, #tpu.memory_space<vmem>> -> memref<72x64xf32, #tpu.memory_space<vmem>>
    %dma_wait3A_517 = arith.constant 128 : i32
    %dma_wait3A_518 = tpu.memref_slice %arg5[%dma_wait3A_507, %dma_wait3A_517] : memref<128x200xi32, #tpu.memory_space<vmem>> -> memref<1x72xi32, #tpu.memory_space<vmem>>
    %dma_wait3A_519 = tpu.memref_squeeze %dma_wait3A_518 : memref<1x72xi32, #tpu.memory_space<vmem>> -> memref<72xi32, #tpu.memory_space<vmem>>
    %dma_wait3A_520 = arith.constant 0 : i32
    %dma_wait3A_521 = arith.constant 0 : i32
    %dma_wait3A_522 = tpu.memref_slice %arg2[%dma_wait3A_520, %dma_wait3A_521] : memref<1000000x64xf32, #tpu.memory_space<hbm>> -> memref<1000000x64xf32, #tpu.memory_space<hbm>>
    %dma_wait3A_523 = tpu.memref_slice %arg7[%dma_wait3A_509] : memref<2x!tpu.dma_semaphore, #tpu.memory_space<semaphore_mem>> -> memref<1x!tpu.dma_semaphore, #tpu.memory_space<semaphore_mem>>
    %dma_wait3A_524 = tpu.memref_squeeze %dma_wait3A_523 : memref<1x!tpu.dma_semaphore, #tpu.memory_space<semaphore_mem>> -> memref<!tpu.dma_semaphore, #tpu.memory_space<semaphore_mem>>
    tpu.wait_indirect_dma semaphore(%dma_wait3A_524 : memref<!tpu.dma_semaphore, #tpu.memory_space<semaphore_mem>>) src(%dma_wait3A_522 : memref<1000000x64xf32, #tpu.memory_space<hbm>>) dst(%dma_wait3A_516 : memref<72x64xf32, #tpu.memory_space<vmem>>)
    %dma_wait3A_525 = arith.constant 2 : i32
    %dma_wait3A_526 = arith.constant 1 : i32
    %dma_wait3A_527 = arith.constant 1 : i32
    %dma_wait3A_528 = arith.constant 0 : i32
    %dma_wait3A_529 = arith.constant 0 : i32
    %dma_wait3A_530 = tpu.memref_slice %arg6[%dma_wait3A_526, %dma_wait3A_528, %dma_wait3A_529] : memref<2x800x64xf32, #tpu.memory_space<vmem>> -> memref<1x800x64xf32, #tpu.memory_space<vmem>>
    %dma_wait3A_531 = tpu.memref_squeeze %dma_wait3A_530 : memref<1x800x64xf32, #tpu.memory_space<vmem>> -> memref<800x64xf32, #tpu.memory_space<vmem>>
    %dma_wait3A_532 = arith.constant 400 : i32
    %dma_wait3A_533 = arith.constant 0 : i32
    %dma_wait3A_534 = tpu.memref_slice %dma_wait3A_531[%dma_wait3A_532, %dma_wait3A_533] : memref<800x64xf32, #tpu.memory_space<vmem>> -> memref<128x64xf32, #tpu.memory_space<vmem>>
    %dma_wait3A_535 = arith.constant 0 : i32
    %dma_wait3A_536 = tpu.memref_slice %arg5[%dma_wait3A_525, %dma_wait3A_535] : memref<128x200xi32, #tpu.memory_space<vmem>> -> memref<1x128xi32, #tpu.memory_space<vmem>>
    %dma_wait3A_537 = tpu.memref_squeeze %dma_wait3A_536 : memref<1x128xi32, #tpu.memory_space<vmem>> -> memref<128xi32, #tpu.memory_space<vmem>>
    %dma_wait3A_538 = arith.constant 0 : i32
    %dma_wait3A_539 = arith.constant 0 : i32
    %dma_wait3A_540 = tpu.memref_slice %arg2[%dma_wait3A_538, %dma_wait3A_539] : memref<1000000x64xf32, #tpu.memory_space<hbm>> -> memref<1000000x64xf32, #tpu.memory_space<hbm>>
    %dma_wait3A_541 = tpu.memref_slice %arg7[%dma_wait3A_527] : memref<2x!tpu.dma_semaphore, #tpu.memory_space<semaphore_mem>> -> memref<1x!tpu.dma_semaphore, #tpu.memory_space<semaphore_mem>>
    %dma_wait3A_542 = tpu.memref_squeeze %dma_wait3A_541 : memref<1x!tpu.dma_semaphore, #tpu.memory_space<semaphore_mem>> -> memref<!tpu.dma_semaphore, #tpu.memory_space<semaphore_mem>>
    tpu.wait_indirect_dma semaphore(%dma_wait3A_542 : memref<!tpu.dma_semaphore, #tpu.memory_space<semaphore_mem>>) src(%dma_wait3A_540 : memref<1000000x64xf32, #tpu.memory_space<hbm>>) dst(%dma_wait3A_534 : memref<128x64xf32, #tpu.memory_space<vmem>>)
    %dma_wait3A_543 = arith.constant 2 : i32
    %dma_wait3A_544 = arith.constant 1 : i32
    %dma_wait3A_545 = arith.constant 1 : i32
    %dma_wait3A_546 = arith.constant 0 : i32
    %dma_wait3A_547 = arith.constant 0 : i32
    %dma_wait3A_548 = tpu.memref_slice %arg6[%dma_wait3A_544, %dma_wait3A_546, %dma_wait3A_547] : memref<2x800x64xf32, #tpu.memory_space<vmem>> -> memref<1x800x64xf32, #tpu.memory_space<vmem>>
    %dma_wait3A_549 = tpu.memref_squeeze %dma_wait3A_548 : memref<1x800x64xf32, #tpu.memory_space<vmem>> -> memref<800x64xf32, #tpu.memory_space<vmem>>
    %dma_wait3A_550 = arith.constant 528 : i32
    %dma_wait3A_551 = arith.constant 0 : i32
    %dma_wait3A_552 = tpu.memref_slice %dma_wait3A_549[%dma_wait3A_550, %dma_wait3A_551] : memref<800x64xf32, #tpu.memory_space<vmem>> -> memref<72x64xf32, #tpu.memory_space<vmem>>
    %dma_wait3A_553 = arith.constant 128 : i32
    %dma_wait3A_554 = tpu.memref_slice %arg5[%dma_wait3A_543, %dma_wait3A_553] : memref<128x200xi32, #tpu.memory_space<vmem>> -> memref<1x72xi32, #tpu.memory_space<vmem>>
    %dma_wait3A_555 = tpu.memref_squeeze %dma_wait3A_554 : memref<1x72xi32, #tpu.memory_space<vmem>> -> memref<72xi32, #tpu.memory_space<vmem>>
    %dma_wait3A_556 = arith.constant 0 : i32
    %dma_wait3A_557 = arith.constant 0 : i32
    %dma_wait3A_558 = tpu.memref_slice %arg2[%dma_wait3A_556, %dma_wait3A_557] : memref<1000000x64xf32, #tpu.memory_space<hbm>> -> memref<1000000x64xf32, #tpu.memory_space<hbm>>
    %dma_wait3A_559 = tpu.memref_slice %arg7[%dma_wait3A_545] : memref<2x!tpu.dma_semaphore, #tpu.memory_space<semaphore_mem>> -> memref<1x!tpu.dma_semaphore, #tpu.memory_space<semaphore_mem>>
    %dma_wait3A_560 = tpu.memref_squeeze %dma_wait3A_559 : memref<1x!tpu.dma_semaphore, #tpu.memory_space<semaphore_mem>> -> memref<!tpu.dma_semaphore, #tpu.memory_space<semaphore_mem>>
    tpu.wait_indirect_dma semaphore(%dma_wait3A_560 : memref<!tpu.dma_semaphore, #tpu.memory_space<semaphore_mem>>) src(%dma_wait3A_558 : memref<1000000x64xf32, #tpu.memory_space<hbm>>) dst(%dma_wait3A_552 : memref<72x64xf32, #tpu.memory_space<vmem>>)
    %dma_wait3A_561 = arith.constant 3 : i32
    %dma_wait3A_562 = arith.constant 1 : i32
    %dma_wait3A_563 = arith.constant 1 : i32
    %dma_wait3A_564 = arith.constant 0 : i32
    %dma_wait3A_565 = arith.constant 0 : i32
    %dma_wait3A_566 = tpu.memref_slice %arg6[%dma_wait3A_562, %dma_wait3A_564, %dma_wait3A_565] : memref<2x800x64xf32, #tpu.memory_space<vmem>> -> memref<1x800x64xf32, #tpu.memory_space<vmem>>
    %dma_wait3A_567 = tpu.memref_squeeze %dma_wait3A_566 : memref<1x800x64xf32, #tpu.memory_space<vmem>> -> memref<800x64xf32, #tpu.memory_space<vmem>>
    %dma_wait3A_568 = arith.constant 600 : i32
    %dma_wait3A_569 = arith.constant 0 : i32
    %dma_wait3A_570 = tpu.memref_slice %dma_wait3A_567[%dma_wait3A_568, %dma_wait3A_569] : memref<800x64xf32, #tpu.memory_space<vmem>> -> memref<128x64xf32, #tpu.memory_space<vmem>>
    %dma_wait3A_571 = arith.constant 0 : i32
    %dma_wait3A_572 = tpu.memref_slice %arg5[%dma_wait3A_561, %dma_wait3A_571] : memref<128x200xi32, #tpu.memory_space<vmem>> -> memref<1x128xi32, #tpu.memory_space<vmem>>
    %dma_wait3A_573 = tpu.memref_squeeze %dma_wait3A_572 : memref<1x128xi32, #tpu.memory_space<vmem>> -> memref<128xi32, #tpu.memory_space<vmem>>
    %dma_wait3A_574 = arith.constant 0 : i32
    %dma_wait3A_575 = arith.constant 0 : i32
    %dma_wait3A_576 = tpu.memref_slice %arg2[%dma_wait3A_574, %dma_wait3A_575] : memref<1000000x64xf32, #tpu.memory_space<hbm>> -> memref<1000000x64xf32, #tpu.memory_space<hbm>>
    %dma_wait3A_577 = tpu.memref_slice %arg7[%dma_wait3A_563] : memref<2x!tpu.dma_semaphore, #tpu.memory_space<semaphore_mem>> -> memref<1x!tpu.dma_semaphore, #tpu.memory_space<semaphore_mem>>
    %dma_wait3A_578 = tpu.memref_squeeze %dma_wait3A_577 : memref<1x!tpu.dma_semaphore, #tpu.memory_space<semaphore_mem>> -> memref<!tpu.dma_semaphore, #tpu.memory_space<semaphore_mem>>
    tpu.wait_indirect_dma semaphore(%dma_wait3A_578 : memref<!tpu.dma_semaphore, #tpu.memory_space<semaphore_mem>>) src(%dma_wait3A_576 : memref<1000000x64xf32, #tpu.memory_space<hbm>>) dst(%dma_wait3A_570 : memref<128x64xf32, #tpu.memory_space<vmem>>)
    %dma_wait3A_579 = arith.constant 3 : i32
    %dma_wait3A_580 = arith.constant 1 : i32
    %dma_wait3A_581 = arith.constant 1 : i32
    %dma_wait3A_582 = arith.constant 0 : i32
    %dma_wait3A_583 = arith.constant 0 : i32
    %dma_wait3A_584 = tpu.memref_slice %arg6[%dma_wait3A_580, %dma_wait3A_582, %dma_wait3A_583] : memref<2x800x64xf32, #tpu.memory_space<vmem>> -> memref<1x800x64xf32, #tpu.memory_space<vmem>>
    %dma_wait3A_585 = tpu.memref_squeeze %dma_wait3A_584 : memref<1x800x64xf32, #tpu.memory_space<vmem>> -> memref<800x64xf32, #tpu.memory_space<vmem>>
    %dma_wait3A_586 = arith.constant 728 : i32
    %dma_wait3A_587 = arith.constant 0 : i32
    %dma_wait3A_588 = tpu.memref_slice %dma_wait3A_585[%dma_wait3A_586, %dma_wait3A_587] : memref<800x64xf32, #tpu.memory_space<vmem>> -> memref<72x64xf32, #tpu.memory_space<vmem>>
    %dma_wait3A_589 = arith.constant 128 : i32
    %dma_wait3A_590 = tpu.memref_slice %arg5[%dma_wait3A_579, %dma_wait3A_589] : memref<128x200xi32, #tpu.memory_space<vmem>> -> memref<1x72xi32, #tpu.memory_space<vmem>>
    %dma_wait3A_591 = tpu.memref_squeeze %dma_wait3A_590 : memref<1x72xi32, #tpu.memory_space<vmem>> -> memref<72xi32, #tpu.memory_space<vmem>>
    %dma_wait3A_592 = arith.constant 0 : i32
    %dma_wait3A_593 = arith.constant 0 : i32
    %dma_wait3A_594 = tpu.memref_slice %arg2[%dma_wait3A_592, %dma_wait3A_593] : memref<1000000x64xf32, #tpu.memory_space<hbm>> -> memref<1000000x64xf32, #tpu.memory_space<hbm>>
    %dma_wait3A_595 = tpu.memref_slice %arg7[%dma_wait3A_581] : memref<2x!tpu.dma_semaphore, #tpu.memory_space<semaphore_mem>> -> memref<1x!tpu.dma_semaphore, #tpu.memory_space<semaphore_mem>>
    %dma_wait3A_596 = tpu.memref_squeeze %dma_wait3A_595 : memref<1x!tpu.dma_semaphore, #tpu.memory_space<semaphore_mem>> -> memref<!tpu.dma_semaphore, #tpu.memory_space<semaphore_mem>>
    tpu.wait_indirect_dma semaphore(%dma_wait3A_596 : memref<!tpu.dma_semaphore, #tpu.memory_space<semaphore_mem>>) src(%dma_wait3A_594 : memref<1000000x64xf32, #tpu.memory_space<hbm>>) dst(%dma_wait3A_588 : memref<72x64xf32, #tpu.memory_space<vmem>>)
    %scan3A_597 = arith.constant 0 : i32
    %scan3A_598 = arith.constant 1 : i32
    %scan3A_599 = arith.constant 0 : i32
    %scan3A_600 = arith.constant 100 : i32
    %scan3A_601 = arith.addi %scan3A_599, %scan3A_600 : i32
    %scan3A_602 = arith.constant 1 : i32
    scf.for %scan3A_609 = %scan3A_599 to %scan3A_601 step %scan3A_602  : i32 {
      %mul3A_610 = arith.constant 8 : i32
      %mul3A_611 = arith.muli %scan3A_609, %mul3A_610 : i32
      %add3A_612 = arith.constant 0 : i32
      %add3A_613 = arith.addi %mul3A_611, %add3A_612 : i32
      %get3A = arith.constant 0 : i32
      %get3A_614 = arith.constant 0 : i32
      %get3A_615 = tpu.memref_slice %arg6[%scan3A_598, %get3A, %get3A_614] : memref<2x800x64xf32, #tpu.memory_space<vmem>> -> memref<1x800x64xf32, #tpu.memory_space<vmem>>
      %get3A_616 = tpu.memref_squeeze %get3A_615 : memref<1x800x64xf32, #tpu.memory_space<vmem>> -> memref<800x64xf32, #tpu.memory_space<vmem>>
      %get3A_617 = arith.index_cast %add3A_613 : i32 to index
      %get3A_618 = arith.constant 0 : index
      %get3A_619 = tpu.vector_load %get3A_616[%get3A_617, %get3A_618] {strides = array<i32>} : memref<800x64xf32, #tpu.memory_space<vmem>>, vector<16xf32>,
      %mul3A_620 = arith.constant 8.000000e+00 : f32
      %mul3A_621 = vector.broadcast %mul3A_620 : f32 to vector<16xf32>
      %mul3A_622 = arith.mulf %get3A_619, %mul3A_621 : vector<16xf32>
      %add3A_623 = arith.constant 0 : i32
      %add3A_624 = arith.addi %mul3A_611, %add3A_623 : i32
      %swap3A = arith.constant 0 : i32
      %swap3A_625 = arith.constant 0 : i32
      %swap3A_626 = tpu.memref_slice %arg6[%scan3A_598, %swap3A, %swap3A_625] : memref<2x800x64xf32, #tpu.memory_space<vmem>> -> memref<1x800x64xf32, #tpu.memory_space<vmem>>
      %swap3A_627 = tpu.memref_squeeze %swap3A_626 : memref<1x800x64xf32, #tpu.memory_space<vmem>> -> memref<800x64xf32, #tpu.memory_space<vmem>>
      %swap3A_628 = arith.index_cast %add3A_624 : i32 to index
      %swap3A_629 = arith.constant 0 : index
      %swap3A_630 = tpu.vector_load %swap3A_627[%swap3A_628, %swap3A_629] {strides = array<i32>} : memref<800x64xf32, #tpu.memory_space<vmem>>, vector<16xf32>,
      tpu.vector_store %swap3A_627[%swap3A_628, %swap3A_629], %mul3A_622 {strides = array<i32>} : memref<800x64xf32, #tpu.memory_space<vmem>>, vector<16xf32>,
      %add3A_631 = arith.constant 0 : i32
      %add3A_632 = arith.addi %mul3A_611, %add3A_631 : i32
      %get3A_633 = arith.constant 0 : i32
      %get3A_634 = arith.constant 0 : i32
      %get3A_635 = tpu.memref_slice %arg6[%scan3A_598, %get3A_633, %get3A_634] : memref<2x800x64xf32, #tpu.memory_space<vmem>> -> memref<1x800x64xf32, #tpu.memory_space<vmem>>
      %get3A_636 = tpu.memref_squeeze %get3A_635 : memref<1x800x64xf32, #tpu.memory_space<vmem>> -> memref<800x64xf32, #tpu.memory_space<vmem>>
      %get3A_637 = arith.index_cast %add3A_632 : i32 to index
      %get3A_638 = arith.constant 16 : index
      %get3A_639 = tpu.vector_load %get3A_636[%get3A_637, %get3A_638] {strides = array<i32>} : memref<800x64xf32, #tpu.memory_space<vmem>>, vector<16xf32>,
      %mul3A_640 = arith.constant 8.000000e+00 : f32
      %mul3A_641 = vector.broadcast %mul3A_640 : f32 to vector<16xf32>
      %mul3A_642 = arith.mulf %get3A_639, %mul3A_641 : vector<16xf32>
      %add3A_643 = arith.constant 0 : i32
      %add3A_644 = arith.addi %mul3A_611, %add3A_643 : i32
      %swap3A_645 = arith.constant 0 : i32
      %swap3A_646 = arith.constant 0 : i32
      %swap3A_647 = tpu.memref_slice %arg6[%scan3A_598, %swap3A_645, %swap3A_646] : memref<2x800x64xf32, #tpu.memory_space<vmem>> -> memref<1x800x64xf32, #tpu.memory_space<vmem>>
      %swap3A_648 = tpu.memref_squeeze %swap3A_647 : memref<1x800x64xf32, #tpu.memory_space<vmem>> -> memref<800x64xf32, #tpu.memory_space<vmem>>
      %swap3A_649 = arith.index_cast %add3A_644 : i32 to index
      %swap3A_650 = arith.constant 16 : index
      %swap3A_651 = tpu.vector_load %swap3A_648[%swap3A_649, %swap3A_650] {strides = array<i32>} : memref<800x64xf32, #tpu.memory_space<vmem>>, vector<16xf32>,
      tpu.vector_store %swap3A_648[%swap3A_649, %swap3A_650], %mul3A_642 {strides = array<i32>} : memref<800x64xf32, #tpu.memory_space<vmem>>, vector<16xf32>,
      %add3A_652 = arith.constant 0 : i32
      %add3A_653 = arith.addi %mul3A_611, %add3A_652 : i32
      %get3A_654 = arith.constant 0 : i32
      %get3A_655 = arith.constant 0 : i32
      %get3A_656 = tpu.memref_slice %arg6[%scan3A_598, %get3A_654, %get3A_655] : memref<2x800x64xf32, #tpu.memory_space<vmem>> -> memref<1x800x64xf32, #tpu.memory_space<vmem>>
      %get3A_657 = tpu.memref_squeeze %get3A_656 : memref<1x800x64xf32, #tpu.memory_space<vmem>> -> memref<800x64xf32, #tpu.memory_space<vmem>>
      %get3A_658 = arith.index_cast %add3A_653 : i32 to index
      %get3A_659 = arith.constant 32 : index
      %get3A_660 = tpu.vector_load %get3A_657[%get3A_658, %get3A_659] {strides = array<i32>} : memref<800x64xf32, #tpu.memory_space<vmem>>, vector<16xf32>,
      %mul3A_661 = arith.constant 8.000000e+00 : f32
      %mul3A_662 = vector.broadcast %mul3A_661 : f32 to vector<16xf32>
      %mul3A_663 = arith.mulf %get3A_660, %mul3A_662 : vector<16xf32>
      %add3A_664 = arith.constant 0 : i32
      %add3A_665 = arith.addi %mul3A_611, %add3A_664 : i32
      %swap3A_666 = arith.constant 0 : i32
      %swap3A_667 = arith.constant 0 : i32
      %swap3A_668 = tpu.memref_slice %arg6[%scan3A_598, %swap3A_666, %swap3A_667] : memref<2x800x64xf32, #tpu.memory_space<vmem>> -> memref<1x800x64xf32, #tpu.memory_space<vmem>>
      %swap3A_669 = tpu.memref_squeeze %swap3A_668 : memref<1x800x64xf32, #tpu.memory_space<vmem>> -> memref<800x64xf32, #tpu.memory_space<vmem>>
      %swap3A_670 = arith.index_cast %add3A_665 : i32 to index
      %swap3A_671 = arith.constant 32 : index
      %swap3A_672 = tpu.vector_load %swap3A_669[%swap3A_670, %swap3A_671] {strides = array<i32>} : memref<800x64xf32, #tpu.memory_space<vmem>>, vector<16xf32>,
      tpu.vector_store %swap3A_669[%swap3A_670, %swap3A_671], %mul3A_663 {strides = array<i32>} : memref<800x64xf32, #tpu.memory_space<vmem>>, vector<16xf32>,
      %add3A_673 = arith.constant 0 : i32
      %add3A_674 = arith.addi %mul3A_611, %add3A_673 : i32
      %get3A_675 = arith.constant 0 : i32
      %get3A_676 = arith.constant 0 : i32
      %get3A_677 = tpu.memref_slice %arg6[%scan3A_598, %get3A_675, %get3A_676] : memref<2x800x64xf32, #tpu.memory_space<vmem>> -> memref<1x800x64xf32, #tpu.memory_space<vmem>>
      %get3A_678 = tpu.memref_squeeze %get3A_677 : memref<1x800x64xf32, #tpu.memory_space<vmem>> -> memref<800x64xf32, #tpu.memory_space<vmem>>
      %get3A_679 = arith.index_cast %add3A_674 : i32 to index
      %get3A_680 = arith.constant 48 : index
      %get3A_681 = tpu.vector_load %get3A_678[%get3A_679, %get3A_680] {strides = array<i32>} : memref<800x64xf32, #tpu.memory_space<vmem>>, vector<16xf32>,
      %mul3A_682 = arith.constant 8.000000e+00 : f32
      %mul3A_683 = vector.broadcast %mul3A_682 : f32 to vector<16xf32>
      %mul3A_684 = arith.mulf %get3A_681, %mul3A_683 : vector<16xf32>
      %add3A_685 = arith.constant 0 : i32
      %add3A_686 = arith.addi %mul3A_611, %add3A_685 : i32
      %swap3A_687 = arith.constant 0 : i32
      %swap3A_688 = arith.constant 0 : i32
      %swap3A_689 = tpu.memref_slice %arg6[%scan3A_598, %swap3A_687, %swap3A_688] : memref<2x800x64xf32, #tpu.memory_space<vmem>> -> memref<1x800x64xf32, #tpu.memory_space<vmem>>
      %swap3A_690 = tpu.memref_squeeze %swap3A_689 : memref<1x800x64xf32, #tpu.memory_space<vmem>> -> memref<800x64xf32, #tpu.memory_space<vmem>>
      %swap3A_691 = arith.index_cast %add3A_686 : i32 to index
      %swap3A_692 = arith.constant 48 : index
      %swap3A_693 = tpu.vector_load %swap3A_690[%swap3A_691, %swap3A_692] {strides = array<i32>} : memref<800x64xf32, #tpu.memory_space<vmem>>, vector<16xf32>,
      tpu.vector_store %swap3A_690[%swap3A_691, %swap3A_692], %mul3A_684 {strides = array<i32>} : memref<800x64xf32, #tpu.memory_space<vmem>>, vector<16xf32>,
      %add3A_694 = arith.constant 1 : i32
      %add3A_695 = arith.addi %mul3A_611, %add3A_694 : i32
      %get3A_696 = arith.constant 0 : i32
      %get3A_697 = arith.constant 0 : i32
      %get3A_698 = tpu.memref_slice %arg6[%scan3A_598, %get3A_696, %get3A_697] : memref<2x800x64xf32, #tpu.memory_space<vmem>> -> memref<1x800x64xf32, #tpu.memory_space<vmem>>
      %get3A_699 = tpu.memref_squeeze %get3A_698 : memref<1x800x64xf32, #tpu.memory_space<vmem>> -> memref<800x64xf32, #tpu.memory_space<vmem>>
      %get3A_700 = arith.index_cast %add3A_695 : i32 to index
      %get3A_701 = arith.constant 0 : index
      %get3A_702 = tpu.vector_load %get3A_699[%get3A_700, %get3A_701] {strides = array<i32>} : memref<800x64xf32, #tpu.memory_space<vmem>>, vector<16xf32>,
      %mul3A_703 = arith.constant 8.000000e+00 : f32
      %mul3A_704 = vector.broadcast %mul3A_703 : f32 to vector<16xf32>
      %mul3A_705 = arith.mulf %get3A_702, %mul3A_704 : vector<16xf32>
      %add3A_706 = arith.constant 1 : i32
      %add3A_707 = arith.addi %mul3A_611, %add3A_706 : i32
      %swap3A_708 = arith.constant 0 : i32
      %swap3A_709 = arith.constant 0 : i32
      %swap3A_710 = tpu.memref_slice %arg6[%scan3A_598, %swap3A_708, %swap3A_709] : memref<2x800x64xf32, #tpu.memory_space<vmem>> -> memref<1x800x64xf32, #tpu.memory_space<vmem>>
      %swap3A_711 = tpu.memref_squeeze %swap3A_710 : memref<1x800x64xf32, #tpu.memory_space<vmem>> -> memref<800x64xf32, #tpu.memory_space<vmem>>
      %swap3A_712 = arith.index_cast %add3A_707 : i32 to index
      %swap3A_713 = arith.constant 0 : index
      %swap3A_714 = tpu.vector_load %swap3A_711[%swap3A_712, %swap3A_713] {strides = array<i32>} : memref<800x64xf32, #tpu.memory_space<vmem>>, vector<16xf32>,
      tpu.vector_store %swap3A_711[%swap3A_712, %swap3A_713], %mul3A_705 {strides = array<i32>} : memref<800x64xf32, #tpu.memory_space<vmem>>, vector<16xf32>,
      %add3A_715 = arith.constant 1 : i32
      %add3A_716 = arith.addi %mul3A_611, %add3A_715 : i32
      %get3A_717 = arith.constant 0 : i32
      %get3A_718 = arith.constant 0 : i32
      %get3A_719 = tpu.memref_slice %arg6[%scan3A_598, %get3A_717, %get3A_718] : memref<2x800x64xf32, #tpu.memory_space<vmem>> -> memref<1x800x64xf32, #tpu.memory_space<vmem>>
      %get3A_720 = tpu.memref_squeeze %get3A_719 : memref<1x800x64xf32, #tpu.memory_space<vmem>> -> memref<800x64xf32, #tpu.memory_space<vmem>>
      %get3A_721 = arith.index_cast %add3A_716 : i32 to index
      %get3A_722 = arith.constant 16 : index
      %get3A_723 = tpu.vector_load %get3A_720[%get3A_721, %get3A_722] {strides = array<i32>} : memref<800x64xf32, #tpu.memory_space<vmem>>, vector<16xf32>,
      %mul3A_724 = arith.constant 8.000000e+00 : f32
      %mul3A_725 = vector.broadcast %mul3A_724 : f32 to vector<16xf32>
      %mul3A_726 = arith.mulf %get3A_723, %mul3A_725 : vector<16xf32>
      %add3A_727 = arith.constant 1 : i32
      %add3A_728 = arith.addi %mul3A_611, %add3A_727 : i32
      %swap3A_729 = arith.constant 0 : i32
      %swap3A_730 = arith.constant 0 : i32
      %swap3A_731 = tpu.memref_slice %arg6[%scan3A_598, %swap3A_729, %swap3A_730] : memref<2x800x64xf32, #tpu.memory_space<vmem>> -> memref<1x800x64xf32, #tpu.memory_space<vmem>>
      %swap3A_732 = tpu.memref_squeeze %swap3A_731 : memref<1x800x64xf32, #tpu.memory_space<vmem>> -> memref<800x64xf32, #tpu.memory_space<vmem>>
      %swap3A_733 = arith.index_cast %add3A_728 : i32 to index
      %swap3A_734 = arith.constant 16 : index
      %swap3A_735 = tpu.vector_load %swap3A_732[%swap3A_733, %swap3A_734] {strides = array<i32>} : memref<800x64xf32, #tpu.memory_space<vmem>>, vector<16xf32>,
      tpu.vector_store %swap3A_732[%swap3A_733, %swap3A_734], %mul3A_726 {strides = array<i32>} : memref<800x64xf32, #tpu.memory_space<vmem>>, vector<16xf32>,
      %add3A_736 = arith.constant 1 : i32
      %add3A_737 = arith.addi %mul3A_611, %add3A_736 : i32
      %get3A_738 = arith.constant 0 : i32
      %get3A_739 = arith.constant 0 : i32
      %get3A_740 = tpu.memref_slice %arg6[%scan3A_598, %get3A_738, %get3A_739] : memref<2x800x64xf32, #tpu.memory_space<vmem>> -> memref<1x800x64xf32, #tpu.memory_space<vmem>>
      %get3A_741 = tpu.memref_squeeze %get3A_740 : memref<1x800x64xf32, #tpu.memory_space<vmem>> -> memref<800x64xf32, #tpu.memory_space<vmem>>
      %get3A_742 = arith.index_cast %add3A_737 : i32 to index
      %get3A_743 = arith.constant 32 : index
      %get3A_744 = tpu.vector_load %get3A_741[%get3A_742, %get3A_743] {strides = array<i32>} : memref<800x64xf32, #tpu.memory_space<vmem>>, vector<16xf32>,
      %mul3A_745 = arith.constant 8.000000e+00 : f32
      %mul3A_746 = vector.broadcast %mul3A_745 : f32 to vector<16xf32>
      %mul3A_747 = arith.mulf %get3A_744, %mul3A_746 : vector<16xf32>
      %add3A_748 = arith.constant 1 : i32
      %add3A_749 = arith.addi %mul3A_611, %add3A_748 : i32
      %swap3A_750 = arith.constant 0 : i32
      %swap3A_751 = arith.constant 0 : i32
      %swap3A_752 = tpu.memref_slice %arg6[%scan3A_598, %swap3A_750, %swap3A_751] : memref<2x800x64xf32, #tpu.memory_space<vmem>> -> memref<1x800x64xf32, #tpu.memory_space<vmem>>
      %swap3A_753 = tpu.memref_squeeze %swap3A_752 : memref<1x800x64xf32, #tpu.memory_space<vmem>> -> memref<800x64xf32, #tpu.memory_space<vmem>>
      %swap3A_754 = arith.index_cast %add3A_749 : i32 to index
      %swap3A_755 = arith.constant 32 : index
      %swap3A_756 = tpu.vector_load %swap3A_753[%swap3A_754, %swap3A_755] {strides = array<i32>} : memref<800x64xf32, #tpu.memory_space<vmem>>, vector<16xf32>,
      tpu.vector_store %swap3A_753[%swap3A_754, %swap3A_755], %mul3A_747 {strides = array<i32>} : memref<800x64xf32, #tpu.memory_space<vmem>>, vector<16xf32>,
      %add3A_757 = arith.constant 1 : i32
      %add3A_758 = arith.addi %mul3A_611, %add3A_757 : i32
      %get3A_759 = arith.constant 0 : i32
      %get3A_760 = arith.constant 0 : i32
      %get3A_761 = tpu.memref_slice %arg6[%scan3A_598, %get3A_759, %get3A_760] : memref<2x800x64xf32, #tpu.memory_space<vmem>> -> memref<1x800x64xf32, #tpu.memory_space<vmem>>
      %get3A_762 = tpu.memref_squeeze %get3A_761 : memref<1x800x64xf32, #tpu.memory_space<vmem>> -> memref<800x64xf32, #tpu.memory_space<vmem>>
      %get3A_763 = arith.index_cast %add3A_758 : i32 to index
      %get3A_764 = arith.constant 48 : index
      %get3A_765 = tpu.vector_load %get3A_762[%get3A_763, %get3A_764] {strides = array<i32>} : memref<800x64xf32, #tpu.memory_space<vmem>>, vector<16xf32>,
      %mul3A_766 = arith.constant 8.000000e+00 : f32
      %mul3A_767 = vector.broadcast %mul3A_766 : f32 to vector<16xf32>
      %mul3A_768 = arith.mulf %get3A_765, %mul3A_767 : vector<16xf32>
      %add3A_769 = arith.constant 1 : i32
      %add3A_770 = arith.addi %mul3A_611, %add3A_769 : i32
      %swap3A_771 = arith.constant 0 : i32
      %swap3A_772 = arith.constant 0 : i32
      %swap3A_773 = tpu.memref_slice %arg6[%scan3A_598, %swap3A_771, %swap3A_772] : memref<2x800x64xf32, #tpu.memory_space<vmem>> -> memref<1x800x64xf32, #tpu.memory_space<vmem>>
      %swap3A_774 = tpu.memref_squeeze %swap3A_773 : memref<1x800x64xf32, #tpu.memory_space<vmem>> -> memref<800x64xf32, #tpu.memory_space<vmem>>
      %swap3A_775 = arith.index_cast %add3A_770 : i32 to index
      %swap3A_776 = arith.constant 48 : index
      %swap3A_777 = tpu.vector_load %swap3A_774[%swap3A_775, %swap3A_776] {strides = array<i32>} : memref<800x64xf32, #tpu.memory_space<vmem>>, vector<16xf32>,
      tpu.vector_store %swap3A_774[%swap3A_775, %swap3A_776], %mul3A_768 {strides = array<i32>} : memref<800x64xf32, #tpu.memory_space<vmem>>, vector<16xf32>,
      %add3A_778 = arith.constant 2 : i32
      %add3A_779 = arith.addi %mul3A_611, %add3A_778 : i32
      %get3A_780 = arith.constant 0 : i32
      %get3A_781 = arith.constant 0 : i32
      %get3A_782 = tpu.memref_slice %arg6[%scan3A_598, %get3A_780, %get3A_781] : memref<2x800x64xf32, #tpu.memory_space<vmem>> -> memref<1x800x64xf32, #tpu.memory_space<vmem>>
      %get3A_783 = tpu.memref_squeeze %get3A_782 : memref<1x800x64xf32, #tpu.memory_space<vmem>> -> memref<800x64xf32, #tpu.memory_space<vmem>>
      %get3A_784 = arith.index_cast %add3A_779 : i32 to index
      %get3A_785 = arith.constant 0 : index
      %get3A_786 = tpu.vector_load %get3A_783[%get3A_784, %get3A_785] {strides = array<i32>} : memref<800x64xf32, #tpu.memory_space<vmem>>, vector<16xf32>,
      %mul3A_787 = arith.constant 8.000000e+00 : f32
      %mul3A_788 = vector.broadcast %mul3A_787 : f32 to vector<16xf32>
      %mul3A_789 = arith.mulf %get3A_786, %mul3A_788 : vector<16xf32>
      %add3A_790 = arith.constant 2 : i32
      %add3A_791 = arith.addi %mul3A_611, %add3A_790 : i32
      %swap3A_792 = arith.constant 0 : i32
      %swap3A_793 = arith.constant 0 : i32
      %swap3A_794 = tpu.memref_slice %arg6[%scan3A_598, %swap3A_792, %swap3A_793] : memref<2x800x64xf32, #tpu.memory_space<vmem>> -> memref<1x800x64xf32, #tpu.memory_space<vmem>>
      %swap3A_795 = tpu.memref_squeeze %swap3A_794 : memref<1x800x64xf32, #tpu.memory_space<vmem>> -> memref<800x64xf32, #tpu.memory_space<vmem>>
      %swap3A_796 = arith.index_cast %add3A_791 : i32 to index
      %swap3A_797 = arith.constant 0 : index
      %swap3A_798 = tpu.vector_load %swap3A_795[%swap3A_796, %swap3A_797] {strides = array<i32>} : memref<800x64xf32, #tpu.memory_space<vmem>>, vector<16xf32>,
      tpu.vector_store %swap3A_795[%swap3A_796, %swap3A_797], %mul3A_789 {strides = array<i32>} : memref<800x64xf32, #tpu.memory_space<vmem>>, vector<16xf32>,
      %add3A_799 = arith.constant 2 : i32
      %add3A_800 = arith.addi %mul3A_611, %add3A_799 : i32
      %get3A_801 = arith.constant 0 : i32
      %get3A_802 = arith.constant 0 : i32
      %get3A_803 = tpu.memref_slice %arg6[%scan3A_598, %get3A_801, %get3A_802] : memref<2x800x64xf32, #tpu.memory_space<vmem>> -> memref<1x800x64xf32, #tpu.memory_space<vmem>>
      %get3A_804 = tpu.memref_squeeze %get3A_803 : memref<1x800x64xf32, #tpu.memory_space<vmem>> -> memref<800x64xf32, #tpu.memory_space<vmem>>
      %get3A_805 = arith.index_cast %add3A_800 : i32 to index
      %get3A_806 = arith.constant 16 : index
      %get3A_807 = tpu.vector_load %get3A_804[%get3A_805, %get3A_806] {strides = array<i32>} : memref<800x64xf32, #tpu.memory_space<vmem>>, vector<16xf32>,
      %mul3A_808 = arith.constant 8.000000e+00 : f32
      %mul3A_809 = vector.broadcast %mul3A_808 : f32 to vector<16xf32>
      %mul3A_810 = arith.mulf %get3A_807, %mul3A_809 : vector<16xf32>
      %add3A_811 = arith.constant 2 : i32
      %add3A_812 = arith.addi %mul3A_611, %add3A_811 : i32
      %swap3A_813 = arith.constant 0 : i32
      %swap3A_814 = arith.constant 0 : i32
      %swap3A_815 = tpu.memref_slice %arg6[%scan3A_598, %swap3A_813, %swap3A_814] : memref<2x800x64xf32, #tpu.memory_space<vmem>> -> memref<1x800x64xf32, #tpu.memory_space<vmem>>
      %swap3A_816 = tpu.memref_squeeze %swap3A_815 : memref<1x800x64xf32, #tpu.memory_space<vmem>> -> memref<800x64xf32, #tpu.memory_space<vmem>>
      %swap3A_817 = arith.index_cast %add3A_812 : i32 to index
      %swap3A_818 = arith.constant 16 : index
      %swap3A_819 = tpu.vector_load %swap3A_816[%swap3A_817, %swap3A_818] {strides = array<i32>} : memref<800x64xf32, #tpu.memory_space<vmem>>, vector<16xf32>,
      tpu.vector_store %swap3A_816[%swap3A_817, %swap3A_818], %mul3A_810 {strides = array<i32>} : memref<800x64xf32, #tpu.memory_space<vmem>>, vector<16xf32>,
      %add3A_820 = arith.constant 2 : i32
      %add3A_821 = arith.addi %mul3A_611, %add3A_820 : i32
      %get3A_822 = arith.constant 0 : i32
      %get3A_823 = arith.constant 0 : i32
      %get3A_824 = tpu.memref_slice %arg6[%scan3A_598, %get3A_822, %get3A_823] : memref<2x800x64xf32, #tpu.memory_space<vmem>> -> memref<1x800x64xf32, #tpu.memory_space<vmem>>
      %get3A_825 = tpu.memref_squeeze %get3A_824 : memref<1x800x64xf32, #tpu.memory_space<vmem>> -> memref<800x64xf32, #tpu.memory_space<vmem>>
      %get3A_826 = arith.index_cast %add3A_821 : i32 to index
      %get3A_827 = arith.constant 32 : index
      %get3A_828 = tpu.vector_load %get3A_825[%get3A_826, %get3A_827] {strides = array<i32>} : memref<800x64xf32, #tpu.memory_space<vmem>>, vector<16xf32>,
      %mul3A_829 = arith.constant 8.000000e+00 : f32
      %mul3A_830 = vector.broadcast %mul3A_829 : f32 to vector<16xf32>
      %mul3A_831 = arith.mulf %get3A_828, %mul3A_830 : vector<16xf32>
      %add3A_832 = arith.constant 2 : i32
      %add3A_833 = arith.addi %mul3A_611, %add3A_832 : i32
      %swap3A_834 = arith.constant 0 : i32
      %swap3A_835 = arith.constant 0 : i32
      %swap3A_836 = tpu.memref_slice %arg6[%scan3A_598, %swap3A_834, %swap3A_835] : memref<2x800x64xf32, #tpu.memory_space<vmem>> -> memref<1x800x64xf32, #tpu.memory_space<vmem>>
      %swap3A_837 = tpu.memref_squeeze %swap3A_836 : memref<1x800x64xf32, #tpu.memory_space<vmem>> -> memref<800x64xf32, #tpu.memory_space<vmem>>
      %swap3A_838 = arith.index_cast %add3A_833 : i32 to index
      %swap3A_839 = arith.constant 32 : index
      %swap3A_840 = tpu.vector_load %swap3A_837[%swap3A_838, %swap3A_839] {strides = array<i32>} : memref<800x64xf32, #tpu.memory_space<vmem>>, vector<16xf32>,
      tpu.vector_store %swap3A_837[%swap3A_838, %swap3A_839], %mul3A_831 {strides = array<i32>} : memref<800x64xf32, #tpu.memory_space<vmem>>, vector<16xf32>,
      %add3A_841 = arith.constant 2 : i32
      %add3A_842 = arith.addi %mul3A_611, %add3A_841 : i32
      %get3A_843 = arith.constant 0 : i32
      %get3A_844 = arith.constant 0 : i32
      %get3A_845 = tpu.memref_slice %arg6[%scan3A_598, %get3A_843, %get3A_844] : memref<2x800x64xf32, #tpu.memory_space<vmem>> -> memref<1x800x64xf32, #tpu.memory_space<vmem>>
      %get3A_846 = tpu.memref_squeeze %get3A_845 : memref<1x800x64xf32, #tpu.memory_space<vmem>> -> memref<800x64xf32, #tpu.memory_space<vmem>>
      %get3A_847 = arith.index_cast %add3A_842 : i32 to index
      %get3A_848 = arith.constant 48 : index
      %get3A_849 = tpu.vector_load %get3A_846[%get3A_847, %get3A_848] {strides = array<i32>} : memref<800x64xf32, #tpu.memory_space<vmem>>, vector<16xf32>,
      %mul3A_850 = arith.constant 8.000000e+00 : f32
      %mul3A_851 = vector.broadcast %mul3A_850 : f32 to vector<16xf32>
      %mul3A_852 = arith.mulf %get3A_849, %mul3A_851 : vector<16xf32>
      %add3A_853 = arith.constant 2 : i32
      %add3A_854 = arith.addi %mul3A_611, %add3A_853 : i32
      %swap3A_855 = arith.constant 0 : i32
      %swap3A_856 = arith.constant 0 : i32
      %swap3A_857 = tpu.memref_slice %arg6[%scan3A_598, %swap3A_855, %swap3A_856] : memref<2x800x64xf32, #tpu.memory_space<vmem>> -> memref<1x800x64xf32, #tpu.memory_space<vmem>>
      %swap3A_858 = tpu.memref_squeeze %swap3A_857 : memref<1x800x64xf32, #tpu.memory_space<vmem>> -> memref<800x64xf32, #tpu.memory_space<vmem>>
      %swap3A_859 = arith.index_cast %add3A_854 : i32 to index
      %swap3A_860 = arith.constant 48 : index
      %swap3A_861 = tpu.vector_load %swap3A_858[%swap3A_859, %swap3A_860] {strides = array<i32>} : memref<800x64xf32, #tpu.memory_space<vmem>>, vector<16xf32>,
      tpu.vector_store %swap3A_858[%swap3A_859, %swap3A_860], %mul3A_852 {strides = array<i32>} : memref<800x64xf32, #tpu.memory_space<vmem>>, vector<16xf32>,
      %add3A_862 = arith.constant 3 : i32
      %add3A_863 = arith.addi %mul3A_611, %add3A_862 : i32
      %get3A_864 = arith.constant 0 : i32
      %get3A_865 = arith.constant 0 : i32
      %get3A_866 = tpu.memref_slice %arg6[%scan3A_598, %get3A_864, %get3A_865] : memref<2x800x64xf32, #tpu.memory_space<vmem>> -> memref<1x800x64xf32, #tpu.memory_space<vmem>>
      %get3A_867 = tpu.memref_squeeze %get3A_866 : memref<1x800x64xf32, #tpu.memory_space<vmem>> -> memref<800x64xf32, #tpu.memory_space<vmem>>
      %get3A_868 = arith.index_cast %add3A_863 : i32 to index
      %get3A_869 = arith.constant 0 : index
      %get3A_870 = tpu.vector_load %get3A_867[%get3A_868, %get3A_869] {strides = array<i32>} : memref<800x64xf32, #tpu.memory_space<vmem>>, vector<16xf32>,
      %mul3A_871 = arith.constant 8.000000e+00 : f32
      %mul3A_872 = vector.broadcast %mul3A_871 : f32 to vector<16xf32>
      %mul3A_873 = arith.mulf %get3A_870, %mul3A_872 : vector<16xf32>
      %add3A_874 = arith.constant 3 : i32
      %add3A_875 = arith.addi %mul3A_611, %add3A_874 : i32
      %swap3A_876 = arith.constant 0 : i32
      %swap3A_877 = arith.constant 0 : i32
      %swap3A_878 = tpu.memref_slice %arg6[%scan3A_598, %swap3A_876, %swap3A_877] : memref<2x800x64xf32, #tpu.memory_space<vmem>> -> memref<1x800x64xf32, #tpu.memory_space<vmem>>
      %swap3A_879 = tpu.memref_squeeze %swap3A_878 : memref<1x800x64xf32, #tpu.memory_space<vmem>> -> memref<800x64xf32, #tpu.memory_space<vmem>>
      %swap3A_880 = arith.index_cast %add3A_875 : i32 to index
      %swap3A_881 = arith.constant 0 : index
      %swap3A_882 = tpu.vector_load %swap3A_879[%swap3A_880, %swap3A_881] {strides = array<i32>} : memref<800x64xf32, #tpu.memory_space<vmem>>, vector<16xf32>,
      tpu.vector_store %swap3A_879[%swap3A_880, %swap3A_881], %mul3A_873 {strides = array<i32>} : memref<800x64xf32, #tpu.memory_space<vmem>>, vector<16xf32>,
      %add3A_883 = arith.constant 3 : i32
      %add3A_884 = arith.addi %mul3A_611, %add3A_883 : i32
      %get3A_885 = arith.constant 0 : i32
      %get3A_886 = arith.constant 0 : i32
      %get3A_887 = tpu.memref_slice %arg6[%scan3A_598, %get3A_885, %get3A_886] : memref<2x800x64xf32, #tpu.memory_space<vmem>> -> memref<1x800x64xf32, #tpu.memory_space<vmem>>
      %get3A_888 = tpu.memref_squeeze %get3A_887 : memref<1x800x64xf32, #tpu.memory_space<vmem>> -> memref<800x64xf32, #tpu.memory_space<vmem>>
      %get3A_889 = arith.index_cast %add3A_884 : i32 to index
      %get3A_890 = arith.constant 16 : index
      %get3A_891 = tpu.vector_load %get3A_888[%get3A_889, %get3A_890] {strides = array<i32>} : memref<800x64xf32, #tpu.memory_space<vmem>>, vector<16xf32>,
      %mul3A_892 = arith.constant 8.000000e+00 : f32
      %mul3A_893 = vector.broadcast %mul3A_892 : f32 to vector<16xf32>
      %mul3A_894 = arith.mulf %get3A_891, %mul3A_893 : vector<16xf32>
      %add3A_895 = arith.constant 3 : i32
      %add3A_896 = arith.addi %mul3A_611, %add3A_895 : i32
      %swap3A_897 = arith.constant 0 : i32
      %swap3A_898 = arith.constant 0 : i32
      %swap3A_899 = tpu.memref_slice %arg6[%scan3A_598, %swap3A_897, %swap3A_898] : memref<2x800x64xf32, #tpu.memory_space<vmem>> -> memref<1x800x64xf32, #tpu.memory_space<vmem>>
      %swap3A_900 = tpu.memref_squeeze %swap3A_899 : memref<1x800x64xf32, #tpu.memory_space<vmem>> -> memref<800x64xf32, #tpu.memory_space<vmem>>
      %swap3A_901 = arith.index_cast %add3A_896 : i32 to index
      %swap3A_902 = arith.constant 16 : index
      %swap3A_903 = tpu.vector_load %swap3A_900[%swap3A_901, %swap3A_902] {strides = array<i32>} : memref<800x64xf32, #tpu.memory_space<vmem>>, vector<16xf32>,
      tpu.vector_store %swap3A_900[%swap3A_901, %swap3A_902], %mul3A_894 {strides = array<i32>} : memref<800x64xf32, #tpu.memory_space<vmem>>, vector<16xf32>,
      %add3A_904 = arith.constant 3 : i32
      %add3A_905 = arith.addi %mul3A_611, %add3A_904 : i32
      %get3A_906 = arith.constant 0 : i32
      %get3A_907 = arith.constant 0 : i32
      %get3A_908 = tpu.memref_slice %arg6[%scan3A_598, %get3A_906, %get3A_907] : memref<2x800x64xf32, #tpu.memory_space<vmem>> -> memref<1x800x64xf32, #tpu.memory_space<vmem>>
      %get3A_909 = tpu.memref_squeeze %get3A_908 : memref<1x800x64xf32, #tpu.memory_space<vmem>> -> memref<800x64xf32, #tpu.memory_space<vmem>>
      %get3A_910 = arith.index_cast %add3A_905 : i32 to index
      %get3A_911 = arith.constant 32 : index
      %get3A_912 = tpu.vector_load %get3A_909[%get3A_910, %get3A_911] {strides = array<i32>} : memref<800x64xf32, #tpu.memory_space<vmem>>, vector<16xf32>,
      %mul3A_913 = arith.constant 8.000000e+00 : f32
      %mul3A_914 = vector.broadcast %mul3A_913 : f32 to vector<16xf32>
      %mul3A_915 = arith.mulf %get3A_912, %mul3A_914 : vector<16xf32>
      %add3A_916 = arith.constant 3 : i32
      %add3A_917 = arith.addi %mul3A_611, %add3A_916 : i32
      %swap3A_918 = arith.constant 0 : i32
      %swap3A_919 = arith.constant 0 : i32
      %swap3A_920 = tpu.memref_slice %arg6[%scan3A_598, %swap3A_918, %swap3A_919] : memref<2x800x64xf32, #tpu.memory_space<vmem>> -> memref<1x800x64xf32, #tpu.memory_space<vmem>>
      %swap3A_921 = tpu.memref_squeeze %swap3A_920 : memref<1x800x64xf32, #tpu.memory_space<vmem>> -> memref<800x64xf32, #tpu.memory_space<vmem>>
      %swap3A_922 = arith.index_cast %add3A_917 : i32 to index
      %swap3A_923 = arith.constant 32 : index
      %swap3A_924 = tpu.vector_load %swap3A_921[%swap3A_922, %swap3A_923] {strides = array<i32>} : memref<800x64xf32, #tpu.memory_space<vmem>>, vector<16xf32>,
      tpu.vector_store %swap3A_921[%swap3A_922, %swap3A_923], %mul3A_915 {strides = array<i32>} : memref<800x64xf32, #tpu.memory_space<vmem>>, vector<16xf32>,
      %add3A_925 = arith.constant 3 : i32
      %add3A_926 = arith.addi %mul3A_611, %add3A_925 : i32
      %get3A_927 = arith.constant 0 : i32
      %get3A_928 = arith.constant 0 : i32
      %get3A_929 = tpu.memref_slice %arg6[%scan3A_598, %get3A_927, %get3A_928] : memref<2x800x64xf32, #tpu.memory_space<vmem>> -> memref<1x800x64xf32, #tpu.memory_space<vmem>>
      %get3A_930 = tpu.memref_squeeze %get3A_929 : memref<1x800x64xf32, #tpu.memory_space<vmem>> -> memref<800x64xf32, #tpu.memory_space<vmem>>
      %get3A_931 = arith.index_cast %add3A_926 : i32 to index
      %get3A_932 = arith.constant 48 : index
      %get3A_933 = tpu.vector_load %get3A_930[%get3A_931, %get3A_932] {strides = array<i32>} : memref<800x64xf32, #tpu.memory_space<vmem>>, vector<16xf32>,
      %mul3A_934 = arith.constant 8.000000e+00 : f32
      %mul3A_935 = vector.broadcast %mul3A_934 : f32 to vector<16xf32>
      %mul3A_936 = arith.mulf %get3A_933, %mul3A_935 : vector<16xf32>
      %add3A_937 = arith.constant 3 : i32
      %add3A_938 = arith.addi %mul3A_611, %add3A_937 : i32
      %swap3A_939 = arith.constant 0 : i32
      %swap3A_940 = arith.constant 0 : i32
      %swap3A_941 = tpu.memref_slice %arg6[%scan3A_598, %swap3A_939, %swap3A_940] : memref<2x800x64xf32, #tpu.memory_space<vmem>> -> memref<1x800x64xf32, #tpu.memory_space<vmem>>
      %swap3A_942 = tpu.memref_squeeze %swap3A_941 : memref<1x800x64xf32, #tpu.memory_space<vmem>> -> memref<800x64xf32, #tpu.memory_space<vmem>>
      %swap3A_943 = arith.index_cast %add3A_938 : i32 to index
      %swap3A_944 = arith.constant 48 : index
      %swap3A_945 = tpu.vector_load %swap3A_942[%swap3A_943, %swap3A_944] {strides = array<i32>} : memref<800x64xf32, #tpu.memory_space<vmem>>, vector<16xf32>,
      tpu.vector_store %swap3A_942[%swap3A_943, %swap3A_944], %mul3A_936 {strides = array<i32>} : memref<800x64xf32, #tpu.memory_space<vmem>>, vector<16xf32>,
      %add3A_946 = arith.constant 4 : i32
      %add3A_947 = arith.addi %mul3A_611, %add3A_946 : i32
      %get3A_948 = arith.constant 0 : i32
      %get3A_949 = arith.constant 0 : i32
      %get3A_950 = tpu.memref_slice %arg6[%scan3A_598, %get3A_948, %get3A_949] : memref<2x800x64xf32, #tpu.memory_space<vmem>> -> memref<1x800x64xf32, #tpu.memory_space<vmem>>
      %get3A_951 = tpu.memref_squeeze %get3A_950 : memref<1x800x64xf32, #tpu.memory_space<vmem>> -> memref<800x64xf32, #tpu.memory_space<vmem>>
      %get3A_952 = arith.index_cast %add3A_947 : i32 to index
      %get3A_953 = arith.constant 0 : index
      %get3A_954 = tpu.vector_load %get3A_951[%get3A_952, %get3A_953] {strides = array<i32>} : memref<800x64xf32, #tpu.memory_space<vmem>>, vector<16xf32>,
      %mul3A_955 = arith.constant 8.000000e+00 : f32
      %mul3A_956 = vector.broadcast %mul3A_955 : f32 to vector<16xf32>
      %mul3A_957 = arith.mulf %get3A_954, %mul3A_956 : vector<16xf32>
      %add3A_958 = arith.constant 4 : i32
      %add3A_959 = arith.addi %mul3A_611, %add3A_958 : i32
      %swap3A_960 = arith.constant 0 : i32
      %swap3A_961 = arith.constant 0 : i32
      %swap3A_962 = tpu.memref_slice %arg6[%scan3A_598, %swap3A_960, %swap3A_961] : memref<2x800x64xf32, #tpu.memory_space<vmem>> -> memref<1x800x64xf32, #tpu.memory_space<vmem>>
      %swap3A_963 = tpu.memref_squeeze %swap3A_962 : memref<1x800x64xf32, #tpu.memory_space<vmem>> -> memref<800x64xf32, #tpu.memory_space<vmem>>
      %swap3A_964 = arith.index_cast %add3A_959 : i32 to index
      %swap3A_965 = arith.constant 0 : index
      %swap3A_966 = tpu.vector_load %swap3A_963[%swap3A_964, %swap3A_965] {strides = array<i32>} : memref<800x64xf32, #tpu.memory_space<vmem>>, vector<16xf32>,
      tpu.vector_store %swap3A_963[%swap3A_964, %swap3A_965], %mul3A_957 {strides = array<i32>} : memref<800x64xf32, #tpu.memory_space<vmem>>, vector<16xf32>,
      %add3A_967 = arith.constant 4 : i32
      %add3A_968 = arith.addi %mul3A_611, %add3A_967 : i32
      %get3A_969 = arith.constant 0 : i32
      %get3A_970 = arith.constant 0 : i32
      %get3A_971 = tpu.memref_slice %arg6[%scan3A_598, %get3A_969, %get3A_970] : memref<2x800x64xf32, #tpu.memory_space<vmem>> -> memref<1x800x64xf32, #tpu.memory_space<vmem>>
      %get3A_972 = tpu.memref_squeeze %get3A_971 : memref<1x800x64xf32, #tpu.memory_space<vmem>> -> memref<800x64xf32, #tpu.memory_space<vmem>>
      %get3A_973 = arith.index_cast %add3A_968 : i32 to index
      %get3A_974 = arith.constant 16 : index
      %get3A_975 = tpu.vector_load %get3A_972[%get3A_973, %get3A_974] {strides = array<i32>} : memref<800x64xf32, #tpu.memory_space<vmem>>, vector<16xf32>,
      %mul3A_976 = arith.constant 8.000000e+00 : f32
      %mul3A_977 = vector.broadcast %mul3A_976 : f32 to vector<16xf32>
      %mul3A_978 = arith.mulf %get3A_975, %mul3A_977 : vector<16xf32>
      %add3A_979 = arith.constant 4 : i32
      %add3A_980 = arith.addi %mul3A_611, %add3A_979 : i32
      %swap3A_981 = arith.constant 0 : i32
      %swap3A_982 = arith.constant 0 : i32
      %swap3A_983 = tpu.memref_slice %arg6[%scan3A_598, %swap3A_981, %swap3A_982] : memref<2x800x64xf32, #tpu.memory_space<vmem>> -> memref<1x800x64xf32, #tpu.memory_space<vmem>>
      %swap3A_984 = tpu.memref_squeeze %swap3A_983 : memref<1x800x64xf32, #tpu.memory_space<vmem>> -> memref<800x64xf32, #tpu.memory_space<vmem>>
      %swap3A_985 = arith.index_cast %add3A_980 : i32 to index
      %swap3A_986 = arith.constant 16 : index
      %swap3A_987 = tpu.vector_load %swap3A_984[%swap3A_985, %swap3A_986] {strides = array<i32>} : memref<800x64xf32, #tpu.memory_space<vmem>>, vector<16xf32>,
      tpu.vector_store %swap3A_984[%swap3A_985, %swap3A_986], %mul3A_978 {strides = array<i32>} : memref<800x64xf32, #tpu.memory_space<vmem>>, vector<16xf32>,
      %add3A_988 = arith.constant 4 : i32
      %add3A_989 = arith.addi %mul3A_611, %add3A_988 : i32
      %get3A_990 = arith.constant 0 : i32
      %get3A_991 = arith.constant 0 : i32
      %get3A_992 = tpu.memref_slice %arg6[%scan3A_598, %get3A_990, %get3A_991] : memref<2x800x64xf32, #tpu.memory_space<vmem>> -> memref<1x800x64xf32, #tpu.memory_space<vmem>>
      %get3A_993 = tpu.memref_squeeze %get3A_992 : memref<1x800x64xf32, #tpu.memory_space<vmem>> -> memref<800x64xf32, #tpu.memory_space<vmem>>
      %get3A_994 = arith.index_cast %add3A_989 : i32 to index
      %get3A_995 = arith.constant 32 : index
      %get3A_996 = tpu.vector_load %get3A_993[%get3A_994, %get3A_995] {strides = array<i32>} : memref<800x64xf32, #tpu.memory_space<vmem>>, vector<16xf32>,
      %mul3A_997 = arith.constant 8.000000e+00 : f32
      %mul3A_998 = vector.broadcast %mul3A_997 : f32 to vector<16xf32>
      %mul3A_999 = arith.mulf %get3A_996, %mul3A_998 : vector<16xf32>
      %add3A_1000 = arith.constant 4 : i32
      %add3A_1001 = arith.addi %mul3A_611, %add3A_1000 : i32
      %swap3A_1002 = arith.constant 0 : i32
      %swap3A_1003 = arith.constant 0 : i32
      %swap3A_1004 = tpu.memref_slice %arg6[%scan3A_598, %swap3A_1002, %swap3A_1003] : memref<2x800x64xf32, #tpu.memory_space<vmem>> -> memref<1x800x64xf32, #tpu.memory_space<vmem>>
      %swap3A_1005 = tpu.memref_squeeze %swap3A_1004 : memref<1x800x64xf32, #tpu.memory_space<vmem>> -> memref<800x64xf32, #tpu.memory_space<vmem>>
      %swap3A_1006 = arith.index_cast %add3A_1001 : i32 to index
      %swap3A_1007 = arith.constant 32 : index
      %swap3A_1008 = tpu.vector_load %swap3A_1005[%swap3A_1006, %swap3A_1007] {strides = array<i32>} : memref<800x64xf32, #tpu.memory_space<vmem>>, vector<16xf32>,
      tpu.vector_store %swap3A_1005[%swap3A_1006, %swap3A_1007], %mul3A_999 {strides = array<i32>} : memref<800x64xf32, #tpu.memory_space<vmem>>, vector<16xf32>,
      %add3A_1009 = arith.constant 4 : i32
      %add3A_1010 = arith.addi %mul3A_611, %add3A_1009 : i32
      %get3A_1011 = arith.constant 0 : i32
      %get3A_1012 = arith.constant 0 : i32
      %get3A_1013 = tpu.memref_slice %arg6[%scan3A_598, %get3A_1011, %get3A_1012] : memref<2x800x64xf32, #tpu.memory_space<vmem>> -> memref<1x800x64xf32, #tpu.memory_space<vmem>>
      %get3A_1014 = tpu.memref_squeeze %get3A_1013 : memref<1x800x64xf32, #tpu.memory_space<vmem>> -> memref<800x64xf32, #tpu.memory_space<vmem>>
      %get3A_1015 = arith.index_cast %add3A_1010 : i32 to index
      %get3A_1016 = arith.constant 48 : index
      %get3A_1017 = tpu.vector_load %get3A_1014[%get3A_1015, %get3A_1016] {strides = array<i32>} : memref<800x64xf32, #tpu.memory_space<vmem>>, vector<16xf32>,
      %mul3A_1018 = arith.constant 8.000000e+00 : f32
      %mul3A_1019 = vector.broadcast %mul3A_1018 : f32 to vector<16xf32>
      %mul3A_1020 = arith.mulf %get3A_1017, %mul3A_1019 : vector<16xf32>
      %add3A_1021 = arith.constant 4 : i32
      %add3A_1022 = arith.addi %mul3A_611, %add3A_1021 : i32
      %swap3A_1023 = arith.constant 0 : i32
      %swap3A_1024 = arith.constant 0 : i32
      %swap3A_1025 = tpu.memref_slice %arg6[%scan3A_598, %swap3A_1023, %swap3A_1024] : memref<2x800x64xf32, #tpu.memory_space<vmem>> -> memref<1x800x64xf32, #tpu.memory_space<vmem>>
      %swap3A_1026 = tpu.memref_squeeze %swap3A_1025 : memref<1x800x64xf32, #tpu.memory_space<vmem>> -> memref<800x64xf32, #tpu.memory_space<vmem>>
      %swap3A_1027 = arith.index_cast %add3A_1022 : i32 to index
      %swap3A_1028 = arith.constant 48 : index
      %swap3A_1029 = tpu.vector_load %swap3A_1026[%swap3A_1027, %swap3A_1028] {strides = array<i32>} : memref<800x64xf32, #tpu.memory_space<vmem>>, vector<16xf32>,
      tpu.vector_store %swap3A_1026[%swap3A_1027, %swap3A_1028], %mul3A_1020 {strides = array<i32>} : memref<800x64xf32, #tpu.memory_space<vmem>>, vector<16xf32>,
      %add3A_1030 = arith.constant 5 : i32
      %add3A_1031 = arith.addi %mul3A_611, %add3A_1030 : i32
      %get3A_1032 = arith.constant 0 : i32
      %get3A_1033 = arith.constant 0 : i32
      %get3A_1034 = tpu.memref_slice %arg6[%scan3A_598, %get3A_1032, %get3A_1033] : memref<2x800x64xf32, #tpu.memory_space<vmem>> -> memref<1x800x64xf32, #tpu.memory_space<vmem>>
      %get3A_1035 = tpu.memref_squeeze %get3A_1034 : memref<1x800x64xf32, #tpu.memory_space<vmem>> -> memref<800x64xf32, #tpu.memory_space<vmem>>
      %get3A_1036 = arith.index_cast %add3A_1031 : i32 to index
      %get3A_1037 = arith.constant 0 : index
      %get3A_1038 = tpu.vector_load %get3A_1035[%get3A_1036, %get3A_1037] {strides = array<i32>} : memref<800x64xf32, #tpu.memory_space<vmem>>, vector<16xf32>,
      %mul3A_1039 = arith.constant 8.000000e+00 : f32
      %mul3A_1040 = vector.broadcast %mul3A_1039 : f32 to vector<16xf32>
      %mul3A_1041 = arith.mulf %get3A_1038, %mul3A_1040 : vector<16xf32>
      %add3A_1042 = arith.constant 5 : i32
      %add3A_1043 = arith.addi %mul3A_611, %add3A_1042 : i32
      %swap3A_1044 = arith.constant 0 : i32
      %swap3A_1045 = arith.constant 0 : i32
      %swap3A_1046 = tpu.memref_slice %arg6[%scan3A_598, %swap3A_1044, %swap3A_1045] : memref<2x800x64xf32, #tpu.memory_space<vmem>> -> memref<1x800x64xf32, #tpu.memory_space<vmem>>
      %swap3A_1047 = tpu.memref_squeeze %swap3A_1046 : memref<1x800x64xf32, #tpu.memory_space<vmem>> -> memref<800x64xf32, #tpu.memory_space<vmem>>
      %swap3A_1048 = arith.index_cast %add3A_1043 : i32 to index
      %swap3A_1049 = arith.constant 0 : index
      %swap3A_1050 = tpu.vector_load %swap3A_1047[%swap3A_1048, %swap3A_1049] {strides = array<i32>} : memref<800x64xf32, #tpu.memory_space<vmem>>, vector<16xf32>,
      tpu.vector_store %swap3A_1047[%swap3A_1048, %swap3A_1049], %mul3A_1041 {strides = array<i32>} : memref<800x64xf32, #tpu.memory_space<vmem>>, vector<16xf32>,
      %add3A_1051 = arith.constant 5 : i32
      %add3A_1052 = arith.addi %mul3A_611, %add3A_1051 : i32
      %get3A_1053 = arith.constant 0 : i32
      %get3A_1054 = arith.constant 0 : i32
      %get3A_1055 = tpu.memref_slice %arg6[%scan3A_598, %get3A_1053, %get3A_1054] : memref<2x800x64xf32, #tpu.memory_space<vmem>> -> memref<1x800x64xf32, #tpu.memory_space<vmem>>
      %get3A_1056 = tpu.memref_squeeze %get3A_1055 : memref<1x800x64xf32, #tpu.memory_space<vmem>> -> memref<800x64xf32, #tpu.memory_space<vmem>>
      %get3A_1057 = arith.index_cast %add3A_1052 : i32 to index
      %get3A_1058 = arith.constant 16 : index
      %get3A_1059 = tpu.vector_load %get3A_1056[%get3A_1057, %get3A_1058] {strides = array<i32>} : memref<800x64xf32, #tpu.memory_space<vmem>>, vector<16xf32>,
      %mul3A_1060 = arith.constant 8.000000e+00 : f32
      %mul3A_1061 = vector.broadcast %mul3A_1060 : f32 to vector<16xf32>
      %mul3A_1062 = arith.mulf %get3A_1059, %mul3A_1061 : vector<16xf32>
      %add3A_1063 = arith.constant 5 : i32
      %add3A_1064 = arith.addi %mul3A_611, %add3A_1063 : i32
      %swap3A_1065 = arith.constant 0 : i32
      %swap3A_1066 = arith.constant 0 : i32
      %swap3A_1067 = tpu.memref_slice %arg6[%scan3A_598, %swap3A_1065, %swap3A_1066] : memref<2x800x64xf32, #tpu.memory_space<vmem>> -> memref<1x800x64xf32, #tpu.memory_space<vmem>>
      %swap3A_1068 = tpu.memref_squeeze %swap3A_1067 : memref<1x800x64xf32, #tpu.memory_space<vmem>> -> memref<800x64xf32, #tpu.memory_space<vmem>>
      %swap3A_1069 = arith.index_cast %add3A_1064 : i32 to index
      %swap3A_1070 = arith.constant 16 : index
      %swap3A_1071 = tpu.vector_load %swap3A_1068[%swap3A_1069, %swap3A_1070] {strides = array<i32>} : memref<800x64xf32, #tpu.memory_space<vmem>>, vector<16xf32>,
      tpu.vector_store %swap3A_1068[%swap3A_1069, %swap3A_1070], %mul3A_1062 {strides = array<i32>} : memref<800x64xf32, #tpu.memory_space<vmem>>, vector<16xf32>,
      %add3A_1072 = arith.constant 5 : i32
      %add3A_1073 = arith.addi %mul3A_611, %add3A_1072 : i32
      %get3A_1074 = arith.constant 0 : i32
      %get3A_1075 = arith.constant 0 : i32
      %get3A_1076 = tpu.memref_slice %arg6[%scan3A_598, %get3A_1074, %get3A_1075] : memref<2x800x64xf32, #tpu.memory_space<vmem>> -> memref<1x800x64xf32, #tpu.memory_space<vmem>>
      %get3A_1077 = tpu.memref_squeeze %get3A_1076 : memref<1x800x64xf32, #tpu.memory_space<vmem>> -> memref<800x64xf32, #tpu.memory_space<vmem>>
      %get3A_1078 = arith.index_cast %add3A_1073 : i32 to index
      %get3A_1079 = arith.constant 32 : index
      %get3A_1080 = tpu.vector_load %get3A_1077[%get3A_1078, %get3A_1079] {strides = array<i32>} : memref<800x64xf32, #tpu.memory_space<vmem>>, vector<16xf32>,
      %mul3A_1081 = arith.constant 8.000000e+00 : f32
      %mul3A_1082 = vector.broadcast %mul3A_1081 : f32 to vector<16xf32>
      %mul3A_1083 = arith.mulf %get3A_1080, %mul3A_1082 : vector<16xf32>
      %add3A_1084 = arith.constant 5 : i32
      %add3A_1085 = arith.addi %mul3A_611, %add3A_1084 : i32
      %swap3A_1086 = arith.constant 0 : i32
      %swap3A_1087 = arith.constant 0 : i32
      %swap3A_1088 = tpu.memref_slice %arg6[%scan3A_598, %swap3A_1086, %swap3A_1087] : memref<2x800x64xf32, #tpu.memory_space<vmem>> -> memref<1x800x64xf32, #tpu.memory_space<vmem>>
      %swap3A_1089 = tpu.memref_squeeze %swap3A_1088 : memref<1x800x64xf32, #tpu.memory_space<vmem>> -> memref<800x64xf32, #tpu.memory_space<vmem>>
      %swap3A_1090 = arith.index_cast %add3A_1085 : i32 to index
      %swap3A_1091 = arith.constant 32 : index
      %swap3A_1092 = tpu.vector_load %swap3A_1089[%swap3A_1090, %swap3A_1091] {strides = array<i32>} : memref<800x64xf32, #tpu.memory_space<vmem>>, vector<16xf32>,
      tpu.vector_store %swap3A_1089[%swap3A_1090, %swap3A_1091], %mul3A_1083 {strides = array<i32>} : memref<800x64xf32, #tpu.memory_space<vmem>>, vector<16xf32>,
      %add3A_1093 = arith.constant 5 : i32
      %add3A_1094 = arith.addi %mul3A_611, %add3A_1093 : i32
      %get3A_1095 = arith.constant 0 : i32
      %get3A_1096 = arith.constant 0 : i32
      %get3A_1097 = tpu.memref_slice %arg6[%scan3A_598, %get3A_1095, %get3A_1096] : memref<2x800x64xf32, #tpu.memory_space<vmem>> -> memref<1x800x64xf32, #tpu.memory_space<vmem>>
      %get3A_1098 = tpu.memref_squeeze %get3A_1097 : memref<1x800x64xf32, #tpu.memory_space<vmem>> -> memref<800x64xf32, #tpu.memory_space<vmem>>
      %get3A_1099 = arith.index_cast %add3A_1094 : i32 to index
      %get3A_1100 = arith.constant 48 : index
      %get3A_1101 = tpu.vector_load %get3A_1098[%get3A_1099, %get3A_1100] {strides = array<i32>} : memref<800x64xf32, #tpu.memory_space<vmem>>, vector<16xf32>,
      %mul3A_1102 = arith.constant 8.000000e+00 : f32
      %mul3A_1103 = vector.broadcast %mul3A_1102 : f32 to vector<16xf32>
      %mul3A_1104 = arith.mulf %get3A_1101, %mul3A_1103 : vector<16xf32>
      %add3A_1105 = arith.constant 5 : i32
      %add3A_1106 = arith.addi %mul3A_611, %add3A_1105 : i32
      %swap3A_1107 = arith.constant 0 : i32
      %swap3A_1108 = arith.constant 0 : i32
      %swap3A_1109 = tpu.memref_slice %arg6[%scan3A_598, %swap3A_1107, %swap3A_1108] : memref<2x800x64xf32, #tpu.memory_space<vmem>> -> memref<1x800x64xf32, #tpu.memory_space<vmem>>
      %swap3A_1110 = tpu.memref_squeeze %swap3A_1109 : memref<1x800x64xf32, #tpu.memory_space<vmem>> -> memref<800x64xf32, #tpu.memory_space<vmem>>
      %swap3A_1111 = arith.index_cast %add3A_1106 : i32 to index
      %swap3A_1112 = arith.constant 48 : index
      %swap3A_1113 = tpu.vector_load %swap3A_1110[%swap3A_1111, %swap3A_1112] {strides = array<i32>} : memref<800x64xf32, #tpu.memory_space<vmem>>, vector<16xf32>,
      tpu.vector_store %swap3A_1110[%swap3A_1111, %swap3A_1112], %mul3A_1104 {strides = array<i32>} : memref<800x64xf32, #tpu.memory_space<vmem>>, vector<16xf32>,
      %add3A_1114 = arith.constant 6 : i32
      %add3A_1115 = arith.addi %mul3A_611, %add3A_1114 : i32
      %get3A_1116 = arith.constant 0 : i32
      %get3A_1117 = arith.constant 0 : i32
      %get3A_1118 = tpu.memref_slice %arg6[%scan3A_598, %get3A_1116, %get3A_1117] : memref<2x800x64xf32, #tpu.memory_space<vmem>> -> memref<1x800x64xf32, #tpu.memory_space<vmem>>
      %get3A_1119 = tpu.memref_squeeze %get3A_1118 : memref<1x800x64xf32, #tpu.memory_space<vmem>> -> memref<800x64xf32, #tpu.memory_space<vmem>>
      %get3A_1120 = arith.index_cast %add3A_1115 : i32 to index
      %get3A_1121 = arith.constant 0 : index
      %get3A_1122 = tpu.vector_load %get3A_1119[%get3A_1120, %get3A_1121] {strides = array<i32>} : memref<800x64xf32, #tpu.memory_space<vmem>>, vector<16xf32>,
      %mul3A_1123 = arith.constant 8.000000e+00 : f32
      %mul3A_1124 = vector.broadcast %mul3A_1123 : f32 to vector<16xf32>
      %mul3A_1125 = arith.mulf %get3A_1122, %mul3A_1124 : vector<16xf32>
      %add3A_1126 = arith.constant 6 : i32
      %add3A_1127 = arith.addi %mul3A_611, %add3A_1126 : i32
      %swap3A_1128 = arith.constant 0 : i32
      %swap3A_1129 = arith.constant 0 : i32
      %swap3A_1130 = tpu.memref_slice %arg6[%scan3A_598, %swap3A_1128, %swap3A_1129] : memref<2x800x64xf32, #tpu.memory_space<vmem>> -> memref<1x800x64xf32, #tpu.memory_space<vmem>>
      %swap3A_1131 = tpu.memref_squeeze %swap3A_1130 : memref<1x800x64xf32, #tpu.memory_space<vmem>> -> memref<800x64xf32, #tpu.memory_space<vmem>>
      %swap3A_1132 = arith.index_cast %add3A_1127 : i32 to index
      %swap3A_1133 = arith.constant 0 : index
      %swap3A_1134 = tpu.vector_load %swap3A_1131[%swap3A_1132, %swap3A_1133] {strides = array<i32>} : memref<800x64xf32, #tpu.memory_space<vmem>>, vector<16xf32>,
      tpu.vector_store %swap3A_1131[%swap3A_1132, %swap3A_1133], %mul3A_1125 {strides = array<i32>} : memref<800x64xf32, #tpu.memory_space<vmem>>, vector<16xf32>,
      %add3A_1135 = arith.constant 6 : i32
      %add3A_1136 = arith.addi %mul3A_611, %add3A_1135 : i32
      %get3A_1137 = arith.constant 0 : i32
      %get3A_1138 = arith.constant 0 : i32
      %get3A_1139 = tpu.memref_slice %arg6[%scan3A_598, %get3A_1137, %get3A_1138] : memref<2x800x64xf32, #tpu.memory_space<vmem>> -> memref<1x800x64xf32, #tpu.memory_space<vmem>>
      %get3A_1140 = tpu.memref_squeeze %get3A_1139 : memref<1x800x64xf32, #tpu.memory_space<vmem>> -> memref<800x64xf32, #tpu.memory_space<vmem>>
      %get3A_1141 = arith.index_cast %add3A_1136 : i32 to index
      %get3A_1142 = arith.constant 16 : index
      %get3A_1143 = tpu.vector_load %get3A_1140[%get3A_1141, %get3A_1142] {strides = array<i32>} : memref<800x64xf32, #tpu.memory_space<vmem>>, vector<16xf32>,
      %mul3A_1144 = arith.constant 8.000000e+00 : f32
      %mul3A_1145 = vector.broadcast %mul3A_1144 : f32 to vector<16xf32>
      %mul3A_1146 = arith.mulf %get3A_1143, %mul3A_1145 : vector<16xf32>
      %add3A_1147 = arith.constant 6 : i32
      %add3A_1148 = arith.addi %mul3A_611, %add3A_1147 : i32
      %swap3A_1149 = arith.constant 0 : i32
      %swap3A_1150 = arith.constant 0 : i32
      %swap3A_1151 = tpu.memref_slice %arg6[%scan3A_598, %swap3A_1149, %swap3A_1150] : memref<2x800x64xf32, #tpu.memory_space<vmem>> -> memref<1x800x64xf32, #tpu.memory_space<vmem>>
      %swap3A_1152 = tpu.memref_squeeze %swap3A_1151 : memref<1x800x64xf32, #tpu.memory_space<vmem>> -> memref<800x64xf32, #tpu.memory_space<vmem>>
      %swap3A_1153 = arith.index_cast %add3A_1148 : i32 to index
      %swap3A_1154 = arith.constant 16 : index
      %swap3A_1155 = tpu.vector_load %swap3A_1152[%swap3A_1153, %swap3A_1154] {strides = array<i32>} : memref<800x64xf32, #tpu.memory_space<vmem>>, vector<16xf32>,
      tpu.vector_store %swap3A_1152[%swap3A_1153, %swap3A_1154], %mul3A_1146 {strides = array<i32>} : memref<800x64xf32, #tpu.memory_space<vmem>>, vector<16xf32>,
      %add3A_1156 = arith.constant 6 : i32
      %add3A_1157 = arith.addi %mul3A_611, %add3A_1156 : i32
      %get3A_1158 = arith.constant 0 : i32
      %get3A_1159 = arith.constant 0 : i32
      %get3A_1160 = tpu.memref_slice %arg6[%scan3A_598, %get3A_1158, %get3A_1159] : memref<2x800x64xf32, #tpu.memory_space<vmem>> -> memref<1x800x64xf32, #tpu.memory_space<vmem>>
      %get3A_1161 = tpu.memref_squeeze %get3A_1160 : memref<1x800x64xf32, #tpu.memory_space<vmem>> -> memref<800x64xf32, #tpu.memory_space<vmem>>
      %get3A_1162 = arith.index_cast %add3A_1157 : i32 to index
      %get3A_1163 = arith.constant 32 : index
      %get3A_1164 = tpu.vector_load %get3A_1161[%get3A_1162, %get3A_1163] {strides = array<i32>} : memref<800x64xf32, #tpu.memory_space<vmem>>, vector<16xf32>,
      %mul3A_1165 = arith.constant 8.000000e+00 : f32
      %mul3A_1166 = vector.broadcast %mul3A_1165 : f32 to vector<16xf32>
      %mul3A_1167 = arith.mulf %get3A_1164, %mul3A_1166 : vector<16xf32>
      %add3A_1168 = arith.constant 6 : i32
      %add3A_1169 = arith.addi %mul3A_611, %add3A_1168 : i32
      %swap3A_1170 = arith.constant 0 : i32
      %swap3A_1171 = arith.constant 0 : i32
      %swap3A_1172 = tpu.memref_slice %arg6[%scan3A_598, %swap3A_1170, %swap3A_1171] : memref<2x800x64xf32, #tpu.memory_space<vmem>> -> memref<1x800x64xf32, #tpu.memory_space<vmem>>
      %swap3A_1173 = tpu.memref_squeeze %swap3A_1172 : memref<1x800x64xf32, #tpu.memory_space<vmem>> -> memref<800x64xf32, #tpu.memory_space<vmem>>
      %swap3A_1174 = arith.index_cast %add3A_1169 : i32 to index
      %swap3A_1175 = arith.constant 32 : index
      %swap3A_1176 = tpu.vector_load %swap3A_1173[%swap3A_1174, %swap3A_1175] {strides = array<i32>} : memref<800x64xf32, #tpu.memory_space<vmem>>, vector<16xf32>,
      tpu.vector_store %swap3A_1173[%swap3A_1174, %swap3A_1175], %mul3A_1167 {strides = array<i32>} : memref<800x64xf32, #tpu.memory_space<vmem>>, vector<16xf32>,
      %add3A_1177 = arith.constant 6 : i32
      %add3A_1178 = arith.addi %mul3A_611, %add3A_1177 : i32
      %get3A_1179 = arith.constant 0 : i32
      %get3A_1180 = arith.constant 0 : i32
      %get3A_1181 = tpu.memref_slice %arg6[%scan3A_598, %get3A_1179, %get3A_1180] : memref<2x800x64xf32, #tpu.memory_space<vmem>> -> memref<1x800x64xf32, #tpu.memory_space<vmem>>
      %get3A_1182 = tpu.memref_squeeze %get3A_1181 : memref<1x800x64xf32, #tpu.memory_space<vmem>> -> memref<800x64xf32, #tpu.memory_space<vmem>>
      %get3A_1183 = arith.index_cast %add3A_1178 : i32 to index
      %get3A_1184 = arith.constant 48 : index
      %get3A_1185 = tpu.vector_load %get3A_1182[%get3A_1183, %get3A_1184] {strides = array<i32>} : memref<800x64xf32, #tpu.memory_space<vmem>>, vector<16xf32>,
      %mul3A_1186 = arith.constant 8.000000e+00 : f32
      %mul3A_1187 = vector.broadcast %mul3A_1186 : f32 to vector<16xf32>
      %mul3A_1188 = arith.mulf %get3A_1185, %mul3A_1187 : vector<16xf32>
      %add3A_1189 = arith.constant 6 : i32
      %add3A_1190 = arith.addi %mul3A_611, %add3A_1189 : i32
      %swap3A_1191 = arith.constant 0 : i32
      %swap3A_1192 = arith.constant 0 : i32
      %swap3A_1193 = tpu.memref_slice %arg6[%scan3A_598, %swap3A_1191, %swap3A_1192] : memref<2x800x64xf32, #tpu.memory_space<vmem>> -> memref<1x800x64xf32, #tpu.memory_space<vmem>>
      %swap3A_1194 = tpu.memref_squeeze %swap3A_1193 : memref<1x800x64xf32, #tpu.memory_space<vmem>> -> memref<800x64xf32, #tpu.memory_space<vmem>>
      %swap3A_1195 = arith.index_cast %add3A_1190 : i32 to index
      %swap3A_1196 = arith.constant 48 : index
      %swap3A_1197 = tpu.vector_load %swap3A_1194[%swap3A_1195, %swap3A_1196] {strides = array<i32>} : memref<800x64xf32, #tpu.memory_space<vmem>>, vector<16xf32>,
      tpu.vector_store %swap3A_1194[%swap3A_1195, %swap3A_1196], %mul3A_1188 {strides = array<i32>} : memref<800x64xf32, #tpu.memory_space<vmem>>, vector<16xf32>,
      %add3A_1198 = arith.constant 7 : i32
      %add3A_1199 = arith.addi %mul3A_611, %add3A_1198 : i32
      %get3A_1200 = arith.constant 0 : i32
      %get3A_1201 = arith.constant 0 : i32
      %get3A_1202 = tpu.memref_slice %arg6[%scan3A_598, %get3A_1200, %get3A_1201] : memref<2x800x64xf32, #tpu.memory_space<vmem>> -> memref<1x800x64xf32, #tpu.memory_space<vmem>>
      %get3A_1203 = tpu.memref_squeeze %get3A_1202 : memref<1x800x64xf32, #tpu.memory_space<vmem>> -> memref<800x64xf32, #tpu.memory_space<vmem>>
      %get3A_1204 = arith.index_cast %add3A_1199 : i32 to index
      %get3A_1205 = arith.constant 0 : index
      %get3A_1206 = tpu.vector_load %get3A_1203[%get3A_1204, %get3A_1205] {strides = array<i32>} : memref<800x64xf32, #tpu.memory_space<vmem>>, vector<16xf32>,
      %mul3A_1207 = arith.constant 8.000000e+00 : f32
      %mul3A_1208 = vector.broadcast %mul3A_1207 : f32 to vector<16xf32>
      %mul3A_1209 = arith.mulf %get3A_1206, %mul3A_1208 : vector<16xf32>
      %add3A_1210 = arith.constant 7 : i32
      %add3A_1211 = arith.addi %mul3A_611, %add3A_1210 : i32
      %swap3A_1212 = arith.constant 0 : i32
      %swap3A_1213 = arith.constant 0 : i32
      %swap3A_1214 = tpu.memref_slice %arg6[%scan3A_598, %swap3A_1212, %swap3A_1213] : memref<2x800x64xf32, #tpu.memory_space<vmem>> -> memref<1x800x64xf32, #tpu.memory_space<vmem>>
      %swap3A_1215 = tpu.memref_squeeze %swap3A_1214 : memref<1x800x64xf32, #tpu.memory_space<vmem>> -> memref<800x64xf32, #tpu.memory_space<vmem>>
      %swap3A_1216 = arith.index_cast %add3A_1211 : i32 to index
      %swap3A_1217 = arith.constant 0 : index
      %swap3A_1218 = tpu.vector_load %swap3A_1215[%swap3A_1216, %swap3A_1217] {strides = array<i32>} : memref<800x64xf32, #tpu.memory_space<vmem>>, vector<16xf32>,
      tpu.vector_store %swap3A_1215[%swap3A_1216, %swap3A_1217], %mul3A_1209 {strides = array<i32>} : memref<800x64xf32, #tpu.memory_space<vmem>>, vector<16xf32>,
      %add3A_1219 = arith.constant 7 : i32
      %add3A_1220 = arith.addi %mul3A_611, %add3A_1219 : i32
      %get3A_1221 = arith.constant 0 : i32
      %get3A_1222 = arith.constant 0 : i32
      %get3A_1223 = tpu.memref_slice %arg6[%scan3A_598, %get3A_1221, %get3A_1222] : memref<2x800x64xf32, #tpu.memory_space<vmem>> -> memref<1x800x64xf32, #tpu.memory_space<vmem>>
      %get3A_1224 = tpu.memref_squeeze %get3A_1223 : memref<1x800x64xf32, #tpu.memory_space<vmem>> -> memref<800x64xf32, #tpu.memory_space<vmem>>
      %get3A_1225 = arith.index_cast %add3A_1220 : i32 to index
      %get3A_1226 = arith.constant 16 : index
      %get3A_1227 = tpu.vector_load %get3A_1224[%get3A_1225, %get3A_1226] {strides = array<i32>} : memref<800x64xf32, #tpu.memory_space<vmem>>, vector<16xf32>,
      %mul3A_1228 = arith.constant 8.000000e+00 : f32
      %mul3A_1229 = vector.broadcast %mul3A_1228 : f32 to vector<16xf32>
      %mul3A_1230 = arith.mulf %get3A_1227, %mul3A_1229 : vector<16xf32>
      %add3A_1231 = arith.constant 7 : i32
      %add3A_1232 = arith.addi %mul3A_611, %add3A_1231 : i32
      %swap3A_1233 = arith.constant 0 : i32
      %swap3A_1234 = arith.constant 0 : i32
      %swap3A_1235 = tpu.memref_slice %arg6[%scan3A_598, %swap3A_1233, %swap3A_1234] : memref<2x800x64xf32, #tpu.memory_space<vmem>> -> memref<1x800x64xf32, #tpu.memory_space<vmem>>
      %swap3A_1236 = tpu.memref_squeeze %swap3A_1235 : memref<1x800x64xf32, #tpu.memory_space<vmem>> -> memref<800x64xf32, #tpu.memory_space<vmem>>
      %swap3A_1237 = arith.index_cast %add3A_1232 : i32 to index
      %swap3A_1238 = arith.constant 16 : index
      %swap3A_1239 = tpu.vector_load %swap3A_1236[%swap3A_1237, %swap3A_1238] {strides = array<i32>} : memref<800x64xf32, #tpu.memory_space<vmem>>, vector<16xf32>,
      tpu.vector_store %swap3A_1236[%swap3A_1237, %swap3A_1238], %mul3A_1230 {strides = array<i32>} : memref<800x64xf32, #tpu.memory_space<vmem>>, vector<16xf32>,
      %add3A_1240 = arith.constant 7 : i32
      %add3A_1241 = arith.addi %mul3A_611, %add3A_1240 : i32
      %get3A_1242 = arith.constant 0 : i32
      %get3A_1243 = arith.constant 0 : i32
      %get3A_1244 = tpu.memref_slice %arg6[%scan3A_598, %get3A_1242, %get3A_1243] : memref<2x800x64xf32, #tpu.memory_space<vmem>> -> memref<1x800x64xf32, #tpu.memory_space<vmem>>
      %get3A_1245 = tpu.memref_squeeze %get3A_1244 : memref<1x800x64xf32, #tpu.memory_space<vmem>> -> memref<800x64xf32, #tpu.memory_space<vmem>>
      %get3A_1246 = arith.index_cast %add3A_1241 : i32 to index
      %get3A_1247 = arith.constant 32 : index
      %get3A_1248 = tpu.vector_load %get3A_1245[%get3A_1246, %get3A_1247] {strides = array<i32>} : memref<800x64xf32, #tpu.memory_space<vmem>>, vector<16xf32>,
      %mul3A_1249 = arith.constant 8.000000e+00 : f32
      %mul3A_1250 = vector.broadcast %mul3A_1249 : f32 to vector<16xf32>
      %mul3A_1251 = arith.mulf %get3A_1248, %mul3A_1250 : vector<16xf32>
      %add3A_1252 = arith.constant 7 : i32
      %add3A_1253 = arith.addi %mul3A_611, %add3A_1252 : i32
      %swap3A_1254 = arith.constant 0 : i32
      %swap3A_1255 = arith.constant 0 : i32
      %swap3A_1256 = tpu.memref_slice %arg6[%scan3A_598, %swap3A_1254, %swap3A_1255] : memref<2x800x64xf32, #tpu.memory_space<vmem>> -> memref<1x800x64xf32, #tpu.memory_space<vmem>>
      %swap3A_1257 = tpu.memref_squeeze %swap3A_1256 : memref<1x800x64xf32, #tpu.memory_space<vmem>> -> memref<800x64xf32, #tpu.memory_space<vmem>>
      %swap3A_1258 = arith.index_cast %add3A_1253 : i32 to index
      %swap3A_1259 = arith.constant 32 : index
      %swap3A_1260 = tpu.vector_load %swap3A_1257[%swap3A_1258, %swap3A_1259] {strides = array<i32>} : memref<800x64xf32, #tpu.memory_space<vmem>>, vector<16xf32>,
      tpu.vector_store %swap3A_1257[%swap3A_1258, %swap3A_1259], %mul3A_1251 {strides = array<i32>} : memref<800x64xf32, #tpu.memory_space<vmem>>, vector<16xf32>,
      %add3A_1261 = arith.constant 7 : i32
      %add3A_1262 = arith.addi %mul3A_611, %add3A_1261 : i32
      %get3A_1263 = arith.constant 0 : i32
      %get3A_1264 = arith.constant 0 : i32
      %get3A_1265 = tpu.memref_slice %arg6[%scan3A_598, %get3A_1263, %get3A_1264] : memref<2x800x64xf32, #tpu.memory_space<vmem>> -> memref<1x800x64xf32, #tpu.memory_space<vmem>>
      %get3A_1266 = tpu.memref_squeeze %get3A_1265 : memref<1x800x64xf32, #tpu.memory_space<vmem>> -> memref<800x64xf32, #tpu.memory_space<vmem>>
      %get3A_1267 = arith.index_cast %add3A_1262 : i32 to index
      %get3A_1268 = arith.constant 48 : index
      %get3A_1269 = tpu.vector_load %get3A_1266[%get3A_1267, %get3A_1268] {strides = array<i32>} : memref<800x64xf32, #tpu.memory_space<vmem>>, vector<16xf32>,
      %mul3A_1270 = arith.constant 8.000000e+00 : f32
      %mul3A_1271 = vector.broadcast %mul3A_1270 : f32 to vector<16xf32>
      %mul3A_1272 = arith.mulf %get3A_1269, %mul3A_1271 : vector<16xf32>
      %add3A_1273 = arith.constant 7 : i32
      %add3A_1274 = arith.addi %mul3A_611, %add3A_1273 : i32
      %swap3A_1275 = arith.constant 0 : i32
      %swap3A_1276 = arith.constant 0 : i32
      %swap3A_1277 = tpu.memref_slice %arg6[%scan3A_598, %swap3A_1275, %swap3A_1276] : memref<2x800x64xf32, #tpu.memory_space<vmem>> -> memref<1x800x64xf32, #tpu.memory_space<vmem>>
      %swap3A_1278 = tpu.memref_squeeze %swap3A_1277 : memref<1x800x64xf32, #tpu.memory_space<vmem>> -> memref<800x64xf32, #tpu.memory_space<vmem>>
      %swap3A_1279 = arith.index_cast %add3A_1274 : i32 to index
      %swap3A_1280 = arith.constant 48 : index
      %swap3A_1281 = tpu.vector_load %swap3A_1278[%swap3A_1279, %swap3A_1280] {strides = array<i32>} : memref<800x64xf32, #tpu.memory_space<vmem>>, vector<16xf32>,
      tpu.vector_store %swap3A_1278[%swap3A_1279, %swap3A_1280], %mul3A_1272 {strides = array<i32>} : memref<800x64xf32, #tpu.memory_space<vmem>>, vector<16xf32>,
    }
    %scan3A_603 = arith.constant 100 : i32
    %add3A_604 = arith.constant 124 : i32
    %add3A_605 = arith.addi %mul3A_2, %add3A_604 : i32
    %mul3A_606 = arith.constant 200 : i32
    %mul3A_607 = arith.muli %add3A_605, %mul3A_606 : i32
    %run_scoped3A_608 = arith.constant 1 : i32
    "tpu.region"() ({
      %run_scoped3A_609 = tpu.sem_alloc : memref<!tpu.dma_semaphore, #tpu.memory_space<semaphore_mem>>
      %dma_start3A_610 = arith.constant 0 : i32
      %dma_start3A_611 = arith.constant 0 : i32
      %dma_start3A_612 = tpu.memref_slice %arg6[%run_scoped3A_608, %dma_start3A_610, %dma_start3A_611] : memref<2x800x64xf32, #tpu.memory_space<vmem>> -> memref<1x800x64xf32, #tpu.memory_space<vmem>>
      %dma_start3A_613 = tpu.memref_squeeze %dma_start3A_612 : memref<1x800x64xf32, #tpu.memory_space<vmem>> -> memref<800x64xf32, #tpu.memory_space<vmem>>
      %dma_start3A_614 = arith.constant 0 : i32
      %dma_start3A_615 = tpu.memref_slice %arg4[%mul3A_607, %dma_start3A_614] : memref<819200x128xf32, #tpu.memory_space<hbm>> -> memref<800x64xf32, #tpu.memory_space<hbm>>
      %dma_start3A_616 = arith.constant 0 : i32
      %dma_start3A_617 = tpu.memref_slice %arg4[%mul3A_607, %dma_start3A_616] : memref<819200x128xf32, #tpu.memory_space<hbm>> -> memref<800x64xf32, #tpu.memory_space<hbm>>
      %dma_start3A_618 = arith.constant 0 : i32
      %dma_start3A_619 = arith.constant 0 : i32
      %dma_start3A_620 = tpu.memref_slice %arg6[%run_scoped3A_608, %dma_start3A_618, %dma_start3A_619] : memref<2x800x64xf32, #tpu.memory_space<vmem>> -> memref<1x800x64xf32, #tpu.memory_space<vmem>>
      %dma_start3A_621 = tpu.memref_squeeze %dma_start3A_620 : memref<1x800x64xf32, #tpu.memory_space<vmem>> -> memref<800x64xf32, #tpu.memory_space<vmem>>
      tpu.enqueue_dma source(%dma_start3A_621 : memref<800x64xf32, #tpu.memory_space<vmem>>) target(%dma_start3A_617 : memref<800x64xf32, #tpu.memory_space<hbm>>) target_semaphore(%run_scoped3A_609 : memref<!tpu.dma_semaphore, #tpu.memory_space<semaphore_mem>>)
      %dma_wait3A_622 = arith.constant 0 : i32
      %dma_wait3A_623 = arith.constant 0 : i32
      %dma_wait3A_624 = tpu.memref_slice %arg6[%run_scoped3A_608, %dma_wait3A_622, %dma_wait3A_623] : memref<2x800x64xf32, #tpu.memory_space<vmem>> -> memref<1x800x64xf32, #tpu.memory_space<vmem>>
      %dma_wait3A_625 = tpu.memref_squeeze %dma_wait3A_624 : memref<1x800x64xf32, #tpu.memory_space<vmem>> -> memref<800x64xf32, #tpu.memory_space<vmem>>
      %dma_wait3A_626 = arith.constant 0 : i32
      %dma_wait3A_627 = tpu.memref_slice %arg4[%mul3A_607, %dma_wait3A_626] : memref<819200x128xf32, #tpu.memory_space<hbm>> -> memref<800x64xf32, #tpu.memory_space<hbm>>
      %dma_wait3A_628 = arith.constant 0 : i32
      %dma_wait3A_629 = tpu.memref_slice %arg4[%mul3A_607, %dma_wait3A_628] : memref<819200x128xf32, #tpu.memory_space<hbm>> -> memref<800x64xf32, #tpu.memory_space<hbm>>
      %dma_wait3A_630 = arith.constant 0 : i32
      %dma_wait3A_631 = arith.constant 0 : i32
      %dma_wait3A_632 = tpu.memref_slice %arg6[%run_scoped3A_608, %dma_wait3A_630, %dma_wait3A_631] : memref<2x800x64xf32, #tpu.memory_space<vmem>> -> memref<1x800x64xf32, #tpu.memory_space<vmem>>
      %dma_wait3A_633 = tpu.memref_squeeze %dma_wait3A_632 : memref<1x800x64xf32, #tpu.memory_space<vmem>> -> memref<800x64xf32, #tpu.memory_space<vmem>>
      tpu.wait_dma2 semaphore(%run_scoped3A_609 : memref<!tpu.dma_semaphore, #tpu.memory_space<semaphore_mem>>) src(%dma_wait3A_633 : memref<800x64xf32, #tpu.memory_space<vmem>>) dst(%dma_wait3A_629 : memref<800x64xf32, #tpu.memory_space<hbm>>)
      tpu.yield
    }) : () -> ()
    return
  }
}

</mosaic_0001>

<sc_bundles>
// kernel: kernel.3.cloned.1.call-start
scs
__scs_entry_jumppad:
0x0: {  	(pc) =	sbr.rel $0x88, $3  }
0x1: {  	(tag) =	ssettag $0x0;
	lr =	simm.s32 $0x1  }
0x2: {  	[smem:$0x3F9F] =	sst lr;
	_ =	strace $0xD0000000  }
0x3: {  	_ = 	snop  }
0x4: {  	_ = 	snop  }
0x5: {  	_ = 	snop  }
0x6: {  	_ = 	snop  }
0x7: {  	_ = 	snop  }
__scs_overlays_trampoline_lowered:
0x8: {  	[smem:$0x3FAE] =	sst s0  }
0x9: {  	[smem:$0x3FAF] =	sst s1  }
0xa: {  	[smem:$0x3FB0] =	sst s2  }
0xb: {  	[smem:$0x3FB1] =	sst s3  }
0xc: {  	[smem:$0x3FB2] =	sst s4  }
0xd: {  	[smem:$0x3FB3] =	sst s5  }
0xe: {  	[smem:$0x3FB4] =	sst s6  }
0xf: {  	[smem:$0x3FB5] =	sst s7  }
0x10: {  	[smem:$0x3FB6] =	sst s8  }
0x11: {  	[smem:$0x3FB7] =	sst s9;
	s0 =	simm.s32 @!p0 $0x0  }
0x12: {  	s1 =	sld [smem:$0x3F9D];
	s0 =	simm.s32 @p0 $0x1  }
0x13: {  	[smem:$0x3FB8] =	sst s0;
	s0 =	simm.s32 @!p1 $0x0  }
0x14: {  	s2 =	sld [smem:$0x3F9C];
	s0 =	simm.s32 @p1 $0x1  }
0x15: {  	[smem:$0x3FB9] =	sst s0;
	s0 =	simm.s32 @!p2 $0x0  }
0x16: {  	s3 =	sld [smem:$0x3FDB];
	s0 =	simm.s32 @p2 $0x1  }
0x17: {  	s4 =	simm.s32 $0x1BF5;
	[smem:$0x3FBB] =	sst s0  }
0x18: {  	s0 =	sld [smem:$0x3F9E];
	_ =	swait.ge [sflag:s4], $0x0  }
0x19: {  	s7 =	sld [smem:$0x3F9F]  }
0x1a: {  	s8 =	sadd.s32 $0xFFFFE003, lr  }
0x1b: {  	s9 =	sadd.s32 $0xFFFFFEF7, lr;
	s5 =	simm.s32 $0xFFFFFFFF;
	p2 =	slt.u32 s8, $0xFFFFF086  }
0x1c: {  	p1 =	slt.u32 s9, $0xF7A;
	s5 =	simm.s32 @!p2 $0x0  }
0x1d: {  	s5 =	simm.s32 @p1 $0x1;
	p0 =	seq.s32 s7, s2  }
0x1e: {  	s7 =	smul.u32 @!p0 $0xF7A, s2;
	p2 =	seq.s32 @!p0 s5, $0x0  }
0x1f: {  	s9 =	smul.u32 $0xF7A, s1;
	s8 =	simm.s32 @!p0 $0x1BF5;
	p2 =	por !p2, p0  }
0x20: {  	[sflag:s8] =	ssyncset.s32 @!p0 $0xFFFFF086;
	s6 =	sadd.s32 @!p0 s3, s7;
	s7 =	simm.s32 @!p0 $0x108  }
0x21: {  	s3 =	sadd.s32 s3, s9;
	s6 =	sadd.s32 @!p0 $0x88, s6;
	s7 =	simm.s32 @p2 $0x1082  }
0x22: {  	[simem:s7], [sflag:s8] =	dma.local @!p0 [hbm:s6], $0xF7A  }
0x23: {  	s9 =	sor.u32 $0xD0000000, s2;
	s6 =	simm.s32 $0x108;
	_ =	swait.ge @!p0 [sflag:s8], $0x0  }
0x24: {  	s3 =	sadd.s32 $0x88, s3;
	s6 =	simm.s32 @!p1 $0x1082;
	[sflag:s4] =	ssyncset.s32 $0xFFFFF086  }
0x25: {  	[simem:s6], [sflag:s4] =	dma.local [hbm:s3], $0xF7A  }
0x26: {  	[smem:$0x3F9F] =	sst s1;
	(tag) =	ssettag s2;
	_ =	strace s9  }
0x27: {  	s1 =	sld [smem:$0x3FAF]  }
0x28: {  	s2 =	sld [smem:$0x3FB0]  }
0x29: {  	s4 =	sld [smem:$0x3FB2]  }
0x2a: {  	p0 =	seq.s32 s5, $0x0;
	s5 =	sld [smem:$0x3FB3]  }
0x2b: {  	s6 =	sld [smem:$0x3FB4]  }
0x2c: {  	s7 =	sld [smem:$0x3FB5]  }
0x2d: {  	s3 =	simm.s32 $0x108;
	s8 =	sld [smem:$0x3FB6]  }
0x2e: {  	s3 =	simm.s32 @!p0 $0x1082;
	s9 =	sld [smem:$0x3FB7]  }
0x2f: {  	lr =	sadd.s32 s0, s3;
	s0 =	sld [smem:$0x3FAE]  }
0x30: {  	s3 =	sld [smem:$0x3FB1]  }
0x31: {  	[smem:$0x3FBA] =	sst s10  }
0x32: {  	s10 =	sld [smem:$0x3FB8];
	_ =	sdelay $0x3  }
0x33: {  	p0 =	seq.s32 s10, $0x1;
	s10 =	sld [smem:$0x3FBA];
	_ =	sdelay $0x3  }
0x34: {  	[smem:$0x3FBA] =	sst s10  }
0x35: {  	s10 =	sld [smem:$0x3FB9];
	_ =	sdelay $0x3  }
0x36: {  	p1 =	seq.s32 s10, $0x1;
	s10 =	sld [smem:$0x3FBA];
	_ =	sdelay $0x3  }
0x37: {  	[smem:$0x3FBA] =	sst s10  }
0x38: {  	s10 =	sld [smem:$0x3FBB]  }
0x39: {  	_ = 	snop;
	(pc) =	sbr.ind lr, $3  }
0x3a: {  	_ = 	snop  }
0x3b: {  	_ = 	snop  }
0x3c: {  	p2 =	seq.s32 s10, $0x1;
	s10 =	sld [smem:$0x3FBA]  }
0x3d: {  	_ =	shalt  }
0x3e: {  	_ =	shalt  }
0x3f: {  	_ =	shalt  }
0x40: {  	_ =	shalt  }
0x41: {  	_ =	shalt  }
0x42: {  	_ =	shalt  }
0x43: {  	_ =	shalt  }
0x44: {  	_ =	shalt  }
0x45: {  	_ =	shalt  }
0x46: {  	_ =	shalt  }
0x47: {  	_ =	shalt  }
0x48: {  	_ =	shalt  }
0x49: {  	_ =	shalt  }
0x4a: {  	_ =	shalt  }
0x4b: {  	_ =	shalt  }
0x4c: {  	_ =	shalt  }
0x4d: {  	_ =	shalt  }
0x4e: {  	_ =	shalt  }
0x4f: {  	_ =	shalt  }
0x50: {  	_ =	shalt  }
0x51: {  	_ =	shalt  }
0x52: {  	_ =	shalt  }
0x53: {  	_ =	shalt  }
0x54: {  	_ =	shalt  }
0x55: {  	_ =	shalt  }
0x56: {  	_ =	shalt  }
0x57: {  	_ =	shalt  }
0x58: {  	_ =	shalt  }
0x59: {  	_ =	shalt  }
0x5a: {  	_ =	shalt  }
0x5b: {  	_ =	shalt  }
0x5c: {  	_ =	shalt  }
0x5d: {  	_ =	shalt  }
0x5e: {  	_ =	shalt  }
0x5f: {  	_ =	shalt  }
0x60: {  	_ =	shalt  }
0x61: {  	_ =	shalt  }
0x62: {  	_ =	shalt  }
0x63: {  	_ =	shalt  }
0x64: {  	_ =	shalt  }
0x65: {  	_ =	shalt  }
0x66: {  	_ =	shalt  }
0x67: {  	_ =	shalt  }
0x68: {  	_ =	shalt  }
0x69: {  	_ =	shalt  }
0x6a: {  	_ =	shalt  }
0x6b: {  	_ =	shalt  }
0x6c: {  	_ =	shalt  }
0x6d: {  	_ =	shalt  }
0x6e: {  	_ =	shalt  }
0x6f: {  	_ =	shalt  }
0x70: {  	_ =	shalt  }
0x71: {  	_ =	shalt  }
0x72: {  	_ =	shalt  }
0x73: {  	_ =	shalt  }
0x74: {  	_ =	shalt  }
0x75: {  	_ =	shalt  }
0x76: {  	_ =	shalt  }
0x77: {  	_ =	shalt  }
0x78: {  	_ =	shalt  }
0x79: {  	_ =	shalt  }
0x7a: {  	_ =	shalt  }
0x7b: {  	_ =	shalt  }
0x7c: {  	_ =	shalt  }
0x7d: {  	_ =	shalt  }
0x7e: {  	_ =	shalt  }
0x7f: {  	_ =	shalt  }
0x80: {  	_ =	shalt  }
0x81: {  	_ =	shalt  }
0x82: {  	_ =	shalt  }
0x83: {  	_ =	shalt  }
0x84: {  	_ =	shalt  }
0x85: {  	_ =	shalt  }
0x86: {  	_ =	shalt  }
0x87: {  	_ =	shalt  }
.Lfunc_end0:
.L_simem_size_0:
called_computation.1_lowered:
.L_overlay_start_0:
0x88: {  	s2 =	sld [smem:$0x3FD9]  }
0x89: {  	s3 =	sld [smem:$0x3FFE];
	_ =	sdelay $0x1  }
0x8a: {  	s1 =	srdreg.scid  }
0x8b: {  	s0 =	sand.u32 $0x1, s1  }
0x8c: {  	s17 =	sshll.u32 s0, $0xA;
	s2 =	sadd.s32 s3, s2  }
0x8d: {  	s2 =	sadd.s32 s2, s17  }
0x8e: {  	[smem:$0x3FC6] =	sst s2  }
0x8f: {  	_ = 	snop  }
0x90: {  	s2 =	sld [smem:$0x3FD0];
	(tm) =	ssettm $0x1  }
0x91: {  	s18 =	sld [smem:$0x3FFB];
	_ =	sdelay $0x3  }
0x92: {  	_ =	strace s18  }
0x93: {  	s3 =	sld [smem:$0x3FFC];
	_ =	sdelay $0x3  }
0x94: {  	_ =	strace s3  }
0x95: {  	s3 =	sld [smem:$0x3FFD];
	_ =	sdelay $0x3  }
0x96: {  	_ =	strace s3  }
0x97: {  	_ =	strace $0x8FFFFFFF  }
0x98: {  	s19 =	sld [smem:$0x3FDB];
	_ =	sdelay $0x1  }
0x99: {  	s4 =	simm.s32 $_scs_section_size  }
0x9a: {  	s5 =	simm.s32 $_size__tile_overlayer_lowered;
	s6 =	simm.s32 $_tile_overlayer_lowered  }
0x9b: {  	s22 =	simm.s32 $0x1BFF;
	s21 =	sshll.u32 s6, $0x1;
	s3 =	sadd.s32 s4, s19  }
0x9c: {  	s7 =	simm.s32 $0x0;
	s20 =	sshll.u32 s5, $0x1;
	s5 =	sadd.s32 s21, s3  }
0x9d: {  	[timem:s7], [sflag:s22] =	dma.local [hbm:s5], s20  }
0x9e: {  	_ =	swait.ge [sflag:s22], s20  }
0x9f: {  	s4 =	ssub.s32 $0x0, s20;
	[sflag:s22] =	ssyncset.done $0x0  }
0xa0: {  	[sflag:s22] =	ssyncadd.s32 s4;
	_ =	sdelay $0x1  }
0xa1: {  	s23 =	simm.s32 $0x1B8B  }
0xa2: {  	_ =	swait.ge [sflag:s23], $0x1  }
0xa3: {  	[sflag:s23] =	ssyncset.done $0x0  }
0xa4: {  	s25 =	simm.s32 $0x1B8E;
	s24 =	sld [smem:$0x3FFE];
	[sflag:s23] =	ssyncadd.s32 $0xFFFFFFFF  }
0xa5: {  	s26 =	simm.s32 $execute0_lowered;
	[smem:$0x3FD2] =	sst s25  }
0xa6: {  	s5 =	sshll.u32 s26, $0x1;
	_ =	strace $0x80000046;
	[dreg:$0x1] =	wrdreg $0xFFFFFFFF  }
0xa7: {  	s28 =	simm.s32 $_size_execute0_lowered;
	s3 =	sadd.s32 s3, s5;
	[dreg:$0x0] =	wrdreg $0x0  }
0xa8: {  	s5 =	sshll.u32 s28, $0x1;
	[dreg:$0x2] =	wrdreg s3  }
0xa9: {  	[dreg:$0x3] =	wrdreg s5  }
0xaa: {  	[dreg:$0x4] =	wrdreg $0xC0  }
0xab: {  	_ =	task [dreg:s7], $0x5FFFF  }
0xac: {  	[dreg:$0x1] =	wrdreg $0xFFFFFFFF  }
0xad: {  	[dreg:$0x0] =	wrdreg $0x60  }
0xae: {  	[dreg:$0x2] =	wrdreg s24  }
0xaf: {  	[dreg:$0x3] =	wrdreg s2  }
0xb0: {  	[dreg:$0x4] =	wrdreg $0x9  }
0xb1: {  	_ =	task.clear_ibuf [dreg:s7], $0x5FFFF;
	_ =	strace $0x90000046  }
0xb2: {  	s29 =	simm.s32 $0x9;
	_ =	strace $0x80000048  }
0xb3: {  	_ =	swait.ge [sflag:s29], $0x1  }
0xb4: {  	[sflag:s29] =	ssyncadd.s32 $0xFFFFFFFF  }
0xb5: {  	_ =	strace $0x90000048  }
0xb6: {  	_ =	sfence  }
0xb7: {  	s30 =	sld [smem:$0x0];
	_ =	sdelay $0x2  }
0xb8: {  	s31 =	sshll.u32 s1, $0xD;
	s1 =	sshrl.u32 s1, $0x2  }
0xb9: {  	s3 =	sand.u32 $0x4000, s31;
	s1 =	sadd.s32 s1, s30  }
0xba: {  	s0 =	sor.u32 s3, s0;
	s1 =	sshll.u32 s1, $0x11  }
0xbb: {  	s0 =	sor.u32 s1, s0  }
0xbc: {  	s0 =	sadd.s32 $0x8F2B, s0  }
0xbd: {  	[sflag:s0] =	ssyncadd.remote.s32 $0x1  }
0xbe: {  	_ =	sfence.sel $0xFFFF  }
0xbf: {  	[dreg:$0x0] =	wrdreg $0xFFFFFFFF;
	(pc) =	sbr.abs _section_cstart, $3  }
0xc0: {  	[dreg:$0x1] =	wrdreg $0xFFFFFFFF  }
0xc1: {  	_ =	task.clear_ibuf [dreg:s7], $0x2FFFF;
	_ =	strace $0x9FFFFFFF  }
0xc2: {  	(tm) =	ssettm $0x7FFFFFFF  }
0xc3: {  	_ =	shalt  }
tec
execute0_lowered:
.L_overlay_start_1:
0x0: {  	(tag) =	ssettag $0x1  }
0x1: {  	s0 =	srdreg.scid  }
0x2: {  	s1 =	rddreg [dreg:$0x0];
	s3 =	stileid.u32  }
0x3: {  	s2 =	rddreg [dreg:$0x1];
	s5 =	simm.s32 $0x0;
	s10 =	simm.s32 $0x3  }
0x4: {  	s11 =	simm.s32 $0x80;
	s12 =	simm.s32 $0x6400;
	s13 =	simm.s32 $0x48  }
0x5: {  	s14 =	simm.s32 $0x8400;
	s16 =	simm.s32 $0x9600;
	s18 =	simm.s32 $0xB600  }
0x6: {  	s20 =	simm.s32 $0xC800;
	s29 =	simm.s32 $0x12C00;
	s31 =	simm.s32 $0x14C00  }
0x7: {  	s17 =	simm.s32 $0x17E00;
	s21 =	simm.s32 $0x19000;
	s30 =	simm.s32 $0x1C200  }
0x8: {  	s15 =	simm.s32 $0x1E200;
	s19 =	simm.s32 $0x1;
	s0 =	sand.u32 $0x1, s0  }
0x9: {  	s28 =	simm.s32 $0x2;
	s3 =	sshll.u32 s3, $0x8;
	s4 =	sshll.u32 s0, $0x7  }
0xa: {  	[smem:$0x7FF] =	sst s5;
	s0 =	ssub.s32 $0x2, s0;
	s3 =	sor.u32 s4, s3  }
0xb: {  	s5 =	sadd.s32 $0xF42E00, s1;
	s23 =	sshrl.u32 s0, $0x1;
	s22 =	smul.u32 $0x6400, s3  }
0xc: {  	_ =	strace $0x80000047;
	s6 =	smul.u32 $0x19, s3;
	s0 =	ssub.s32 s0, s23  }
0xd: {  	s4 =	sadd.s32 $0xA00, s1;
	s23 =	simm.s32 $0x40;
	s0 =	smax.u32 s0, $0x1  }
0xe: {  	s7 =	sshrl.u32 s22, $0x3;
	s24 =	sadd.s32 s2, s6;
	[dreg:$0x6] =	wrdreg s0  }
0xf: {  	s22 =	simm.s32 $0xE800;
	s0 =	simm.s32 $0x15E00;
	s7 =	sadd.s32 s4, s7  }
0x10: {  	s2 =	simm.s32 $0x0;
	[dreg:$0x3] =	wrdreg s24;
	s25 =	sadd.s32 $0x5DC00, s7  }
0x11: {  	s24 =	simm.s32 $0xFA00;
	s26 =	sadd.s32 $0x60E00, s7;
	[dreg:$0x4] =	wrdreg s25  }
0x12: {  	[dreg:$0x5] =	wrdreg s26;
	s26 =	simm.s32 $0x11A00;
	s25 =	simm.s32 $0x1B000  }
.LBB2_1:
0x13: {  	[dreg:$0x7] =	wrdreg s2  }
0x14: {  	s1 =	simm.s32 $0x0;
	s9 =	rddreg [dreg:$0x3]  }
0x15: {  	[tilespmem:s1], [sflag:$0x3] =	stream.linear.gather [hbm4b:s9+s1], $0x6400, $0x38;
	[tilespmem:$0x1F400] =	vst v63  }
0x16: {  	_ =	swait.ge [sflag:s10], $0x6400  }
0x17: {  	[sflag:s10] =	ssyncset.done $0x0  }
0x18: {  	[sflag:s10] =	ssyncadd.s32 $0xFFFF9C00  }
0x19: {  	[tilespmem:s12], [sflag:$0x1] =	stream.indirect.gather [hbm4b:s5+s11], $0x40, s1, s11, $0xb8;
	[tilespmem:$0x1F400] =	vst v63  }
0x1a: {  	_ = 	snop  }
0x1b: {  	[tilespmem:s14], [sflag:$0x1] =	stream.indirect.gather [hbm4b:s5+s13], $0x40, s11, s13, $0xb8;
	[tilespmem:$0x1F400] =	vst v63  }
0x1c: {  	s6 =	simm.s32 $0xC8  }
0x1d: {  	[tilespmem:s16], [sflag:$0x1] =	stream.indirect.gather [hbm4b:s5+s11], $0x40, s6, s11, $0xb8;
	[tilespmem:$0x1F400] =	vst v63  }
0x1e: {  	s7 =	simm.s32 $0x148  }
0x1f: {  	[tilespmem:s18], [sflag:$0x1] =	stream.indirect.gather [hbm4b:s5+s13], $0x40, s7, s13, $0xb8;
	[tilespmem:$0x1F400] =	vst v63  }
0x20: {  	s8 =	simm.s32 $0x190  }
0x21: {  	[tilespmem:s20], [sflag:$0x1] =	stream.indirect.gather [hbm4b:s5+s11], $0x40, s8, s11, $0xb8;
	[tilespmem:$0x1F400] =	vst v63  }
0x22: {  	s9 =	simm.s32 $0x210  }
0x23: {  	[tilespmem:s22], [sflag:$0x1] =	stream.indirect.gather [hbm4b:s5+s13], $0x40, s9, s13, $0xb8;
	[tilespmem:$0x1F400] =	vst v63  }
0x24: {  	s2 =	simm.s32 $0x258  }
0x25: {  	[tilespmem:s24], [sflag:$0x1] =	stream.indirect.gather [hbm4b:s5+s11], $0x40, s2, s11, $0xb8;
	[tilespmem:$0x1F400] =	vst v63  }
0x26: {  	s6 =	simm.s32 $0x2D8  }
0x27: {  	[tilespmem:s26], [sflag:$0x1] =	stream.indirect.gather [hbm4b:s5+s13], $0x40, s6, s13, $0xb8;
	[tilespmem:$0x1F400] =	vst v63  }
0x28: {  	s7 =	simm.s32 $0x320  }
0x29: {  	[tilespmem:s29], [sflag:$0x2] =	stream.indirect.gather [hbm4b:s5+s11], $0x40, s7, s11, $0xb8;
	[tilespmem:$0x1F400] =	vst v63  }
0x2a: {  	s8 =	simm.s32 $0x3A0  }
0x2b: {  	[tilespmem:s31], [sflag:$0x2] =	stream.indirect.gather [hbm4b:s5+s13], $0x40, s8, s13, $0xb8;
	[tilespmem:$0x1F400] =	vst v63  }
0x2c: {  	s9 =	simm.s32 $0x3E8  }
0x2d: {  	[tilespmem:s0], [sflag:$0x2] =	stream.indirect.gather [hbm4b:s5+s11], $0x40, s9, s11, $0xb8;
	[tilespmem:$0x1F400] =	vst v63  }
0x2e: {  	s2 =	simm.s32 $0x468  }
0x2f: {  	[tilespmem:s17], [sflag:$0x2] =	stream.indirect.gather [hbm4b:s5+s13], $0x40, s2, s13, $0xb8;
	[tilespmem:$0x1F400] =	vst v63  }
0x30: {  	s6 =	simm.s32 $0x4B0  }
0x31: {  	[tilespmem:s21], [sflag:$0x2] =	stream.indirect.gather [hbm4b:s5+s11], $0x40, s6, s11, $0xb8;
	[tilespmem:$0x1F400] =	vst v63  }
0x32: {  	s7 =	simm.s32 $0x530  }
0x33: {  	[tilespmem:s25], [sflag:$0x2] =	stream.indirect.gather [hbm4b:s5+s13], $0x40, s7, s13, $0xb8;
	[tilespmem:$0x1F400] =	vst v63  }
0x34: {  	s8 =	simm.s32 $0x578  }
0x35: {  	[tilespmem:s30], [sflag:$0x2] =	stream.indirect.gather [hbm4b:s5+s11], $0x40, s8, s11, $0xb8;
	[tilespmem:$0x1F400] =	vst v63  }
0x36: {  	s9 =	simm.s32 $0x5F8;
	s2 =	simm.s32 $0x0  }
0x37: {  	[tilespmem:s15], [sflag:$0x2] =	stream.indirect.gather [hbm4b:s5+s13], $0x40, s9, s13, $0xb8;
	[tilespmem:$0x1F400] =	vst v63  }
.LBB2_2:
0x38: {  	_ =	swait.ge [sflag:s19], $0x2000  }
0x39: {  	[sflag:s19] =	ssyncset.done $0x0  }
0x3a: {  	[sflag:s19] =	ssyncadd.s32 $0xFFFFE000  }
0x3b: {  	_ =	swait.ge [sflag:s19], $0x1200  }
0x3c: {  	[sflag:s19] =	ssyncset.done $0x0  }
0x3d: {  	[sflag:s19] =	ssyncadd.s32 $0xFFFFEE00  }
0x3e: {  	_ =	swait.ge [sflag:s19], $0x2000  }
0x3f: {  	[sflag:s19] =	ssyncset.done $0x0  }
0x40: {  	[sflag:s19] =	ssyncadd.s32 $0xFFFFE000  }
0x41: {  	_ =	swait.ge [sflag:s19], $0x1200  }
0x42: {  	[sflag:s19] =	ssyncset.done $0x0  }
0x43: {  	[sflag:s19] =	ssyncadd.s32 $0xFFFFEE00  }
0x44: {  	_ =	swait.ge [sflag:s19], $0x2000  }
0x45: {  	[sflag:s19] =	ssyncset.done $0x0  }
0x46: {  	[sflag:s19] =	ssyncadd.s32 $0xFFFFE000  }
0x47: {  	_ =	swait.ge [sflag:s19], $0x1200  }
0x48: {  	[sflag:s19] =	ssyncset.done $0x0  }
0x49: {  	[sflag:s19] =	ssyncadd.s32 $0xFFFFEE00  }
0x4a: {  	_ =	swait.ge [sflag:s19], $0x2000  }
0x4b: {  	[sflag:s19] =	ssyncset.done $0x0  }
0x4c: {  	[sflag:s19] =	ssyncadd.s32 $0xFFFFE000  }
0x4d: {  	_ =	swait.ge [sflag:s19], $0x1200  }
0x4e: {  	[sflag:s19] =	ssyncset.done $0x0  }
0x4f: {  	s6 =	simm.s32 $0x0;
	[sflag:s19] =	ssyncadd.s32 $0xFFFFEE00  }
0x50: {  	v0 =	vld [tilespmem:s6+$0x6400]  }
0x51: {  	v1 =	vld [tilespmem:s6+$0x6410]  }
0x52: {  	v2 =	vld [tilespmem:s6+$0x6420]  }
0x53: {  	v3 =	vld [tilespmem:s6+$0x6430]  }
0x54: {  	v4 =	vld [tilespmem:s6+$0x6440]  }
0x55: {  	v5 =	vld [tilespmem:s6+$0x6450];
	v0 =	vmul.f32 $8.000000000e+00, v0  }
0x56: {  	v6 =	vld [tilespmem:s6+$0x6460];
	v1 =	vmul.f32 $8.000000000e+00, v1  }
0x57: {  	v2 =	vmul.f32 $8.000000000e+00, v2;
	[tilespmem:s6+$0x6400] =	vst v0;
	v0 =	vld [tilespmem:s6+$0x6470]  }
0x58: {  	v3 =	vmul.f32 $8.000000000e+00, v3;
	[tilespmem:s6+$0x6410] =	vst v1;
	v1 =	vld [tilespmem:s6+$0x6480]  }
0x59: {  	v4 =	vmul.f32 $8.000000000e+00, v4;
	[tilespmem:s6+$0x6420] =	vst v2;
	v2 =	vld [tilespmem:s6+$0x6490]  }
0x5a: {  	v5 =	vmul.f32 $8.000000000e+00, v5;
	[tilespmem:s6+$0x6430] =	vst v3;
	v3 =	vld [tilespmem:s6+$0x64A0]  }
0x5b: {  	v6 =	vmul.f32 $8.000000000e+00, v6;
	[tilespmem:s6+$0x6440] =	vst v4;
	v4 =	vld [tilespmem:s6+$0x64B0]  }
0x5c: {  	[tilespmem:s6+$0x6450] =	vst v5;
	v5 =	vld [tilespmem:s6+$0x64C0];
	v0 =	vmul.f32 $8.000000000e+00, v0  }
0x5d: {  	[tilespmem:s6+$0x6460] =	vst v6;
	v6 =	vld [tilespmem:s6+$0x64D0];
	v1 =	vmul.f32 $8.000000000e+00, v1  }
0x5e: {  	v2 =	vmul.f32 $8.000000000e+00, v2;
	[tilespmem:s6+$0x6470] =	vst v0;
	v0 =	vld [tilespmem:s6+$0x64E0]  }
0x5f: {  	v3 =	vmul.f32 $8.000000000e+00, v3;
	[tilespmem:s6+$0x6480] =	vst v1;
	v1 =	vld [tilespmem:s6+$0x64F0]  }
0x60: {  	v4 =	vmul.f32 $8.000000000e+00, v4;
	[tilespmem:s6+$0x6490] =	vst v2;
	v2 =	vld [tilespmem:s6+$0x6500]  }
0x61: {  	v5 =	vmul.f32 $8.000000000e+00, v5;
	[tilespmem:s6+$0x64A0] =	vst v3;
	v3 =	vld [tilespmem:s6+$0x6510]  }
0x62: {  	v6 =	vmul.f32 $8.000000000e+00, v6;
	[tilespmem:s6+$0x64B0] =	vst v4;
	v4 =	vld [tilespmem:s6+$0x6520]  }
0x63: {  	[tilespmem:s6+$0x64C0] =	vst v5;
	v5 =	vld [tilespmem:s6+$0x6530];
	v0 =	vmul.f32 $8.000000000e+00, v0  }
0x64: {  	[tilespmem:s6+$0x64D0] =	vst v6;
	v6 =	vld [tilespmem:s6+$0x6540]  }
0x65: {  	v1 =	vmul.f32 $8.000000000e+00, v1;
	[tilespmem:s6+$0x64E0] =	vst v0;
	v0 =	vld [tilespmem:s6+$0x6550]  }
0x66: {  	v2 =	vmul.f32 $8.000000000e+00, v2  }
0x67: {  	[tilespmem:s6+$0x64F0] =	vst v1;
	v1 =	vmul.f32 $8.000000000e+00, v3;
	v3 =	vld [tilespmem:s6+$0x6570]  }
0x68: {  	v7 =	vld [tilespmem:s6+$0x6560];
	[tilespmem:s6+$0x6500] =	vst v2;
	v2 =	vmul.f32 $8.000000000e+00, v4  }
0x69: {  	v4 =	vld [tilespmem:s6+$0x6580];
	[tilespmem:s6+$0x6510] =	vst v1;
	v1 =	vmul.f32 $8.000000000e+00, v5  }
0x6a: {  	[tilespmem:s6+$0x6520] =	vst v2;
	v5 =	vld [tilespmem:s6+$0x6590];
	v2 =	vmul.f32 $8.000000000e+00, v6;
	v6 =	vmul.f32 $8.000000000e+00, v0  }
0x6b: {  	[tilespmem:s6+$0x6530] =	vst v1;
	v1 =	vld [tilespmem:s6+$0x65A0]  }
0x6c: {  	v0 =	vld [tilespmem:s6+$0x65B0];
	[tilespmem:s6+$0x6550] =	vst v6;
	v6 =	vmul.f32 $8.000000000e+00, v3  }
0x6d: {  	v7 =	vmul.f32 $8.000000000e+00, v7;
	[tilespmem:s6+$0x6540] =	vst v2;
	v2 =	vld [tilespmem:s6+$0x65C0]  }
0x6e: {  	v3 =	vld [tilespmem:s6+$0x65D0];
	[tilespmem:s6+$0x6570] =	vst v6;
	v6 =	vmul.f32 $8.000000000e+00, v4  }
0x6f: {  	s7 =	simm.s32 $0x800;
	[tilespmem:s6+$0x6560] =	vst v7;
	v5 =	vmul.f32 $8.000000000e+00, v5;
	v4 =	vld [tilespmem:s6+$0x65E0]  }
.LBB2_3:
0x70: {  	s8 =	sshra.s32 s7, $0x2;
	p0 =	sne.s32 s7, $0x31800;
	[tilespmem:s6+$0x6580] =	vst v6;
	v1 =	vmul.f32 $8.000000000e+00, v1;
	v6 =	vld [tilespmem:s6+$0x65F0]  }
0x71: {  	v7 =	vld [tilespmem:s8+$0x6400];
	[tilespmem:s6+$0x6590] =	vst v5;
	v0 =	vmul.f32 $8.000000000e+00, v0  }
0x72: {  	v5 =	vld [tilespmem:s8+$0x6410];
	[tilespmem:s6+$0x65A0] =	vst v1;
	v1 =	vmul.f32 $8.000000000e+00, v2  }
0x73: {  	v2 =	vld [tilespmem:s8+$0x6420];
	[tilespmem:s6+$0x65B0] =	vst v0;
	v0 =	vmul.f32 $8.000000000e+00, v3  }
0x74: {  	v3 =	vld [tilespmem:s8+$0x6430];
	[tilespmem:s6+$0x65C0] =	vst v1;
	v1 =	vmul.f32 $8.000000000e+00, v4  }
0x75: {  	v4 =	vld [tilespmem:s8+$0x6440];
	[tilespmem:s6+$0x65D0] =	vst v0;
	v0 =	vmul.f32 $8.000000000e+00, v6  }
0x76: {  	v6 =	vmul.f32 $8.000000000e+00, v7;
	v7 =	vld [tilespmem:s8+$0x6450];
	[tilespmem:s6+$0x65E0] =	vst v1  }
0x77: {  	v1 =	vmul.f32 $8.000000000e+00, v5;
	v5 =	vld [tilespmem:s8+$0x6460];
	[tilespmem:s6+$0x65F0] =	vst v0;
	s6 =	smov.u32 s8  }
0x78: {  	[tilespmem:s6+$0x6400] =	vst v6;
	v0 =	vmul.f32 $8.000000000e+00, v2;
	v2 =	vld [tilespmem:s6+$0x6470]  }
0x79: {  	[tilespmem:s6+$0x6410] =	vst v1;
	v1 =	vmul.f32 $8.000000000e+00, v3;
	v3 =	vld [tilespmem:s6+$0x6480]  }
0x7a: {  	[tilespmem:s6+$0x6420] =	vst v0;
	v0 =	vmul.f32 $8.000000000e+00, v4;
	v4 =	vld [tilespmem:s6+$0x6490]  }
0x7b: {  	[tilespmem:s6+$0x6430] =	vst v1;
	v1 =	vmul.f32 $8.000000000e+00, v7;
	v6 =	vld [tilespmem:s6+$0x64A0]  }
0x7c: {  	[tilespmem:s6+$0x6440] =	vst v0;
	v0 =	vmul.f32 $8.000000000e+00, v5;
	v5 =	vld [tilespmem:s6+$0x64B0]  }
0x7d: {  	[tilespmem:s6+$0x6450] =	vst v1;
	v1 =	vmul.f32 $8.000000000e+00, v2;
	v2 =	vld [tilespmem:s6+$0x64C0]  }
0x7e: {  	[tilespmem:s6+$0x6460] =	vst v0;
	v0 =	vmul.f32 $8.000000000e+00, v3;
	v3 =	vld [tilespmem:s6+$0x64D0]  }
0x7f: {  	[tilespmem:s6+$0x6470] =	vst v1;
	v1 =	vmul.f32 $8.000000000e+00, v4;
	v4 =	vld [tilespmem:s6+$0x64E0]  }
0x80: {  	[tilespmem:s6+$0x6480] =	vst v0;
	v0 =	vmul.f32 $8.000000000e+00, v6;
	v6 =	vld [tilespmem:s6+$0x64F0]  }
0x81: {  	[tilespmem:s6+$0x6490] =	vst v1;
	v1 =	vmul.f32 $8.000000000e+00, v5;
	v5 =	vld [tilespmem:s6+$0x6500]  }
0x82: {  	[tilespmem:s6+$0x64A0] =	vst v0;
	v0 =	vmul.f32 $8.000000000e+00, v2;
	v2 =	vld [tilespmem:s6+$0x6510]  }
0x83: {  	[tilespmem:s6+$0x64B0] =	vst v1;
	v1 =	vmul.f32 $8.000000000e+00, v3;
	v3 =	vld [tilespmem:s6+$0x6520]  }
0x84: {  	[tilespmem:s6+$0x64C0] =	vst v0;
	v0 =	vmul.f32 $8.000000000e+00, v4;
	v4 =	vld [tilespmem:s6+$0x6530]  }
0x85: {  	[tilespmem:s6+$0x64D0] =	vst v1;
	v1 =	vmul.f32 $8.000000000e+00, v6;
	v6 =	vld [tilespmem:s6+$0x6540]  }
0x86: {  	[tilespmem:s6+$0x64E0] =	vst v0;
	v0 =	vmul.f32 $8.000000000e+00, v5;
	v5 =	vld [tilespmem:s6+$0x6550]  }
0x87: {  	[tilespmem:s6+$0x64F0] =	vst v1;
	v1 =	vmul.f32 $8.000000000e+00, v2;
	v2 =	vld [tilespmem:s6+$0x6560]  }
0x88: {  	[tilespmem:s6+$0x6500] =	vst v0;
	v0 =	vmul.f32 $8.000000000e+00, v3;
	v3 =	vld [tilespmem:s6+$0x6570]  }
0x89: {  	[tilespmem:s6+$0x6510] =	vst v1;
	v1 =	vmul.f32 $8.000000000e+00, v4;
	v4 =	vld [tilespmem:s6+$0x6580]  }
0x8a: {  	[tilespmem:s6+$0x6520] =	vst v0;
	v0 =	vmul.f32 $8.000000000e+00, v6;
	v7 =	vld [tilespmem:s6+$0x6590]  }
.Ltmp0:
0x8b: {  	[tilespmem:s6+$0x6530] =	vst v1;
	v5 =	vmul.f32 $8.000000000e+00, v5;
	v1 =	vld [tilespmem:s6+$0x65A0];
	(pc) =	sbr.rel @p0 .LBB2_3-.Ltmp0, $4  }
0x8c: {  	[tilespmem:s6+$0x6540] =	vst v0;
	v6 =	vmul.f32 $8.000000000e+00, v2;
	v0 =	vld [tilespmem:s6+$0x65B0]  }
0x8d: {  	[tilespmem:s6+$0x6550] =	vst v5;
	v5 =	vmul.f32 $8.000000000e+00, v3;
	v2 =	vld [tilespmem:s6+$0x65C0]  }
0x8e: {  	[tilespmem:s6+$0x6560] =	vst v6;
	v6 =	vmul.f32 $8.000000000e+00, v4;
	v3 =	vld [tilespmem:s6+$0x65D0]  }
0x8f: {  	s7 =	sadd.s32 $0x800, s7;
	[tilespmem:s6+$0x6570] =	vst v5;
	v5 =	vmul.f32 $8.000000000e+00, v7;
	v4 =	vld [tilespmem:s6+$0x65E0]  }
0x90: {  	[tilespmem:s6+$0x6580] =	vst v6;
	v1 =	vmul.f32 $8.000000000e+00, v1;
	v6 =	vld [tilespmem:s6+$0x65F0]  }
0x91: {  	[tilespmem:s6+$0x6590] =	vst v5;
	v0 =	vmul.f32 $8.000000000e+00, v0  }
0x92: {  	[tilespmem:s6+$0x65A0] =	vst v1;
	v1 =	vmul.f32 $8.000000000e+00, v2  }
0x93: {  	s7 =	sshll.u32 s2, $0x3;
	[tilespmem:s6+$0x65B0] =	vst v0;
	v0 =	vmul.f32 $8.000000000e+00, v3  }
0x94: {  	s8 =	sadd.s32 s3, s7;
	[tilespmem:s6+$0x65C0] =	vst v1;
	v1 =	vmul.f32 $8.000000000e+00, v4  }
0x95: {  	s8 =	smul.u32 $0xC80, s8;
	[tilespmem:s6+$0x65D0] =	vst v0;
	v0 =	vmul.f32 $8.000000000e+00, v6  }
0x96: {  	[tilespmem:s6+$0x65E0] =	vst v1  }
0x97: {  	s9 =	smul.u32 $0x1900, s2;
	s8 =	sadd.s32 s4, s8;
	[tilespmem:s6+$0x65F0] =	vst v0  }
0x98: {  	[hbm4b:s8+s23] =	stream.strided.scatter [tilespmem:s12], [sflag:$0x3], $0xC800, s11, s23, $0x38;
	[tilespmem:$0x1F400] =	vst v63  }
0x99: {  	_ =	swait.ge [sflag:s10], $0xC800  }
0x9a: {  	s6 =	sshra.s32 s9, $0x2;
	[sflag:s10] =	ssyncset.done $0x0  }
0x9b: {  	s1 =	sadd.s32 $0x640, s6;
	[sflag:s10] =	ssyncadd.s32 $0xFFFF3800  }
0x9c: {  	[tilespmem:s12], [sflag:$0x1] =	stream.indirect.gather [hbm4b:s5+s11], $0x40, s1, s11, $0xb8;
	[tilespmem:$0x1F400] =	vst v63  }
0x9d: {  	s9 =	sadd.s32 $0x6C0, s6  }
0x9e: {  	[tilespmem:s14], [sflag:$0x1] =	stream.indirect.gather [hbm4b:s5+s13], $0x40, s9, s13, $0xb8;
	[tilespmem:$0x1F400] =	vst v63  }
0x9f: {  	s1 =	sadd.s32 $0x708, s6  }
0xa0: {  	[tilespmem:s16], [sflag:$0x1] =	stream.indirect.gather [hbm4b:s5+s11], $0x40, s1, s11, $0xb8;
	[tilespmem:$0x1F400] =	vst v63  }
0xa1: {  	s9 =	sadd.s32 $0x788, s6  }
0xa2: {  	[tilespmem:s18], [sflag:$0x1] =	stream.indirect.gather [hbm4b:s5+s13], $0x40, s9, s13, $0xb8;
	[tilespmem:$0x1F400] =	vst v63  }
0xa3: {  	s1 =	sadd.s32 $0x7D0, s6  }
0xa4: {  	[tilespmem:s20], [sflag:$0x1] =	stream.indirect.gather [hbm4b:s5+s11], $0x40, s1, s11, $0xb8;
	[tilespmem:$0x1F400] =	vst v63  }
0xa5: {  	s9 =	sadd.s32 $0x850, s6  }
0xa6: {  	[tilespmem:s22], [sflag:$0x1] =	stream.indirect.gather [hbm4b:s5+s13], $0x40, s9, s13, $0xb8;
	[tilespmem:$0x1F400] =	vst v63  }
0xa7: {  	s1 =	sadd.s32 $0x898, s6  }
0xa8: {  	[tilespmem:s24], [sflag:$0x1] =	stream.indirect.gather [hbm4b:s5+s11], $0x40, s1, s11, $0xb8;
	[tilespmem:$0x1F400] =	vst v63  }
0xa9: {  	s9 =	sadd.s32 $0x918, s6  }
0xaa: {  	[tilespmem:s26], [sflag:$0x1] =	stream.indirect.gather [hbm4b:s5+s13], $0x40, s9, s13, $0xb8;
	[tilespmem:$0x1F400] =	vst v63  }
0xab: {  	_ =	swait.ge [sflag:s28], $0x2000  }
0xac: {  	[sflag:s28] =	ssyncset.done $0x0  }
0xad: {  	[sflag:s28] =	ssyncadd.s32 $0xFFFFE000  }
0xae: {  	_ =	swait.ge [sflag:s28], $0x1200  }
0xaf: {  	[sflag:s28] =	ssyncset.done $0x0  }
0xb0: {  	[sflag:s28] =	ssyncadd.s32 $0xFFFFEE00  }
0xb1: {  	_ =	swait.ge [sflag:s28], $0x2000  }
0xb2: {  	[sflag:s28] =	ssyncset.done $0x0  }
0xb3: {  	[sflag:s28] =	ssyncadd.s32 $0xFFFFE000  }
0xb4: {  	_ =	swait.ge [sflag:s28], $0x1200  }
0xb5: {  	[sflag:s28] =	ssyncset.done $0x0  }
0xb6: {  	[sflag:s28] =	ssyncadd.s32 $0xFFFFEE00  }
0xb7: {  	_ =	swait.ge [sflag:s28], $0x2000  }
0xb8: {  	[sflag:s28] =	ssyncset.done $0x0  }
0xb9: {  	[sflag:s28] =	ssyncadd.s32 $0xFFFFE000  }
0xba: {  	_ =	swait.ge [sflag:s28], $0x1200  }
0xbb: {  	[sflag:s28] =	ssyncset.done $0x0  }
0xbc: {  	[sflag:s28] =	ssyncadd.s32 $0xFFFFEE00  }
0xbd: {  	_ =	swait.ge [sflag:s28], $0x2000  }
0xbe: {  	[sflag:s28] =	ssyncset.done $0x0  }
0xbf: {  	[sflag:s28] =	ssyncadd.s32 $0xFFFFE000  }
0xc0: {  	_ =	swait.ge [sflag:s28], $0x1200  }
0xc1: {  	[sflag:s28] =	ssyncset.done $0x0  }
0xc2: {  	s8 =	simm.s32 $0x0;
	[sflag:s28] =	ssyncadd.s32 $0xFFFFEE00  }
0xc3: {  	v0 =	vld [tilespmem:s8+$0x12C00]  }
0xc4: {  	v1 =	vld [tilespmem:s8+$0x12C10]  }
0xc5: {  	v2 =	vld [tilespmem:s8+$0x12C20]  }
0xc6: {  	v3 =	vld [tilespmem:s8+$0x12C30]  }
0xc7: {  	v4 =	vld [tilespmem:s8+$0x12C40]  }
0xc8: {  	v5 =	vld [tilespmem:s8+$0x12C50];
	v0 =	vmul.f32 $8.000000000e+00, v0  }
0xc9: {  	v6 =	vld [tilespmem:s8+$0x12C60];
	v1 =	vmul.f32 $8.000000000e+00, v1  }
0xca: {  	v2 =	vmul.f32 $8.000000000e+00, v2;
	[tilespmem:s8+$0x12C00] =	vst v0;
	v0 =	vld [tilespmem:s8+$0x12C70]  }
0xcb: {  	v3 =	vmul.f32 $8.000000000e+00, v3;
	[tilespmem:s8+$0x12C10] =	vst v1;
	v1 =	vld [tilespmem:s8+$0x12C80]  }
0xcc: {  	v4 =	vmul.f32 $8.000000000e+00, v4;
	[tilespmem:s8+$0x12C20] =	vst v2;
	v2 =	vld [tilespmem:s8+$0x12C90]  }
0xcd: {  	v5 =	vmul.f32 $8.000000000e+00, v5;
	[tilespmem:s8+$0x12C30] =	vst v3;
	v3 =	vld [tilespmem:s8+$0x12CA0]  }
0xce: {  	v6 =	vmul.f32 $8.000000000e+00, v6;
	[tilespmem:s8+$0x12C40] =	vst v4;
	v4 =	vld [tilespmem:s8+$0x12CB0]  }
0xcf: {  	[tilespmem:s8+$0x12C50] =	vst v5;
	v5 =	vld [tilespmem:s8+$0x12CC0];
	v0 =	vmul.f32 $8.000000000e+00, v0  }
0xd0: {  	[tilespmem:s8+$0x12C60] =	vst v6;
	v6 =	vld [tilespmem:s8+$0x12CD0];
	v1 =	vmul.f32 $8.000000000e+00, v1  }
0xd1: {  	v2 =	vmul.f32 $8.000000000e+00, v2;
	[tilespmem:s8+$0x12C70] =	vst v0;
	v0 =	vld [tilespmem:s8+$0x12CE0]  }
0xd2: {  	v3 =	vmul.f32 $8.000000000e+00, v3;
	[tilespmem:s8+$0x12C80] =	vst v1;
	v1 =	vld [tilespmem:s8+$0x12CF0]  }
0xd3: {  	v4 =	vmul.f32 $8.000000000e+00, v4;
	[tilespmem:s8+$0x12C90] =	vst v2;
	v2 =	vld [tilespmem:s8+$0x12D00]  }
0xd4: {  	v5 =	vmul.f32 $8.000000000e+00, v5;
	[tilespmem:s8+$0x12CA0] =	vst v3;
	v3 =	vld [tilespmem:s8+$0x12D10]  }
0xd5: {  	v6 =	vmul.f32 $8.000000000e+00, v6;
	[tilespmem:s8+$0x12CB0] =	vst v4;
	v4 =	vld [tilespmem:s8+$0x12D20]  }
0xd6: {  	[tilespmem:s8+$0x12CC0] =	vst v5;
	v5 =	vld [tilespmem:s8+$0x12D30];
	v0 =	vmul.f32 $8.000000000e+00, v0  }
0xd7: {  	[tilespmem:s8+$0x12CD0] =	vst v6;
	v6 =	vld [tilespmem:s8+$0x12D40]  }
0xd8: {  	v1 =	vmul.f32 $8.000000000e+00, v1;
	[tilespmem:s8+$0x12CE0] =	vst v0;
	v0 =	vld [tilespmem:s8+$0x12D50]  }
0xd9: {  	v2 =	vmul.f32 $8.000000000e+00, v2  }
0xda: {  	[tilespmem:s8+$0x12CF0] =	vst v1;
	v1 =	vmul.f32 $8.000000000e+00, v3;
	v3 =	vld [tilespmem:s8+$0x12D70]  }
0xdb: {  	v7 =	vld [tilespmem:s8+$0x12D60];
	[tilespmem:s8+$0x12D00] =	vst v2;
	v2 =	vmul.f32 $8.000000000e+00, v4  }
0xdc: {  	v4 =	vld [tilespmem:s8+$0x12D80];
	[tilespmem:s8+$0x12D10] =	vst v1;
	v1 =	vmul.f32 $8.000000000e+00, v5  }
0xdd: {  	[tilespmem:s8+$0x12D20] =	vst v2;
	v5 =	vld [tilespmem:s8+$0x12D90];
	v2 =	vmul.f32 $8.000000000e+00, v6;
	v6 =	vmul.f32 $8.000000000e+00, v0  }
0xde: {  	[tilespmem:s8+$0x12D30] =	vst v1;
	v1 =	vld [tilespmem:s8+$0x12DA0]  }
0xdf: {  	v0 =	vld [tilespmem:s8+$0x12DB0];
	[tilespmem:s8+$0x12D50] =	vst v6;
	v6 =	vmul.f32 $8.000000000e+00, v3  }
0xe0: {  	v7 =	vmul.f32 $8.000000000e+00, v7;
	[tilespmem:s8+$0x12D40] =	vst v2;
	v2 =	vld [tilespmem:s8+$0x12DC0]  }
0xe1: {  	v3 =	vld [tilespmem:s8+$0x12DD0];
	[tilespmem:s8+$0x12D70] =	vst v6;
	v6 =	vmul.f32 $8.000000000e+00, v4  }
0xe2: {  	s9 =	simm.s32 $0x800;
	[tilespmem:s8+$0x12D60] =	vst v7;
	v5 =	vmul.f32 $8.000000000e+00, v5;
	v4 =	vld [tilespmem:s8+$0x12DE0]  }
.LBB2_5:
0xe3: {  	s1 =	sshra.s32 s9, $0x2;
	p0 =	sne.s32 s9, $0x31800;
	[tilespmem:s8+$0x12D80] =	vst v6;
	v1 =	vmul.f32 $8.000000000e+00, v1;
	v6 =	vld [tilespmem:s8+$0x12DF0]  }
0xe4: {  	v7 =	vld [tilespmem:s1+$0x12C00];
	[tilespmem:s8+$0x12D90] =	vst v5;
	v0 =	vmul.f32 $8.000000000e+00, v0  }
0xe5: {  	v5 =	vld [tilespmem:s1+$0x12C10];
	[tilespmem:s8+$0x12DA0] =	vst v1;
	v1 =	vmul.f32 $8.000000000e+00, v2  }
0xe6: {  	v2 =	vld [tilespmem:s1+$0x12C20];
	[tilespmem:s8+$0x12DB0] =	vst v0;
	v0 =	vmul.f32 $8.000000000e+00, v3  }
0xe7: {  	v3 =	vld [tilespmem:s1+$0x12C30];
	[tilespmem:s8+$0x12DC0] =	vst v1;
	v1 =	vmul.f32 $8.000000000e+00, v4  }
0xe8: {  	v4 =	vld [tilespmem:s1+$0x12C40];
	[tilespmem:s8+$0x12DD0] =	vst v0;
	v0 =	vmul.f32 $8.000000000e+00, v6  }
0xe9: {  	v6 =	vmul.f32 $8.000000000e+00, v7;
	v7 =	vld [tilespmem:s1+$0x12C50];
	[tilespmem:s8+$0x12DE0] =	vst v1  }
0xea: {  	v1 =	vmul.f32 $8.000000000e+00, v5;
	v5 =	vld [tilespmem:s1+$0x12C60];
	[tilespmem:s8+$0x12DF0] =	vst v0;
	s8 =	smov.u32 s1  }
0xeb: {  	[tilespmem:s8+$0x12C00] =	vst v6;
	v0 =	vmul.f32 $8.000000000e+00, v2;
	v2 =	vld [tilespmem:s8+$0x12C70]  }
0xec: {  	[tilespmem:s8+$0x12C10] =	vst v1;
	v1 =	vmul.f32 $8.000000000e+00, v3;
	v3 =	vld [tilespmem:s8+$0x12C80]  }
0xed: {  	[tilespmem:s8+$0x12C20] =	vst v0;
	v0 =	vmul.f32 $8.000000000e+00, v4;
	v4 =	vld [tilespmem:s8+$0x12C90]  }
0xee: {  	[tilespmem:s8+$0x12C30] =	vst v1;
	v1 =	vmul.f32 $8.000000000e+00, v7;
	v6 =	vld [tilespmem:s8+$0x12CA0]  }
0xef: {  	[tilespmem:s8+$0x12C40] =	vst v0;
	v0 =	vmul.f32 $8.000000000e+00, v5;
	v5 =	vld [tilespmem:s8+$0x12CB0]  }
0xf0: {  	[tilespmem:s8+$0x12C50] =	vst v1;
	v1 =	vmul.f32 $8.000000000e+00, v2;
	v2 =	vld [tilespmem:s8+$0x12CC0]  }
0xf1: {  	[tilespmem:s8+$0x12C60] =	vst v0;
	v0 =	vmul.f32 $8.000000000e+00, v3;
	v3 =	vld [tilespmem:s8+$0x12CD0]  }
0xf2: {  	[tilespmem:s8+$0x12C70] =	vst v1;
	v1 =	vmul.f32 $8.000000000e+00, v4;
	v4 =	vld [tilespmem:s8+$0x12CE0]  }
0xf3: {  	[tilespmem:s8+$0x12C80] =	vst v0;
	v0 =	vmul.f32 $8.000000000e+00, v6;
	v6 =	vld [tilespmem:s8+$0x12CF0]  }
0xf4: {  	[tilespmem:s8+$0x12C90] =	vst v1;
	v1 =	vmul.f32 $8.000000000e+00, v5;
	v5 =	vld [tilespmem:s8+$0x12D00]  }
0xf5: {  	[tilespmem:s8+$0x12CA0] =	vst v0;
	v0 =	vmul.f32 $8.000000000e+00, v2;
	v2 =	vld [tilespmem:s8+$0x12D10]  }
0xf6: {  	[tilespmem:s8+$0x12CB0] =	vst v1;
	v1 =	vmul.f32 $8.000000000e+00, v3;
	v3 =	vld [tilespmem:s8+$0x12D20]  }
0xf7: {  	[tilespmem:s8+$0x12CC0] =	vst v0;
	v0 =	vmul.f32 $8.000000000e+00, v4;
	v4 =	vld [tilespmem:s8+$0x12D30]  }
0xf8: {  	[tilespmem:s8+$0x12CD0] =	vst v1;
	v1 =	vmul.f32 $8.000000000e+00, v6;
	v6 =	vld [tilespmem:s8+$0x12D40]  }
0xf9: {  	[tilespmem:s8+$0x12CE0] =	vst v0;
	v0 =	vmul.f32 $8.000000000e+00, v5;
	v5 =	vld [tilespmem:s8+$0x12D50]  }
0xfa: {  	[tilespmem:s8+$0x12CF0] =	vst v1;
	v1 =	vmul.f32 $8.000000000e+00, v2;
	v2 =	vld [tilespmem:s8+$0x12D60]  }
0xfb: {  	[tilespmem:s8+$0x12D00] =	vst v0;
	v0 =	vmul.f32 $8.000000000e+00, v3;
	v3 =	vld [tilespmem:s8+$0x12D70]  }
0xfc: {  	[tilespmem:s8+$0x12D10] =	vst v1;
	v1 =	vmul.f32 $8.000000000e+00, v4;
	v4 =	vld [tilespmem:s8+$0x12D80]  }
0xfd: {  	[tilespmem:s8+$0x12D20] =	vst v0;
	v0 =	vmul.f32 $8.000000000e+00, v6;
	v7 =	vld [tilespmem:s8+$0x12D90]  }
.Ltmp1:
0xfe: {  	[tilespmem:s8+$0x12D30] =	vst v1;
	v5 =	vmul.f32 $8.000000000e+00, v5;
	v1 =	vld [tilespmem:s8+$0x12DA0];
	(pc) =	sbr.rel @p0 .LBB2_5-.Ltmp1, $4  }
0xff: {  	[tilespmem:s8+$0x12D40] =	vst v0;
	v6 =	vmul.f32 $8.000000000e+00, v2;
	v0 =	vld [tilespmem:s8+$0x12DB0]  }
0x100: {  	[tilespmem:s8+$0x12D50] =	vst v5;
	v5 =	vmul.f32 $8.000000000e+00, v3;
	v2 =	vld [tilespmem:s8+$0x12DC0]  }
0x101: {  	[tilespmem:s8+$0x12D60] =	vst v6;
	v6 =	vmul.f32 $8.000000000e+00, v4;
	v3 =	vld [tilespmem:s8+$0x12DD0]  }
0x102: {  	s9 =	sadd.s32 $0x800, s9;
	[tilespmem:s8+$0x12D70] =	vst v5;
	v5 =	vmul.f32 $8.000000000e+00, v7;
	v4 =	vld [tilespmem:s8+$0x12DE0]  }
0x103: {  	[tilespmem:s8+$0x12D80] =	vst v6;
	v1 =	vmul.f32 $8.000000000e+00, v1;
	v59 =	vld [tilespmem:s8+$0x12DF0]  }
0x104: {  	[tilespmem:s8+$0x12D90] =	vst v5;
	v0 =	vmul.f32 $8.000000000e+00, v0  }
0x105: {  	[tilespmem:s8+$0x12DA0] =	vst v1;
	v60 =	vmul.f32 $8.000000000e+00, v2  }
0x106: {  	s1 =	sadd.s32 s7, s3;
	[tilespmem:s8+$0x12DB0] =	vst v0;
	v61 =	vmul.f32 $8.000000000e+00, v3  }
0x107: {  	s1 =	smul.u32 $0xC80, s1;
	[tilespmem:s8+$0x12DC0] =	vst v60;
	v62 =	vmul.f32 $8.000000000e+00, v4  }
0x108: {  	[tilespmem:s8+$0x12DD0] =	vst v61;
	v63 =	vmul.f32 $8.000000000e+00, v59  }
0x109: {  	s1 =	sadd.s32 s4, s1;
	[tilespmem:s8+$0x12DE0] =	vst v62  }
0x10a: {  	s1 =	sadd.s32 $0x3200, s1;
	[tilespmem:s8+$0x12DF0] =	vst v63  }
0x10b: {  	[hbm4b:s1+s23] =	stream.strided.scatter [tilespmem:s29], [sflag:$0x3], $0xC800, s11, s23, $0x38;
	[tilespmem:$0x1F400] =	vst v63  }
0x10c: {  	_ =	swait.ge [sflag:s10], $0xC800  }
0x10d: {  	[sflag:s10] =	ssyncset.done $0x0  }
0x10e: {  	s8 =	sadd.s32 $0x960, s6;
	[sflag:s10] =	ssyncadd.s32 $0xFFFF3800  }
0x10f: {  	[tilespmem:s29], [sflag:$0x2] =	stream.indirect.gather [hbm4b:s5+s11], $0x40, s8, s11, $0xb8;
	[tilespmem:$0x1F400] =	vst v63  }
0x110: {  	s9 =	sadd.s32 $0x9E0, s6  }
0x111: {  	[tilespmem:s31], [sflag:$0x2] =	stream.indirect.gather [hbm4b:s5+s13], $0x40, s9, s13, $0xb8;
	[tilespmem:$0x1F400] =	vst v63  }
0x112: {  	s7 =	sadd.s32 $0xA28, s6  }
0x113: {  	[tilespmem:s0], [sflag:$0x2] =	stream.indirect.gather [hbm4b:s5+s11], $0x40, s7, s11, $0xb8;
	[tilespmem:$0x1F400] =	vst v63  }
0x114: {  	s8 =	sadd.s32 $0xAA8, s6  }
0x115: {  	[tilespmem:s17], [sflag:$0x2] =	stream.indirect.gather [hbm4b:s5+s13], $0x40, s8, s13, $0xb8;
	[tilespmem:$0x1F400] =	vst v63  }
0x116: {  	s2 =	sadd.s32 $0x1, s2;
	s9 =	sadd.s32 $0xAF0, s6  }
0x117: {  	[tilespmem:s21], [sflag:$0x2] =	stream.indirect.gather [hbm4b:s5+s11], $0x40, s9, s11, $0xb8;
	[tilespmem:$0x1F400] =	vst v63  }
0x118: {  	p0 =	sne.s32 s2, $0xF;
	s7 =	sadd.s32 $0xB70, s6  }
0x119: {  	[tilespmem:s25], [sflag:$0x2] =	stream.indirect.gather [hbm4b:s5+s13], $0x40, s7, s13, $0xb8;
	[tilespmem:$0x1F400] =	vst v63  }
.Ltmp2:
0x11a: {  	_ = 	snop;
	(pc) =	sbr.rel @p0 .LBB2_2-.Ltmp2, $4  }
0x11b: {  	s8 =	sadd.s32 $0xBB8, s6  }
0x11c: {  	[tilespmem:s30], [sflag:$0x2] =	stream.indirect.gather [hbm4b:s5+s11], $0x40, s8, s11, $0xb8;
	[tilespmem:$0x1F400] =	vst v63  }
0x11d: {  	s9 =	sadd.s32 $0xC38, s6  }
0x11e: {  	[tilespmem:s15], [sflag:$0x2] =	stream.indirect.gather [hbm4b:s5+s13], $0x40, s9, s13, $0xb8;
	[tilespmem:$0x1F400] =	vst v63  }
0x11f: {  	_ =	swait.ge [sflag:s19], $0x2000  }
0x120: {  	[sflag:s19] =	ssyncset.done $0x0  }
0x121: {  	[sflag:s19] =	ssyncadd.s32 $0xFFFFE000  }
0x122: {  	_ =	swait.ge [sflag:s19], $0x1200  }
0x123: {  	[sflag:s19] =	ssyncset.done $0x0  }
0x124: {  	[sflag:s19] =	ssyncadd.s32 $0xFFFFEE00  }
0x125: {  	_ =	swait.ge [sflag:s19], $0x2000  }
0x126: {  	[sflag:s19] =	ssyncset.done $0x0  }
0x127: {  	[sflag:s19] =	ssyncadd.s32 $0xFFFFE000  }
0x128: {  	_ =	swait.ge [sflag:s19], $0x1200  }
0x129: {  	[sflag:s19] =	ssyncset.done $0x0  }
0x12a: {  	[sflag:s19] =	ssyncadd.s32 $0xFFFFEE00  }
0x12b: {  	_ =	swait.ge [sflag:s19], $0x2000  }
0x12c: {  	[sflag:s19] =	ssyncset.done $0x0  }
0x12d: {  	[sflag:s19] =	ssyncadd.s32 $0xFFFFE000  }
0x12e: {  	_ =	swait.ge [sflag:s19], $0x1200  }
0x12f: {  	[sflag:s19] =	ssyncset.done $0x0  }
0x130: {  	[sflag:s19] =	ssyncadd.s32 $0xFFFFEE00  }
0x131: {  	_ =	swait.ge [sflag:s19], $0x2000  }
0x132: {  	[sflag:s19] =	ssyncset.done $0x0  }
0x133: {  	[sflag:s19] =	ssyncadd.s32 $0xFFFFE000  }
0x134: {  	_ =	swait.ge [sflag:s19], $0x1200  }
0x135: {  	[sflag:s19] =	ssyncset.done $0x0  }
0x136: {  	s2 =	simm.s32 $0x0;
	[sflag:s19] =	ssyncadd.s32 $0xFFFFEE00  }
0x137: {  	v0 =	vld [tilespmem:s2+$0x6400]  }
0x138: {  	v1 =	vld [tilespmem:s2+$0x6410]  }
0x139: {  	v2 =	vld [tilespmem:s2+$0x6420]  }
0x13a: {  	v3 =	vld [tilespmem:s2+$0x6430]  }
0x13b: {  	v4 =	vld [tilespmem:s2+$0x6440]  }
0x13c: {  	v5 =	vld [tilespmem:s2+$0x6450];
	v0 =	vmul.f32 $8.000000000e+00, v0  }
0x13d: {  	v6 =	vld [tilespmem:s2+$0x6460];
	v1 =	vmul.f32 $8.000000000e+00, v1  }
0x13e: {  	v2 =	vmul.f32 $8.000000000e+00, v2;
	[tilespmem:s2+$0x6400] =	vst v0;
	v0 =	vld [tilespmem:s2+$0x6470]  }
0x13f: {  	v3 =	vmul.f32 $8.000000000e+00, v3;
	[tilespmem:s2+$0x6410] =	vst v1;
	v1 =	vld [tilespmem:s2+$0x6480]  }
0x140: {  	v4 =	vmul.f32 $8.000000000e+00, v4;
	[tilespmem:s2+$0x6420] =	vst v2;
	v2 =	vld [tilespmem:s2+$0x6490]  }
0x141: {  	v5 =	vmul.f32 $8.000000000e+00, v5;
	[tilespmem:s2+$0x6430] =	vst v3;
	v3 =	vld [tilespmem:s2+$0x64A0]  }
0x142: {  	v6 =	vmul.f32 $8.000000000e+00, v6;
	[tilespmem:s2+$0x6440] =	vst v4;
	v4 =	vld [tilespmem:s2+$0x64B0]  }
0x143: {  	[tilespmem:s2+$0x6450] =	vst v5;
	v5 =	vld [tilespmem:s2+$0x64C0];
	v0 =	vmul.f32 $8.000000000e+00, v0  }
0x144: {  	[tilespmem:s2+$0x6460] =	vst v6;
	v6 =	vld [tilespmem:s2+$0x64D0];
	v1 =	vmul.f32 $8.000000000e+00, v1  }
0x145: {  	v2 =	vmul.f32 $8.000000000e+00, v2;
	[tilespmem:s2+$0x6470] =	vst v0;
	v0 =	vld [tilespmem:s2+$0x64E0]  }
0x146: {  	v3 =	vmul.f32 $8.000000000e+00, v3;
	[tilespmem:s2+$0x6480] =	vst v1;
	v1 =	vld [tilespmem:s2+$0x64F0]  }
0x147: {  	v4 =	vmul.f32 $8.000000000e+00, v4;
	[tilespmem:s2+$0x6490] =	vst v2;
	v2 =	vld [tilespmem:s2+$0x6500]  }
0x148: {  	v5 =	vmul.f32 $8.000000000e+00, v5;
	[tilespmem:s2+$0x64A0] =	vst v3;
	v3 =	vld [tilespmem:s2+$0x6510]  }
0x149: {  	v6 =	vmul.f32 $8.000000000e+00, v6;
	[tilespmem:s2+$0x64B0] =	vst v4;
	v4 =	vld [tilespmem:s2+$0x6520]  }
0x14a: {  	[tilespmem:s2+$0x64C0] =	vst v5;
	v5 =	vld [tilespmem:s2+$0x6530];
	v0 =	vmul.f32 $8.000000000e+00, v0  }
0x14b: {  	[tilespmem:s2+$0x64D0] =	vst v6;
	v6 =	vld [tilespmem:s2+$0x6540]  }
0x14c: {  	v1 =	vmul.f32 $8.000000000e+00, v1;
	[tilespmem:s2+$0x64E0] =	vst v0;
	v0 =	vld [tilespmem:s2+$0x6550]  }
0x14d: {  	v2 =	vmul.f32 $8.000000000e+00, v2  }
0x14e: {  	[tilespmem:s2+$0x64F0] =	vst v1;
	v1 =	vmul.f32 $8.000000000e+00, v3;
	v3 =	vld [tilespmem:s2+$0x6570]  }
0x14f: {  	v7 =	vld [tilespmem:s2+$0x6560];
	[tilespmem:s2+$0x6500] =	vst v2;
	v2 =	vmul.f32 $8.000000000e+00, v4  }
0x150: {  	v4 =	vld [tilespmem:s2+$0x6580];
	[tilespmem:s2+$0x6510] =	vst v1;
	v1 =	vmul.f32 $8.000000000e+00, v5  }
0x151: {  	[tilespmem:s2+$0x6520] =	vst v2;
	v5 =	vld [tilespmem:s2+$0x6590];
	v2 =	vmul.f32 $8.000000000e+00, v6;
	v6 =	vmul.f32 $8.000000000e+00, v0  }
0x152: {  	[tilespmem:s2+$0x6530] =	vst v1;
	v1 =	vld [tilespmem:s2+$0x65A0]  }
0x153: {  	v0 =	vld [tilespmem:s2+$0x65B0];
	[tilespmem:s2+$0x6550] =	vst v6;
	v6 =	vmul.f32 $8.000000000e+00, v3  }
0x154: {  	v7 =	vmul.f32 $8.000000000e+00, v7;
	[tilespmem:s2+$0x6540] =	vst v2;
	v2 =	vld [tilespmem:s2+$0x65C0]  }
0x155: {  	v3 =	vld [tilespmem:s2+$0x65D0];
	[tilespmem:s2+$0x6570] =	vst v6;
	v6 =	vmul.f32 $8.000000000e+00, v4  }
0x156: {  	s6 =	simm.s32 $0x800;
	[tilespmem:s2+$0x6560] =	vst v7;
	v5 =	vmul.f32 $8.000000000e+00, v5;
	v4 =	vld [tilespmem:s2+$0x65E0]  }
.LBB2_8:
0x157: {  	s1 =	sshra.s32 s6, $0x2;
	p0 =	sne.s32 s6, $0x31800;
	[tilespmem:s2+$0x6580] =	vst v6;
	v1 =	vmul.f32 $8.000000000e+00, v1;
	v6 =	vld [tilespmem:s2+$0x65F0]  }
0x158: {  	v7 =	vld [tilespmem:s1+$0x6400];
	[tilespmem:s2+$0x6590] =	vst v5;
	v0 =	vmul.f32 $8.000000000e+00, v0  }
0x159: {  	v5 =	vld [tilespmem:s1+$0x6410];
	[tilespmem:s2+$0x65A0] =	vst v1;
	v1 =	vmul.f32 $8.000000000e+00, v2  }
0x15a: {  	v2 =	vld [tilespmem:s1+$0x6420];
	[tilespmem:s2+$0x65B0] =	vst v0;
	v0 =	vmul.f32 $8.000000000e+00, v3  }
0x15b: {  	v3 =	vld [tilespmem:s1+$0x6430];
	[tilespmem:s2+$0x65C0] =	vst v1;
	v1 =	vmul.f32 $8.000000000e+00, v4  }
0x15c: {  	v4 =	vld [tilespmem:s1+$0x6440];
	[tilespmem:s2+$0x65D0] =	vst v0;
	v0 =	vmul.f32 $8.000000000e+00, v6  }
0x15d: {  	v6 =	vmul.f32 $8.000000000e+00, v7;
	v7 =	vld [tilespmem:s1+$0x6450];
	[tilespmem:s2+$0x65E0] =	vst v1  }
0x15e: {  	v1 =	vmul.f32 $8.000000000e+00, v5;
	v5 =	vld [tilespmem:s1+$0x6460];
	[tilespmem:s2+$0x65F0] =	vst v0;
	s2 =	smov.u32 s1  }
0x15f: {  	[tilespmem:s2+$0x6400] =	vst v6;
	v0 =	vmul.f32 $8.000000000e+00, v2;
	v2 =	vld [tilespmem:s2+$0x6470]  }
0x160: {  	[tilespmem:s2+$0x6410] =	vst v1;
	v1 =	vmul.f32 $8.000000000e+00, v3;
	v3 =	vld [tilespmem:s2+$0x6480]  }
0x161: {  	[tilespmem:s2+$0x6420] =	vst v0;
	v0 =	vmul.f32 $8.000000000e+00, v4;
	v4 =	vld [tilespmem:s2+$0x6490]  }
0x162: {  	[tilespmem:s2+$0x6430] =	vst v1;
	v1 =	vmul.f32 $8.000000000e+00, v7;
	v6 =	vld [tilespmem:s2+$0x64A0]  }
0x163: {  	[tilespmem:s2+$0x6440] =	vst v0;
	v0 =	vmul.f32 $8.000000000e+00, v5;
	v5 =	vld [tilespmem:s2+$0x64B0]  }
0x164: {  	[tilespmem:s2+$0x6450] =	vst v1;
	v1 =	vmul.f32 $8.000000000e+00, v2;
	v2 =	vld [tilespmem:s2+$0x64C0]  }
0x165: {  	[tilespmem:s2+$0x6460] =	vst v0;
	v0 =	vmul.f32 $8.000000000e+00, v3;
	v3 =	vld [tilespmem:s2+$0x64D0]  }
0x166: {  	[tilespmem:s2+$0x6470] =	vst v1;
	v1 =	vmul.f32 $8.000000000e+00, v4;
	v4 =	vld [tilespmem:s2+$0x64E0]  }
0x167: {  	[tilespmem:s2+$0x6480] =	vst v0;
	v0 =	vmul.f32 $8.000000000e+00, v6;
	v6 =	vld [tilespmem:s2+$0x64F0]  }
0x168: {  	[tilespmem:s2+$0x6490] =	vst v1;
	v1 =	vmul.f32 $8.000000000e+00, v5;
	v5 =	vld [tilespmem:s2+$0x6500]  }
0x169: {  	[tilespmem:s2+$0x64A0] =	vst v0;
	v0 =	vmul.f32 $8.000000000e+00, v2;
	v2 =	vld [tilespmem:s2+$0x6510]  }
0x16a: {  	[tilespmem:s2+$0x64B0] =	vst v1;
	v1 =	vmul.f32 $8.000000000e+00, v3;
	v3 =	vld [tilespmem:s2+$0x6520]  }
0x16b: {  	[tilespmem:s2+$0x64C0] =	vst v0;
	v0 =	vmul.f32 $8.000000000e+00, v4;
	v4 =	vld [tilespmem:s2+$0x6530]  }
0x16c: {  	[tilespmem:s2+$0x64D0] =	vst v1;
	v1 =	vmul.f32 $8.000000000e+00, v6;
	v6 =	vld [tilespmem:s2+$0x6540]  }
0x16d: {  	[tilespmem:s2+$0x64E0] =	vst v0;
	v0 =	vmul.f32 $8.000000000e+00, v5;
	v5 =	vld [tilespmem:s2+$0x6550]  }
0x16e: {  	[tilespmem:s2+$0x64F0] =	vst v1;
	v1 =	vmul.f32 $8.000000000e+00, v2;
	v2 =	vld [tilespmem:s2+$0x6560]  }
0x16f: {  	[tilespmem:s2+$0x6500] =	vst v0;
	v0 =	vmul.f32 $8.000000000e+00, v3;
	v3 =	vld [tilespmem:s2+$0x6570]  }
0x170: {  	[tilespmem:s2+$0x6510] =	vst v1;
	v1 =	vmul.f32 $8.000000000e+00, v4;
	v4 =	vld [tilespmem:s2+$0x6580]  }
0x171: {  	[tilespmem:s2+$0x6520] =	vst v0;
	v0 =	vmul.f32 $8.000000000e+00, v6;
	v7 =	vld [tilespmem:s2+$0x6590]  }
.Ltmp3:
0x172: {  	[tilespmem:s2+$0x6530] =	vst v1;
	v5 =	vmul.f32 $8.000000000e+00, v5;
	v1 =	vld [tilespmem:s2+$0x65A0];
	(pc) =	sbr.rel @p0 .LBB2_8-.Ltmp3, $4  }
0x173: {  	[tilespmem:s2+$0x6540] =	vst v0;
	v6 =	vmul.f32 $8.000000000e+00, v2;
	v0 =	vld [tilespmem:s2+$0x65B0]  }
0x174: {  	[tilespmem:s2+$0x6550] =	vst v5;
	v5 =	vmul.f32 $8.000000000e+00, v3;
	v2 =	vld [tilespmem:s2+$0x65C0]  }
0x175: {  	[tilespmem:s2+$0x6560] =	vst v6;
	v6 =	vmul.f32 $8.000000000e+00, v4;
	v3 =	vld [tilespmem:s2+$0x65D0]  }
0x176: {  	s6 =	sadd.s32 $0x800, s6;
	[tilespmem:s2+$0x6570] =	vst v5;
	v5 =	vmul.f32 $8.000000000e+00, v7;
	v4 =	vld [tilespmem:s2+$0x65E0]  }
0x177: {  	[tilespmem:s2+$0x6580] =	vst v6;
	v1 =	vmul.f32 $8.000000000e+00, v1;
	v6 =	vld [tilespmem:s2+$0x65F0]  }
0x178: {  	[tilespmem:s2+$0x6590] =	vst v5;
	v0 =	vmul.f32 $8.000000000e+00, v0  }
0x179: {  	[tilespmem:s2+$0x65A0] =	vst v1;
	v1 =	vmul.f32 $8.000000000e+00, v2  }
0x17a: {  	[tilespmem:s2+$0x65B0] =	vst v0;
	v0 =	vmul.f32 $8.000000000e+00, v3  }
0x17b: {  	[tilespmem:s2+$0x65C0] =	vst v1;
	v1 =	vmul.f32 $8.000000000e+00, v4  }
0x17c: {  	[tilespmem:s2+$0x65D0] =	vst v0;
	v0 =	vmul.f32 $8.000000000e+00, v6  }
0x17d: {  	[tilespmem:s2+$0x65E0] =	vst v1  }
0x17e: {  	s1 =	rddreg [dreg:$0x4];
	[tilespmem:s2+$0x65F0] =	vst v0  }
0x17f: {  	[hbm4b:s1+s23] =	stream.strided.scatter [tilespmem:s12], [sflag:$0x3], $0xC800, s11, s23, $0x38;
	[tilespmem:$0x1F400] =	vst v63  }
0x180: {  	_ =	swait.ge [sflag:s10], $0xC800  }
0x181: {  	[sflag:s10] =	ssyncset.done $0x0  }
0x182: {  	[sflag:s10] =	ssyncadd.s32 $0xFFFF3800  }
0x183: {  	_ =	swait.ge [sflag:s28], $0x2000  }
0x184: {  	[sflag:s28] =	ssyncset.done $0x0  }
0x185: {  	[sflag:s28] =	ssyncadd.s32 $0xFFFFE000  }
0x186: {  	_ =	swait.ge [sflag:s28], $0x1200  }
0x187: {  	[sflag:s28] =	ssyncset.done $0x0  }
0x188: {  	[sflag:s28] =	ssyncadd.s32 $0xFFFFEE00  }
0x189: {  	_ =	swait.ge [sflag:s28], $0x2000  }
0x18a: {  	[sflag:s28] =	ssyncset.done $0x0  }
0x18b: {  	[sflag:s28] =	ssyncadd.s32 $0xFFFFE000  }
0x18c: {  	_ =	swait.ge [sflag:s28], $0x1200  }
0x18d: {  	[sflag:s28] =	ssyncset.done $0x0  }
0x18e: {  	[sflag:s28] =	ssyncadd.s32 $0xFFFFEE00  }
0x18f: {  	_ =	swait.ge [sflag:s28], $0x2000  }
0x190: {  	[sflag:s28] =	ssyncset.done $0x0  }
0x191: {  	[sflag:s28] =	ssyncadd.s32 $0xFFFFE000  }
0x192: {  	_ =	swait.ge [sflag:s28], $0x1200  }
0x193: {  	[sflag:s28] =	ssyncset.done $0x0  }
0x194: {  	[sflag:s28] =	ssyncadd.s32 $0xFFFFEE00  }
0x195: {  	_ =	swait.ge [sflag:s28], $0x2000  }
0x196: {  	[sflag:s28] =	ssyncset.done $0x0  }
0x197: {  	[sflag:s28] =	ssyncadd.s32 $0xFFFFE000  }
0x198: {  	_ =	swait.ge [sflag:s28], $0x1200  }
0x199: {  	[sflag:s28] =	ssyncset.done $0x0  }
0x19a: {  	s2 =	simm.s32 $0x0;
	[sflag:s28] =	ssyncadd.s32 $0xFFFFEE00  }
0x19b: {  	v0 =	vld [tilespmem:s2+$0x12C00]  }
0x19c: {  	v1 =	vld [tilespmem:s2+$0x12C10]  }
0x19d: {  	v2 =	vld [tilespmem:s2+$0x12C20]  }
0x19e: {  	v3 =	vld [tilespmem:s2+$0x12C30]  }
0x19f: {  	v4 =	vld [tilespmem:s2+$0x12C40]  }
0x1a0: {  	v5 =	vld [tilespmem:s2+$0x12C50];
	v0 =	vmul.f32 $8.000000000e+00, v0  }
0x1a1: {  	v6 =	vld [tilespmem:s2+$0x12C60];
	v1 =	vmul.f32 $8.000000000e+00, v1  }
0x1a2: {  	v2 =	vmul.f32 $8.000000000e+00, v2;
	[tilespmem:s2+$0x12C00] =	vst v0;
	v0 =	vld [tilespmem:s2+$0x12C70]  }
0x1a3: {  	v3 =	vmul.f32 $8.000000000e+00, v3;
	[tilespmem:s2+$0x12C10] =	vst v1;
	v1 =	vld [tilespmem:s2+$0x12C80]  }
0x1a4: {  	v4 =	vmul.f32 $8.000000000e+00, v4;
	[tilespmem:s2+$0x12C20] =	vst v2;
	v2 =	vld [tilespmem:s2+$0x12C90]  }
0x1a5: {  	v5 =	vmul.f32 $8.000000000e+00, v5;
	[tilespmem:s2+$0x12C30] =	vst v3;
	v3 =	vld [tilespmem:s2+$0x12CA0]  }
0x1a6: {  	v6 =	vmul.f32 $8.000000000e+00, v6;
	[tilespmem:s2+$0x12C40] =	vst v4;
	v4 =	vld [tilespmem:s2+$0x12CB0]  }
0x1a7: {  	[tilespmem:s2+$0x12C50] =	vst v5;
	v5 =	vld [tilespmem:s2+$0x12CC0];
	v0 =	vmul.f32 $8.000000000e+00, v0  }
0x1a8: {  	[tilespmem:s2+$0x12C60] =	vst v6;
	v6 =	vld [tilespmem:s2+$0x12CD0];
	v1 =	vmul.f32 $8.000000000e+00, v1  }
0x1a9: {  	v2 =	vmul.f32 $8.000000000e+00, v2;
	[tilespmem:s2+$0x12C70] =	vst v0;
	v0 =	vld [tilespmem:s2+$0x12CE0]  }
0x1aa: {  	v3 =	vmul.f32 $8.000000000e+00, v3;
	[tilespmem:s2+$0x12C80] =	vst v1;
	v1 =	vld [tilespmem:s2+$0x12CF0]  }
0x1ab: {  	v4 =	vmul.f32 $8.000000000e+00, v4;
	[tilespmem:s2+$0x12C90] =	vst v2;
	v2 =	vld [tilespmem:s2+$0x12D00]  }
0x1ac: {  	v5 =	vmul.f32 $8.000000000e+00, v5;
	[tilespmem:s2+$0x12CA0] =	vst v3;
	v3 =	vld [tilespmem:s2+$0x12D10]  }
0x1ad: {  	v6 =	vmul.f32 $8.000000000e+00, v6;
	[tilespmem:s2+$0x12CB0] =	vst v4;
	v4 =	vld [tilespmem:s2+$0x12D20]  }
0x1ae: {  	[tilespmem:s2+$0x12CC0] =	vst v5;
	v5 =	vld [tilespmem:s2+$0x12D30];
	v0 =	vmul.f32 $8.000000000e+00, v0  }
0x1af: {  	[tilespmem:s2+$0x12CD0] =	vst v6;
	v6 =	vld [tilespmem:s2+$0x12D40]  }
0x1b0: {  	v1 =	vmul.f32 $8.000000000e+00, v1;
	[tilespmem:s2+$0x12CE0] =	vst v0;
	v0 =	vld [tilespmem:s2+$0x12D50]  }
0x1b1: {  	v2 =	vmul.f32 $8.000000000e+00, v2  }
0x1b2: {  	[tilespmem:s2+$0x12CF0] =	vst v1;
	v1 =	vmul.f32 $8.000000000e+00, v3;
	v3 =	vld [tilespmem:s2+$0x12D70]  }
0x1b3: {  	v7 =	vld [tilespmem:s2+$0x12D60];
	[tilespmem:s2+$0x12D00] =	vst v2;
	v2 =	vmul.f32 $8.000000000e+00, v4  }
0x1b4: {  	v4 =	vld [tilespmem:s2+$0x12D80];
	[tilespmem:s2+$0x12D10] =	vst v1;
	v1 =	vmul.f32 $8.000000000e+00, v5  }
0x1b5: {  	[tilespmem:s2+$0x12D20] =	vst v2;
	v5 =	vld [tilespmem:s2+$0x12D90];
	v2 =	vmul.f32 $8.000000000e+00, v6;
	v6 =	vmul.f32 $8.000000000e+00, v0  }
0x1b6: {  	[tilespmem:s2+$0x12D30] =	vst v1;
	v1 =	vld [tilespmem:s2+$0x12DA0]  }
0x1b7: {  	v0 =	vld [tilespmem:s2+$0x12DB0];
	[tilespmem:s2+$0x12D50] =	vst v6;
	v6 =	vmul.f32 $8.000000000e+00, v3  }
0x1b8: {  	v7 =	vmul.f32 $8.000000000e+00, v7;
	[tilespmem:s2+$0x12D40] =	vst v2;
	v2 =	vld [tilespmem:s2+$0x12DC0]  }
0x1b9: {  	v3 =	vld [tilespmem:s2+$0x12DD0];
	[tilespmem:s2+$0x12D70] =	vst v6;
	v6 =	vmul.f32 $8.000000000e+00, v4  }
0x1ba: {  	s6 =	simm.s32 $0x800;
	[tilespmem:s2+$0x12D60] =	vst v7;
	v5 =	vmul.f32 $8.000000000e+00, v5;
	v4 =	vld [tilespmem:s2+$0x12DE0]  }
.LBB2_10:
0x1bb: {  	s1 =	sshra.s32 s6, $0x2;
	p0 =	sne.s32 s6, $0x31800;
	[tilespmem:s2+$0x12D80] =	vst v6;
	v1 =	vmul.f32 $8.000000000e+00, v1;
	v6 =	vld [tilespmem:s2+$0x12DF0]  }
0x1bc: {  	v7 =	vld [tilespmem:s1+$0x12C00];
	[tilespmem:s2+$0x12D90] =	vst v5;
	v0 =	vmul.f32 $8.000000000e+00, v0  }
0x1bd: {  	v5 =	vld [tilespmem:s1+$0x12C10];
	[tilespmem:s2+$0x12DA0] =	vst v1;
	v1 =	vmul.f32 $8.000000000e+00, v2  }
0x1be: {  	v2 =	vld [tilespmem:s1+$0x12C20];
	[tilespmem:s2+$0x12DB0] =	vst v0;
	v0 =	vmul.f32 $8.000000000e+00, v3  }
0x1bf: {  	v3 =	vld [tilespmem:s1+$0x12C30];
	[tilespmem:s2+$0x12DC0] =	vst v1;
	v1 =	vmul.f32 $8.000000000e+00, v4  }
0x1c0: {  	v4 =	vld [tilespmem:s1+$0x12C40];
	[tilespmem:s2+$0x12DD0] =	vst v0;
	v0 =	vmul.f32 $8.000000000e+00, v6  }
0x1c1: {  	v6 =	vmul.f32 $8.000000000e+00, v7;
	v7 =	vld [tilespmem:s1+$0x12C50];
	[tilespmem:s2+$0x12DE0] =	vst v1  }
0x1c2: {  	v1 =	vmul.f32 $8.000000000e+00, v5;
	v5 =	vld [tilespmem:s1+$0x12C60];
	[tilespmem:s2+$0x12DF0] =	vst v0;
	s2 =	smov.u32 s1  }
0x1c3: {  	[tilespmem:s2+$0x12C00] =	vst v6;
	v0 =	vmul.f32 $8.000000000e+00, v2;
	v2 =	vld [tilespmem:s2+$0x12C70]  }
0x1c4: {  	[tilespmem:s2+$0x12C10] =	vst v1;
	v1 =	vmul.f32 $8.000000000e+00, v3;
	v3 =	vld [tilespmem:s2+$0x12C80]  }
0x1c5: {  	[tilespmem:s2+$0x12C20] =	vst v0;
	v0 =	vmul.f32 $8.000000000e+00, v4;
	v4 =	vld [tilespmem:s2+$0x12C90]  }
0x1c6: {  	[tilespmem:s2+$0x12C30] =	vst v1;
	v1 =	vmul.f32 $8.000000000e+00, v7;
	v6 =	vld [tilespmem:s2+$0x12CA0]  }
0x1c7: {  	[tilespmem:s2+$0x12C40] =	vst v0;
	v0 =	vmul.f32 $8.000000000e+00, v5;
	v5 =	vld [tilespmem:s2+$0x12CB0]  }
0x1c8: {  	[tilespmem:s2+$0x12C50] =	vst v1;
	v1 =	vmul.f32 $8.000000000e+00, v2;
	v2 =	vld [tilespmem:s2+$0x12CC0]  }
0x1c9: {  	[tilespmem:s2+$0x12C60] =	vst v0;
	v0 =	vmul.f32 $8.000000000e+00, v3;
	v3 =	vld [tilespmem:s2+$0x12CD0]  }
0x1ca: {  	[tilespmem:s2+$0x12C70] =	vst v1;
	v1 =	vmul.f32 $8.000000000e+00, v4;
	v4 =	vld [tilespmem:s2+$0x12CE0]  }
0x1cb: {  	[tilespmem:s2+$0x12C80] =	vst v0;
	v0 =	vmul.f32 $8.000000000e+00, v6;
	v6 =	vld [tilespmem:s2+$0x12CF0]  }
0x1cc: {  	[tilespmem:s2+$0x12C90] =	vst v1;
	v1 =	vmul.f32 $8.000000000e+00, v5;
	v5 =	vld [tilespmem:s2+$0x12D00]  }
0x1cd: {  	[tilespmem:s2+$0x12CA0] =	vst v0;
	v0 =	vmul.f32 $8.000000000e+00, v2;
	v2 =	vld [tilespmem:s2+$0x12D10]  }
0x1ce: {  	[tilespmem:s2+$0x12CB0] =	vst v1;
	v1 =	vmul.f32 $8.000000000e+00, v3;
	v3 =	vld [tilespmem:s2+$0x12D20]  }
0x1cf: {  	[tilespmem:s2+$0x12CC0] =	vst v0;
	v0 =	vmul.f32 $8.000000000e+00, v4;
	v4 =	vld [tilespmem:s2+$0x12D30]  }
0x1d0: {  	[tilespmem:s2+$0x12CD0] =	vst v1;
	v1 =	vmul.f32 $8.000000000e+00, v6;
	v6 =	vld [tilespmem:s2+$0x12D40]  }
0x1d1: {  	[tilespmem:s2+$0x12CE0] =	vst v0;
	v0 =	vmul.f32 $8.000000000e+00, v5;
	v5 =	vld [tilespmem:s2+$0x12D50]  }
0x1d2: {  	[tilespmem:s2+$0x12CF0] =	vst v1;
	v1 =	vmul.f32 $8.000000000e+00, v2;
	v2 =	vld [tilespmem:s2+$0x12D60]  }
0x1d3: {  	[tilespmem:s2+$0x12D00] =	vst v0;
	v0 =	vmul.f32 $8.000000000e+00, v3;
	v3 =	vld [tilespmem:s2+$0x12D70]  }
0x1d4: {  	[tilespmem:s2+$0x12D10] =	vst v1;
	v1 =	vmul.f32 $8.000000000e+00, v4;
	v4 =	vld [tilespmem:s2+$0x12D80]  }
0x1d5: {  	[tilespmem:s2+$0x12D20] =	vst v0;
	v0 =	vmul.f32 $8.000000000e+00, v6;
	v7 =	vld [tilespmem:s2+$0x12D90]  }
.Ltmp4:
0x1d6: {  	[tilespmem:s2+$0x12D30] =	vst v1;
	v5 =	vmul.f32 $8.000000000e+00, v5;
	v1 =	vld [tilespmem:s2+$0x12DA0];
	(pc) =	sbr.rel @p0 .LBB2_10-.Ltmp4, $4  }
0x1d7: {  	[tilespmem:s2+$0x12D40] =	vst v0;
	v6 =	vmul.f32 $8.000000000e+00, v2;
	v0 =	vld [tilespmem:s2+$0x12DB0]  }
0x1d8: {  	[tilespmem:s2+$0x12D50] =	vst v5;
	v5 =	vmul.f32 $8.000000000e+00, v3;
	v2 =	vld [tilespmem:s2+$0x12DC0]  }
0x1d9: {  	[tilespmem:s2+$0x12D60] =	vst v6;
	v6 =	vmul.f32 $8.000000000e+00, v4;
	v3 =	vld [tilespmem:s2+$0x12DD0]  }
0x1da: {  	s6 =	sadd.s32 $0x800, s6;
	[tilespmem:s2+$0x12D70] =	vst v5;
	v5 =	vmul.f32 $8.000000000e+00, v7;
	v4 =	vld [tilespmem:s2+$0x12DE0]  }
0x1db: {  	[tilespmem:s2+$0x12D80] =	vst v6;
	v1 =	vmul.f32 $8.000000000e+00, v1;
	v59 =	vld [tilespmem:s2+$0x12DF0]  }
0x1dc: {  	[tilespmem:s2+$0x12D90] =	vst v5;
	v0 =	vmul.f32 $8.000000000e+00, v0  }
0x1dd: {  	[tilespmem:s2+$0x12DA0] =	vst v1;
	v60 =	vmul.f32 $8.000000000e+00, v2  }
0x1de: {  	[tilespmem:s2+$0x12DB0] =	vst v0;
	v61 =	vmul.f32 $8.000000000e+00, v3  }
0x1df: {  	[tilespmem:s2+$0x12DC0] =	vst v60;
	v62 =	vmul.f32 $8.000000000e+00, v4  }
0x1e0: {  	[tilespmem:s2+$0x12DD0] =	vst v61;
	v63 =	vmul.f32 $8.000000000e+00, v59  }
0x1e1: {  	[tilespmem:s2+$0x12DE0] =	vst v62  }
0x1e2: {  	s1 =	rddreg [dreg:$0x5];
	[tilespmem:s2+$0x12DF0] =	vst v63  }
0x1e3: {  	[hbm4b:s1+s23] =	stream.strided.scatter [tilespmem:s29], [sflag:$0x3], $0xC800, s11, s23, $0x38;
	[tilespmem:$0x1F400] =	vst v63  }
0x1e4: {  	_ =	swait.ge [sflag:s10], $0xC800  }
0x1e5: {  	s8 =	rddreg [dreg:$0x7]  }
0x1e6: {  	s9 =	rddreg [dreg:$0x6];
	s2 =	sadd.s32 $0x1, s8  }
0x1e7: {  	p0 =	sne.s32 s2, s9  }
.Ltmp5:
0x1e8: {  	_ = 	snop;
	(pc) =	sbr.rel @p0 .LBB2_1-.Ltmp5, $3  }
0x1e9: {  	_ =	sdelay $0x1  }
0x1ea: {  	[sflag:s10] =	ssyncset.done $0x0  }
0x1eb: {  	[sflag:s10] =	ssyncadd.s32 $0xFFFF3800  }
0x1ec: {  	_ =	sfence.sel $0x180000  }
0x1ed: {  	[bflag:$0x0] =	sbarrier.arrive $0xFFFF  }
0x1ee: {  	_ =	strace $0x90000047  }
0x1ef: {  	s0 =	stileid.u32;
	[bflag:$0x2] =	sbarrier.arrive $0xFFFF  }
0x1f0: {  	p0 =	sne.s32 s0, $0x0;
	s0 =	rddreg [dreg:$0x2]  }
0x1f1: {  	s0 =	sadd.s32 @!p0 $0x100000, s0  }
0x1f2: {  	[sflag:s0] =	ssyncadd.tile.s32 @!p0 $0x1;
	_ =	shalt  }
.Lfunc_end2:
_tile_overlayer_lowered:
.L_overlay_start_2:
0x1f3: {  	(tag) =	ssettag $0x2  }
0x1f4: {  	s0 =	rddreg [dreg:$0x0];
	s2 =	stileid.u32  }
0x1f5: {  	s1 =	rddreg [dreg:$0x1];
	p0 =	sne.s32 s2, $0x0  }
0x1f6: {  	s3 =	rddreg [dreg:$0x2];
	[bflag:$0x3] =	sbarrier.arrive $0xFFFF;
	s2 =	simm.s32 @!p0 $0x1C03  }
0x1f7: {  	[timem:s3], [sflag:s2] =	dma.local @!p0 [hbm:s0], s1  }
0x1f8: {  	s0 =	simm.s32 @!p0 $0x3  }
0x1f9: {  	_ =	swait.ge @!p0 [sflag:s0], s1  }
0x1fa: {  	s1 =	ssub.s32 @!p0 $0x0, s1;
	[sflag:s0] =	ssyncset.done @!p0 $0x0  }
0x1fb: {  	[sflag:s0] =	ssyncadd.s32 @!p0 s1  }
0x1fc: {  	[bflag:$0x3] =	sbarrier.arrive $0xFFFF  }
0x1fd: {  	_ =	shalt  }

// kernel: sparse-core-data-format-call.cloned.1.call-start
scs
called_computation_lowered:
.L_overlay_start_0:
0x0: {  	s2 =	sld [smem:$0x3FD9]  }
0x1: {  	s3 =	sld [smem:$0x3FFE];
	_ =	sdelay $0x1  }
0x2: {  	s1 =	srdreg.scid  }
0x3: {  	s0 =	sand.u32 $0x1, s1  }
0x4: {  	s18 =	sshll.u32 s0, $0xA;
	s2 =	sadd.s32 s3, s2  }
0x5: {  	s2 =	sadd.s32 s2, s18  }
0x6: {  	[smem:$0x3FC6] =	sst s2  }
0x7: {  	_ = 	snop  }
0x8: {  	s2 =	sld [smem:$0x3FD0];
	(tm) =	ssettm $0x1  }
0x9: {  	s19 =	sld [smem:$0x3FFB];
	_ =	sdelay $0x3  }
0xa: {  	_ =	strace s19  }
0xb: {  	s3 =	sld [smem:$0x3FFC];
	_ =	sdelay $0x3  }
0xc: {  	_ =	strace s3  }
0xd: {  	s3 =	sld [smem:$0x3FFD];
	_ =	sdelay $0x3  }
0xe: {  	_ =	strace s3  }
0xf: {  	_ =	strace $0x8FFFFFFF  }
0x10: {  	s20 =	sld [smem:$0x3FDB];
	_ =	sdelay $0x1  }
0x11: {  	s4 =	simm.s32 $_scs_section_size  }
0x12: {  	s5 =	simm.s32 $_size__tile_overlayer_lowered;
	s6 =	simm.s32 $_tile_overlayer_lowered  }
0x13: {  	s23 =	simm.s32 $0x1BFF;
	s22 =	sshll.u32 s6, $0x1;
	s3 =	sadd.s32 s4, s20  }
0x14: {  	s7 =	simm.s32 $0x0;
	s21 =	sshll.u32 s5, $0x1;
	s5 =	sadd.s32 s22, s3  }
0x15: {  	[timem:s7], [sflag:s23] =	dma.local [hbm:s5], s21  }
0x16: {  	_ =	swait.ge [sflag:s23], s21  }
0x17: {  	s4 =	ssub.s32 $0x0, s21;
	[sflag:s23] =	ssyncset.done $0x0  }
0x18: {  	[sflag:s23] =	ssyncadd.s32 s4;
	_ =	sdelay $0x1  }
0x19: {  	s24 =	simm.s32 $0x1B8B  }
0x1a: {  	_ =	swait.ge [sflag:s24], $0x1  }
0x1b: {  	[sflag:s24] =	ssyncset.done $0x0  }
0x1c: {  	s26 =	simm.s32 $0x1B8E;
	s25 =	sld [smem:$0x3FFE];
	[sflag:s24] =	ssyncadd.s32 $0xFFFFFFFF  }
0x1d: {  	s27 =	simm.s32 $execute0_lowered;
	[smem:$0x3FD2] =	sst s26  }
0x1e: {  	s5 =	sshll.u32 s27, $0x1;
	_ =	strace $0x80000049;
	[dreg:$0x1] =	wrdreg $0xFFFFFFFF  }
0x1f: {  	s28 =	simm.s32 $_size_execute0_lowered;
	s3 =	sadd.s32 s3, s5;
	[dreg:$0x0] =	wrdreg $0x0  }
0x20: {  	s5 =	sshll.u32 s28, $0x1;
	[dreg:$0x2] =	wrdreg s3  }
0x21: {  	[dreg:$0x3] =	wrdreg s5  }
0x22: {  	[dreg:$0x4] =	wrdreg $0xC0  }
0x23: {  	_ =	task [dreg:s7], $0x5FFFF  }
0x24: {  	[dreg:$0x1] =	wrdreg $0xFFFFFFFF  }
0x25: {  	[dreg:$0x0] =	wrdreg $0x60  }
0x26: {  	[dreg:$0x2] =	wrdreg s25  }
0x27: {  	[dreg:$0x3] =	wrdreg s2  }
0x28: {  	[dreg:$0x4] =	wrdreg $0x9  }
0x29: {  	_ =	task.clear_ibuf [dreg:s7], $0x5FFFF;
	_ =	strace $0x90000049  }
0x2a: {  	s29 =	simm.s32 $0x9;
	_ =	strace $0x8000004B  }
0x2b: {  	_ =	swait.ge [sflag:s29], $0x1  }
0x2c: {  	[sflag:s29] =	ssyncadd.s32 $0xFFFFFFFF  }
0x2d: {  	_ =	strace $0x9000004B  }
0x2e: {  	_ =	sfence  }
0x2f: {  	s30 =	sld [smem:$0x0];
	_ =	sdelay $0x2  }
0x30: {  	s31 =	sshll.u32 s1, $0xD;
	s1 =	sshrl.u32 s1, $0x2  }
0x31: {  	s3 =	sand.u32 $0x4000, s31;
	s1 =	sadd.s32 s1, s30  }
0x32: {  	s0 =	sor.u32 s3, s0;
	s1 =	sshll.u32 s1, $0x11  }
0x33: {  	s0 =	sor.u32 s1, s0  }
0x34: {  	s0 =	sadd.s32 $0x8F2B, s0  }
0x35: {  	[sflag:s0] =	ssyncadd.remote.s32 $0x1  }
0x36: {  	_ =	sfence.sel $0xFFFF  }
0x37: {  	[dreg:$0x0] =	wrdreg $0xFFFFFFFF;
	(pc) =	sbr.abs _section_cstart, $3  }
0x38: {  	[dreg:$0x1] =	wrdreg $0xFFFFFFFF  }
0x39: {  	_ =	task.clear_ibuf [dreg:s7], $0x2FFFF;
	_ =	strace $0x9FFFFFFF  }
0x3a: {  	(tm) =	ssettm $0x7FFFFFFF  }
0x3b: {  	_ =	shalt  }
tec
execute0_lowered:
.L_overlay_start_1:
0x0: {  	(tag) =	ssettag $0x1  }
0x1: {  	s0 =	srdreg.scid  }
0x2: {  	s1 =	sshll.u32 s0, $0x4  }
0x3: {  	s0 =	stileid.u32;
	s1 =	sand.u32 $0x10, s1  }
0x4: {  	s1 =	sor.u32 s0, s1  }
0x5: {  	s6 =	rddreg [dreg:$0x0];
	s4 =	simm.s32 $0x1;
	s2 =	sshll.u32 s1, $0x7  }
0x6: {  	s7 =	simm.s32 $0x2;
	s12 =	simm.s32 $0x0;
	s1 =	ssub.s32 $0x1000, s2  }
0x7: {  	s8 =	simm.s32 $0x8000;
	s13 =	simm.s32 $0x0;
	s3 =	sand.u32 $0xF80, s1  }
0x8: {  	s9 =	simm.s32 $0x0;
	s5 =	sshrl.u32 s1, $0xC;
	p0 =	sne.s32 s3, $0x0  }
.Ltmp0:
0x9: {  	s1 =	rddreg [dreg:$0x2];
	s4 =	simm.s32 @!p0 $0x0;
	(pc) =	sbr.rel .LBB1_1-.Ltmp0, $4  }
0xa: {  	s11 =	simm.s32 $0x0;
	s3 =	rddreg [dreg:$0x1];
	s5 =	sadd.s32 s4, s5  }
0xb: {  	_ =	strace $0x8000004A;
	s4 =	simm.s32 $0x1;
	s5 =	smul.u32 $0xC8, s5  }
0xc: {  	s6 =	sadd.s32 $0xA00, s6;
	s10 =	smov.u32 s2;
	[sflag:s4] =	ssyncpa.u1 $0x0  }
0xd: {  	p0 =	por $0x0, $0x0;
	[sflag:s7] =	ssyncpa.u1 $0x0;
	s7 =	sor.u32 $0x1, s5  }
.LBB1_4:
0xe: {  	s16 =	sshll.u32 s13, $0x3;
	s17 =	sand.u32 $0x78, s13  }
0xf: {  	s30 =	sand.u32 $0x7E00, s13;
	s12 =	sshll.u32 s12, $0xF;
	s16 =	sand.u32 $0xC00, s16  }
0x10: {  	[tilespmem:s15+$0x810 ss:$0x81] =	vst.msk $0xffff, v2;
	s31 =	sand.u32 $0x7, s13;
	s16 =	sor.u32 s17, s16;
	s17 =	sadd.s32 s3, s30  }
0x11: {  	[tilespmem:s15+$0x1020 ss:$0x81] =	vst.msk $0xffff, v0;
	s13 =	sshll.u32 s31, $0x12;
	s12 =	sadd.s32 s12, s17;
	s16 =	sshrl.u32 s16, $0x3  }
0x12: {  	[tilespmem:s15+$0x0 ss:$0x81] =	vst.msk $0xffff, v1;
	s13 =	sor.u32 $0x400, s13;
	s12 =	sadd.s32 s16, s12  }
0x13: {  	[hbm4b:s12+s13] =	stream.strided.scatter [tilespmem:s14], [sflag:$0x2], $0x2000, s8, s13, $0x20;
	[tilespmem:$0x8080] =	vst v63  }
.LBB1_5:
0x14: {  	s14 =	sadd.s32 $0x1, s9  }
0x15: {  	s12 =	sadd.s32 $0x1000, s10;
	s16 =	smov.u32 s10;
	p2 =	sgt.s32 s14, $0xC7  }
0x16: {  	s16 =	smov.u32 @p2 s12  }
0x17: {  	s14 =	simm.s32 @p2 $0x0;
	p2 =	sgt.s32 s16, $0xFFF  }
0x18: {  	s16 =	smov.u32 @p2 s2;
	p2 =	sne.s32 s11, s7  }
.Ltmp1:
0x19: {  	p1 =	slt.u32 s11, $0x2;
	(pc) =	sbr.rel @!p2 .LBB1_6-.Ltmp1, $4  }
0x1a: {  	s15 =	simm.s32 @!p1 $0x2  }
0x1b: {  	s13 =	smov.u32 s10;
	p0 =	por !p0, !p0;
	_ =	swait.ge @!p1 [sflag:s15], $0x2000  }
0x1c: {  	s12 =	smov.u32 s9;
	[sflag:s15] =	ssyncset.done @!p1 $0x0;
	s9 =	smov.u32 s14  }
0x1d: {  	s11 =	sadd.s32 $0x1, s11;
	[sflag:s15] =	ssyncadd.s32 @!p1 $0xFFFFE000;
	s10 =	smov.u32 s16  }
.LBB1_1:
0x1e: {  	p1 =	sge.u32 s11, s5  }
0x1f: {  	s14 =	sand.u32 @!p1 $0x1FFFFFF, s9  }
0x20: {  	s15 =	smulhi.u32 @!p1 $0x147AE15, s14;
	_ =	sdelay $0x1  }
0x21: {  	s15 =	smul.u32 @!p1 $0xC8, s15  }
0x22: {  	s16 =	sxor.u32 @!p1 $0xFFFFFFFF, s11;
	s17 =	smul.u32 @!p1 $0xC80, s10  }
0x23: {  	s31 =	sadd.s32 $0xFFFFFFFF, s11;
	s16 =	sshll.u32 @!p1 s16, $0xD;
	s14 =	ssub.s32 @!p1 s14, s15  }
0x24: {  	s15 =	sand.u32 @!p1 $0x2000, s16;
	s16 =	sadd.s32 @!p1 s6, s17;
	s14 =	sshll.u32 @!p1 s14, $0x4  }
0x25: {  	s17 =	simm.s32 @!p1 $0x6400;
	s14 =	sadd.s32 @!p1 s14, s16;
	s16 =	simm.s32 @!p1 $0x40  }
0x26: {  	[tilespmem:s15], [sflag:$0x1] =	stream.strided.gather @!p1 [hbm4b:s14+s16], $0x2000, s17, s16, $0x38;
	[tilespmem:$0x8080] =	vst v63  }
0x27: {  	p1 =	sge.u32 s31, s5  }
.Ltmp2:
0x28: {  	_ = 	snop;
	(pc) =	sbr.rel @p1 .LBB1_5-.Ltmp2, $1  }
0x29: {  	_ =	sdelay $0x3  }
0x2a: {  	s14 =	simm.s32 $0x1  }
0x2b: {  	_ =	swait.ge [sflag:s4], $0x2000;
	s14 =	simm.s32 @!p0 $0x0  }
0x2c: {  	[sflag:s4] =	ssyncset.done $0x0;
	s15 =	sshll.u32 s14, $0xD  }
0x2d: {  	[sflag:s4] =	ssyncadd.s32 $0xFFFFE000;
	s18 =	sor.u32 $0x20, s15  }
0x2e: {  	s14 =	smul.u32 $0x8100, s14;
	v3 =	vld [tilespmem:s18+$0x10]  }
0x2f: {  	s30 =	sand.u32 $0x1, s11;
	v2 =	vld [tilespmem:s18+$0xFFFFFFF0]  }
0x30: {  	s15 =	smul.u32 $0x8100, s30;
	s14 =	sshrl.u32 s14, $0x2;
	v0 =	vld [tilespmem:s18+$0x0]  }
0x31: {  	v1 =	vld [tilespmem:s18+$0xFFFFFFE0];
	s16 =	sor.u32 $0x4000, s14  }
0x32: {  	s31 =	sshrl.u32 s15, $0x2;
	s15 =	sadd.s32 $0x0, s16  }
0x33: {  	s17 =	simm.s32 $0x4;
	s18 =	sadd.s32 $0x40, s18;
	s14 =	sor.u32 $0x4000, s31;
	[tilespmem:s15+$0x1830 ss:$0x81] =	vst.msk $0xffff, v3  }
.LBB1_3:
0x34: {  	v3 =	vld [tilespmem:s18+$0x10];
	p1 =	sne.s32 s17, $0x1FC;
	[tilespmem:s15+$0x810 ss:$0x81] =	vst.msk $0xffff, v2;
	s19 =	smov.u32 s17;
	s17 =	sadd.s32 $0x4, s17  }
.Ltmp3:
0x35: {  	v2 =	vld [tilespmem:s18+$0xFFFFFFF0];
	[tilespmem:s15+$0x1020 ss:$0x81] =	vst.msk $0xffff, v0;
	(pc) =	sbr.rel @p1 .LBB1_3-.Ltmp3, $4  }
0x36: {  	v0 =	vld [tilespmem:s18+$0x0];
	[tilespmem:s15+$0x0 ss:$0x81] =	vst.msk $0xffff, v1  }
0x37: {  	s15 =	sshra.s32 s19, $0x2;
	v1 =	vld [tilespmem:s18+$0xFFFFFFE0]  }
0x38: {  	s15 =	sadd.s32 s15, s16  }
0x39: {  	s18 =	sadd.s32 $0x40, s18;
	[tilespmem:s15+$0x1830 ss:$0x81] =	vst.msk $0xffff, v3  }
.Ltmp4:
0x3a: {  	_ = 	snop;
	(pc) =	sbr.rel .LBB1_4-.Ltmp4, $1  }
0x3b: {  	_ =	sdelay $0x3  }
.LBB1_6:
0x3c: {  	_ =	sfence.sel $0x180000  }
0x3d: {  	s2 =	simm.s32 $0x1;
	[bflag:$0x0] =	sbarrier.arrive $0xFFFF  }
0x3e: {  	s31 =	simm.s32 $0x2;
	[sflag:s2] =	ssyncpa.u1 $0x1  }
0x3f: {  	[sflag:s31] =	ssyncpa.u1 $0x1  }
0x40: {  	p0 =	sne.s32 s0, $0x0;
	_ =	strace $0x9000004A  }
0x41: {  	s0 =	sadd.s32 @!p0 $0x100000, s1;
	[bflag:$0x2] =	sbarrier.arrive $0xFFFF  }
0x42: {  	[sflag:s0] =	ssyncadd.tile.s32 @!p0 $0x1;
	_ =	shalt  }
.Lfunc_end1:
_tile_overlayer_lowered:
.L_overlay_start_2:
0x43: {  	(tag) =	ssettag $0x2  }
0x44: {  	s0 =	rddreg [dreg:$0x0];
	s2 =	stileid.u32  }
0x45: {  	s1 =	rddreg [dreg:$0x1];
	p0 =	sne.s32 s2, $0x0  }
0x46: {  	s3 =	rddreg [dreg:$0x2];
	[bflag:$0x3] =	sbarrier.arrive $0xFFFF;
	s2 =	simm.s32 @!p0 $0x1C01  }
0x47: {  	[timem:s3], [sflag:s2] =	dma.local @!p0 [hbm:s0], s1  }
0x48: {  	s0 =	simm.s32 @!p0 $0x1  }
0x49: {  	_ =	swait.ge @!p0 [sflag:s0], s1  }
0x4a: {  	s1 =	ssub.s32 @!p0 $0x0, s1;
	[sflag:s0] =	ssyncset.done @!p0 $0x0  }
0x4b: {  	[sflag:s0] =	ssyncadd.s32 @!p0 s1  }
0x4c: {  	[bflag:$0x3] =	sbarrier.arrive $0xFFFF  }
0x4d: {  	_ =	shalt  }

</sc_bundles>
